<compile_context>
chip_gen: v7x
topology: tpu7x:2x2x1
jax: 0.10.2.dev20260603
libtpu: 0.0.44.dev20260713+nightly
codegen_flags: <defaults>
</compile_context>

<pallas_src>
import functools

import jax
import jax.numpy as jnp
from jax import lax
from jax.experimental import pallas as pl
from jax.experimental.pallas import tpu as pltpu
from jax.experimental.pallas import tpu_sc as plsc

N_NODES = 10000
E_EDGES = 160000
D_FEAT = 32
D_EDGE = 16
DIM = 32
ISO_N = 4096
N_ASSIGN = 16384
E2 = 65536
NUM_I2 = 32
NHEADS = 4
NGRAPH = 128

NC = 2
NS = 16
NW = NC * NS
L = 16
CH = 128

E_PAD = ((E_EDGES + NW * CH - 1) // (NW * CH)) * (NW * CH)
AGG_ROWS = N_NODES + 16

_SC_PARAMS = pltpu.CompilerParams(use_tc_tiling_on_sc=False)
_SC_PARAMS_REG = pltpu.CompilerParams(use_tc_tiling_on_sc=False,
                                      needs_layout_passes=False)


def _sc_mesh():
  return plsc.VectorSubcoreMesh(core_axis_name="c", subcore_axis_name="s",
                                num_cores=NC, num_subcores=NS)




def _sc_gather(table, idx):
  V, D = table.shape
  B = idx.shape[0]
  n_ch = B // (NW * CH)

  @functools.partial(
      pl.kernel, mesh=_sc_mesh(), compiler_params=_SC_PARAMS,
      out_type=jax.ShapeDtypeStruct((B, D), jnp.float32),
      scratch_types=[
          pltpu.VMEM((CH,), jnp.int32),
          pltpu.VMEM((CH, D), jnp.float32),
          pltpu.SemaphoreType.DMA,
      ])
  def k(table_h, idx_h, out_h, idx_v, rows_v, sem):
    wid = lax.axis_index("s") * NC + lax.axis_index("c")

    def body(j, carry):
      off = (wid * n_ch + j) * CH
      pltpu.sync_copy(idx_h.at[pl.ds(off, CH)], idx_v)
      pltpu.async_copy(table_h.at[idx_v], rows_v, sem).wait()
      pltpu.sync_copy(rows_v, out_h.at[pl.ds(off, CH)])
      return carry

    lax.fori_loop(0, n_ch, body, 0)

  return k(table, idx)


def _sc_scatter_sum(msg, dst, zeros):
  B, D = msg.shape
  zch = zeros.shape[0]
  per_core = B // NC
  n_ch = per_core // (NS * CH)
  rows_pt = AGG_ROWS // NS

  @functools.partial(
      pl.kernel, mesh=_sc_mesh(), compiler_params=_SC_PARAMS,
      out_type=jax.ShapeDtypeStruct((NC * AGG_ROWS, D), jnp.float32),
      scratch_types=[
          pltpu.VMEM((CH,), jnp.int32),
          pltpu.VMEM((CH, D), jnp.float32),
          pltpu.VMEM((zch, D), jnp.float32),
          pltpu.VMEM_SHARED((AGG_ROWS, D), jnp.float32),
          pltpu.SemaphoreType.DMA,
      ])
  def k(msg_h, dst_h, zeros_h, out_h, idx_v, rows_v, zb_v, acc_s, sem):
    c = lax.axis_index("c")
    s = lax.axis_index("s")
    pltpu.sync_copy(zeros_h, zb_v)
    done = 0
    while done < rows_pt:
      m = min(zch, rows_pt - done)
      pltpu.sync_copy(zb_v.at[pl.ds(0, m)], acc_s.at[pl.ds(s * rows_pt + done, m)])
      done += m
    plsc.subcore_barrier()

    def body(j, carry):
      off = c * per_core + (s * n_ch + j) * CH
      pltpu.sync_copy(dst_h.at[pl.ds(off, CH)], idx_v)
      pltpu.sync_copy(msg_h.at[pl.ds(off, CH)], rows_v)
      pltpu.sync_copy(rows_v, acc_s.at[idx_v], add=True)
      return carry

    lax.fori_loop(0, n_ch, body, 0)
    plsc.subcore_barrier()
    done = 0
    while done < rows_pt:
      m = min(zch, rows_pt - done)
      r0 = s * rows_pt + done
      pltpu.sync_copy(acc_s.at[pl.ds(r0, m)], zb_v.at[pl.ds(0, m)])
      pltpu.sync_copy(zb_v.at[pl.ds(0, m)], out_h.at[pl.ds(c * AGG_ROWS + r0, m)])
      done += m

  return k(msg, dst, zeros)


def _sc_assign_mean(table, a_src, a_dst, zeros32, ones16):
  V, D = table.shape
  B = a_src.shape[0]
  per_core = B // NC
  n_ch = per_core // (NS * CH)
  rows_pt = ISO_N // NS
  zch = zeros32.shape[0]

  @functools.partial(
      pl.kernel, mesh=_sc_mesh(), compiler_params=_SC_PARAMS,
      out_type=(jax.ShapeDtypeStruct((NC * ISO_N, D), jnp.float32),
                jax.ShapeDtypeStruct((NC * ISO_N, 16), jnp.float32)),
      scratch_types=[
          pltpu.VMEM((CH,), jnp.int32),
          pltpu.VMEM((CH,), jnp.int32),
          pltpu.VMEM((CH, D), jnp.float32),
          pltpu.VMEM((CH, 16), jnp.float32),
          pltpu.VMEM((zch, D), jnp.float32),
          pltpu.VMEM_SHARED((ISO_N, D), jnp.float32),
          pltpu.VMEM_SHARED((ISO_N, 16), jnp.float32),
          pltpu.SemaphoreType.DMA,
      ])
  def k(table_h, src_h, dst_h, zeros_h, ones_h, sum_h, cnt_h,
        si_v, di_v, rows_v, ones_v, zb_v, sum_s, cnt_s, sem):
    c = lax.axis_index("c")
    s = lax.axis_index("s")
    pltpu.sync_copy(zeros_h, zb_v)
    pltpu.sync_copy(ones_h, ones_v)
    done = 0
    while done < rows_pt:
      m = min(zch, rows_pt - done)
      r0 = s * rows_pt + done
      pltpu.sync_copy(zb_v.at[pl.ds(0, m)], sum_s.at[pl.ds(r0, m)])
      pltpu.sync_copy(zb_v.at[pl.ds(0, m), pl.ds(0, 16)], cnt_s.at[pl.ds(r0, m)])
      done += m
    plsc.subcore_barrier()

    def body(j, carry):
      off = c * per_core + (s * n_ch + j) * CH
      pltpu.sync_copy(src_h.at[pl.ds(off, CH)], si_v)
      pltpu.sync_copy(dst_h.at[pl.ds(off, CH)], di_v)
      pltpu.async_copy(table_h.at[si_v], rows_v, sem).wait()
      pltpu.sync_copy(rows_v, sum_s.at[di_v], add=True)
      pltpu.sync_copy(ones_v, cnt_s.at[di_v], add=True)
      return carry

    lax.fori_loop(0, n_ch, body, 0)
    plsc.subcore_barrier()
    done = 0
    while done < rows_pt:
      m = min(zch, rows_pt - done)
      r0 = s * rows_pt + done
      pltpu.sync_copy(sum_s.at[pl.ds(r0, m)], zb_v.at[pl.ds(0, m)])
      pltpu.sync_copy(zb_v.at[pl.ds(0, m)], sum_h.at[pl.ds(c * ISO_N + r0, m)])
      pltpu.sync_copy(cnt_s.at[pl.ds(r0, m)], zb_v.at[pl.ds(0, m), pl.ds(0, 16)])
      pltpu.sync_copy(zb_v.at[pl.ds(0, m), pl.ds(0, 16)],
                      cnt_h.at[pl.ds(c * ISO_N + r0, m)])
      done += m

  return k(table, a_src, a_dst, zeros32, ones16)


ADJ_TOT = ISO_N * ISO_N + 64


def _sc_adj(e0, e1):
  SLAB_R = 16
  SLAB = SLAB_R * ISO_N
  n_pass = ISO_N // (SLAB_R * NW)
  CHE = 16384
  n_che = E2 // CHE

  @functools.partial(
      pl.kernel, mesh=_sc_mesh(), compiler_params=_SC_PARAMS_REG,
      out_type=jax.ShapeDtypeStruct((ISO_N * ISO_N,), jnp.float32),
      scratch_types=[
          pltpu.VMEM((CHE,), jnp.int32),
          pltpu.VMEM((CHE,), jnp.int32),
          pltpu.VMEM((SLAB,), jnp.float32),
      ])
  def k(e0_h, e1_h, out_h, e0_v, e1_v, slab_v):
    wid = lax.axis_index("s") * NC + lax.axis_index("c")
    zero = jnp.zeros((L,), jnp.float32)
    one = jnp.ones((L,), jnp.float32)

    def one_pass(p, carry):
      base_row = (wid * n_pass + p) * SLAB_R

      def zbody(i, cz):
        slab_v[pl.ds(i * L, L)] = zero
        return cz

      lax.fori_loop(0, SLAB // L, zbody, 0)

      def chunk(ci, cc):
        pltpu.sync_copy(e0_h.at[pl.ds(ci * CHE, CHE)], e0_v)
        pltpu.sync_copy(e1_h.at[pl.ds(ci * CHE, CHE)], e1_v)

        def vbody(i, cv):
          r = e0_v[pl.ds(i * L, L)] - base_row
          col = e1_v[pl.ds(i * L, L)]
          idx = r * ISO_N + col
          mask = (r >= 0) & (r < SLAB_R)
          plsc.store_scatter(slab_v, [idx], one, mask=mask)
          return cv

        lax.fori_loop(0, CHE // L, vbody, 0)
        return cc

      lax.fori_loop(0, n_che, chunk, 0)
      pltpu.sync_copy(slab_v, out_h.at[pl.ds(base_row * ISO_N, SLAB)])
      return carry

    lax.fori_loop(0, n_pass, one_pass, 0)

  return k(e0, e1)



_TC_PARAMS = pltpu.CompilerParams(dimension_semantics=("parallel",))


def _dot(a, b, dn=None, hi=False):
  if dn is None:
    dn = (((a.ndim - 1,), (0,)), ((), ()))
  prec = lax.Precision.HIGHEST if hi else None
  return lax.dot_general(a, b, dn, precision=prec,
                         preferred_element_type=jnp.float32)


def _msg_body(ea_ref, hs_ref, w1_ref, b1_ref, w2_ref, b2_ref, r_ref, s_ref,
              out_ref):
  e = jnp.maximum(_dot(ea_ref[...], w1_ref[...]) + b1_ref[...], 0.0)
  we = _dot(e, w2_ref[...]) + b2_ref[...]
  hx = _dot(hs_ref[...], r_ref[...], hi=True)
  out_ref[...] = _dot(we * hx, s_ref[...], hi=True)


def _tc_messages(ea_pad, h_src, p):
  mi, mo = p['root'].shape
  blk = 2048
  grid = ea_pad.shape[0] // blk
  rmat = jnp.kron(jnp.eye(mi, dtype=jnp.float32),
                  jnp.ones((1, mo), jnp.float32))
  smat = jnp.kron(jnp.ones((mi, 1), jnp.float32),
                  jnp.eye(mo, dtype=jnp.float32))
  full = lambda a: pl.BlockSpec(a.shape, lambda i: (0,) * a.ndim)
  args = (ea_pad, h_src, p['nn_W1'], p['nn_b1'].reshape(1, -1), p['nn_W2'],
          p['nn_b2'].reshape(1, -1), rmat, smat)
  return pl.pallas_call(
      _msg_body,
      grid=(grid,),
      in_specs=[pl.BlockSpec((blk, D_EDGE), lambda i: (i, 0)),
                pl.BlockSpec((blk, mi), lambda i: (i, 0))] +
               [full(a) for a in args[2:]],
      out_specs=pl.BlockSpec((blk, mo), lambda i: (i, 0)),
      out_shape=jax.ShapeDtypeStruct((ea_pad.shape[0], mo), jnp.float32),
      compiler_params=_TC_PARAMS,
  )(*args)


def _upd_body(h_ref, agg_ref, root_ref, bias_ref, out_ref):
  agg = agg_ref[0] + agg_ref[1]
  out_ref[...] = jnp.maximum(_dot(h_ref[...], root_ref[...]) + bias_ref[...]
                             + agg, 0.0)


def _tc_update(h, agg2, p):
  mi, mo = p['root'].shape
  full = lambda a: pl.BlockSpec(a.shape, lambda: (0,) * a.ndim)
  args = (h, agg2, p['root'], p['bias'].reshape(1, -1))
  return pl.pallas_call(
      _upd_body,
      in_specs=[full(a) for a in args],
      out_specs=pl.BlockSpec((N_NODES, mo), lambda: (0, 0)),
      out_shape=jax.ShapeDtypeStruct((N_NODES, mo), jnp.float32),
  )(*args)


def _prep_body(sum_ref, cnt_ref, iso_ref, w_ref, a1_ref, a2_ref, out_ref,
               f_ref):
  s = sum_ref[0] + sum_ref[1]
  c = cnt_ref[0] + cnt_ref[1]
  h2 = s / jnp.maximum(c[:, 0:1], 1.0)
  cat = jnp.concatenate([h2, iso_ref[...]], axis=1)
  for h in range(NHEADS):
    wh = _dot(cat, w_ref[h])
    out_ref[:, h * DIM:(h + 1) * DIM] = wh
    f_ref[:, h:h + 1] = jnp.sum(wh * a1_ref[h:h + 1, :], axis=1,
                                keepdims=True)
    f_ref[:, NHEADS + h:NHEADS + h + 1] = jnp.sum(
        wh * a2_ref[h:h + 1, :], axis=1, keepdims=True)


def _tc_gat_prep(sums, cnts, iso, wst, a1s, a2s):
  full = lambda a: pl.BlockSpec(a.shape, lambda: (0,) * a.ndim)
  args = (sums, cnts, iso, wst, a1s, a2s)
  return pl.pallas_call(
      _prep_body,
      in_specs=[full(a) for a in args],
      out_specs=[pl.BlockSpec((ISO_N, NHEADS * DIM), lambda: (0, 0)),
                 pl.BlockSpec((ISO_N, 2 * NHEADS), lambda: (0, 0))],
      out_shape=[jax.ShapeDtypeStruct((ISO_N, NHEADS * DIM), jnp.float32),
                 jax.ShapeDtypeStruct((ISO_N, 2 * NHEADS), jnp.float32)],
  )(*args)


def _gat_body(adj_ref, wh_ref, f_ref, ft_ref, out_ref):
  i = pl.program_id(0)
  blk = adj_ref.shape[0]
  mask = adj_ref[...] > 0.0
  acc = jnp.zeros((blk, DIM), jnp.float32)
  for h in range(NHEADS):
    whh = wh_ref[:, h * DIM:(h + 1) * DIM]
    f1 = f_ref[pl.ds(i * blk, blk), h:h + 1]
    f2t = ft_ref[NHEADS + h:NHEADS + h + 1, :]
    e = f1 + f2t
    e = jnp.where(e >= 0.0, e, 0.2 * e)
    e = jnp.where(mask, e, -9e15)
    m = jnp.max(e, axis=1, keepdims=True)
    pexp = jnp.exp(e - m)
    ssum = jnp.sum(pexp, axis=1, keepdims=True)
    acc = acc + _dot(pexp / ssum, whh)
  a = acc * (1.0 / NHEADS)
  out_ref[...] = jnp.where(a > 0.0, a, jnp.exp(a) - 1.0)


def _tc_gat(adj, wh, fmat, fmat_t):
  blk = 256
  grid = ISO_N // blk
  full = lambda a: pl.BlockSpec(a.shape, lambda i: (0,) * a.ndim)
  return pl.pallas_call(
      _gat_body,
      grid=(grid,),
      in_specs=[pl.BlockSpec((blk, ISO_N), lambda i: (i, 0)),
                full(wh), full(fmat), full(fmat_t)],
      out_specs=pl.BlockSpec((blk, DIM), lambda i: (i, 0)),
      out_shape=jax.ShapeDtypeStruct((ISO_N, DIM), jnp.float32),
      compiler_params=_TC_PARAMS,
  )(adj, wh, fmat, fmat_t)


def _seg_mean_mm(ids_row, data):
  gi = lax.broadcasted_iota(jnp.int32, (NGRAPH, 1), 0)
  m = (ids_row == gi).astype(jnp.float32)
  ssum = _dot(m, data, hi=True)
  cnt = jnp.sum(m, axis=1, keepdims=True)
  return ssum / jnp.maximum(cnt, 1.0)


def _tail_body(h_ref, b_ref, g_ref, b2_ref, w0_ref, c0_ref, w1_ref, c1_ref,
               w2_ref, c2_ref, out_ref):
  x1 = _seg_mean_mm(b_ref[...], h_ref[...])
  x2 = _seg_mean_mm(b2_ref[...], g_ref[...])
  z = jnp.concatenate([x1, x2], axis=1)
  z = jnp.maximum(_dot(z, w0_ref[...]) + c0_ref[...], 0.0)
  z = jnp.maximum(_dot(z, w1_ref[...]) + c1_ref[...], 0.0)
  out_ref[...] = _dot(z, w2_ref[...], hi=True) + c2_ref[...]


def _tc_tail(h_conv, batch, h_gat, batch_2, pout):
  full = lambda a: pl.BlockSpec(a.shape, lambda: (0,) * a.ndim)
  args = (h_conv, batch.reshape(1, -1), h_gat, batch_2.reshape(1, -1),
          pout[0]['W'], pout[0]['b'].reshape(1, -1),
          pout[1]['W'], pout[1]['b'].reshape(1, -1),
          pout[2]['W'], pout[2]['b'].reshape(1, -1))
  return pl.pallas_call(
      _tail_body,
      in_specs=[full(a) for a in args],
      out_specs=pl.BlockSpec((NGRAPH, 1), lambda: (0, 0)),
      out_shape=jax.ShapeDtypeStruct((NGRAPH, 1), jnp.float32),
  )(*args)




def kernel(x, edge_attr, iso_type_2, params, edge_index, batch,
           assignment_index_2, edge_index_2, batch_2):
  src = jnp.pad(edge_index[0], (0, E_PAD - E_EDGES))
  dst = jnp.pad(edge_index[1], (0, E_PAD - E_EDGES), constant_values=N_NODES)
  ea_pad = jnp.pad(edge_attr, ((0, E_PAD - E_EDGES), (0, 0)))

  zeros16 = jnp.zeros((CH, 16), jnp.float32)
  zeros32 = jnp.zeros((CH, 32), jnp.float32)
  ones16 = jnp.ones((CH, 16), jnp.float32)

  adj = _sc_adj(edge_index_2[0], edge_index_2[1]).reshape(ISO_N, ISO_N)

  h = x
  for p in params['conv']:
    mi, mo = p['root'].shape
    h_src = _sc_gather(h, src)
    msg = _tc_messages(ea_pad, h_src, p)
    aggp = _sc_scatter_sum(msg, dst, zeros32 if mo == 32 else zeros16)
    agg2 = aggp.reshape(NC, AGG_ROWS, mo)[:, :N_NODES, :]
    h = _tc_update(h, agg2, p)

  sums, cnts = _sc_assign_mean(h, assignment_index_2[0], assignment_index_2[1],
                               zeros32, ones16)
  wst = jnp.stack([g['W'] for g in params['gat']])
  a1s = jnp.stack([g['a1'] for g in params['gat']])
  a2s = jnp.stack([g['a2'] for g in params['gat']])
  wh, fmat = _tc_gat_prep(sums.reshape(NC, ISO_N, DIM),
                          cnts.reshape(NC, ISO_N, 16), iso_type_2, wst,
                          a1s, a2s)

  h_gat = _tc_gat(adj, wh, fmat, fmat.T)
  z = _tc_tail(h, batch, h_gat, batch_2, params['out'])
  return z.reshape(-1)

# --- scband reference (transcript-rebuilt; emitter-appended) ---
"""Pipeline reference for scband-nnconv-gat-21002390078207 (READ-ONLY COPY).

The authoritative reference and input builder live on the scoring server;
editing this copy changes nothing except your own understanding.
"""

import jax, jax.numpy as jnp
import numpy as np

N_NODES = 10000
E_EDGES = 160000
D_FEAT = 32
D_EDGE = 16
DIM = 32
ISO_N = 4096
N_ASSIGN = 16384
E2 = 65536
NUM_I2 = 32
NHEADS = 4
NGRAPH = 128


def _glorot(key, shape):
    fan_in = shape[0]
    return (jax.random.normal(key, shape, dtype=jnp.float32) / np.sqrt(fan_in)).astype(jnp.float32)


def setup_inputs(seed: int = 0):
    key = jax.random.key(seed)
    ks = iter(jax.random.split(key, 64))
    x = jax.random.normal(next(ks), (N_NODES, D_FEAT), dtype=jnp.float32)
    edge_index = jax.random.randint(next(ks), (2, E_EDGES), 0, N_NODES, dtype=jnp.int32)
    edge_attr = jax.random.uniform(next(ks), (E_EDGES, D_EDGE), dtype=jnp.float32)
    batch = jnp.sort(jax.random.randint(next(ks), (N_NODES,), 0, NGRAPH, dtype=jnp.int32))
    assignment_index_2 = jax.random.randint(next(ks), (2, N_ASSIGN), 0, ISO_N, dtype=jnp.int32)
    iso_type_2 = jax.random.uniform(next(ks), (ISO_N, NUM_I2), dtype=jnp.float32)
    edge_index_2 = jax.random.randint(next(ks), (2, E2), 0, ISO_N, dtype=jnp.int32)
    batch_2 = jnp.sort(jax.random.randint(next(ks), (ISO_N,), 0, NGRAPH, dtype=jnp.int32))
    params = {}
    conv = []
    for (mi, mo) in [(D_FEAT, DIM // 2), (DIM // 2, DIM)]:
        conv.append({
            'nn_W1': _glorot(next(ks), (D_EDGE, 128)), 'nn_b1': jnp.zeros((128,), jnp.float32),
            'nn_W2': _glorot(next(ks), (128, mi * mo)), 'nn_b2': jnp.zeros((mi * mo,), jnp.float32),
            'root': _glorot(next(ks), (mi, mo)), 'bias': jnp.zeros((mo,), jnp.float32),
        })
    params['conv'] = conv
    a_in = DIM + NUM_I2
    params['gat'] = [{'W': _glorot(next(ks), (a_in, DIM)),
                      'a1': _glorot(next(ks), (DIM,)),
                      'a2': _glorot(next(ks), (DIM,))} for _ in range(NHEADS)]
    params['out'] = [{'W': _glorot(next(ks), (i, o)), 'b': jnp.zeros((o,), jnp.float32)}
                     for (i, o) in [(DIM * 2, DIM), (DIM, DIM // 2), (DIM // 2, 1)]]
    return {'x': x, 'edge_attr': edge_attr, 'iso_type_2': iso_type_2, 'params': params,
            'edge_index': edge_index, 'batch': batch, 'assignment_index_2': assignment_index_2,
            'edge_index_2': edge_index_2, 'batch_2': batch_2}


def _seg_mean(data, ids, nseg):
    s = jax.ops.segment_sum(data, ids, num_segments=nseg)
    c = jax.ops.segment_sum(jnp.ones((data.shape[0], 1), data.dtype), ids, num_segments=nseg)
    return s / jnp.maximum(c, 1.0)


def _forward(x, edge_attr, iso_type_2, params, edge_index, batch, assignment_index_2, edge_index_2, batch_2):
    relu = jax.nn.relu
    src, dst = edge_index[0], edge_index[1]
    h = x
    for p in params['conv']:
        e = relu(edge_attr @ p['nn_W1'] + p['nn_b1'])
        mi, mo = p['root'].shape
        We = (e @ p['nn_W2'] + p['nn_b2']).reshape(-1, mi, mo)
        msg = jnp.einsum('ei,eio->eo', h[src], We)
        agg = jax.ops.segment_sum(msg, dst, num_segments=N_NODES)
        h = relu(h @ p['root'] + p['bias'] + agg)
    x_1 = _seg_mean(h, batch, NGRAPH)
    a_src, a_dst = assignment_index_2[0], assignment_index_2[1]
    h2 = _seg_mean(h[a_src], a_dst, ISO_N)
    h2 = jnp.concatenate([h2, iso_type_2], axis=1)
    adj = jnp.zeros((ISO_N, ISO_N), jnp.float32).at[edge_index_2[0], edge_index_2[1]].set(1.0)
    acc = None
    for g in params['gat']:
        Wh = h2 @ g['W']
        f1 = Wh @ g['a1']
        f2 = Wh @ g['a2']
        e = jax.nn.leaky_relu(f1[:, None] + f2[None, :], negative_slope=0.2)
        e = jnp.where(adj > 0, e, -9e15)
        att = jax.nn.softmax(e, axis=1)
        hh = att @ Wh
        acc = hh if acc is None else acc + hh
    h2 = jax.nn.elu(acc / NHEADS)
    x_2 = _seg_mean(h2, batch_2, NGRAPH)
    z = jnp.concatenate([x_1, x_2], axis=1)
    for p in params['out'][:-1]:
        z = relu(z @ p['W'] + p['b'])
    z = z @ params['out'][-1]['W'] + params['out'][-1]['b']
    return z.reshape(-1)


def reference(x, edge_attr, iso_type_2, params, edge_index, batch, assignment_index_2, edge_index_2, batch_2):
    return _forward(x, edge_attr, iso_type_2, params, edge_index, batch, assignment_index_2, edge_index_2, batch_2)

if __name__ == "__main__":
    import jax
    _d = setup_inputs()
    print(jax.jit(kernel)(*tuple(_d.values())))

</pallas_src>

<mosaic_0001>
#map = affine_map<(d0, d1) -> (0, 0)>
#map1 = affine_map<(d0, d1) -> (0)>
module attributes {stable_mosaic.version = 14 : i64} {
  func.func @k(%arg0: i32, %arg1: i32, %arg2: memref<163840x16xf32, #tpu.memory_space<hbm>>, %arg3: memref<163840xi32, #tpu.memory_space<hbm>>, %arg4: memref<128x16xf32, #tpu.memory_space<hbm>>, %arg5: memref<20032x16xf32, #tpu.memory_space<hbm>>, %arg6: memref<128xi32, #tpu.memory_space<vmem>>, %arg7: memref<128x16xf32, #tpu.memory_space<vmem>>, %arg8: memref<128x16xf32, #tpu.memory_space<vmem>>, %arg9: memref<10016x16xf32, #tpu.memory_space<vmem_shared>>, %arg10: memref<!tpu.dma_semaphore, #tpu.memory_space<semaphore_mem>>) attributes {dimension_semantics = [#tpu.dimension_semantics<core_parallel>, #tpu.dimension_semantics<subcore_parallel>], iteration_bounds = array<i64: 2, 16>, scalar_prefetch = 0 : i64, scratch_operands = 5 : i64, tpu.core_type = #tpu.core_type<sc_vector_subcore>, window_params = [{transform_indices = #map}, {transform_indices = #map1}, {transform_indices = #map}, {transform_indices = #map}]} {
    "tpu.region"() ({
      %run_scoped3A = tpu.sem_alloc : memref<!tpu.dma_semaphore, #tpu.memory_space<semaphore_mem>>
      tpu.enqueue_dma source(%arg4 : memref<128x16xf32, #tpu.memory_space<hbm>>) target(%arg8 : memref<128x16xf32, #tpu.memory_space<vmem>>) target_semaphore(%run_scoped3A : memref<!tpu.dma_semaphore, #tpu.memory_space<semaphore_mem>>)
      tpu.wait_dma2 semaphore(%run_scoped3A : memref<!tpu.dma_semaphore, #tpu.memory_space<semaphore_mem>>) src(%arg4 : memref<128x16xf32, #tpu.memory_space<hbm>>) dst(%arg8 : memref<128x16xf32, #tpu.memory_space<vmem>>)
      tpu.yield
    }) : () -> ()
    %mul3A = arith.constant 626 : i32
    %mul3A_0 = arith.muli %arg1, %mul3A : i32
    %add3A = arith.constant 0 : i32
    %add3A_1 = arith.addi %mul3A_0, %add3A : i32
    "tpu.region"() ({
      %run_scoped3A = tpu.sem_alloc : memref<!tpu.dma_semaphore, #tpu.memory_space<semaphore_mem>>
      %dma_start3A = arith.constant 0 : i32
      %dma_start3A_59 = arith.constant 0 : i32
      %dma_start3A_60 = tpu.memref_slice %arg8[%dma_start3A, %dma_start3A_59] : memref<128x16xf32, #tpu.memory_space<vmem>> -> memref<128x16xf32, #tpu.memory_space<vmem>>
      %dma_start3A_61 = arith.constant 0 : i32
      %dma_start3A_62 = tpu.memref_slice %arg9[%add3A_1, %dma_start3A_61] : memref<10016x16xf32, #tpu.memory_space<vmem_shared>> -> memref<128x16xf32, #tpu.memory_space<vmem_shared>>
      %dma_start3A_63 = arith.constant 0 : i32
      %dma_start3A_64 = tpu.memref_slice %arg9[%add3A_1, %dma_start3A_63] : memref<10016x16xf32, #tpu.memory_space<vmem_shared>> -> memref<128x16xf32, #tpu.memory_space<vmem_shared>>
      %dma_start3A_65 = arith.constant 0 : i32
      %dma_start3A_66 = arith.constant 0 : i32
      %dma_start3A_67 = tpu.memref_slice %arg8[%dma_start3A_65, %dma_start3A_66] : memref<128x16xf32, #tpu.memory_space<vmem>> -> memref<128x16xf32, #tpu.memory_space<vmem>>
      tpu.enqueue_dma source(%dma_start3A_67 : memref<128x16xf32, #tpu.memory_space<vmem>>) target(%dma_start3A_64 : memref<128x16xf32, #tpu.memory_space<vmem_shared>>) target_semaphore(%run_scoped3A : memref<!tpu.dma_semaphore, #tpu.memory_space<semaphore_mem>>)
      %dma_wait3A = arith.constant 0 : i32
      %dma_wait3A_68 = arith.constant 0 : i32
      %dma_wait3A_69 = tpu.memref_slice %arg8[%dma_wait3A, %dma_wait3A_68] : memref<128x16xf32, #tpu.memory_space<vmem>> -> memref<128x16xf32, #tpu.memory_space<vmem>>
      %dma_wait3A_70 = arith.constant 0 : i32
      %dma_wait3A_71 = tpu.memref_slice %arg9[%add3A_1, %dma_wait3A_70] : memref<10016x16xf32, #tpu.memory_space<vmem_shared>> -> memref<128x16xf32, #tpu.memory_space<vmem_shared>>
      %dma_wait3A_72 = arith.constant 0 : i32
      %dma_wait3A_73 = tpu.memref_slice %arg9[%add3A_1, %dma_wait3A_72] : memref<10016x16xf32, #tpu.memory_space<vmem_shared>> -> memref<128x16xf32, #tpu.memory_space<vmem_shared>>
      %dma_wait3A_74 = arith.constant 0 : i32
      %dma_wait3A_75 = arith.constant 0 : i32
      %dma_wait3A_76 = tpu.memref_slice %arg8[%dma_wait3A_74, %dma_wait3A_75] : memref<128x16xf32, #tpu.memory_space<vmem>> -> memref<128x16xf32, #tpu.memory_space<vmem>>
      tpu.wait_dma2 semaphore(%run_scoped3A : memref<!tpu.dma_semaphore, #tpu.memory_space<semaphore_mem>>) src(%dma_wait3A_76 : memref<128x16xf32, #tpu.memory_space<vmem>>) dst(%dma_wait3A_73 : memref<128x16xf32, #tpu.memory_space<vmem_shared>>)
      tpu.yield
    }) : () -> ()
    %mul3A_2 = arith.constant 626 : i32
    %mul3A_3 = arith.muli %arg1, %mul3A_2 : i32
    %add3A_4 = arith.constant 128 : i32
    %add3A_5 = arith.addi %mul3A_3, %add3A_4 : i32
    "tpu.region"() ({
      %run_scoped3A = tpu.sem_alloc : memref<!tpu.dma_semaphore, #tpu.memory_space<semaphore_mem>>
      %dma_start3A = arith.constant 0 : i32
      %dma_start3A_59 = arith.constant 0 : i32
      %dma_start3A_60 = tpu.memref_slice %arg8[%dma_start3A, %dma_start3A_59] : memref<128x16xf32, #tpu.memory_space<vmem>> -> memref<128x16xf32, #tpu.memory_space<vmem>>
      %dma_start3A_61 = arith.constant 0 : i32
      %dma_start3A_62 = tpu.memref_slice %arg9[%add3A_5, %dma_start3A_61] : memref<10016x16xf32, #tpu.memory_space<vmem_shared>> -> memref<128x16xf32, #tpu.memory_space<vmem_shared>>
      %dma_start3A_63 = arith.constant 0 : i32
      %dma_start3A_64 = tpu.memref_slice %arg9[%add3A_5, %dma_start3A_63] : memref<10016x16xf32, #tpu.memory_space<vmem_shared>> -> memref<128x16xf32, #tpu.memory_space<vmem_shared>>
      %dma_start3A_65 = arith.constant 0 : i32
      %dma_start3A_66 = arith.constant 0 : i32
      %dma_start3A_67 = tpu.memref_slice %arg8[%dma_start3A_65, %dma_start3A_66] : memref<128x16xf32, #tpu.memory_space<vmem>> -> memref<128x16xf32, #tpu.memory_space<vmem>>
      tpu.enqueue_dma source(%dma_start3A_67 : memref<128x16xf32, #tpu.memory_space<vmem>>) target(%dma_start3A_64 : memref<128x16xf32, #tpu.memory_space<vmem_shared>>) target_semaphore(%run_scoped3A : memref<!tpu.dma_semaphore, #tpu.memory_space<semaphore_mem>>)
      %dma_wait3A = arith.constant 0 : i32
      %dma_wait3A_68 = arith.constant 0 : i32
      %dma_wait3A_69 = tpu.memref_slice %arg8[%dma_wait3A, %dma_wait3A_68] : memref<128x16xf32, #tpu.memory_space<vmem>> -> memref<128x16xf32, #tpu.memory_space<vmem>>
      %dma_wait3A_70 = arith.constant 0 : i32
      %dma_wait3A_71 = tpu.memref_slice %arg9[%add3A_5, %dma_wait3A_70] : memref<10016x16xf32, #tpu.memory_space<vmem_shared>> -> memref<128x16xf32, #tpu.memory_space<vmem_shared>>
      %dma_wait3A_72 = arith.constant 0 : i32
      %dma_wait3A_73 = tpu.memref_slice %arg9[%add3A_5, %dma_wait3A_72] : memref<10016x16xf32, #tpu.memory_space<vmem_shared>> -> memref<128x16xf32, #tpu.memory_space<vmem_shared>>
      %dma_wait3A_74 = arith.constant 0 : i32
      %dma_wait3A_75 = arith.constant 0 : i32
      %dma_wait3A_76 = tpu.memref_slice %arg8[%dma_wait3A_74, %dma_wait3A_75] : memref<128x16xf32, #tpu.memory_space<vmem>> -> memref<128x16xf32, #tpu.memory_space<vmem>>
      tpu.wait_dma2 semaphore(%run_scoped3A : memref<!tpu.dma_semaphore, #tpu.memory_space<semaphore_mem>>) src(%dma_wait3A_76 : memref<128x16xf32, #tpu.memory_space<vmem>>) dst(%dma_wait3A_73 : memref<128x16xf32, #tpu.memory_space<vmem_shared>>)
      tpu.yield
    }) : () -> ()
    %mul3A_6 = arith.constant 626 : i32
    %mul3A_7 = arith.muli %arg1, %mul3A_6 : i32
    %add3A_8 = arith.constant 256 : i32
    %add3A_9 = arith.addi %mul3A_7, %add3A_8 : i32
    "tpu.region"() ({
      %run_scoped3A = tpu.sem_alloc : memref<!tpu.dma_semaphore, #tpu.memory_space<semaphore_mem>>
      %dma_start3A = arith.constant 0 : i32
      %dma_start3A_59 = arith.constant 0 : i32
      %dma_start3A_60 = tpu.memref_slice %arg8[%dma_start3A, %dma_start3A_59] : memref<128x16xf32, #tpu.memory_space<vmem>> -> memref<128x16xf32, #tpu.memory_space<vmem>>
      %dma_start3A_61 = arith.constant 0 : i32
      %dma_start3A_62 = tpu.memref_slice %arg9[%add3A_9, %dma_start3A_61] : memref<10016x16xf32, #tpu.memory_space<vmem_shared>> -> memref<128x16xf32, #tpu.memory_space<vmem_shared>>
      %dma_start3A_63 = arith.constant 0 : i32
      %dma_start3A_64 = tpu.memref_slice %arg9[%add3A_9, %dma_start3A_63] : memref<10016x16xf32, #tpu.memory_space<vmem_shared>> -> memref<128x16xf32, #tpu.memory_space<vmem_shared>>
      %dma_start3A_65 = arith.constant 0 : i32
      %dma_start3A_66 = arith.constant 0 : i32
      %dma_start3A_67 = tpu.memref_slice %arg8[%dma_start3A_65, %dma_start3A_66] : memref<128x16xf32, #tpu.memory_space<vmem>> -> memref<128x16xf32, #tpu.memory_space<vmem>>
      tpu.enqueue_dma source(%dma_start3A_67 : memref<128x16xf32, #tpu.memory_space<vmem>>) target(%dma_start3A_64 : memref<128x16xf32, #tpu.memory_space<vmem_shared>>) target_semaphore(%run_scoped3A : memref<!tpu.dma_semaphore, #tpu.memory_space<semaphore_mem>>)
      %dma_wait3A = arith.constant 0 : i32
      %dma_wait3A_68 = arith.constant 0 : i32
      %dma_wait3A_69 = tpu.memref_slice %arg8[%dma_wait3A, %dma_wait3A_68] : memref<128x16xf32, #tpu.memory_space<vmem>> -> memref<128x16xf32, #tpu.memory_space<vmem>>
      %dma_wait3A_70 = arith.constant 0 : i32
      %dma_wait3A_71 = tpu.memref_slice %arg9[%add3A_9, %dma_wait3A_70] : memref<10016x16xf32, #tpu.memory_space<vmem_shared>> -> memref<128x16xf32, #tpu.memory_space<vmem_shared>>
      %dma_wait3A_72 = arith.constant 0 : i32
      %dma_wait3A_73 = tpu.memref_slice %arg9[%add3A_9, %dma_wait3A_72] : memref<10016x16xf32, #tpu.memory_space<vmem_shared>> -> memref<128x16xf32, #tpu.memory_space<vmem_shared>>
      %dma_wait3A_74 = arith.constant 0 : i32
      %dma_wait3A_75 = arith.constant 0 : i32
      %dma_wait3A_76 = tpu.memref_slice %arg8[%dma_wait3A_74, %dma_wait3A_75] : memref<128x16xf32, #tpu.memory_space<vmem>> -> memref<128x16xf32, #tpu.memory_space<vmem>>
      tpu.wait_dma2 semaphore(%run_scoped3A : memref<!tpu.dma_semaphore, #tpu.memory_space<semaphore_mem>>) src(%dma_wait3A_76 : memref<128x16xf32, #tpu.memory_space<vmem>>) dst(%dma_wait3A_73 : memref<128x16xf32, #tpu.memory_space<vmem_shared>>)
      tpu.yield
    }) : () -> ()
    %mul3A_10 = arith.constant 626 : i32
    %mul3A_11 = arith.muli %arg1, %mul3A_10 : i32
    %add3A_12 = arith.constant 384 : i32
    %add3A_13 = arith.addi %mul3A_11, %add3A_12 : i32
    "tpu.region"() ({
      %run_scoped3A = tpu.sem_alloc : memref<!tpu.dma_semaphore, #tpu.memory_space<semaphore_mem>>
      %dma_start3A = arith.constant 0 : i32
      %dma_start3A_59 = arith.constant 0 : i32
      %dma_start3A_60 = tpu.memref_slice %arg8[%dma_start3A, %dma_start3A_59] : memref<128x16xf32, #tpu.memory_space<vmem>> -> memref<128x16xf32, #tpu.memory_space<vmem>>
      %dma_start3A_61 = arith.constant 0 : i32
      %dma_start3A_62 = tpu.memref_slice %arg9[%add3A_13, %dma_start3A_61] : memref<10016x16xf32, #tpu.memory_space<vmem_shared>> -> memref<128x16xf32, #tpu.memory_space<vmem_shared>>
      %dma_start3A_63 = arith.constant 0 : i32
      %dma_start3A_64 = tpu.memref_slice %arg9[%add3A_13, %dma_start3A_63] : memref<10016x16xf32, #tpu.memory_space<vmem_shared>> -> memref<128x16xf32, #tpu.memory_space<vmem_shared>>
      %dma_start3A_65 = arith.constant 0 : i32
      %dma_start3A_66 = arith.constant 0 : i32
      %dma_start3A_67 = tpu.memref_slice %arg8[%dma_start3A_65, %dma_start3A_66] : memref<128x16xf32, #tpu.memory_space<vmem>> -> memref<128x16xf32, #tpu.memory_space<vmem>>
      tpu.enqueue_dma source(%dma_start3A_67 : memref<128x16xf32, #tpu.memory_space<vmem>>) target(%dma_start3A_64 : memref<128x16xf32, #tpu.memory_space<vmem_shared>>) target_semaphore(%run_scoped3A : memref<!tpu.dma_semaphore, #tpu.memory_space<semaphore_mem>>)
      %dma_wait3A = arith.constant 0 : i32
      %dma_wait3A_68 = arith.constant 0 : i32
      %dma_wait3A_69 = tpu.memref_slice %arg8[%dma_wait3A, %dma_wait3A_68] : memref<128x16xf32, #tpu.memory_space<vmem>> -> memref<128x16xf32, #tpu.memory_space<vmem>>
      %dma_wait3A_70 = arith.constant 0 : i32
      %dma_wait3A_71 = tpu.memref_slice %arg9[%add3A_13, %dma_wait3A_70] : memref<10016x16xf32, #tpu.memory_space<vmem_shared>> -> memref<128x16xf32, #tpu.memory_space<vmem_shared>>
      %dma_wait3A_72 = arith.constant 0 : i32
      %dma_wait3A_73 = tpu.memref_slice %arg9[%add3A_13, %dma_wait3A_72] : memref<10016x16xf32, #tpu.memory_space<vmem_shared>> -> memref<128x16xf32, #tpu.memory_space<vmem_shared>>
      %dma_wait3A_74 = arith.constant 0 : i32
      %dma_wait3A_75 = arith.constant 0 : i32
      %dma_wait3A_76 = tpu.memref_slice %arg8[%dma_wait3A_74, %dma_wait3A_75] : memref<128x16xf32, #tpu.memory_space<vmem>> -> memref<128x16xf32, #tpu.memory_space<vmem>>
      tpu.wait_dma2 semaphore(%run_scoped3A : memref<!tpu.dma_semaphore, #tpu.memory_space<semaphore_mem>>) src(%dma_wait3A_76 : memref<128x16xf32, #tpu.memory_space<vmem>>) dst(%dma_wait3A_73 : memref<128x16xf32, #tpu.memory_space<vmem_shared>>)
      tpu.yield
    }) : () -> ()
    %mul3A_14 = arith.constant 626 : i32
    %mul3A_15 = arith.muli %arg1, %mul3A_14 : i32
    %add3A_16 = arith.constant 512 : i32
    %add3A_17 = arith.addi %mul3A_15, %add3A_16 : i32
    "tpu.region"() ({
      %run_scoped3A = tpu.sem_alloc : memref<!tpu.dma_semaphore, #tpu.memory_space<semaphore_mem>>
      %dma_start3A = arith.constant 0 : i32
      %dma_start3A_59 = arith.constant 0 : i32
      %dma_start3A_60 = tpu.memref_slice %arg8[%dma_start3A, %dma_start3A_59] : memref<128x16xf32, #tpu.memory_space<vmem>> -> memref<114x16xf32, #tpu.memory_space<vmem>>
      %dma_start3A_61 = arith.constant 0 : i32
      %dma_start3A_62 = tpu.memref_slice %arg9[%add3A_17, %dma_start3A_61] : memref<10016x16xf32, #tpu.memory_space<vmem_shared>> -> memref<114x16xf32, #tpu.memory_space<vmem_shared>>
      %dma_start3A_63 = arith.constant 0 : i32
      %dma_start3A_64 = tpu.memref_slice %arg9[%add3A_17, %dma_start3A_63] : memref<10016x16xf32, #tpu.memory_space<vmem_shared>> -> memref<114x16xf32, #tpu.memory_space<vmem_shared>>
      %dma_start3A_65 = arith.constant 0 : i32
      %dma_start3A_66 = arith.constant 0 : i32
      %dma_start3A_67 = tpu.memref_slice %arg8[%dma_start3A_65, %dma_start3A_66] : memref<128x16xf32, #tpu.memory_space<vmem>> -> memref<114x16xf32, #tpu.memory_space<vmem>>
      tpu.enqueue_dma source(%dma_start3A_67 : memref<114x16xf32, #tpu.memory_space<vmem>>) target(%dma_start3A_64 : memref<114x16xf32, #tpu.memory_space<vmem_shared>>) target_semaphore(%run_scoped3A : memref<!tpu.dma_semaphore, #tpu.memory_space<semaphore_mem>>)
      %dma_wait3A = arith.constant 0 : i32
      %dma_wait3A_68 = arith.constant 0 : i32
      %dma_wait3A_69 = tpu.memref_slice %arg8[%dma_wait3A, %dma_wait3A_68] : memref<128x16xf32, #tpu.memory_space<vmem>> -> memref<114x16xf32, #tpu.memory_space<vmem>>
      %dma_wait3A_70 = arith.constant 0 : i32
      %dma_wait3A_71 = tpu.memref_slice %arg9[%add3A_17, %dma_wait3A_70] : memref<10016x16xf32, #tpu.memory_space<vmem_shared>> -> memref<114x16xf32, #tpu.memory_space<vmem_shared>>
      %dma_wait3A_72 = arith.constant 0 : i32
      %dma_wait3A_73 = tpu.memref_slice %arg9[%add3A_17, %dma_wait3A_72] : memref<10016x16xf32, #tpu.memory_space<vmem_shared>> -> memref<114x16xf32, #tpu.memory_space<vmem_shared>>
      %dma_wait3A_74 = arith.constant 0 : i32
      %dma_wait3A_75 = arith.constant 0 : i32
      %dma_wait3A_76 = tpu.memref_slice %arg8[%dma_wait3A_74, %dma_wait3A_75] : memref<128x16xf32, #tpu.memory_space<vmem>> -> memref<114x16xf32, #tpu.memory_space<vmem>>
      tpu.wait_dma2 semaphore(%run_scoped3A : memref<!tpu.dma_semaphore, #tpu.memory_space<semaphore_mem>>) src(%dma_wait3A_76 : memref<114x16xf32, #tpu.memory_space<vmem>>) dst(%dma_wait3A_73 : memref<114x16xf32, #tpu.memory_space<vmem_shared>>)
      tpu.yield
    }) : () -> ()
    %barrier3A = arith.constant 0 : index
    tpu.barrier barrier_id(%barrier3A)
    %scan3A = arith.constant 0 : i32
    %scan3A_18 = arith.constant 0 : i32
    %scan3A_19 = arith.constant 40 : i32
    %scan3A_20 = arith.addi %scan3A_18, %scan3A_19 : i32
    %scan3A_21 = arith.constant 1 : i32
    scf.for %scan3A_59 = %scan3A_18 to %scan3A_20 step %scan3A_21  : i32 {
      %mul3A_60 = arith.constant 81920 : i32
      %mul3A_61 = arith.muli %arg0, %mul3A_60 : i32
      %mul3A_62 = arith.constant 40 : i32
      %mul3A_63 = arith.muli %arg1, %mul3A_62 : i32
      %add3A_64 = arith.addi %mul3A_63, %scan3A_59 : i32
      %mul3A_65 = arith.constant 128 : i32
      %mul3A_66 = arith.muli %add3A_64, %mul3A_65 : i32
      %add3A_67 = arith.addi %mul3A_61, %mul3A_66 : i32
      "tpu.region"() ({
        %run_scoped3A = tpu.sem_alloc : memref<!tpu.dma_semaphore, #tpu.memory_space<semaphore_mem>>
        %dma_start3A = tpu.memref_slice %arg3[%add3A_67] : memref<163840xi32, #tpu.memory_space<hbm>> -> memref<128xi32, #tpu.memory_space<hbm>>
        %dma_start3A_68 = tpu.memref_slice %arg3[%add3A_67] : memref<163840xi32, #tpu.memory_space<hbm>> -> memref<128xi32, #tpu.memory_space<hbm>>
        tpu.enqueue_dma source(%dma_start3A_68 : memref<128xi32, #tpu.memory_space<hbm>>) target(%arg6 : memref<128xi32, #tpu.memory_space<vmem>>) target_semaphore(%run_scoped3A : memref<!tpu.dma_semaphore, #tpu.memory_space<semaphore_mem>>)
        %dma_wait3A = tpu.memref_slice %arg3[%add3A_67] : memref<163840xi32, #tpu.memory_space<hbm>> -> memref<128xi32, #tpu.memory_space<hbm>>
        %dma_wait3A_69 = tpu.memref_slice %arg3[%add3A_67] : memref<163840xi32, #tpu.memory_space<hbm>> -> memref<128xi32, #tpu.memory_space<hbm>>
        tpu.wait_dma2 semaphore(%run_scoped3A : memref<!tpu.dma_semaphore, #tpu.memory_space<semaphore_mem>>) src(%dma_wait3A_69 : memref<128xi32, #tpu.memory_space<hbm>>) dst(%arg6 : memref<128xi32, #tpu.memory_space<vmem>>)
        tpu.yield
      }) : () -> ()
      "tpu.region"() ({
        %run_scoped3A = tpu.sem_alloc : memref<!tpu.dma_semaphore, #tpu.memory_space<semaphore_mem>>
        %dma_start3A = arith.constant 0 : i32
        %dma_start3A_68 = tpu.memref_slice %arg2[%add3A_67, %dma_start3A] : memref<163840x16xf32, #tpu.memory_space<hbm>> -> memref<128x16xf32, #tpu.memory_space<hbm>>
        %dma_start3A_69 = arith.constant 0 : i32
        %dma_start3A_70 = tpu.memref_slice %arg2[%add3A_67, %dma_start3A_69] : memref<163840x16xf32, #tpu.memory_space<hbm>> -> memref<128x16xf32, #tpu.memory_space<hbm>>
        tpu.enqueue_dma source(%dma_start3A_70 : memref<128x16xf32, #tpu.memory_space<hbm>>) target(%arg7 : memref<128x16xf32, #tpu.memory_space<vmem>>) target_semaphore(%run_scoped3A : memref<!tpu.dma_semaphore, #tpu.memory_space<semaphore_mem>>)
        %dma_wait3A = arith.constant 0 : i32
        %dma_wait3A_71 = tpu.memref_slice %arg2[%add3A_67, %dma_wait3A] : memref<163840x16xf32, #tpu.memory_space<hbm>> -> memref<128x16xf32, #tpu.memory_space<hbm>>
        %dma_wait3A_72 = arith.constant 0 : i32
        %dma_wait3A_73 = tpu.memref_slice %arg2[%add3A_67, %dma_wait3A_72] : memref<163840x16xf32, #tpu.memory_space<hbm>> -> memref<128x16xf32, #tpu.memory_space<hbm>>
        tpu.wait_dma2 semaphore(%run_scoped3A : memref<!tpu.dma_semaphore, #tpu.memory_space<semaphore_mem>>) src(%dma_wait3A_73 : memref<128x16xf32, #tpu.memory_space<hbm>>) dst(%arg7 : memref<128x16xf32, #tpu.memory_space<vmem>>)
        tpu.yield
      }) : () -> ()
      "tpu.region"() ({
        %run_scoped3A = tpu.sem_alloc : memref<!tpu.dma_semaphore, #tpu.memory_space<semaphore_mem>>
        %dma_start3A = arith.constant 0 : i32
        %dma_start3A_68 = arith.constant 0 : i32
        %dma_start3A_69 = tpu.memref_slice %arg9[%dma_start3A, %dma_start3A_68] : memref<10016x16xf32, #tpu.memory_space<vmem_shared>> -> memref<10016x16xf32, #tpu.memory_space<vmem_shared>>
        tpu.enqueue_indirect_dma source(%arg7 : memref<128x16xf32, #tpu.memory_space<vmem>>) target(%dma_start3A_69 : memref<10016x16xf32, #tpu.memory_space<vmem_shared>>) offsets(%arg6 : memref<128xi32, #tpu.memory_space<vmem>>) semaphore(%run_scoped3A : memref<!tpu.dma_semaphore, #tpu.memory_space<semaphore_mem>>) {add = true}
        %dma_wait3A = arith.constant 0 : i32
        %dma_wait3A_70 = arith.constant 0 : i32
        %dma_wait3A_71 = tpu.memref_slice %arg9[%dma_wait3A, %dma_wait3A_70] : memref<10016x16xf32, #tpu.memory_space<vmem_shared>> -> memref<10016x16xf32, #tpu.memory_space<vmem_shared>>
        tpu.wait_indirect_dma semaphore(%run_scoped3A : memref<!tpu.dma_semaphore, #tpu.memory_space<semaphore_mem>>) src(%arg7 : memref<128x16xf32, #tpu.memory_space<vmem>>) dst(%dma_wait3A_71 : memref<10016x16xf32, #tpu.memory_space<vmem_shared>>)
        tpu.yield
      }) : () -> ()
    }
    %scan3A_22 = arith.constant 40 : i32
    %barrier3A_23 = arith.constant 0 : index
    tpu.barrier barrier_id(%barrier3A_23)
    %mul3A_24 = arith.constant 626 : i32
    %mul3A_25 = arith.muli %arg1, %mul3A_24 : i32
    %add3A_26 = arith.constant 0 : i32
    %add3A_27 = arith.addi %mul3A_25, %add3A_26 : i32
    "tpu.region"() ({
      %run_scoped3A = tpu.sem_alloc : memref<!tpu.dma_semaphore, #tpu.memory_space<semaphore_mem>>
      %dma_start3A = arith.constant 0 : i32
      %dma_start3A_59 = arith.constant 0 : i32
      %dma_start3A_60 = tpu.memref_slice %arg8[%dma_start3A, %dma_start3A_59] : memref<128x16xf32, #tpu.memory_space<vmem>> -> memref<128x16xf32, #tpu.memory_space<vmem>>
      %dma_start3A_61 = arith.constant 0 : i32
      %dma_start3A_62 = tpu.memref_slice %arg9[%add3A_27, %dma_start3A_61] : memref<10016x16xf32, #tpu.memory_space<vmem_shared>> -> memref<128x16xf32, #tpu.memory_space<vmem_shared>>
      %dma_start3A_63 = arith.constant 0 : i32
      %dma_start3A_64 = arith.constant 0 : i32
      %dma_start3A_65 = tpu.memref_slice %arg8[%dma_start3A_63, %dma_start3A_64] : memref<128x16xf32, #tpu.memory_space<vmem>> -> memref<128x16xf32, #tpu.memory_space<vmem>>
      %dma_start3A_66 = arith.constant 0 : i32
      %dma_start3A_67 = tpu.memref_slice %arg9[%add3A_27, %dma_start3A_66] : memref<10016x16xf32, #tpu.memory_space<vmem_shared>> -> memref<128x16xf32, #tpu.memory_space<vmem_shared>>
      tpu.enqueue_dma source(%dma_start3A_67 : memref<128x16xf32, #tpu.memory_space<vmem_shared>>) target(%dma_start3A_65 : memref<128x16xf32, #tpu.memory_space<vmem>>) target_semaphore(%run_scoped3A : memref<!tpu.dma_semaphore, #tpu.memory_space<semaphore_mem>>)
      %dma_wait3A = arith.constant 0 : i32
      %dma_wait3A_68 = arith.constant 0 : i32
      %dma_wait3A_69 = tpu.memref_slice %arg8[%dma_wait3A, %dma_wait3A_68] : memref<128x16xf32, #tpu.memory_space<vmem>> -> memref<128x16xf32, #tpu.memory_space<vmem>>
      %dma_wait3A_70 = arith.constant 0 : i32
      %dma_wait3A_71 = tpu.memref_slice %arg9[%add3A_27, %dma_wait3A_70] : memref<10016x16xf32, #tpu.memory_space<vmem_shared>> -> memref<128x16xf32, #tpu.memory_space<vmem_shared>>
      %dma_wait3A_72 = arith.constant 0 : i32
      %dma_wait3A_73 = arith.constant 0 : i32
      %dma_wait3A_74 = tpu.memref_slice %arg8[%dma_wait3A_72, %dma_wait3A_73] : memref<128x16xf32, #tpu.memory_space<vmem>> -> memref<128x16xf32, #tpu.memory_space<vmem>>
      %dma_wait3A_75 = arith.constant 0 : i32
      %dma_wait3A_76 = tpu.memref_slice %arg9[%add3A_27, %dma_wait3A_75] : memref<10016x16xf32, #tpu.memory_space<vmem_shared>> -> memref<128x16xf32, #tpu.memory_space<vmem_shared>>
      tpu.wait_dma2 semaphore(%run_scoped3A : memref<!tpu.dma_semaphore, #tpu.memory_space<semaphore_mem>>) src(%dma_wait3A_76 : memref<128x16xf32, #tpu.memory_space<vmem_shared>>) dst(%dma_wait3A_74 : memref<128x16xf32, #tpu.memory_space<vmem>>)
      tpu.yield
    }) : () -> ()
    %mul3A_28 = arith.constant 10016 : i32
    %mul3A_29 = arith.muli %arg0, %mul3A_28 : i32
    %add3A_30 = arith.addi %mul3A_29, %add3A_27 : i32
    "tpu.region"() ({
      %run_scoped3A = tpu.sem_alloc : memref<!tpu.dma_semaphore, #tpu.memory_space<semaphore_mem>>
      %dma_start3A = arith.constant 0 : i32
      %dma_start3A_59 = arith.constant 0 : i32
      %dma_start3A_60 = tpu.memref_slice %arg8[%dma_start3A, %dma_start3A_59] : memref<128x16xf32, #tpu.memory_space<vmem>> -> memref<128x16xf32, #tpu.memory_space<vmem>>
      %dma_start3A_61 = arith.constant 0 : i32
      %dma_start3A_62 = tpu.memref_slice %arg5[%add3A_30, %dma_start3A_61] : memref<20032x16xf32, #tpu.memory_space<hbm>> -> memref<128x16xf32, #tpu.memory_space<hbm>>
      %dma_start3A_63 = arith.constant 0 : i32
      %dma_start3A_64 = tpu.memref_slice %arg5[%add3A_30, %dma_start3A_63] : memref<20032x16xf32, #tpu.memory_space<hbm>> -> memref<128x16xf32, #tpu.memory_space<hbm>>
      %dma_start3A_65 = arith.constant 0 : i32
      %dma_start3A_66 = arith.constant 0 : i32
      %dma_start3A_67 = tpu.memref_slice %arg8[%dma_start3A_65, %dma_start3A_66] : memref<128x16xf32, #tpu.memory_space<vmem>> -> memref<128x16xf32, #tpu.memory_space<vmem>>
      tpu.enqueue_dma source(%dma_start3A_67 : memref<128x16xf32, #tpu.memory_space<vmem>>) target(%dma_start3A_64 : memref<128x16xf32, #tpu.memory_space<hbm>>) target_semaphore(%run_scoped3A : memref<!tpu.dma_semaphore, #tpu.memory_space<semaphore_mem>>)
      %dma_wait3A = arith.constant 0 : i32
      %dma_wait3A_68 = arith.constant 0 : i32
      %dma_wait3A_69 = tpu.memref_slice %arg8[%dma_wait3A, %dma_wait3A_68] : memref<128x16xf32, #tpu.memory_space<vmem>> -> memref<128x16xf32, #tpu.memory_space<vmem>>
      %dma_wait3A_70 = arith.constant 0 : i32
      %dma_wait3A_71 = tpu.memref_slice %arg5[%add3A_30, %dma_wait3A_70] : memref<20032x16xf32, #tpu.memory_space<hbm>> -> memref<128x16xf32, #tpu.memory_space<hbm>>
      %dma_wait3A_72 = arith.constant 0 : i32
      %dma_wait3A_73 = tpu.memref_slice %arg5[%add3A_30, %dma_wait3A_72] : memref<20032x16xf32, #tpu.memory_space<hbm>> -> memref<128x16xf32, #tpu.memory_space<hbm>>
      %dma_wait3A_74 = arith.constant 0 : i32
      %dma_wait3A_75 = arith.constant 0 : i32
      %dma_wait3A_76 = tpu.memref_slice %arg8[%dma_wait3A_74, %dma_wait3A_75] : memref<128x16xf32, #tpu.memory_space<vmem>> -> memref<128x16xf32, #tpu.memory_space<vmem>>
      tpu.wait_dma2 semaphore(%run_scoped3A : memref<!tpu.dma_semaphore, #tpu.memory_space<semaphore_mem>>) src(%dma_wait3A_76 : memref<128x16xf32, #tpu.memory_space<vmem>>) dst(%dma_wait3A_73 : memref<128x16xf32, #tpu.memory_space<hbm>>)
      tpu.yield
    }) : () -> ()
    %mul3A_31 = arith.constant 626 : i32
    %mul3A_32 = arith.muli %arg1, %mul3A_31 : i32
    %add3A_33 = arith.constant 128 : i32
    %add3A_34 = arith.addi %mul3A_32, %add3A_33 : i32
    "tpu.region"() ({
      %run_scoped3A = tpu.sem_alloc : memref<!tpu.dma_semaphore, #tpu.memory_space<semaphore_mem>>
      %dma_start3A = arith.constant 0 : i32
      %dma_start3A_59 = arith.constant 0 : i32
      %dma_start3A_60 = tpu.memref_slice %arg8[%dma_start3A, %dma_start3A_59] : memref<128x16xf32, #tpu.memory_space<vmem>> -> memref<128x16xf32, #tpu.memory_space<vmem>>
      %dma_start3A_61 = arith.constant 0 : i32
      %dma_start3A_62 = tpu.memref_slice %arg9[%add3A_34, %dma_start3A_61] : memref<10016x16xf32, #tpu.memory_space<vmem_shared>> -> memref<128x16xf32, #tpu.memory_space<vmem_shared>>
      %dma_start3A_63 = arith.constant 0 : i32
      %dma_start3A_64 = arith.constant 0 : i32
      %dma_start3A_65 = tpu.memref_slice %arg8[%dma_start3A_63, %dma_start3A_64] : memref<128x16xf32, #tpu.memory_space<vmem>> -> memref<128x16xf32, #tpu.memory_space<vmem>>
      %dma_start3A_66 = arith.constant 0 : i32
      %dma_start3A_67 = tpu.memref_slice %arg9[%add3A_34, %dma_start3A_66] : memref<10016x16xf32, #tpu.memory_space<vmem_shared>> -> memref<128x16xf32, #tpu.memory_space<vmem_shared>>
      tpu.enqueue_dma source(%dma_start3A_67 : memref<128x16xf32, #tpu.memory_space<vmem_shared>>) target(%dma_start3A_65 : memref<128x16xf32, #tpu.memory_space<vmem>>) target_semaphore(%run_scoped3A : memref<!tpu.dma_semaphore, #tpu.memory_space<semaphore_mem>>)
      %dma_wait3A = arith.constant 0 : i32
      %dma_wait3A_68 = arith.constant 0 : i32
      %dma_wait3A_69 = tpu.memref_slice %arg8[%dma_wait3A, %dma_wait3A_68] : memref<128x16xf32, #tpu.memory_space<vmem>> -> memref<128x16xf32, #tpu.memory_space<vmem>>
      %dma_wait3A_70 = arith.constant 0 : i32
      %dma_wait3A_71 = tpu.memref_slice %arg9[%add3A_34, %dma_wait3A_70] : memref<10016x16xf32, #tpu.memory_space<vmem_shared>> -> memref<128x16xf32, #tpu.memory_space<vmem_shared>>
      %dma_wait3A_72 = arith.constant 0 : i32
      %dma_wait3A_73 = arith.constant 0 : i32
      %dma_wait3A_74 = tpu.memref_slice %arg8[%dma_wait3A_72, %dma_wait3A_73] : memref<128x16xf32, #tpu.memory_space<vmem>> -> memref<128x16xf32, #tpu.memory_space<vmem>>
      %dma_wait3A_75 = arith.constant 0 : i32
      %dma_wait3A_76 = tpu.memref_slice %arg9[%add3A_34, %dma_wait3A_75] : memref<10016x16xf32, #tpu.memory_space<vmem_shared>> -> memref<128x16xf32, #tpu.memory_space<vmem_shared>>
      tpu.wait_dma2 semaphore(%run_scoped3A : memref<!tpu.dma_semaphore, #tpu.memory_space<semaphore_mem>>) src(%dma_wait3A_76 : memref<128x16xf32, #tpu.memory_space<vmem_shared>>) dst(%dma_wait3A_74 : memref<128x16xf32, #tpu.memory_space<vmem>>)
      tpu.yield
    }) : () -> ()
    %mul3A_35 = arith.constant 10016 : i32
    %mul3A_36 = arith.muli %arg0, %mul3A_35 : i32
    %add3A_37 = arith.addi %mul3A_36, %add3A_34 : i32
    "tpu.region"() ({
      %run_scoped3A = tpu.sem_alloc : memref<!tpu.dma_semaphore, #tpu.memory_space<semaphore_mem>>
      %dma_start3A = arith.constant 0 : i32
      %dma_start3A_59 = arith.constant 0 : i32
      %dma_start3A_60 = tpu.memref_slice %arg8[%dma_start3A, %dma_start3A_59] : memref<128x16xf32, #tpu.memory_space<vmem>> -> memref<128x16xf32, #tpu.memory_space<vmem>>
      %dma_start3A_61 = arith.constant 0 : i32
      %dma_start3A_62 = tpu.memref_slice %arg5[%add3A_37, %dma_start3A_61] : memref<20032x16xf32, #tpu.memory_space<hbm>> -> memref<128x16xf32, #tpu.memory_space<hbm>>
      %dma_start3A_63 = arith.constant 0 : i32
      %dma_start3A_64 = tpu.memref_slice %arg5[%add3A_37, %dma_start3A_63] : memref<20032x16xf32, #tpu.memory_space<hbm>> -> memref<128x16xf32, #tpu.memory_space<hbm>>
      %dma_start3A_65 = arith.constant 0 : i32
      %dma_start3A_66 = arith.constant 0 : i32
      %dma_start3A_67 = tpu.memref_slice %arg8[%dma_start3A_65, %dma_start3A_66] : memref<128x16xf32, #tpu.memory_space<vmem>> -> memref<128x16xf32, #tpu.memory_space<vmem>>
      tpu.enqueue_dma source(%dma_start3A_67 : memref<128x16xf32, #tpu.memory_space<vmem>>) target(%dma_start3A_64 : memref<128x16xf32, #tpu.memory_space<hbm>>) target_semaphore(%run_scoped3A : memref<!tpu.dma_semaphore, #tpu.memory_space<semaphore_mem>>)
      %dma_wait3A = arith.constant 0 : i32
      %dma_wait3A_68 = arith.constant 0 : i32
      %dma_wait3A_69 = tpu.memref_slice %arg8[%dma_wait3A, %dma_wait3A_68] : memref<128x16xf32, #tpu.memory_space<vmem>> -> memref<128x16xf32, #tpu.memory_space<vmem>>
      %dma_wait3A_70 = arith.constant 0 : i32
      %dma_wait3A_71 = tpu.memref_slice %arg5[%add3A_37, %dma_wait3A_70] : memref<20032x16xf32, #tpu.memory_space<hbm>> -> memref<128x16xf32, #tpu.memory_space<hbm>>
      %dma_wait3A_72 = arith.constant 0 : i32
      %dma_wait3A_73 = tpu.memref_slice %arg5[%add3A_37, %dma_wait3A_72] : memref<20032x16xf32, #tpu.memory_space<hbm>> -> memref<128x16xf32, #tpu.memory_space<hbm>>
      %dma_wait3A_74 = arith.constant 0 : i32
      %dma_wait3A_75 = arith.constant 0 : i32
      %dma_wait3A_76 = tpu.memref_slice %arg8[%dma_wait3A_74, %dma_wait3A_75] : memref<128x16xf32, #tpu.memory_space<vmem>> -> memref<128x16xf32, #tpu.memory_space<vmem>>
      tpu.wait_dma2 semaphore(%run_scoped3A : memref<!tpu.dma_semaphore, #tpu.memory_space<semaphore_mem>>) src(%dma_wait3A_76 : memref<128x16xf32, #tpu.memory_space<vmem>>) dst(%dma_wait3A_73 : memref<128x16xf32, #tpu.memory_space<hbm>>)
      tpu.yield
    }) : () -> ()
    %mul3A_38 = arith.constant 626 : i32
    %mul3A_39 = arith.muli %arg1, %mul3A_38 : i32
    %add3A_40 = arith.constant 256 : i32
    %add3A_41 = arith.addi %mul3A_39, %add3A_40 : i32
    "tpu.region"() ({
      %run_scoped3A = tpu.sem_alloc : memref<!tpu.dma_semaphore, #tpu.memory_space<semaphore_mem>>
      %dma_start3A = arith.constant 0 : i32
      %dma_start3A_59 = arith.constant 0 : i32
      %dma_start3A_60 = tpu.memref_slice %arg8[%dma_start3A, %dma_start3A_59] : memref<128x16xf32, #tpu.memory_space<vmem>> -> memref<128x16xf32, #tpu.memory_space<vmem>>
      %dma_start3A_61 = arith.constant 0 : i32
      %dma_start3A_62 = tpu.memref_slice %arg9[%add3A_41, %dma_start3A_61] : memref<10016x16xf32, #tpu.memory_space<vmem_shared>> -> memref<128x16xf32, #tpu.memory_space<vmem_shared>>
      %dma_start3A_63 = arith.constant 0 : i32
      %dma_start3A_64 = arith.constant 0 : i32
      %dma_start3A_65 = tpu.memref_slice %arg8[%dma_start3A_63, %dma_start3A_64] : memref<128x16xf32, #tpu.memory_space<vmem>> -> memref<128x16xf32, #tpu.memory_space<vmem>>
      %dma_start3A_66 = arith.constant 0 : i32
      %dma_start3A_67 = tpu.memref_slice %arg9[%add3A_41, %dma_start3A_66] : memref<10016x16xf32, #tpu.memory_space<vmem_shared>> -> memref<128x16xf32, #tpu.memory_space<vmem_shared>>
      tpu.enqueue_dma source(%dma_start3A_67 : memref<128x16xf32, #tpu.memory_space<vmem_shared>>) target(%dma_start3A_65 : memref<128x16xf32, #tpu.memory_space<vmem>>) target_semaphore(%run_scoped3A : memref<!tpu.dma_semaphore, #tpu.memory_space<semaphore_mem>>)
      %dma_wait3A = arith.constant 0 : i32
      %dma_wait3A_68 = arith.constant 0 : i32
      %dma_wait3A_69 = tpu.memref_slice %arg8[%dma_wait3A, %dma_wait3A_68] : memref<128x16xf32, #tpu.memory_space<vmem>> -> memref<128x16xf32, #tpu.memory_space<vmem>>
      %dma_wait3A_70 = arith.constant 0 : i32
      %dma_wait3A_71 = tpu.memref_slice %arg9[%add3A_41, %dma_wait3A_70] : memref<10016x16xf32, #tpu.memory_space<vmem_shared>> -> memref<128x16xf32, #tpu.memory_space<vmem_shared>>
      %dma_wait3A_72 = arith.constant 0 : i32
      %dma_wait3A_73 = arith.constant 0 : i32
      %dma_wait3A_74 = tpu.memref_slice %arg8[%dma_wait3A_72, %dma_wait3A_73] : memref<128x16xf32, #tpu.memory_space<vmem>> -> memref<128x16xf32, #tpu.memory_space<vmem>>
      %dma_wait3A_75 = arith.constant 0 : i32
      %dma_wait3A_76 = tpu.memref_slice %arg9[%add3A_41, %dma_wait3A_75] : memref<10016x16xf32, #tpu.memory_space<vmem_shared>> -> memref<128x16xf32, #tpu.memory_space<vmem_shared>>
      tpu.wait_dma2 semaphore(%run_scoped3A : memref<!tpu.dma_semaphore, #tpu.memory_space<semaphore_mem>>) src(%dma_wait3A_76 : memref<128x16xf32, #tpu.memory_space<vmem_shared>>) dst(%dma_wait3A_74 : memref<128x16xf32, #tpu.memory_space<vmem>>)
      tpu.yield
    }) : () -> ()
    %mul3A_42 = arith.constant 10016 : i32
    %mul3A_43 = arith.muli %arg0, %mul3A_42 : i32
    %add3A_44 = arith.addi %mul3A_43, %add3A_41 : i32
    "tpu.region"() ({
      %run_scoped3A = tpu.sem_alloc : memref<!tpu.dma_semaphore, #tpu.memory_space<semaphore_mem>>
      %dma_start3A = arith.constant 0 : i32
      %dma_start3A_59 = arith.constant 0 : i32
      %dma_start3A_60 = tpu.memref_slice %arg8[%dma_start3A, %dma_start3A_59] : memref<128x16xf32, #tpu.memory_space<vmem>> -> memref<128x16xf32, #tpu.memory_space<vmem>>
      %dma_start3A_61 = arith.constant 0 : i32
      %dma_start3A_62 = tpu.memref_slice %arg5[%add3A_44, %dma_start3A_61] : memref<20032x16xf32, #tpu.memory_space<hbm>> -> memref<128x16xf32, #tpu.memory_space<hbm>>
      %dma_start3A_63 = arith.constant 0 : i32
      %dma_start3A_64 = tpu.memref_slice %arg5[%add3A_44, %dma_start3A_63] : memref<20032x16xf32, #tpu.memory_space<hbm>> -> memref<128x16xf32, #tpu.memory_space<hbm>>
      %dma_start3A_65 = arith.constant 0 : i32
      %dma_start3A_66 = arith.constant 0 : i32
      %dma_start3A_67 = tpu.memref_slice %arg8[%dma_start3A_65, %dma_start3A_66] : memref<128x16xf32, #tpu.memory_space<vmem>> -> memref<128x16xf32, #tpu.memory_space<vmem>>
      tpu.enqueue_dma source(%dma_start3A_67 : memref<128x16xf32, #tpu.memory_space<vmem>>) target(%dma_start3A_64 : memref<128x16xf32, #tpu.memory_space<hbm>>) target_semaphore(%run_scoped3A : memref<!tpu.dma_semaphore, #tpu.memory_space<semaphore_mem>>)
      %dma_wait3A = arith.constant 0 : i32
      %dma_wait3A_68 = arith.constant 0 : i32
      %dma_wait3A_69 = tpu.memref_slice %arg8[%dma_wait3A, %dma_wait3A_68] : memref<128x16xf32, #tpu.memory_space<vmem>> -> memref<128x16xf32, #tpu.memory_space<vmem>>
      %dma_wait3A_70 = arith.constant 0 : i32
      %dma_wait3A_71 = tpu.memref_slice %arg5[%add3A_44, %dma_wait3A_70] : memref<20032x16xf32, #tpu.memory_space<hbm>> -> memref<128x16xf32, #tpu.memory_space<hbm>>
      %dma_wait3A_72 = arith.constant 0 : i32
      %dma_wait3A_73 = tpu.memref_slice %arg5[%add3A_44, %dma_wait3A_72] : memref<20032x16xf32, #tpu.memory_space<hbm>> -> memref<128x16xf32, #tpu.memory_space<hbm>>
      %dma_wait3A_74 = arith.constant 0 : i32
      %dma_wait3A_75 = arith.constant 0 : i32
      %dma_wait3A_76 = tpu.memref_slice %arg8[%dma_wait3A_74, %dma_wait3A_75] : memref<128x16xf32, #tpu.memory_space<vmem>> -> memref<128x16xf32, #tpu.memory_space<vmem>>
      tpu.wait_dma2 semaphore(%run_scoped3A : memref<!tpu.dma_semaphore, #tpu.memory_space<semaphore_mem>>) src(%dma_wait3A_76 : memref<128x16xf32, #tpu.memory_space<vmem>>) dst(%dma_wait3A_73 : memref<128x16xf32, #tpu.memory_space<hbm>>)
      tpu.yield
    }) : () -> ()
    %mul3A_45 = arith.constant 626 : i32
    %mul3A_46 = arith.muli %arg1, %mul3A_45 : i32
    %add3A_47 = arith.constant 384 : i32
    %add3A_48 = arith.addi %mul3A_46, %add3A_47 : i32
    "tpu.region"() ({
      %run_scoped3A = tpu.sem_alloc : memref<!tpu.dma_semaphore, #tpu.memory_space<semaphore_mem>>
      %dma_start3A = arith.constant 0 : i32
      %dma_start3A_59 = arith.constant 0 : i32
      %dma_start3A_60 = tpu.memref_slice %arg8[%dma_start3A, %dma_start3A_59] : memref<128x16xf32, #tpu.memory_space<vmem>> -> memref<128x16xf32, #tpu.memory_space<vmem>>
      %dma_start3A_61 = arith.constant 0 : i32
      %dma_start3A_62 = tpu.memref_slice %arg9[%add3A_48, %dma_start3A_61] : memref<10016x16xf32, #tpu.memory_space<vmem_shared>> -> memref<128x16xf32, #tpu.memory_space<vmem_shared>>
      %dma_start3A_63 = arith.constant 0 : i32
      %dma_start3A_64 = arith.constant 0 : i32
      %dma_start3A_65 = tpu.memref_slice %arg8[%dma_start3A_63, %dma_start3A_64] : memref<128x16xf32, #tpu.memory_space<vmem>> -> memref<128x16xf32, #tpu.memory_space<vmem>>
      %dma_start3A_66 = arith.constant 0 : i32
      %dma_start3A_67 = tpu.memref_slice %arg9[%add3A_48, %dma_start3A_66] : memref<10016x16xf32, #tpu.memory_space<vmem_shared>> -> memref<128x16xf32, #tpu.memory_space<vmem_shared>>
      tpu.enqueue_dma source(%dma_start3A_67 : memref<128x16xf32, #tpu.memory_space<vmem_shared>>) target(%dma_start3A_65 : memref<128x16xf32, #tpu.memory_space<vmem>>) target_semaphore(%run_scoped3A : memref<!tpu.dma_semaphore, #tpu.memory_space<semaphore_mem>>)
      %dma_wait3A = arith.constant 0 : i32
      %dma_wait3A_68 = arith.constant 0 : i32
      %dma_wait3A_69 = tpu.memref_slice %arg8[%dma_wait3A, %dma_wait3A_68] : memref<128x16xf32, #tpu.memory_space<vmem>> -> memref<128x16xf32, #tpu.memory_space<vmem>>
      %dma_wait3A_70 = arith.constant 0 : i32
      %dma_wait3A_71 = tpu.memref_slice %arg9[%add3A_48, %dma_wait3A_70] : memref<10016x16xf32, #tpu.memory_space<vmem_shared>> -> memref<128x16xf32, #tpu.memory_space<vmem_shared>>
      %dma_wait3A_72 = arith.constant 0 : i32
      %dma_wait3A_73 = arith.constant 0 : i32
      %dma_wait3A_74 = tpu.memref_slice %arg8[%dma_wait3A_72, %dma_wait3A_73] : memref<128x16xf32, #tpu.memory_space<vmem>> -> memref<128x16xf32, #tpu.memory_space<vmem>>
      %dma_wait3A_75 = arith.constant 0 : i32
      %dma_wait3A_76 = tpu.memref_slice %arg9[%add3A_48, %dma_wait3A_75] : memref<10016x16xf32, #tpu.memory_space<vmem_shared>> -> memref<128x16xf32, #tpu.memory_space<vmem_shared>>
      tpu.wait_dma2 semaphore(%run_scoped3A : memref<!tpu.dma_semaphore, #tpu.memory_space<semaphore_mem>>) src(%dma_wait3A_76 : memref<128x16xf32, #tpu.memory_space<vmem_shared>>) dst(%dma_wait3A_74 : memref<128x16xf32, #tpu.memory_space<vmem>>)
      tpu.yield
    }) : () -> ()
    %mul3A_49 = arith.constant 10016 : i32
    %mul3A_50 = arith.muli %arg0, %mul3A_49 : i32
    %add3A_51 = arith.addi %mul3A_50, %add3A_48 : i32
    "tpu.region"() ({
      %run_scoped3A = tpu.sem_alloc : memref<!tpu.dma_semaphore, #tpu.memory_space<semaphore_mem>>
      %dma_start3A = arith.constant 0 : i32
      %dma_start3A_59 = arith.constant 0 : i32
      %dma_start3A_60 = tpu.memref_slice %arg8[%dma_start3A, %dma_start3A_59] : memref<128x16xf32, #tpu.memory_space<vmem>> -> memref<128x16xf32, #tpu.memory_space<vmem>>
      %dma_start3A_61 = arith.constant 0 : i32
      %dma_start3A_62 = tpu.memref_slice %arg5[%add3A_51, %dma_start3A_61] : memref<20032x16xf32, #tpu.memory_space<hbm>> -> memref<128x16xf32, #tpu.memory_space<hbm>>
      %dma_start3A_63 = arith.constant 0 : i32
      %dma_start3A_64 = tpu.memref_slice %arg5[%add3A_51, %dma_start3A_63] : memref<20032x16xf32, #tpu.memory_space<hbm>> -> memref<128x16xf32, #tpu.memory_space<hbm>>
      %dma_start3A_65 = arith.constant 0 : i32
      %dma_start3A_66 = arith.constant 0 : i32
      %dma_start3A_67 = tpu.memref_slice %arg8[%dma_start3A_65, %dma_start3A_66] : memref<128x16xf32, #tpu.memory_space<vmem>> -> memref<128x16xf32, #tpu.memory_space<vmem>>
      tpu.enqueue_dma source(%dma_start3A_67 : memref<128x16xf32, #tpu.memory_space<vmem>>) target(%dma_start3A_64 : memref<128x16xf32, #tpu.memory_space<hbm>>) target_semaphore(%run_scoped3A : memref<!tpu.dma_semaphore, #tpu.memory_space<semaphore_mem>>)
      %dma_wait3A = arith.constant 0 : i32
      %dma_wait3A_68 = arith.constant 0 : i32
      %dma_wait3A_69 = tpu.memref_slice %arg8[%dma_wait3A, %dma_wait3A_68] : memref<128x16xf32, #tpu.memory_space<vmem>> -> memref<128x16xf32, #tpu.memory_space<vmem>>
      %dma_wait3A_70 = arith.constant 0 : i32
      %dma_wait3A_71 = tpu.memref_slice %arg5[%add3A_51, %dma_wait3A_70] : memref<20032x16xf32, #tpu.memory_space<hbm>> -> memref<128x16xf32, #tpu.memory_space<hbm>>
      %dma_wait3A_72 = arith.constant 0 : i32
      %dma_wait3A_73 = tpu.memref_slice %arg5[%add3A_51, %dma_wait3A_72] : memref<20032x16xf32, #tpu.memory_space<hbm>> -> memref<128x16xf32, #tpu.memory_space<hbm>>
      %dma_wait3A_74 = arith.constant 0 : i32
      %dma_wait3A_75 = arith.constant 0 : i32
      %dma_wait3A_76 = tpu.memref_slice %arg8[%dma_wait3A_74, %dma_wait3A_75] : memref<128x16xf32, #tpu.memory_space<vmem>> -> memref<128x16xf32, #tpu.memory_space<vmem>>
      tpu.wait_dma2 semaphore(%run_scoped3A : memref<!tpu.dma_semaphore, #tpu.memory_space<semaphore_mem>>) src(%dma_wait3A_76 : memref<128x16xf32, #tpu.memory_space<vmem>>) dst(%dma_wait3A_73 : memref<128x16xf32, #tpu.memory_space<hbm>>)
      tpu.yield
    }) : () -> ()
    %mul3A_52 = arith.constant 626 : i32
    %mul3A_53 = arith.muli %arg1, %mul3A_52 : i32
    %add3A_54 = arith.constant 512 : i32
    %add3A_55 = arith.addi %mul3A_53, %add3A_54 : i32
    "tpu.region"() ({
      %run_scoped3A = tpu.sem_alloc : memref<!tpu.dma_semaphore, #tpu.memory_space<semaphore_mem>>
      %dma_start3A = arith.constant 0 : i32
      %dma_start3A_59 = arith.constant 0 : i32
      %dma_start3A_60 = tpu.memref_slice %arg8[%dma_start3A, %dma_start3A_59] : memref<128x16xf32, #tpu.memory_space<vmem>> -> memref<114x16xf32, #tpu.memory_space<vmem>>
      %dma_start3A_61 = arith.constant 0 : i32
      %dma_start3A_62 = tpu.memref_slice %arg9[%add3A_55, %dma_start3A_61] : memref<10016x16xf32, #tpu.memory_space<vmem_shared>> -> memref<114x16xf32, #tpu.memory_space<vmem_shared>>
      %dma_start3A_63 = arith.constant 0 : i32
      %dma_start3A_64 = arith.constant 0 : i32
      %dma_start3A_65 = tpu.memref_slice %arg8[%dma_start3A_63, %dma_start3A_64] : memref<128x16xf32, #tpu.memory_space<vmem>> -> memref<114x16xf32, #tpu.memory_space<vmem>>
      %dma_start3A_66 = arith.constant 0 : i32
      %dma_start3A_67 = tpu.memref_slice %arg9[%add3A_55, %dma_start3A_66] : memref<10016x16xf32, #tpu.memory_space<vmem_shared>> -> memref<114x16xf32, #tpu.memory_space<vmem_shared>>
      tpu.enqueue_dma source(%dma_start3A_67 : memref<114x16xf32, #tpu.memory_space<vmem_shared>>) target(%dma_start3A_65 : memref<114x16xf32, #tpu.memory_space<vmem>>) target_semaphore(%run_scoped3A : memref<!tpu.dma_semaphore, #tpu.memory_space<semaphore_mem>>)
      %dma_wait3A = arith.constant 0 : i32
      %dma_wait3A_68 = arith.constant 0 : i32
      %dma_wait3A_69 = tpu.memref_slice %arg8[%dma_wait3A, %dma_wait3A_68] : memref<128x16xf32, #tpu.memory_space<vmem>> -> memref<114x16xf32, #tpu.memory_space<vmem>>
      %dma_wait3A_70 = arith.constant 0 : i32
      %dma_wait3A_71 = tpu.memref_slice %arg9[%add3A_55, %dma_wait3A_70] : memref<10016x16xf32, #tpu.memory_space<vmem_shared>> -> memref<114x16xf32, #tpu.memory_space<vmem_shared>>
      %dma_wait3A_72 = arith.constant 0 : i32
      %dma_wait3A_73 = arith.constant 0 : i32
      %dma_wait3A_74 = tpu.memref_slice %arg8[%dma_wait3A_72, %dma_wait3A_73] : memref<128x16xf32, #tpu.memory_space<vmem>> -> memref<114x16xf32, #tpu.memory_space<vmem>>
      %dma_wait3A_75 = arith.constant 0 : i32
      %dma_wait3A_76 = tpu.memref_slice %arg9[%add3A_55, %dma_wait3A_75] : memref<10016x16xf32, #tpu.memory_space<vmem_shared>> -> memref<114x16xf32, #tpu.memory_space<vmem_shared>>
      tpu.wait_dma2 semaphore(%run_scoped3A : memref<!tpu.dma_semaphore, #tpu.memory_space<semaphore_mem>>) src(%dma_wait3A_76 : memref<114x16xf32, #tpu.memory_space<vmem_shared>>) dst(%dma_wait3A_74 : memref<114x16xf32, #tpu.memory_space<vmem>>)
      tpu.yield
    }) : () -> ()
    %mul3A_56 = arith.constant 10016 : i32
    %mul3A_57 = arith.muli %arg0, %mul3A_56 : i32
    %add3A_58 = arith.addi %mul3A_57, %add3A_55 : i32
    "tpu.region"() ({
      %run_scoped3A = tpu.sem_alloc : memref<!tpu.dma_semaphore, #tpu.memory_space<semaphore_mem>>
      %dma_start3A = arith.constant 0 : i32
      %dma_start3A_59 = arith.constant 0 : i32
      %dma_start3A_60 = tpu.memref_slice %arg8[%dma_start3A, %dma_start3A_59] : memref<128x16xf32, #tpu.memory_space<vmem>> -> memref<114x16xf32, #tpu.memory_space<vmem>>
      %dma_start3A_61 = arith.constant 0 : i32
      %dma_start3A_62 = tpu.memref_slice %arg5[%add3A_58, %dma_start3A_61] : memref<20032x16xf32, #tpu.memory_space<hbm>> -> memref<114x16xf32, #tpu.memory_space<hbm>>
      %dma_start3A_63 = arith.constant 0 : i32
      %dma_start3A_64 = tpu.memref_slice %arg5[%add3A_58, %dma_start3A_63] : memref<20032x16xf32, #tpu.memory_space<hbm>> -> memref<114x16xf32, #tpu.memory_space<hbm>>
      %dma_start3A_65 = arith.constant 0 : i32
      %dma_start3A_66 = arith.constant 0 : i32
      %dma_start3A_67 = tpu.memref_slice %arg8[%dma_start3A_65, %dma_start3A_66] : memref<128x16xf32, #tpu.memory_space<vmem>> -> memref<114x16xf32, #tpu.memory_space<vmem>>
      tpu.enqueue_dma source(%dma_start3A_67 : memref<114x16xf32, #tpu.memory_space<vmem>>) target(%dma_start3A_64 : memref<114x16xf32, #tpu.memory_space<hbm>>) target_semaphore(%run_scoped3A : memref<!tpu.dma_semaphore, #tpu.memory_space<semaphore_mem>>)
      %dma_wait3A = arith.constant 0 : i32
      %dma_wait3A_68 = arith.constant 0 : i32
      %dma_wait3A_69 = tpu.memref_slice %arg8[%dma_wait3A, %dma_wait3A_68] : memref<128x16xf32, #tpu.memory_space<vmem>> -> memref<114x16xf32, #tpu.memory_space<vmem>>
      %dma_wait3A_70 = arith.constant 0 : i32
      %dma_wait3A_71 = tpu.memref_slice %arg5[%add3A_58, %dma_wait3A_70] : memref<20032x16xf32, #tpu.memory_space<hbm>> -> memref<114x16xf32, #tpu.memory_space<hbm>>
      %dma_wait3A_72 = arith.constant 0 : i32
      %dma_wait3A_73 = tpu.memref_slice %arg5[%add3A_58, %dma_wait3A_72] : memref<20032x16xf32, #tpu.memory_space<hbm>> -> memref<114x16xf32, #tpu.memory_space<hbm>>
      %dma_wait3A_74 = arith.constant 0 : i32
      %dma_wait3A_75 = arith.constant 0 : i32
      %dma_wait3A_76 = tpu.memref_slice %arg8[%dma_wait3A_74, %dma_wait3A_75] : memref<128x16xf32, #tpu.memory_space<vmem>> -> memref<114x16xf32, #tpu.memory_space<vmem>>
      tpu.wait_dma2 semaphore(%run_scoped3A : memref<!tpu.dma_semaphore, #tpu.memory_space<semaphore_mem>>) src(%dma_wait3A_76 : memref<114x16xf32, #tpu.memory_space<vmem>>) dst(%dma_wait3A_73 : memref<114x16xf32, #tpu.memory_space<hbm>>)
      tpu.yield
    }) : () -> ()
    return
  }
}

#map = affine_map<(d0, d1) -> (0, 0)>
#map1 = affine_map<(d0, d1) -> (0)>
module attributes {stable_mosaic.version = 14 : i64} {
  func.func @k(%arg0: i32, %arg1: i32, %arg2: memref<10000x32xf32, #tpu.memory_space<hbm>>, %arg3: memref<163840xi32, #tpu.memory_space<hbm>>, %arg4: memref<163840x32xf32, #tpu.memory_space<hbm>>, %arg5: memref<128xi32, #tpu.memory_space<vmem>>, %arg6: memref<128x32xf32, #tpu.memory_space<vmem>>, %arg7: memref<!tpu.dma_semaphore, #tpu.memory_space<semaphore_mem>>) attributes {dimension_semantics = [#tpu.dimension_semantics<core_parallel>, #tpu.dimension_semantics<subcore_parallel>], iteration_bounds = array<i64: 2, 16>, scalar_prefetch = 0 : i64, scratch_operands = 3 : i64, tpu.core_type = #tpu.core_type<sc_vector_subcore>, window_params = [{transform_indices = #map}, {transform_indices = #map1}, {transform_indices = #map}]} {
    %mul3A = arith.constant 2 : i32
    %mul3A_0 = arith.muli %arg1, %mul3A : i32
    %add3A = arith.addi %mul3A_0, %arg0 : i32
    %scan3A = arith.constant 0 : i32
    %scan3A_1 = arith.constant 0 : i32
    %scan3A_2 = arith.constant 40 : i32
    %scan3A_3 = arith.addi %scan3A_1, %scan3A_2 : i32
    %scan3A_4 = arith.constant 1 : i32
    scf.for %scan3A_6 = %scan3A_1 to %scan3A_3 step %scan3A_4  : i32 {
      %mul3A_7 = arith.constant 40 : i32
      %mul3A_8 = arith.muli %add3A, %mul3A_7 : i32
      %add3A_9 = arith.addi %mul3A_8, %scan3A_6 : i32
      %mul3A_10 = arith.constant 128 : i32
      %mul3A_11 = arith.muli %add3A_9, %mul3A_10 : i32
      "tpu.region"() ({
        %run_scoped3A = tpu.sem_alloc : memref<!tpu.dma_semaphore, #tpu.memory_space<semaphore_mem>>
        %dma_start3A_16 = tpu.memref_slice %arg3[%mul3A_11] : memref<163840xi32, #tpu.memory_space<hbm>> -> memref<128xi32, #tpu.memory_space<hbm>>
        %dma_start3A_17 = tpu.memref_slice %arg3[%mul3A_11] : memref<163840xi32, #tpu.memory_space<hbm>> -> memref<128xi32, #tpu.memory_space<hbm>>
        tpu.enqueue_dma source(%dma_start3A_17 : memref<128xi32, #tpu.memory_space<hbm>>) target(%arg5 : memref<128xi32, #tpu.memory_space<vmem>>) target_semaphore(%run_scoped3A : memref<!tpu.dma_semaphore, #tpu.memory_space<semaphore_mem>>)
        %dma_wait3A_18 = tpu.memref_slice %arg3[%mul3A_11] : memref<163840xi32, #tpu.memory_space<hbm>> -> memref<128xi32, #tpu.memory_space<hbm>>
        %dma_wait3A_19 = tpu.memref_slice %arg3[%mul3A_11] : memref<163840xi32, #tpu.memory_space<hbm>> -> memref<128xi32, #tpu.memory_space<hbm>>
        tpu.wait_dma2 semaphore(%run_scoped3A : memref<!tpu.dma_semaphore, #tpu.memory_space<semaphore_mem>>) src(%dma_wait3A_19 : memref<128xi32, #tpu.memory_space<hbm>>) dst(%arg5 : memref<128xi32, #tpu.memory_space<vmem>>)
        tpu.yield
      }) : () -> ()
      %dma_start3A = arith.constant 0 : i32
      %dma_start3A_12 = arith.constant 0 : i32
      %dma_start3A_13 = tpu.memref_slice %arg2[%dma_start3A, %dma_start3A_12] : memref<10000x32xf32, #tpu.memory_space<hbm>> -> memref<10000x32xf32, #tpu.memory_space<hbm>>
      tpu.enqueue_indirect_dma source(%dma_start3A_13 : memref<10000x32xf32, #tpu.memory_space<hbm>>) target(%arg6 : memref<128x32xf32, #tpu.memory_space<vmem>>) offsets(%arg5 : memref<128xi32, #tpu.memory_space<vmem>>) semaphore(%arg7 : memref<!tpu.dma_semaphore, #tpu.memory_space<semaphore_mem>>)
      %dma_wait3A = arith.constant 0 : i32
      %dma_wait3A_14 = arith.constant 0 : i32
      %dma_wait3A_15 = tpu.memref_slice %arg2[%dma_wait3A, %dma_wait3A_14] : memref<10000x32xf32, #tpu.memory_space<hbm>> -> memref<10000x32xf32, #tpu.memory_space<hbm>>
      tpu.wait_indirect_dma semaphore(%arg7 : memref<!tpu.dma_semaphore, #tpu.memory_space<semaphore_mem>>) src(%dma_wait3A_15 : memref<10000x32xf32, #tpu.memory_space<hbm>>) dst(%arg6 : memref<128x32xf32, #tpu.memory_space<vmem>>)
      "tpu.region"() ({
        %run_scoped3A = tpu.sem_alloc : memref<!tpu.dma_semaphore, #tpu.memory_space<semaphore_mem>>
        %dma_start3A_16 = arith.constant 0 : i32
        %dma_start3A_17 = tpu.memref_slice %arg4[%mul3A_11, %dma_start3A_16] : memref<163840x32xf32, #tpu.memory_space<hbm>> -> memref<128x32xf32, #tpu.memory_space<hbm>>
        %dma_start3A_18 = arith.constant 0 : i32
        %dma_start3A_19 = tpu.memref_slice %arg4[%mul3A_11, %dma_start3A_18] : memref<163840x32xf32, #tpu.memory_space<hbm>> -> memref<128x32xf32, #tpu.memory_space<hbm>>
        tpu.enqueue_dma source(%arg6 : memref<128x32xf32, #tpu.memory_space<vmem>>) target(%dma_start3A_19 : memref<128x32xf32, #tpu.memory_space<hbm>>) target_semaphore(%run_scoped3A : memref<!tpu.dma_semaphore, #tpu.memory_space<semaphore_mem>>)
        %dma_wait3A_20 = arith.constant 0 : i32
        %dma_wait3A_21 = tpu.memref_slice %arg4[%mul3A_11, %dma_wait3A_20] : memref<163840x32xf32, #tpu.memory_space<hbm>> -> memref<128x32xf32, #tpu.memory_space<hbm>>
        %dma_wait3A_22 = arith.constant 0 : i32
        %dma_wait3A_23 = tpu.memref_slice %arg4[%mul3A_11, %dma_wait3A_22] : memref<163840x32xf32, #tpu.memory_space<hbm>> -> memref<128x32xf32, #tpu.memory_space<hbm>>
        tpu.wait_dma2 semaphore(%run_scoped3A : memref<!tpu.dma_semaphore, #tpu.memory_space<semaphore_mem>>) src(%arg6 : memref<128x32xf32, #tpu.memory_space<vmem>>) dst(%dma_wait3A_23 : memref<128x32xf32, #tpu.memory_space<hbm>>)
        tpu.yield
      }) : () -> ()
    }
    %scan3A_5 = arith.constant 40 : i32
    return
  }
}

#map = affine_map<(d0, d1) -> (0, 0)>
#map1 = affine_map<(d0, d1) -> (0)>
module attributes {stable_mosaic.version = 14 : i64} {
  func.func @k(%arg0: i32, %arg1: i32, %arg2: memref<163840x32xf32, #tpu.memory_space<hbm>>, %arg3: memref<163840xi32, #tpu.memory_space<hbm>>, %arg4: memref<128x32xf32, #tpu.memory_space<hbm>>, %arg5: memref<20032x32xf32, #tpu.memory_space<hbm>>, %arg6: memref<128xi32, #tpu.memory_space<vmem>>, %arg7: memref<128x32xf32, #tpu.memory_space<vmem>>, %arg8: memref<128x32xf32, #tpu.memory_space<vmem>>, %arg9: memref<10016x32xf32, #tpu.memory_space<vmem_shared>>, %arg10: memref<!tpu.dma_semaphore, #tpu.memory_space<semaphore_mem>>) attributes {dimension_semantics = [#tpu.dimension_semantics<core_parallel>, #tpu.dimension_semantics<subcore_parallel>], iteration_bounds = array<i64: 2, 16>, scalar_prefetch = 0 : i64, scratch_operands = 5 : i64, tpu.core_type = #tpu.core_type<sc_vector_subcore>, window_params = [{transform_indices = #map}, {transform_indices = #map1}, {transform_indices = #map}, {transform_indices = #map}]} {
    "tpu.region"() ({
      %run_scoped3A = tpu.sem_alloc : memref<!tpu.dma_semaphore, #tpu.memory_space<semaphore_mem>>
      tpu.enqueue_dma source(%arg4 : memref<128x32xf32, #tpu.memory_space<hbm>>) target(%arg8 : memref<128x32xf32, #tpu.memory_space<vmem>>) target_semaphore(%run_scoped3A : memref<!tpu.dma_semaphore, #tpu.memory_space<semaphore_mem>>)
      tpu.wait_dma2 semaphore(%run_scoped3A : memref<!tpu.dma_semaphore, #tpu.memory_space<semaphore_mem>>) src(%arg4 : memref<128x32xf32, #tpu.memory_space<hbm>>) dst(%arg8 : memref<128x32xf32, #tpu.memory_space<vmem>>)
      tpu.yield
    }) : () -> ()
    %mul3A = arith.constant 626 : i32
    %mul3A_0 = arith.muli %arg1, %mul3A : i32
    %add3A = arith.constant 0 : i32
    %add3A_1 = arith.addi %mul3A_0, %add3A : i32
    "tpu.region"() ({
      %run_scoped3A = tpu.sem_alloc : memref<!tpu.dma_semaphore, #tpu.memory_space<semaphore_mem>>
      %dma_start3A = arith.constant 0 : i32
      %dma_start3A_59 = arith.constant 0 : i32
      %dma_start3A_60 = tpu.memref_slice %arg8[%dma_start3A, %dma_start3A_59] : memref<128x32xf32, #tpu.memory_space<vmem>> -> memref<128x32xf32, #tpu.memory_space<vmem>>
      %dma_start3A_61 = arith.constant 0 : i32
      %dma_start3A_62 = tpu.memref_slice %arg9[%add3A_1, %dma_start3A_61] : memref<10016x32xf32, #tpu.memory_space<vmem_shared>> -> memref<128x32xf32, #tpu.memory_space<vmem_shared>>
      %dma_start3A_63 = arith.constant 0 : i32
      %dma_start3A_64 = tpu.memref_slice %arg9[%add3A_1, %dma_start3A_63] : memref<10016x32xf32, #tpu.memory_space<vmem_shared>> -> memref<128x32xf32, #tpu.memory_space<vmem_shared>>
      %dma_start3A_65 = arith.constant 0 : i32
      %dma_start3A_66 = arith.constant 0 : i32
      %dma_start3A_67 = tpu.memref_slice %arg8[%dma_start3A_65, %dma_start3A_66] : memref<128x32xf32, #tpu.memory_space<vmem>> -> memref<128x32xf32, #tpu.memory_space<vmem>>
      tpu.enqueue_dma source(%dma_start3A_67 : memref<128x32xf32, #tpu.memory_space<vmem>>) target(%dma_start3A_64 : memref<128x32xf32, #tpu.memory_space<vmem_shared>>) target_semaphore(%run_scoped3A : memref<!tpu.dma_semaphore, #tpu.memory_space<semaphore_mem>>)
      %dma_wait3A = arith.constant 0 : i32
      %dma_wait3A_68 = arith.constant 0 : i32
      %dma_wait3A_69 = tpu.memref_slice %arg8[%dma_wait3A, %dma_wait3A_68] : memref<128x32xf32, #tpu.memory_space<vmem>> -> memref<128x32xf32, #tpu.memory_space<vmem>>
      %dma_wait3A_70 = arith.constant 0 : i32
      %dma_wait3A_71 = tpu.memref_slice %arg9[%add3A_1, %dma_wait3A_70] : memref<10016x32xf32, #tpu.memory_space<vmem_shared>> -> memref<128x32xf32, #tpu.memory_space<vmem_shared>>
      %dma_wait3A_72 = arith.constant 0 : i32
      %dma_wait3A_73 = tpu.memref_slice %arg9[%add3A_1, %dma_wait3A_72] : memref<10016x32xf32, #tpu.memory_space<vmem_shared>> -> memref<128x32xf32, #tpu.memory_space<vmem_shared>>
      %dma_wait3A_74 = arith.constant 0 : i32
      %dma_wait3A_75 = arith.constant 0 : i32
      %dma_wait3A_76 = tpu.memref_slice %arg8[%dma_wait3A_74, %dma_wait3A_75] : memref<128x32xf32, #tpu.memory_space<vmem>> -> memref<128x32xf32, #tpu.memory_space<vmem>>
      tpu.wait_dma2 semaphore(%run_scoped3A : memref<!tpu.dma_semaphore, #tpu.memory_space<semaphore_mem>>) src(%dma_wait3A_76 : memref<128x32xf32, #tpu.memory_space<vmem>>) dst(%dma_wait3A_73 : memref<128x32xf32, #tpu.memory_space<vmem_shared>>)
      tpu.yield
    }) : () -> ()
    %mul3A_2 = arith.constant 626 : i32
    %mul3A_3 = arith.muli %arg1, %mul3A_2 : i32
    %add3A_4 = arith.constant 128 : i32
    %add3A_5 = arith.addi %mul3A_3, %add3A_4 : i32
    "tpu.region"() ({
      %run_scoped3A = tpu.sem_alloc : memref<!tpu.dma_semaphore, #tpu.memory_space<semaphore_mem>>
      %dma_start3A = arith.constant 0 : i32
      %dma_start3A_59 = arith.constant 0 : i32
      %dma_start3A_60 = tpu.memref_slice %arg8[%dma_start3A, %dma_start3A_59] : memref<128x32xf32, #tpu.memory_space<vmem>> -> memref<128x32xf32, #tpu.memory_space<vmem>>
      %dma_start3A_61 = arith.constant 0 : i32
      %dma_start3A_62 = tpu.memref_slice %arg9[%add3A_5, %dma_start3A_61] : memref<10016x32xf32, #tpu.memory_space<vmem_shared>> -> memref<128x32xf32, #tpu.memory_space<vmem_shared>>
      %dma_start3A_63 = arith.constant 0 : i32
      %dma_start3A_64 = tpu.memref_slice %arg9[%add3A_5, %dma_start3A_63] : memref<10016x32xf32, #tpu.memory_space<vmem_shared>> -> memref<128x32xf32, #tpu.memory_space<vmem_shared>>
      %dma_start3A_65 = arith.constant 0 : i32
      %dma_start3A_66 = arith.constant 0 : i32
      %dma_start3A_67 = tpu.memref_slice %arg8[%dma_start3A_65, %dma_start3A_66] : memref<128x32xf32, #tpu.memory_space<vmem>> -> memref<128x32xf32, #tpu.memory_space<vmem>>
      tpu.enqueue_dma source(%dma_start3A_67 : memref<128x32xf32, #tpu.memory_space<vmem>>) target(%dma_start3A_64 : memref<128x32xf32, #tpu.memory_space<vmem_shared>>) target_semaphore(%run_scoped3A : memref<!tpu.dma_semaphore, #tpu.memory_space<semaphore_mem>>)
      %dma_wait3A = arith.constant 0 : i32
      %dma_wait3A_68 = arith.constant 0 : i32
      %dma_wait3A_69 = tpu.memref_slice %arg8[%dma_wait3A, %dma_wait3A_68] : memref<128x32xf32, #tpu.memory_space<vmem>> -> memref<128x32xf32, #tpu.memory_space<vmem>>
      %dma_wait3A_70 = arith.constant 0 : i32
      %dma_wait3A_71 = tpu.memref_slice %arg9[%add3A_5, %dma_wait3A_70] : memref<10016x32xf32, #tpu.memory_space<vmem_shared>> -> memref<128x32xf32, #tpu.memory_space<vmem_shared>>
      %dma_wait3A_72 = arith.constant 0 : i32
      %dma_wait3A_73 = tpu.memref_slice %arg9[%add3A_5, %dma_wait3A_72] : memref<10016x32xf32, #tpu.memory_space<vmem_shared>> -> memref<128x32xf32, #tpu.memory_space<vmem_shared>>
      %dma_wait3A_74 = arith.constant 0 : i32
      %dma_wait3A_75 = arith.constant 0 : i32
      %dma_wait3A_76 = tpu.memref_slice %arg8[%dma_wait3A_74, %dma_wait3A_75] : memref<128x32xf32, #tpu.memory_space<vmem>> -> memref<128x32xf32, #tpu.memory_space<vmem>>
      tpu.wait_dma2 semaphore(%run_scoped3A : memref<!tpu.dma_semaphore, #tpu.memory_space<semaphore_mem>>) src(%dma_wait3A_76 : memref<128x32xf32, #tpu.memory_space<vmem>>) dst(%dma_wait3A_73 : memref<128x32xf32, #tpu.memory_space<vmem_shared>>)
      tpu.yield
    }) : () -> ()
    %mul3A_6 = arith.constant 626 : i32
    %mul3A_7 = arith.muli %arg1, %mul3A_6 : i32
    %add3A_8 = arith.constant 256 : i32
    %add3A_9 = arith.addi %mul3A_7, %add3A_8 : i32
    "tpu.region"() ({
      %run_scoped3A = tpu.sem_alloc : memref<!tpu.dma_semaphore, #tpu.memory_space<semaphore_mem>>
      %dma_start3A = arith.constant 0 : i32
      %dma_start3A_59 = arith.constant 0 : i32
      %dma_start3A_60 = tpu.memref_slice %arg8[%dma_start3A, %dma_start3A_59] : memref<128x32xf32, #tpu.memory_space<vmem>> -> memref<128x32xf32, #tpu.memory_space<vmem>>
      %dma_start3A_61 = arith.constant 0 : i32
      %dma_start3A_62 = tpu.memref_slice %arg9[%add3A_9, %dma_start3A_61] : memref<10016x32xf32, #tpu.memory_space<vmem_shared>> -> memref<128x32xf32, #tpu.memory_space<vmem_shared>>
      %dma_start3A_63 = arith.constant 0 : i32
      %dma_start3A_64 = tpu.memref_slice %arg9[%add3A_9, %dma_start3A_63] : memref<10016x32xf32, #tpu.memory_space<vmem_shared>> -> memref<128x32xf32, #tpu.memory_space<vmem_shared>>
      %dma_start3A_65 = arith.constant 0 : i32
      %dma_start3A_66 = arith.constant 0 : i32
      %dma_start3A_67 = tpu.memref_slice %arg8[%dma_start3A_65, %dma_start3A_66] : memref<128x32xf32, #tpu.memory_space<vmem>> -> memref<128x32xf32, #tpu.memory_space<vmem>>
      tpu.enqueue_dma source(%dma_start3A_67 : memref<128x32xf32, #tpu.memory_space<vmem>>) target(%dma_start3A_64 : memref<128x32xf32, #tpu.memory_space<vmem_shared>>) target_semaphore(%run_scoped3A : memref<!tpu.dma_semaphore, #tpu.memory_space<semaphore_mem>>)
      %dma_wait3A = arith.constant 0 : i32
      %dma_wait3A_68 = arith.constant 0 : i32
      %dma_wait3A_69 = tpu.memref_slice %arg8[%dma_wait3A, %dma_wait3A_68] : memref<128x32xf32, #tpu.memory_space<vmem>> -> memref<128x32xf32, #tpu.memory_space<vmem>>
      %dma_wait3A_70 = arith.constant 0 : i32
      %dma_wait3A_71 = tpu.memref_slice %arg9[%add3A_9, %dma_wait3A_70] : memref<10016x32xf32, #tpu.memory_space<vmem_shared>> -> memref<128x32xf32, #tpu.memory_space<vmem_shared>>
      %dma_wait3A_72 = arith.constant 0 : i32
      %dma_wait3A_73 = tpu.memref_slice %arg9[%add3A_9, %dma_wait3A_72] : memref<10016x32xf32, #tpu.memory_space<vmem_shared>> -> memref<128x32xf32, #tpu.memory_space<vmem_shared>>
      %dma_wait3A_74 = arith.constant 0 : i32
      %dma_wait3A_75 = arith.constant 0 : i32
      %dma_wait3A_76 = tpu.memref_slice %arg8[%dma_wait3A_74, %dma_wait3A_75] : memref<128x32xf32, #tpu.memory_space<vmem>> -> memref<128x32xf32, #tpu.memory_space<vmem>>
      tpu.wait_dma2 semaphore(%run_scoped3A : memref<!tpu.dma_semaphore, #tpu.memory_space<semaphore_mem>>) src(%dma_wait3A_76 : memref<128x32xf32, #tpu.memory_space<vmem>>) dst(%dma_wait3A_73 : memref<128x32xf32, #tpu.memory_space<vmem_shared>>)
      tpu.yield
    }) : () -> ()
    %mul3A_10 = arith.constant 626 : i32
    %mul3A_11 = arith.muli %arg1, %mul3A_10 : i32
    %add3A_12 = arith.constant 384 : i32
    %add3A_13 = arith.addi %mul3A_11, %add3A_12 : i32
    "tpu.region"() ({
      %run_scoped3A = tpu.sem_alloc : memref<!tpu.dma_semaphore, #tpu.memory_space<semaphore_mem>>
      %dma_start3A = arith.constant 0 : i32
      %dma_start3A_59 = arith.constant 0 : i32
      %dma_start3A_60 = tpu.memref_slice %arg8[%dma_start3A, %dma_start3A_59] : memref<128x32xf32, #tpu.memory_space<vmem>> -> memref<128x32xf32, #tpu.memory_space<vmem>>
      %dma_start3A_61 = arith.constant 0 : i32
      %dma_start3A_62 = tpu.memref_slice %arg9[%add3A_13, %dma_start3A_61] : memref<10016x32xf32, #tpu.memory_space<vmem_shared>> -> memref<128x32xf32, #tpu.memory_space<vmem_shared>>
      %dma_start3A_63 = arith.constant 0 : i32
      %dma_start3A_64 = tpu.memref_slice %arg9[%add3A_13, %dma_start3A_63] : memref<10016x32xf32, #tpu.memory_space<vmem_shared>> -> memref<128x32xf32, #tpu.memory_space<vmem_shared>>
      %dma_start3A_65 = arith.constant 0 : i32
      %dma_start3A_66 = arith.constant 0 : i32
      %dma_start3A_67 = tpu.memref_slice %arg8[%dma_start3A_65, %dma_start3A_66] : memref<128x32xf32, #tpu.memory_space<vmem>> -> memref<128x32xf32, #tpu.memory_space<vmem>>
      tpu.enqueue_dma source(%dma_start3A_67 : memref<128x32xf32, #tpu.memory_space<vmem>>) target(%dma_start3A_64 : memref<128x32xf32, #tpu.memory_space<vmem_shared>>) target_semaphore(%run_scoped3A : memref<!tpu.dma_semaphore, #tpu.memory_space<semaphore_mem>>)
      %dma_wait3A = arith.constant 0 : i32
      %dma_wait3A_68 = arith.constant 0 : i32
      %dma_wait3A_69 = tpu.memref_slice %arg8[%dma_wait3A, %dma_wait3A_68] : memref<128x32xf32, #tpu.memory_space<vmem>> -> memref<128x32xf32, #tpu.memory_space<vmem>>
      %dma_wait3A_70 = arith.constant 0 : i32
      %dma_wait3A_71 = tpu.memref_slice %arg9[%add3A_13, %dma_wait3A_70] : memref<10016x32xf32, #tpu.memory_space<vmem_shared>> -> memref<128x32xf32, #tpu.memory_space<vmem_shared>>
      %dma_wait3A_72 = arith.constant 0 : i32
      %dma_wait3A_73 = tpu.memref_slice %arg9[%add3A_13, %dma_wait3A_72] : memref<10016x32xf32, #tpu.memory_space<vmem_shared>> -> memref<128x32xf32, #tpu.memory_space<vmem_shared>>
      %dma_wait3A_74 = arith.constant 0 : i32
      %dma_wait3A_75 = arith.constant 0 : i32
      %dma_wait3A_76 = tpu.memref_slice %arg8[%dma_wait3A_74, %dma_wait3A_75] : memref<128x32xf32, #tpu.memory_space<vmem>> -> memref<128x32xf32, #tpu.memory_space<vmem>>
      tpu.wait_dma2 semaphore(%run_scoped3A : memref<!tpu.dma_semaphore, #tpu.memory_space<semaphore_mem>>) src(%dma_wait3A_76 : memref<128x32xf32, #tpu.memory_space<vmem>>) dst(%dma_wait3A_73 : memref<128x32xf32, #tpu.memory_space<vmem_shared>>)
      tpu.yield
    }) : () -> ()
    %mul3A_14 = arith.constant 626 : i32
    %mul3A_15 = arith.muli %arg1, %mul3A_14 : i32
    %add3A_16 = arith.constant 512 : i32
    %add3A_17 = arith.addi %mul3A_15, %add3A_16 : i32
    "tpu.region"() ({
      %run_scoped3A = tpu.sem_alloc : memref<!tpu.dma_semaphore, #tpu.memory_space<semaphore_mem>>
      %dma_start3A = arith.constant 0 : i32
      %dma_start3A_59 = arith.constant 0 : i32
      %dma_start3A_60 = tpu.memref_slice %arg8[%dma_start3A, %dma_start3A_59] : memref<128x32xf32, #tpu.memory_space<vmem>> -> memref<114x32xf32, #tpu.memory_space<vmem>>
      %dma_start3A_61 = arith.constant 0 : i32
      %dma_start3A_62 = tpu.memref_slice %arg9[%add3A_17, %dma_start3A_61] : memref<10016x32xf32, #tpu.memory_space<vmem_shared>> -> memref<114x32xf32, #tpu.memory_space<vmem_shared>>
      %dma_start3A_63 = arith.constant 0 : i32
      %dma_start3A_64 = tpu.memref_slice %arg9[%add3A_17, %dma_start3A_63] : memref<10016x32xf32, #tpu.memory_space<vmem_shared>> -> memref<114x32xf32, #tpu.memory_space<vmem_shared>>
      %dma_start3A_65 = arith.constant 0 : i32
      %dma_start3A_66 = arith.constant 0 : i32
      %dma_start3A_67 = tpu.memref_slice %arg8[%dma_start3A_65, %dma_start3A_66] : memref<128x32xf32, #tpu.memory_space<vmem>> -> memref<114x32xf32, #tpu.memory_space<vmem>>
      tpu.enqueue_dma source(%dma_start3A_67 : memref<114x32xf32, #tpu.memory_space<vmem>>) target(%dma_start3A_64 : memref<114x32xf32, #tpu.memory_space<vmem_shared>>) target_semaphore(%run_scoped3A : memref<!tpu.dma_semaphore, #tpu.memory_space<semaphore_mem>>)
      %dma_wait3A = arith.constant 0 : i32
      %dma_wait3A_68 = arith.constant 0 : i32
      %dma_wait3A_69 = tpu.memref_slice %arg8[%dma_wait3A, %dma_wait3A_68] : memref<128x32xf32, #tpu.memory_space<vmem>> -> memref<114x32xf32, #tpu.memory_space<vmem>>
      %dma_wait3A_70 = arith.constant 0 : i32
      %dma_wait3A_71 = tpu.memref_slice %arg9[%add3A_17, %dma_wait3A_70] : memref<10016x32xf32, #tpu.memory_space<vmem_shared>> -> memref<114x32xf32, #tpu.memory_space<vmem_shared>>
      %dma_wait3A_72 = arith.constant 0 : i32
      %dma_wait3A_73 = tpu.memref_slice %arg9[%add3A_17, %dma_wait3A_72] : memref<10016x32xf32, #tpu.memory_space<vmem_shared>> -> memref<114x32xf32, #tpu.memory_space<vmem_shared>>
      %dma_wait3A_74 = arith.constant 0 : i32
      %dma_wait3A_75 = arith.constant 0 : i32
      %dma_wait3A_76 = tpu.memref_slice %arg8[%dma_wait3A_74, %dma_wait3A_75] : memref<128x32xf32, #tpu.memory_space<vmem>> -> memref<114x32xf32, #tpu.memory_space<vmem>>
      tpu.wait_dma2 semaphore(%run_scoped3A : memref<!tpu.dma_semaphore, #tpu.memory_space<semaphore_mem>>) src(%dma_wait3A_76 : memref<114x32xf32, #tpu.memory_space<vmem>>) dst(%dma_wait3A_73 : memref<114x32xf32, #tpu.memory_space<vmem_shared>>)
      tpu.yield
    }) : () -> ()
    %barrier3A = arith.constant 0 : index
    tpu.barrier barrier_id(%barrier3A)
    %scan3A = arith.constant 0 : i32
    %scan3A_18 = arith.constant 0 : i32
    %scan3A_19 = arith.constant 40 : i32
    %scan3A_20 = arith.addi %scan3A_18, %scan3A_19 : i32
    %scan3A_21 = arith.constant 1 : i32
    scf.for %scan3A_59 = %scan3A_18 to %scan3A_20 step %scan3A_21  : i32 {
      %mul3A_60 = arith.constant 81920 : i32
      %mul3A_61 = arith.muli %arg0, %mul3A_60 : i32
      %mul3A_62 = arith.constant 40 : i32
      %mul3A_63 = arith.muli %arg1, %mul3A_62 : i32
      %add3A_64 = arith.addi %mul3A_63, %scan3A_59 : i32
      %mul3A_65 = arith.constant 128 : i32
      %mul3A_66 = arith.muli %add3A_64, %mul3A_65 : i32
      %add3A_67 = arith.addi %mul3A_61, %mul3A_66 : i32
      "tpu.region"() ({
        %run_scoped3A = tpu.sem_alloc : memref<!tpu.dma_semaphore, #tpu.memory_space<semaphore_mem>>
        %dma_start3A = tpu.memref_slice %arg3[%add3A_67] : memref<163840xi32, #tpu.memory_space<hbm>> -> memref<128xi32, #tpu.memory_space<hbm>>
        %dma_start3A_68 = tpu.memref_slice %arg3[%add3A_67] : memref<163840xi32, #tpu.memory_space<hbm>> -> memref<128xi32, #tpu.memory_space<hbm>>
        tpu.enqueue_dma source(%dma_start3A_68 : memref<128xi32, #tpu.memory_space<hbm>>) target(%arg6 : memref<128xi32, #tpu.memory_space<vmem>>) target_semaphore(%run_scoped3A : memref<!tpu.dma_semaphore, #tpu.memory_space<semaphore_mem>>)
        %dma_wait3A = tpu.memref_slice %arg3[%add3A_67] : memref<163840xi32, #tpu.memory_space<hbm>> -> memref<128xi32, #tpu.memory_space<hbm>>
        %dma_wait3A_69 = tpu.memref_slice %arg3[%add3A_67] : memref<163840xi32, #tpu.memory_space<hbm>> -> memref<128xi32, #tpu.memory_space<hbm>>
        tpu.wait_dma2 semaphore(%run_scoped3A : memref<!tpu.dma_semaphore, #tpu.memory_space<semaphore_mem>>) src(%dma_wait3A_69 : memref<128xi32, #tpu.memory_space<hbm>>) dst(%arg6 : memref<128xi32, #tpu.memory_space<vmem>>)
        tpu.yield
      }) : () -> ()
      "tpu.region"() ({
        %run_scoped3A = tpu.sem_alloc : memref<!tpu.dma_semaphore, #tpu.memory_space<semaphore_mem>>
        %dma_start3A = arith.constant 0 : i32
        %dma_start3A_68 = tpu.memref_slice %arg2[%add3A_67, %dma_start3A] : memref<163840x32xf32, #tpu.memory_space<hbm>> -> memref<128x32xf32, #tpu.memory_space<hbm>>
        %dma_start3A_69 = arith.constant 0 : i32
        %dma_start3A_70 = tpu.memref_slice %arg2[%add3A_67, %dma_start3A_69] : memref<163840x32xf32, #tpu.memory_space<hbm>> -> memref<128x32xf32, #tpu.memory_space<hbm>>
        tpu.enqueue_dma source(%dma_start3A_70 : memref<128x32xf32, #tpu.memory_space<hbm>>) target(%arg7 : memref<128x32xf32, #tpu.memory_space<vmem>>) target_semaphore(%run_scoped3A : memref<!tpu.dma_semaphore, #tpu.memory_space<semaphore_mem>>)
        %dma_wait3A = arith.constant 0 : i32
        %dma_wait3A_71 = tpu.memref_slice %arg2[%add3A_67, %dma_wait3A] : memref<163840x32xf32, #tpu.memory_space<hbm>> -> memref<128x32xf32, #tpu.memory_space<hbm>>
        %dma_wait3A_72 = arith.constant 0 : i32
        %dma_wait3A_73 = tpu.memref_slice %arg2[%add3A_67, %dma_wait3A_72] : memref<163840x32xf32, #tpu.memory_space<hbm>> -> memref<128x32xf32, #tpu.memory_space<hbm>>
        tpu.wait_dma2 semaphore(%run_scoped3A : memref<!tpu.dma_semaphore, #tpu.memory_space<semaphore_mem>>) src(%dma_wait3A_73 : memref<128x32xf32, #tpu.memory_space<hbm>>) dst(%arg7 : memref<128x32xf32, #tpu.memory_space<vmem>>)
        tpu.yield
      }) : () -> ()
      "tpu.region"() ({
        %run_scoped3A = tpu.sem_alloc : memref<!tpu.dma_semaphore, #tpu.memory_space<semaphore_mem>>
        %dma_start3A = arith.constant 0 : i32
        %dma_start3A_68 = arith.constant 0 : i32
        %dma_start3A_69 = tpu.memref_slice %arg9[%dma_start3A, %dma_start3A_68] : memref<10016x32xf32, #tpu.memory_space<vmem_shared>> -> memref<10016x32xf32, #tpu.memory_space<vmem_shared>>
        tpu.enqueue_indirect_dma source(%arg7 : memref<128x32xf32, #tpu.memory_space<vmem>>) target(%dma_start3A_69 : memref<10016x32xf32, #tpu.memory_space<vmem_shared>>) offsets(%arg6 : memref<128xi32, #tpu.memory_space<vmem>>) semaphore(%run_scoped3A : memref<!tpu.dma_semaphore, #tpu.memory_space<semaphore_mem>>) {add = true}
        %dma_wait3A = arith.constant 0 : i32
        %dma_wait3A_70 = arith.constant 0 : i32
        %dma_wait3A_71 = tpu.memref_slice %arg9[%dma_wait3A, %dma_wait3A_70] : memref<10016x32xf32, #tpu.memory_space<vmem_shared>> -> memref<10016x32xf32, #tpu.memory_space<vmem_shared>>
        tpu.wait_indirect_dma semaphore(%run_scoped3A : memref<!tpu.dma_semaphore, #tpu.memory_space<semaphore_mem>>) src(%arg7 : memref<128x32xf32, #tpu.memory_space<vmem>>) dst(%dma_wait3A_71 : memref<10016x32xf32, #tpu.memory_space<vmem_shared>>)
        tpu.yield
      }) : () -> ()
    }
    %scan3A_22 = arith.constant 40 : i32
    %barrier3A_23 = arith.constant 0 : index
    tpu.barrier barrier_id(%barrier3A_23)
    %mul3A_24 = arith.constant 626 : i32
    %mul3A_25 = arith.muli %arg1, %mul3A_24 : i32
    %add3A_26 = arith.constant 0 : i32
    %add3A_27 = arith.addi %mul3A_25, %add3A_26 : i32
    "tpu.region"() ({
      %run_scoped3A = tpu.sem_alloc : memref<!tpu.dma_semaphore, #tpu.memory_space<semaphore_mem>>
      %dma_start3A = arith.constant 0 : i32
      %dma_start3A_59 = arith.constant 0 : i32
      %dma_start3A_60 = tpu.memref_slice %arg8[%dma_start3A, %dma_start3A_59] : memref<128x32xf32, #tpu.memory_space<vmem>> -> memref<128x32xf32, #tpu.memory_space<vmem>>
      %dma_start3A_61 = arith.constant 0 : i32
      %dma_start3A_62 = tpu.memref_slice %arg9[%add3A_27, %dma_start3A_61] : memref<10016x32xf32, #tpu.memory_space<vmem_shared>> -> memref<128x32xf32, #tpu.memory_space<vmem_shared>>
      %dma_start3A_63 = arith.constant 0 : i32
      %dma_start3A_64 = arith.constant 0 : i32
      %dma_start3A_65 = tpu.memref_slice %arg8[%dma_start3A_63, %dma_start3A_64] : memref<128x32xf32, #tpu.memory_space<vmem>> -> memref<128x32xf32, #tpu.memory_space<vmem>>
      %dma_start3A_66 = arith.constant 0 : i32
      %dma_start3A_67 = tpu.memref_slice %arg9[%add3A_27, %dma_start3A_66] : memref<10016x32xf32, #tpu.memory_space<vmem_shared>> -> memref<128x32xf32, #tpu.memory_space<vmem_shared>>
      tpu.enqueue_dma source(%dma_start3A_67 : memref<128x32xf32, #tpu.memory_space<vmem_shared>>) target(%dma_start3A_65 : memref<128x32xf32, #tpu.memory_space<vmem>>) target_semaphore(%run_scoped3A : memref<!tpu.dma_semaphore, #tpu.memory_space<semaphore_mem>>)
      %dma_wait3A = arith.constant 0 : i32
      %dma_wait3A_68 = arith.constant 0 : i32
      %dma_wait3A_69 = tpu.memref_slice %arg8[%dma_wait3A, %dma_wait3A_68] : memref<128x32xf32, #tpu.memory_space<vmem>> -> memref<128x32xf32, #tpu.memory_space<vmem>>
      %dma_wait3A_70 = arith.constant 0 : i32
      %dma_wait3A_71 = tpu.memref_slice %arg9[%add3A_27, %dma_wait3A_70] : memref<10016x32xf32, #tpu.memory_space<vmem_shared>> -> memref<128x32xf32, #tpu.memory_space<vmem_shared>>
      %dma_wait3A_72 = arith.constant 0 : i32
      %dma_wait3A_73 = arith.constant 0 : i32
      %dma_wait3A_74 = tpu.memref_slice %arg8[%dma_wait3A_72, %dma_wait3A_73] : memref<128x32xf32, #tpu.memory_space<vmem>> -> memref<128x32xf32, #tpu.memory_space<vmem>>
      %dma_wait3A_75 = arith.constant 0 : i32
      %dma_wait3A_76 = tpu.memref_slice %arg9[%add3A_27, %dma_wait3A_75] : memref<10016x32xf32, #tpu.memory_space<vmem_shared>> -> memref<128x32xf32, #tpu.memory_space<vmem_shared>>
      tpu.wait_dma2 semaphore(%run_scoped3A : memref<!tpu.dma_semaphore, #tpu.memory_space<semaphore_mem>>) src(%dma_wait3A_76 : memref<128x32xf32, #tpu.memory_space<vmem_shared>>) dst(%dma_wait3A_74 : memref<128x32xf32, #tpu.memory_space<vmem>>)
      tpu.yield
    }) : () -> ()
    %mul3A_28 = arith.constant 10016 : i32
    %mul3A_29 = arith.muli %arg0, %mul3A_28 : i32
    %add3A_30 = arith.addi %mul3A_29, %add3A_27 : i32
    "tpu.region"() ({
      %run_scoped3A = tpu.sem_alloc : memref<!tpu.dma_semaphore, #tpu.memory_space<semaphore_mem>>
      %dma_start3A = arith.constant 0 : i32
      %dma_start3A_59 = arith.constant 0 : i32
      %dma_start3A_60 = tpu.memref_slice %arg8[%dma_start3A, %dma_start3A_59] : memref<128x32xf32, #tpu.memory_space<vmem>> -> memref<128x32xf32, #tpu.memory_space<vmem>>
      %dma_start3A_61 = arith.constant 0 : i32
      %dma_start3A_62 = tpu.memref_slice %arg5[%add3A_30, %dma_start3A_61] : memref<20032x32xf32, #tpu.memory_space<hbm>> -> memref<128x32xf32, #tpu.memory_space<hbm>>
      %dma_start3A_63 = arith.constant 0 : i32
      %dma_start3A_64 = tpu.memref_slice %arg5[%add3A_30, %dma_start3A_63] : memref<20032x32xf32, #tpu.memory_space<hbm>> -> memref<128x32xf32, #tpu.memory_space<hbm>>
      %dma_start3A_65 = arith.constant 0 : i32
      %dma_start3A_66 = arith.constant 0 : i32
      %dma_start3A_67 = tpu.memref_slice %arg8[%dma_start3A_65, %dma_start3A_66] : memref<128x32xf32, #tpu.memory_space<vmem>> -> memref<128x32xf32, #tpu.memory_space<vmem>>
      tpu.enqueue_dma source(%dma_start3A_67 : memref<128x32xf32, #tpu.memory_space<vmem>>) target(%dma_start3A_64 : memref<128x32xf32, #tpu.memory_space<hbm>>) target_semaphore(%run_scoped3A : memref<!tpu.dma_semaphore, #tpu.memory_space<semaphore_mem>>)
      %dma_wait3A = arith.constant 0 : i32
      %dma_wait3A_68 = arith.constant 0 : i32
      %dma_wait3A_69 = tpu.memref_slice %arg8[%dma_wait3A, %dma_wait3A_68] : memref<128x32xf32, #tpu.memory_space<vmem>> -> memref<128x32xf32, #tpu.memory_space<vmem>>
      %dma_wait3A_70 = arith.constant 0 : i32
      %dma_wait3A_71 = tpu.memref_slice %arg5[%add3A_30, %dma_wait3A_70] : memref<20032x32xf32, #tpu.memory_space<hbm>> -> memref<128x32xf32, #tpu.memory_space<hbm>>
      %dma_wait3A_72 = arith.constant 0 : i32
      %dma_wait3A_73 = tpu.memref_slice %arg5[%add3A_30, %dma_wait3A_72] : memref<20032x32xf32, #tpu.memory_space<hbm>> -> memref<128x32xf32, #tpu.memory_space<hbm>>
      %dma_wait3A_74 = arith.constant 0 : i32
      %dma_wait3A_75 = arith.constant 0 : i32
      %dma_wait3A_76 = tpu.memref_slice %arg8[%dma_wait3A_74, %dma_wait3A_75] : memref<128x32xf32, #tpu.memory_space<vmem>> -> memref<128x32xf32, #tpu.memory_space<vmem>>
      tpu.wait_dma2 semaphore(%run_scoped3A : memref<!tpu.dma_semaphore, #tpu.memory_space<semaphore_mem>>) src(%dma_wait3A_76 : memref<128x32xf32, #tpu.memory_space<vmem>>) dst(%dma_wait3A_73 : memref<128x32xf32, #tpu.memory_space<hbm>>)
      tpu.yield
    }) : () -> ()
    %mul3A_31 = arith.constant 626 : i32
    %mul3A_32 = arith.muli %arg1, %mul3A_31 : i32
    %add3A_33 = arith.constant 128 : i32
    %add3A_34 = arith.addi %mul3A_32, %add3A_33 : i32
    "tpu.region"() ({
      %run_scoped3A = tpu.sem_alloc : memref<!tpu.dma_semaphore, #tpu.memory_space<semaphore_mem>>
      %dma_start3A = arith.constant 0 : i32
      %dma_start3A_59 = arith.constant 0 : i32
      %dma_start3A_60 = tpu.memref_slice %arg8[%dma_start3A, %dma_start3A_59] : memref<128x32xf32, #tpu.memory_space<vmem>> -> memref<128x32xf32, #tpu.memory_space<vmem>>
      %dma_start3A_61 = arith.constant 0 : i32
      %dma_start3A_62 = tpu.memref_slice %arg9[%add3A_34, %dma_start3A_61] : memref<10016x32xf32, #tpu.memory_space<vmem_shared>> -> memref<128x32xf32, #tpu.memory_space<vmem_shared>>
      %dma_start3A_63 = arith.constant 0 : i32
      %dma_start3A_64 = arith.constant 0 : i32
      %dma_start3A_65 = tpu.memref_slice %arg8[%dma_start3A_63, %dma_start3A_64] : memref<128x32xf32, #tpu.memory_space<vmem>> -> memref<128x32xf32, #tpu.memory_space<vmem>>
      %dma_start3A_66 = arith.constant 0 : i32
      %dma_start3A_67 = tpu.memref_slice %arg9[%add3A_34, %dma_start3A_66] : memref<10016x32xf32, #tpu.memory_space<vmem_shared>> -> memref<128x32xf32, #tpu.memory_space<vmem_shared>>
      tpu.enqueue_dma source(%dma_start3A_67 : memref<128x32xf32, #tpu.memory_space<vmem_shared>>) target(%dma_start3A_65 : memref<128x32xf32, #tpu.memory_space<vmem>>) target_semaphore(%run_scoped3A : memref<!tpu.dma_semaphore, #tpu.memory_space<semaphore_mem>>)
      %dma_wait3A = arith.constant 0 : i32
      %dma_wait3A_68 = arith.constant 0 : i32
      %dma_wait3A_69 = tpu.memref_slice %arg8[%dma_wait3A, %dma_wait3A_68] : memref<128x32xf32, #tpu.memory_space<vmem>> -> memref<128x32xf32, #tpu.memory_space<vmem>>
      %dma_wait3A_70 = arith.constant 0 : i32
      %dma_wait3A_71 = tpu.memref_slice %arg9[%add3A_34, %dma_wait3A_70] : memref<10016x32xf32, #tpu.memory_space<vmem_shared>> -> memref<128x32xf32, #tpu.memory_space<vmem_shared>>
      %dma_wait3A_72 = arith.constant 0 : i32
      %dma_wait3A_73 = arith.constant 0 : i32
      %dma_wait3A_74 = tpu.memref_slice %arg8[%dma_wait3A_72, %dma_wait3A_73] : memref<128x32xf32, #tpu.memory_space<vmem>> -> memref<128x32xf32, #tpu.memory_space<vmem>>
      %dma_wait3A_75 = arith.constant 0 : i32
      %dma_wait3A_76 = tpu.memref_slice %arg9[%add3A_34, %dma_wait3A_75] : memref<10016x32xf32, #tpu.memory_space<vmem_shared>> -> memref<128x32xf32, #tpu.memory_space<vmem_shared>>
      tpu.wait_dma2 semaphore(%run_scoped3A : memref<!tpu.dma_semaphore, #tpu.memory_space<semaphore_mem>>) src(%dma_wait3A_76 : memref<128x32xf32, #tpu.memory_space<vmem_shared>>) dst(%dma_wait3A_74 : memref<128x32xf32, #tpu.memory_space<vmem>>)
      tpu.yield
    }) : () -> ()
    %mul3A_35 = arith.constant 10016 : i32
    %mul3A_36 = arith.muli %arg0, %mul3A_35 : i32
    %add3A_37 = arith.addi %mul3A_36, %add3A_34 : i32
    "tpu.region"() ({
      %run_scoped3A = tpu.sem_alloc : memref<!tpu.dma_semaphore, #tpu.memory_space<semaphore_mem>>
      %dma_start3A = arith.constant 0 : i32
      %dma_start3A_59 = arith.constant 0 : i32
      %dma_start3A_60 = tpu.memref_slice %arg8[%dma_start3A, %dma_start3A_59] : memref<128x32xf32, #tpu.memory_space<vmem>> -> memref<128x32xf32, #tpu.memory_space<vmem>>
      %dma_start3A_61 = arith.constant 0 : i32
      %dma_start3A_62 = tpu.memref_slice %arg5[%add3A_37, %dma_start3A_61] : memref<20032x32xf32, #tpu.memory_space<hbm>> -> memref<128x32xf32, #tpu.memory_space<hbm>>
      %dma_start3A_63 = arith.constant 0 : i32
      %dma_start3A_64 = tpu.memref_slice %arg5[%add3A_37, %dma_start3A_63] : memref<20032x32xf32, #tpu.memory_space<hbm>> -> memref<128x32xf32, #tpu.memory_space<hbm>>
      %dma_start3A_65 = arith.constant 0 : i32
      %dma_start3A_66 = arith.constant 0 : i32
      %dma_start3A_67 = tpu.memref_slice %arg8[%dma_start3A_65, %dma_start3A_66] : memref<128x32xf32, #tpu.memory_space<vmem>> -> memref<128x32xf32, #tpu.memory_space<vmem>>
      tpu.enqueue_dma source(%dma_start3A_67 : memref<128x32xf32, #tpu.memory_space<vmem>>) target(%dma_start3A_64 : memref<128x32xf32, #tpu.memory_space<hbm>>) target_semaphore(%run_scoped3A : memref<!tpu.dma_semaphore, #tpu.memory_space<semaphore_mem>>)
      %dma_wait3A = arith.constant 0 : i32
      %dma_wait3A_68 = arith.constant 0 : i32
      %dma_wait3A_69 = tpu.memref_slice %arg8[%dma_wait3A, %dma_wait3A_68] : memref<128x32xf32, #tpu.memory_space<vmem>> -> memref<128x32xf32, #tpu.memory_space<vmem>>
      %dma_wait3A_70 = arith.constant 0 : i32
      %dma_wait3A_71 = tpu.memref_slice %arg5[%add3A_37, %dma_wait3A_70] : memref<20032x32xf32, #tpu.memory_space<hbm>> -> memref<128x32xf32, #tpu.memory_space<hbm>>
      %dma_wait3A_72 = arith.constant 0 : i32
      %dma_wait3A_73 = tpu.memref_slice %arg5[%add3A_37, %dma_wait3A_72] : memref<20032x32xf32, #tpu.memory_space<hbm>> -> memref<128x32xf32, #tpu.memory_space<hbm>>
      %dma_wait3A_74 = arith.constant 0 : i32
      %dma_wait3A_75 = arith.constant 0 : i32
      %dma_wait3A_76 = tpu.memref_slice %arg8[%dma_wait3A_74, %dma_wait3A_75] : memref<128x32xf32, #tpu.memory_space<vmem>> -> memref<128x32xf32, #tpu.memory_space<vmem>>
      tpu.wait_dma2 semaphore(%run_scoped3A : memref<!tpu.dma_semaphore, #tpu.memory_space<semaphore_mem>>) src(%dma_wait3A_76 : memref<128x32xf32, #tpu.memory_space<vmem>>) dst(%dma_wait3A_73 : memref<128x32xf32, #tpu.memory_space<hbm>>)
      tpu.yield
    }) : () -> ()
    %mul3A_38 = arith.constant 626 : i32
    %mul3A_39 = arith.muli %arg1, %mul3A_38 : i32
    %add3A_40 = arith.constant 256 : i32
    %add3A_41 = arith.addi %mul3A_39, %add3A_40 : i32
    "tpu.region"() ({
      %run_scoped3A = tpu.sem_alloc : memref<!tpu.dma_semaphore, #tpu.memory_space<semaphore_mem>>
      %dma_start3A = arith.constant 0 : i32
      %dma_start3A_59 = arith.constant 0 : i32
      %dma_start3A_60 = tpu.memref_slice %arg8[%dma_start3A, %dma_start3A_59] : memref<128x32xf32, #tpu.memory_space<vmem>> -> memref<128x32xf32, #tpu.memory_space<vmem>>
      %dma_start3A_61 = arith.constant 0 : i32
      %dma_start3A_62 = tpu.memref_slice %arg9[%add3A_41, %dma_start3A_61] : memref<10016x32xf32, #tpu.memory_space<vmem_shared>> -> memref<128x32xf32, #tpu.memory_space<vmem_shared>>
      %dma_start3A_63 = arith.constant 0 : i32
      %dma_start3A_64 = arith.constant 0 : i32
      %dma_start3A_65 = tpu.memref_slice %arg8[%dma_start3A_63, %dma_start3A_64] : memref<128x32xf32, #tpu.memory_space<vmem>> -> memref<128x32xf32, #tpu.memory_space<vmem>>
      %dma_start3A_66 = arith.constant 0 : i32
      %dma_start3A_67 = tpu.memref_slice %arg9[%add3A_41, %dma_start3A_66] : memref<10016x32xf32, #tpu.memory_space<vmem_shared>> -> memref<128x32xf32, #tpu.memory_space<vmem_shared>>
      tpu.enqueue_dma source(%dma_start3A_67 : memref<128x32xf32, #tpu.memory_space<vmem_shared>>) target(%dma_start3A_65 : memref<128x32xf32, #tpu.memory_space<vmem>>) target_semaphore(%run_scoped3A : memref<!tpu.dma_semaphore, #tpu.memory_space<semaphore_mem>>)
      %dma_wait3A = arith.constant 0 : i32
      %dma_wait3A_68 = arith.constant 0 : i32
      %dma_wait3A_69 = tpu.memref_slice %arg8[%dma_wait3A, %dma_wait3A_68] : memref<128x32xf32, #tpu.memory_space<vmem>> -> memref<128x32xf32, #tpu.memory_space<vmem>>
      %dma_wait3A_70 = arith.constant 0 : i32
      %dma_wait3A_71 = tpu.memref_slice %arg9[%add3A_41, %dma_wait3A_70] : memref<10016x32xf32, #tpu.memory_space<vmem_shared>> -> memref<128x32xf32, #tpu.memory_space<vmem_shared>>
      %dma_wait3A_72 = arith.constant 0 : i32
      %dma_wait3A_73 = arith.constant 0 : i32
      %dma_wait3A_74 = tpu.memref_slice %arg8[%dma_wait3A_72, %dma_wait3A_73] : memref<128x32xf32, #tpu.memory_space<vmem>> -> memref<128x32xf32, #tpu.memory_space<vmem>>
      %dma_wait3A_75 = arith.constant 0 : i32
      %dma_wait3A_76 = tpu.memref_slice %arg9[%add3A_41, %dma_wait3A_75] : memref<10016x32xf32, #tpu.memory_space<vmem_shared>> -> memref<128x32xf32, #tpu.memory_space<vmem_shared>>
      tpu.wait_dma2 semaphore(%run_scoped3A : memref<!tpu.dma_semaphore, #tpu.memory_space<semaphore_mem>>) src(%dma_wait3A_76 : memref<128x32xf32, #tpu.memory_space<vmem_shared>>) dst(%dma_wait3A_74 : memref<128x32xf32, #tpu.memory_space<vmem>>)
      tpu.yield
    }) : () -> ()
    %mul3A_42 = arith.constant 10016 : i32
    %mul3A_43 = arith.muli %arg0, %mul3A_42 : i32
    %add3A_44 = arith.addi %mul3A_43, %add3A_41 : i32
    "tpu.region"() ({
      %run_scoped3A = tpu.sem_alloc : memref<!tpu.dma_semaphore, #tpu.memory_space<semaphore_mem>>
      %dma_start3A = arith.constant 0 : i32
      %dma_start3A_59 = arith.constant 0 : i32
      %dma_start3A_60 = tpu.memref_slice %arg8[%dma_start3A, %dma_start3A_59] : memref<128x32xf32, #tpu.memory_space<vmem>> -> memref<128x32xf32, #tpu.memory_space<vmem>>
      %dma_start3A_61 = arith.constant 0 : i32
      %dma_start3A_62 = tpu.memref_slice %arg5[%add3A_44, %dma_start3A_61] : memref<20032x32xf32, #tpu.memory_space<hbm>> -> memref<128x32xf32, #tpu.memory_space<hbm>>
      %dma_start3A_63 = arith.constant 0 : i32
      %dma_start3A_64 = tpu.memref_slice %arg5[%add3A_44, %dma_start3A_63] : memref<20032x32xf32, #tpu.memory_space<hbm>> -> memref<128x32xf32, #tpu.memory_space<hbm>>
      %dma_start3A_65 = arith.constant 0 : i32
      %dma_start3A_66 = arith.constant 0 : i32
      %dma_start3A_67 = tpu.memref_slice %arg8[%dma_start3A_65, %dma_start3A_66] : memref<128x32xf32, #tpu.memory_space<vmem>> -> memref<128x32xf32, #tpu.memory_space<vmem>>
      tpu.enqueue_dma source(%dma_start3A_67 : memref<128x32xf32, #tpu.memory_space<vmem>>) target(%dma_start3A_64 : memref<128x32xf32, #tpu.memory_space<hbm>>) target_semaphore(%run_scoped3A : memref<!tpu.dma_semaphore, #tpu.memory_space<semaphore_mem>>)
      %dma_wait3A = arith.constant 0 : i32
      %dma_wait3A_68 = arith.constant 0 : i32
      %dma_wait3A_69 = tpu.memref_slice %arg8[%dma_wait3A, %dma_wait3A_68] : memref<128x32xf32, #tpu.memory_space<vmem>> -> memref<128x32xf32, #tpu.memory_space<vmem>>
      %dma_wait3A_70 = arith.constant 0 : i32
      %dma_wait3A_71 = tpu.memref_slice %arg5[%add3A_44, %dma_wait3A_70] : memref<20032x32xf32, #tpu.memory_space<hbm>> -> memref<128x32xf32, #tpu.memory_space<hbm>>
      %dma_wait3A_72 = arith.constant 0 : i32
      %dma_wait3A_73 = tpu.memref_slice %arg5[%add3A_44, %dma_wait3A_72] : memref<20032x32xf32, #tpu.memory_space<hbm>> -> memref<128x32xf32, #tpu.memory_space<hbm>>
      %dma_wait3A_74 = arith.constant 0 : i32
      %dma_wait3A_75 = arith.constant 0 : i32
      %dma_wait3A_76 = tpu.memref_slice %arg8[%dma_wait3A_74, %dma_wait3A_75] : memref<128x32xf32, #tpu.memory_space<vmem>> -> memref<128x32xf32, #tpu.memory_space<vmem>>
      tpu.wait_dma2 semaphore(%run_scoped3A : memref<!tpu.dma_semaphore, #tpu.memory_space<semaphore_mem>>) src(%dma_wait3A_76 : memref<128x32xf32, #tpu.memory_space<vmem>>) dst(%dma_wait3A_73 : memref<128x32xf32, #tpu.memory_space<hbm>>)
      tpu.yield
    }) : () -> ()
    %mul3A_45 = arith.constant 626 : i32
    %mul3A_46 = arith.muli %arg1, %mul3A_45 : i32
    %add3A_47 = arith.constant 384 : i32
    %add3A_48 = arith.addi %mul3A_46, %add3A_47 : i32
    "tpu.region"() ({
      %run_scoped3A = tpu.sem_alloc : memref<!tpu.dma_semaphore, #tpu.memory_space<semaphore_mem>>
      %dma_start3A = arith.constant 0 : i32
      %dma_start3A_59 = arith.constant 0 : i32
      %dma_start3A_60 = tpu.memref_slice %arg8[%dma_start3A, %dma_start3A_59] : memref<128x32xf32, #tpu.memory_space<vmem>> -> memref<128x32xf32, #tpu.memory_space<vmem>>
      %dma_start3A_61 = arith.constant 0 : i32
      %dma_start3A_62 = tpu.memref_slice %arg9[%add3A_48, %dma_start3A_61] : memref<10016x32xf32, #tpu.memory_space<vmem_shared>> -> memref<128x32xf32, #tpu.memory_space<vmem_shared>>
      %dma_start3A_63 = arith.constant 0 : i32
      %dma_start3A_64 = arith.constant 0 : i32
      %dma_start3A_65 = tpu.memref_slice %arg8[%dma_start3A_63, %dma_start3A_64] : memref<128x32xf32, #tpu.memory_space<vmem>> -> memref<128x32xf32, #tpu.memory_space<vmem>>
      %dma_start3A_66 = arith.constant 0 : i32
      %dma_start3A_67 = tpu.memref_slice %arg9[%add3A_48, %dma_start3A_66] : memref<10016x32xf32, #tpu.memory_space<vmem_shared>> -> memref<128x32xf32, #tpu.memory_space<vmem_shared>>
      tpu.enqueue_dma source(%dma_start3A_67 : memref<128x32xf32, #tpu.memory_space<vmem_shared>>) target(%dma_start3A_65 : memref<128x32xf32, #tpu.memory_space<vmem>>) target_semaphore(%run_scoped3A : memref<!tpu.dma_semaphore, #tpu.memory_space<semaphore_mem>>)
      %dma_wait3A = arith.constant 0 : i32
      %dma_wait3A_68 = arith.constant 0 : i32
      %dma_wait3A_69 = tpu.memref_slice %arg8[%dma_wait3A, %dma_wait3A_68] : memref<128x32xf32, #tpu.memory_space<vmem>> -> memref<128x32xf32, #tpu.memory_space<vmem>>
      %dma_wait3A_70 = arith.constant 0 : i32
      %dma_wait3A_71 = tpu.memref_slice %arg9[%add3A_48, %dma_wait3A_70] : memref<10016x32xf32, #tpu.memory_space<vmem_shared>> -> memref<128x32xf32, #tpu.memory_space<vmem_shared>>
      %dma_wait3A_72 = arith.constant 0 : i32
      %dma_wait3A_73 = arith.constant 0 : i32
      %dma_wait3A_74 = tpu.memref_slice %arg8[%dma_wait3A_72, %dma_wait3A_73] : memref<128x32xf32, #tpu.memory_space<vmem>> -> memref<128x32xf32, #tpu.memory_space<vmem>>
      %dma_wait3A_75 = arith.constant 0 : i32
      %dma_wait3A_76 = tpu.memref_slice %arg9[%add3A_48, %dma_wait3A_75] : memref<10016x32xf32, #tpu.memory_space<vmem_shared>> -> memref<128x32xf32, #tpu.memory_space<vmem_shared>>
      tpu.wait_dma2 semaphore(%run_scoped3A : memref<!tpu.dma_semaphore, #tpu.memory_space<semaphore_mem>>) src(%dma_wait3A_76 : memref<128x32xf32, #tpu.memory_space<vmem_shared>>) dst(%dma_wait3A_74 : memref<128x32xf32, #tpu.memory_space<vmem>>)
      tpu.yield
    }) : () -> ()
    %mul3A_49 = arith.constant 10016 : i32
    %mul3A_50 = arith.muli %arg0, %mul3A_49 : i32
    %add3A_51 = arith.addi %mul3A_50, %add3A_48 : i32
    "tpu.region"() ({
      %run_scoped3A = tpu.sem_alloc : memref<!tpu.dma_semaphore, #tpu.memory_space<semaphore_mem>>
      %dma_start3A = arith.constant 0 : i32
      %dma_start3A_59 = arith.constant 0 : i32
      %dma_start3A_60 = tpu.memref_slice %arg8[%dma_start3A, %dma_start3A_59] : memref<128x32xf32, #tpu.memory_space<vmem>> -> memref<128x32xf32, #tpu.memory_space<vmem>>
      %dma_start3A_61 = arith.constant 0 : i32
      %dma_start3A_62 = tpu.memref_slice %arg5[%add3A_51, %dma_start3A_61] : memref<20032x32xf32, #tpu.memory_space<hbm>> -> memref<128x32xf32, #tpu.memory_space<hbm>>
      %dma_start3A_63 = arith.constant 0 : i32
      %dma_start3A_64 = tpu.memref_slice %arg5[%add3A_51, %dma_start3A_63] : memref<20032x32xf32, #tpu.memory_space<hbm>> -> memref<128x32xf32, #tpu.memory_space<hbm>>
      %dma_start3A_65 = arith.constant 0 : i32
      %dma_start3A_66 = arith.constant 0 : i32
      %dma_start3A_67 = tpu.memref_slice %arg8[%dma_start3A_65, %dma_start3A_66] : memref<128x32xf32, #tpu.memory_space<vmem>> -> memref<128x32xf32, #tpu.memory_space<vmem>>
      tpu.enqueue_dma source(%dma_start3A_67 : memref<128x32xf32, #tpu.memory_space<vmem>>) target(%dma_start3A_64 : memref<128x32xf32, #tpu.memory_space<hbm>>) target_semaphore(%run_scoped3A : memref<!tpu.dma_semaphore, #tpu.memory_space<semaphore_mem>>)
      %dma_wait3A = arith.constant 0 : i32
      %dma_wait3A_68 = arith.constant 0 : i32
      %dma_wait3A_69 = tpu.memref_slice %arg8[%dma_wait3A, %dma_wait3A_68] : memref<128x32xf32, #tpu.memory_space<vmem>> -> memref<128x32xf32, #tpu.memory_space<vmem>>
      %dma_wait3A_70 = arith.constant 0 : i32
      %dma_wait3A_71 = tpu.memref_slice %arg5[%add3A_51, %dma_wait3A_70] : memref<20032x32xf32, #tpu.memory_space<hbm>> -> memref<128x32xf32, #tpu.memory_space<hbm>>
      %dma_wait3A_72 = arith.constant 0 : i32
      %dma_wait3A_73 = tpu.memref_slice %arg5[%add3A_51, %dma_wait3A_72] : memref<20032x32xf32, #tpu.memory_space<hbm>> -> memref<128x32xf32, #tpu.memory_space<hbm>>
      %dma_wait3A_74 = arith.constant 0 : i32
      %dma_wait3A_75 = arith.constant 0 : i32
      %dma_wait3A_76 = tpu.memref_slice %arg8[%dma_wait3A_74, %dma_wait3A_75] : memref<128x32xf32, #tpu.memory_space<vmem>> -> memref<128x32xf32, #tpu.memory_space<vmem>>
      tpu.wait_dma2 semaphore(%run_scoped3A : memref<!tpu.dma_semaphore, #tpu.memory_space<semaphore_mem>>) src(%dma_wait3A_76 : memref<128x32xf32, #tpu.memory_space<vmem>>) dst(%dma_wait3A_73 : memref<128x32xf32, #tpu.memory_space<hbm>>)
      tpu.yield
    }) : () -> ()
    %mul3A_52 = arith.constant 626 : i32
    %mul3A_53 = arith.muli %arg1, %mul3A_52 : i32
    %add3A_54 = arith.constant 512 : i32
    %add3A_55 = arith.addi %mul3A_53, %add3A_54 : i32
    "tpu.region"() ({
      %run_scoped3A = tpu.sem_alloc : memref<!tpu.dma_semaphore, #tpu.memory_space<semaphore_mem>>
      %dma_start3A = arith.constant 0 : i32
      %dma_start3A_59 = arith.constant 0 : i32
      %dma_start3A_60 = tpu.memref_slice %arg8[%dma_start3A, %dma_start3A_59] : memref<128x32xf32, #tpu.memory_space<vmem>> -> memref<114x32xf32, #tpu.memory_space<vmem>>
      %dma_start3A_61 = arith.constant 0 : i32
      %dma_start3A_62 = tpu.memref_slice %arg9[%add3A_55, %dma_start3A_61] : memref<10016x32xf32, #tpu.memory_space<vmem_shared>> -> memref<114x32xf32, #tpu.memory_space<vmem_shared>>
      %dma_start3A_63 = arith.constant 0 : i32
      %dma_start3A_64 = arith.constant 0 : i32
      %dma_start3A_65 = tpu.memref_slice %arg8[%dma_start3A_63, %dma_start3A_64] : memref<128x32xf32, #tpu.memory_space<vmem>> -> memref<114x32xf32, #tpu.memory_space<vmem>>
      %dma_start3A_66 = arith.constant 0 : i32
      %dma_start3A_67 = tpu.memref_slice %arg9[%add3A_55, %dma_start3A_66] : memref<10016x32xf32, #tpu.memory_space<vmem_shared>> -> memref<114x32xf32, #tpu.memory_space<vmem_shared>>
      tpu.enqueue_dma source(%dma_start3A_67 : memref<114x32xf32, #tpu.memory_space<vmem_shared>>) target(%dma_start3A_65 : memref<114x32xf32, #tpu.memory_space<vmem>>) target_semaphore(%run_scoped3A : memref<!tpu.dma_semaphore, #tpu.memory_space<semaphore_mem>>)
      %dma_wait3A = arith.constant 0 : i32
      %dma_wait3A_68 = arith.constant 0 : i32
      %dma_wait3A_69 = tpu.memref_slice %arg8[%dma_wait3A, %dma_wait3A_68] : memref<128x32xf32, #tpu.memory_space<vmem>> -> memref<114x32xf32, #tpu.memory_space<vmem>>
      %dma_wait3A_70 = arith.constant 0 : i32
      %dma_wait3A_71 = tpu.memref_slice %arg9[%add3A_55, %dma_wait3A_70] : memref<10016x32xf32, #tpu.memory_space<vmem_shared>> -> memref<114x32xf32, #tpu.memory_space<vmem_shared>>
      %dma_wait3A_72 = arith.constant 0 : i32
      %dma_wait3A_73 = arith.constant 0 : i32
      %dma_wait3A_74 = tpu.memref_slice %arg8[%dma_wait3A_72, %dma_wait3A_73] : memref<128x32xf32, #tpu.memory_space<vmem>> -> memref<114x32xf32, #tpu.memory_space<vmem>>
      %dma_wait3A_75 = arith.constant 0 : i32
      %dma_wait3A_76 = tpu.memref_slice %arg9[%add3A_55, %dma_wait3A_75] : memref<10016x32xf32, #tpu.memory_space<vmem_shared>> -> memref<114x32xf32, #tpu.memory_space<vmem_shared>>
      tpu.wait_dma2 semaphore(%run_scoped3A : memref<!tpu.dma_semaphore, #tpu.memory_space<semaphore_mem>>) src(%dma_wait3A_76 : memref<114x32xf32, #tpu.memory_space<vmem_shared>>) dst(%dma_wait3A_74 : memref<114x32xf32, #tpu.memory_space<vmem>>)
      tpu.yield
    }) : () -> ()
    %mul3A_56 = arith.constant 10016 : i32
    %mul3A_57 = arith.muli %arg0, %mul3A_56 : i32
    %add3A_58 = arith.addi %mul3A_57, %add3A_55 : i32
    "tpu.region"() ({
      %run_scoped3A = tpu.sem_alloc : memref<!tpu.dma_semaphore, #tpu.memory_space<semaphore_mem>>
      %dma_start3A = arith.constant 0 : i32
      %dma_start3A_59 = arith.constant 0 : i32
      %dma_start3A_60 = tpu.memref_slice %arg8[%dma_start3A, %dma_start3A_59] : memref<128x32xf32, #tpu.memory_space<vmem>> -> memref<114x32xf32, #tpu.memory_space<vmem>>
      %dma_start3A_61 = arith.constant 0 : i32
      %dma_start3A_62 = tpu.memref_slice %arg5[%add3A_58, %dma_start3A_61] : memref<20032x32xf32, #tpu.memory_space<hbm>> -> memref<114x32xf32, #tpu.memory_space<hbm>>
      %dma_start3A_63 = arith.constant 0 : i32
      %dma_start3A_64 = tpu.memref_slice %arg5[%add3A_58, %dma_start3A_63] : memref<20032x32xf32, #tpu.memory_space<hbm>> -> memref<114x32xf32, #tpu.memory_space<hbm>>
      %dma_start3A_65 = arith.constant 0 : i32
      %dma_start3A_66 = arith.constant 0 : i32
      %dma_start3A_67 = tpu.memref_slice %arg8[%dma_start3A_65, %dma_start3A_66] : memref<128x32xf32, #tpu.memory_space<vmem>> -> memref<114x32xf32, #tpu.memory_space<vmem>>
      tpu.enqueue_dma source(%dma_start3A_67 : memref<114x32xf32, #tpu.memory_space<vmem>>) target(%dma_start3A_64 : memref<114x32xf32, #tpu.memory_space<hbm>>) target_semaphore(%run_scoped3A : memref<!tpu.dma_semaphore, #tpu.memory_space<semaphore_mem>>)
      %dma_wait3A = arith.constant 0 : i32
      %dma_wait3A_68 = arith.constant 0 : i32
      %dma_wait3A_69 = tpu.memref_slice %arg8[%dma_wait3A, %dma_wait3A_68] : memref<128x32xf32, #tpu.memory_space<vmem>> -> memref<114x32xf32, #tpu.memory_space<vmem>>
      %dma_wait3A_70 = arith.constant 0 : i32
      %dma_wait3A_71 = tpu.memref_slice %arg5[%add3A_58, %dma_wait3A_70] : memref<20032x32xf32, #tpu.memory_space<hbm>> -> memref<114x32xf32, #tpu.memory_space<hbm>>
      %dma_wait3A_72 = arith.constant 0 : i32
      %dma_wait3A_73 = tpu.memref_slice %arg5[%add3A_58, %dma_wait3A_72] : memref<20032x32xf32, #tpu.memory_space<hbm>> -> memref<114x32xf32, #tpu.memory_space<hbm>>
      %dma_wait3A_74 = arith.constant 0 : i32
      %dma_wait3A_75 = arith.constant 0 : i32
      %dma_wait3A_76 = tpu.memref_slice %arg8[%dma_wait3A_74, %dma_wait3A_75] : memref<128x32xf32, #tpu.memory_space<vmem>> -> memref<114x32xf32, #tpu.memory_space<vmem>>
      tpu.wait_dma2 semaphore(%run_scoped3A : memref<!tpu.dma_semaphore, #tpu.memory_space<semaphore_mem>>) src(%dma_wait3A_76 : memref<114x32xf32, #tpu.memory_space<vmem>>) dst(%dma_wait3A_73 : memref<114x32xf32, #tpu.memory_space<hbm>>)
      tpu.yield
    }) : () -> ()
    return
  }
}

#map = affine_map<(d0, d1) -> (0, 0)>
#map1 = affine_map<(d0, d1) -> (0)>
module attributes {stable_mosaic.version = 14 : i64} {
  func.func @k(%arg0: i32, %arg1: i32, %arg2: memref<10000x16xf32, #tpu.memory_space<hbm>>, %arg3: memref<163840xi32, #tpu.memory_space<hbm>>, %arg4: memref<163840x16xf32, #tpu.memory_space<hbm>>, %arg5: memref<128xi32, #tpu.memory_space<vmem>>, %arg6: memref<128x16xf32, #tpu.memory_space<vmem>>, %arg7: memref<!tpu.dma_semaphore, #tpu.memory_space<semaphore_mem>>) attributes {dimension_semantics = [#tpu.dimension_semantics<core_parallel>, #tpu.dimension_semantics<subcore_parallel>], iteration_bounds = array<i64: 2, 16>, scalar_prefetch = 0 : i64, scratch_operands = 3 : i64, tpu.core_type = #tpu.core_type<sc_vector_subcore>, window_params = [{transform_indices = #map}, {transform_indices = #map1}, {transform_indices = #map}]} {
    %mul3A = arith.constant 2 : i32
    %mul3A_0 = arith.muli %arg1, %mul3A : i32
    %add3A = arith.addi %mul3A_0, %arg0 : i32
    %scan3A = arith.constant 0 : i32
    %scan3A_1 = arith.constant 0 : i32
    %scan3A_2 = arith.constant 40 : i32
    %scan3A_3 = arith.addi %scan3A_1, %scan3A_2 : i32
    %scan3A_4 = arith.constant 1 : i32
    scf.for %scan3A_6 = %scan3A_1 to %scan3A_3 step %scan3A_4  : i32 {
      %mul3A_7 = arith.constant 40 : i32
      %mul3A_8 = arith.muli %add3A, %mul3A_7 : i32
      %add3A_9 = arith.addi %mul3A_8, %scan3A_6 : i32
      %mul3A_10 = arith.constant 128 : i32
      %mul3A_11 = arith.muli %add3A_9, %mul3A_10 : i32
      "tpu.region"() ({
        %run_scoped3A = tpu.sem_alloc : memref<!tpu.dma_semaphore, #tpu.memory_space<semaphore_mem>>
        %dma_start3A_16 = tpu.memref_slice %arg3[%mul3A_11] : memref<163840xi32, #tpu.memory_space<hbm>> -> memref<128xi32, #tpu.memory_space<hbm>>
        %dma_start3A_17 = tpu.memref_slice %arg3[%mul3A_11] : memref<163840xi32, #tpu.memory_space<hbm>> -> memref<128xi32, #tpu.memory_space<hbm>>
        tpu.enqueue_dma source(%dma_start3A_17 : memref<128xi32, #tpu.memory_space<hbm>>) target(%arg5 : memref<128xi32, #tpu.memory_space<vmem>>) target_semaphore(%run_scoped3A : memref<!tpu.dma_semaphore, #tpu.memory_space<semaphore_mem>>)
        %dma_wait3A_18 = tpu.memref_slice %arg3[%mul3A_11] : memref<163840xi32, #tpu.memory_space<hbm>> -> memref<128xi32, #tpu.memory_space<hbm>>
        %dma_wait3A_19 = tpu.memref_slice %arg3[%mul3A_11] : memref<163840xi32, #tpu.memory_space<hbm>> -> memref<128xi32, #tpu.memory_space<hbm>>
        tpu.wait_dma2 semaphore(%run_scoped3A : memref<!tpu.dma_semaphore, #tpu.memory_space<semaphore_mem>>) src(%dma_wait3A_19 : memref<128xi32, #tpu.memory_space<hbm>>) dst(%arg5 : memref<128xi32, #tpu.memory_space<vmem>>)
        tpu.yield
      }) : () -> ()
      %dma_start3A = arith.constant 0 : i32
      %dma_start3A_12 = arith.constant 0 : i32
      %dma_start3A_13 = tpu.memref_slice %arg2[%dma_start3A, %dma_start3A_12] : memref<10000x16xf32, #tpu.memory_space<hbm>> -> memref<10000x16xf32, #tpu.memory_space<hbm>>
      tpu.enqueue_indirect_dma source(%dma_start3A_13 : memref<10000x16xf32, #tpu.memory_space<hbm>>) target(%arg6 : memref<128x16xf32, #tpu.memory_space<vmem>>) offsets(%arg5 : memref<128xi32, #tpu.memory_space<vmem>>) semaphore(%arg7 : memref<!tpu.dma_semaphore, #tpu.memory_space<semaphore_mem>>)
      %dma_wait3A = arith.constant 0 : i32
      %dma_wait3A_14 = arith.constant 0 : i32
      %dma_wait3A_15 = tpu.memref_slice %arg2[%dma_wait3A, %dma_wait3A_14] : memref<10000x16xf32, #tpu.memory_space<hbm>> -> memref<10000x16xf32, #tpu.memory_space<hbm>>
      tpu.wait_indirect_dma semaphore(%arg7 : memref<!tpu.dma_semaphore, #tpu.memory_space<semaphore_mem>>) src(%dma_wait3A_15 : memref<10000x16xf32, #tpu.memory_space<hbm>>) dst(%arg6 : memref<128x16xf32, #tpu.memory_space<vmem>>)
      "tpu.region"() ({
        %run_scoped3A = tpu.sem_alloc : memref<!tpu.dma_semaphore, #tpu.memory_space<semaphore_mem>>
        %dma_start3A_16 = arith.constant 0 : i32
        %dma_start3A_17 = tpu.memref_slice %arg4[%mul3A_11, %dma_start3A_16] : memref<163840x16xf32, #tpu.memory_space<hbm>> -> memref<128x16xf32, #tpu.memory_space<hbm>>
        %dma_start3A_18 = arith.constant 0 : i32
        %dma_start3A_19 = tpu.memref_slice %arg4[%mul3A_11, %dma_start3A_18] : memref<163840x16xf32, #tpu.memory_space<hbm>> -> memref<128x16xf32, #tpu.memory_space<hbm>>
        tpu.enqueue_dma source(%arg6 : memref<128x16xf32, #tpu.memory_space<vmem>>) target(%dma_start3A_19 : memref<128x16xf32, #tpu.memory_space<hbm>>) target_semaphore(%run_scoped3A : memref<!tpu.dma_semaphore, #tpu.memory_space<semaphore_mem>>)
        %dma_wait3A_20 = arith.constant 0 : i32
        %dma_wait3A_21 = tpu.memref_slice %arg4[%mul3A_11, %dma_wait3A_20] : memref<163840x16xf32, #tpu.memory_space<hbm>> -> memref<128x16xf32, #tpu.memory_space<hbm>>
        %dma_wait3A_22 = arith.constant 0 : i32
        %dma_wait3A_23 = tpu.memref_slice %arg4[%mul3A_11, %dma_wait3A_22] : memref<163840x16xf32, #tpu.memory_space<hbm>> -> memref<128x16xf32, #tpu.memory_space<hbm>>
        tpu.wait_dma2 semaphore(%run_scoped3A : memref<!tpu.dma_semaphore, #tpu.memory_space<semaphore_mem>>) src(%arg6 : memref<128x16xf32, #tpu.memory_space<vmem>>) dst(%dma_wait3A_23 : memref<128x16xf32, #tpu.memory_space<hbm>>)
        tpu.yield
      }) : () -> ()
    }
    %scan3A_5 = arith.constant 40 : i32
    return
  }
}

#map = affine_map<(d0, d1) -> (0)>
module attributes {stable_mosaic.version = 14 : i64} {
  func.func @k(%arg0: i32, %arg1: i32, %arg2: memref<65536xi32, #tpu.memory_space<hbm>>, %arg3: memref<65536xi32, #tpu.memory_space<hbm>>, %arg4: memref<16777216xf32, #tpu.memory_space<hbm>>, %arg5: memref<16384xi32, #tpu.memory_space<vmem>>, %arg6: memref<16384xi32, #tpu.memory_space<vmem>>, %arg7: memref<65536xf32, #tpu.memory_space<vmem>>) attributes {dimension_semantics = [#tpu.dimension_semantics<core_parallel>, #tpu.dimension_semantics<subcore_parallel>], iteration_bounds = array<i64: 2, 16>, scalar_prefetch = 0 : i64, scratch_operands = 3 : i64, tpu.core_type = #tpu.core_type<sc_vector_subcore>, window_params = [{transform_indices = #map}, {transform_indices = #map}, {transform_indices = #map}]} {
    %mul3A = arith.constant 2 : i32
    %mul3A_0 = arith.muli %arg1, %mul3A : i32
    %add3A = arith.addi %mul3A_0, %arg0 : i32
    %broadcast_in_dim3A = arith.constant 0.000000e+00 : f32
    %broadcast_in_dim3A_1 = vector.broadcast %broadcast_in_dim3A : f32 to vector<16xf32>
    %broadcast_in_dim3A_2 = arith.constant 1.000000e+00 : f32
    %broadcast_in_dim3A_3 = vector.broadcast %broadcast_in_dim3A_2 : f32 to vector<16xf32>
    %scan3A = arith.constant 0 : i32
    %scan3A_4 = arith.constant 0 : i32
    %scan3A_5 = arith.constant 8 : i32
    %scan3A_6 = arith.addi %scan3A_4, %scan3A_5 : i32
    %scan3A_7 = arith.constant 1 : i32
    scf.for %scan3A_9 = %scan3A_4 to %scan3A_6 step %scan3A_7  : i32 {
      %mul3A_10 = arith.constant 8 : i32
      %mul3A_11 = arith.muli %add3A, %mul3A_10 : i32
      %add3A_12 = arith.addi %mul3A_11, %scan3A_9 : i32
      %mul3A_13 = arith.constant 16 : i32
      %mul3A_14 = arith.muli %add3A_12, %mul3A_13 : i32
      %scan3A_15 = arith.constant 0 : i32
      %scan3A_16 = arith.constant 0 : i32
      %scan3A_17 = arith.constant 4096 : i32
      %scan3A_18 = arith.addi %scan3A_16, %scan3A_17 : i32
      %scan3A_19 = arith.constant 1 : i32
      scf.for %scan3A_29 = %scan3A_16 to %scan3A_18 step %scan3A_19  : i32 {
        %mul3A_30 = arith.constant 16 : i32
        %mul3A_31 = arith.muli %scan3A_29, %mul3A_30 : i32
        %swap3A = arith.index_cast %mul3A_31 : i32 to index
        %swap3A_32 = tpu.vector_load %arg7[%swap3A] {strides = array<i32>} : memref<65536xf32, #tpu.memory_space<vmem>>, vector<16xf32>,
        tpu.vector_store %arg7[%swap3A], %broadcast_in_dim3A_1 {strides = array<i32>} : memref<65536xf32, #tpu.memory_space<vmem>>, vector<16xf32>,
      }
      %scan3A_20 = arith.constant 4096 : i32
      %scan3A_21 = arith.constant 0 : i32
      %scan3A_22 = arith.constant 0 : i32
      %scan3A_23 = arith.constant 4 : i32
      %scan3A_24 = arith.addi %scan3A_22, %scan3A_23 : i32
      %scan3A_25 = arith.constant 1 : i32
      scf.for %scan3A_29 = %scan3A_22 to %scan3A_24 step %scan3A_25  : i32 {
        %mul3A_30 = arith.constant 16384 : i32
        %mul3A_31 = arith.muli %scan3A_29, %mul3A_30 : i32
        "tpu.region"() ({
          %run_scoped3A = tpu.sem_alloc : memref<!tpu.dma_semaphore, #tpu.memory_space<semaphore_mem>>
          %dma_start3A = tpu.memref_slice %arg2[%mul3A_31] : memref<65536xi32, #tpu.memory_space<hbm>> -> memref<16384xi32, #tpu.memory_space<hbm>>
          %dma_start3A_40 = tpu.memref_slice %arg2[%mul3A_31] : memref<65536xi32, #tpu.memory_space<hbm>> -> memref<16384xi32, #tpu.memory_space<hbm>>
          tpu.enqueue_dma source(%dma_start3A_40 : memref<16384xi32, #tpu.memory_space<hbm>>) target(%arg5 : memref<16384xi32, #tpu.memory_space<vmem>>) target_semaphore(%run_scoped3A : memref<!tpu.dma_semaphore, #tpu.memory_space<semaphore_mem>>)
          %dma_wait3A = tpu.memref_slice %arg2[%mul3A_31] : memref<65536xi32, #tpu.memory_space<hbm>> -> memref<16384xi32, #tpu.memory_space<hbm>>
          %dma_wait3A_41 = tpu.memref_slice %arg2[%mul3A_31] : memref<65536xi32, #tpu.memory_space<hbm>> -> memref<16384xi32, #tpu.memory_space<hbm>>
          tpu.wait_dma2 semaphore(%run_scoped3A : memref<!tpu.dma_semaphore, #tpu.memory_space<semaphore_mem>>) src(%dma_wait3A_41 : memref<16384xi32, #tpu.memory_space<hbm>>) dst(%arg5 : memref<16384xi32, #tpu.memory_space<vmem>>)
          tpu.yield
        }) : () -> ()
        %mul3A_32 = arith.constant 16384 : i32
        %mul3A_33 = arith.muli %scan3A_29, %mul3A_32 : i32
        "tpu.region"() ({
          %run_scoped3A = tpu.sem_alloc : memref<!tpu.dma_semaphore, #tpu.memory_space<semaphore_mem>>
          %dma_start3A = tpu.memref_slice %arg3[%mul3A_33] : memref<65536xi32, #tpu.memory_space<hbm>> -> memref<16384xi32, #tpu.memory_space<hbm>>
          %dma_start3A_40 = tpu.memref_slice %arg3[%mul3A_33] : memref<65536xi32, #tpu.memory_space<hbm>> -> memref<16384xi32, #tpu.memory_space<hbm>>
          tpu.enqueue_dma source(%dma_start3A_40 : memref<16384xi32, #tpu.memory_space<hbm>>) target(%arg6 : memref<16384xi32, #tpu.memory_space<vmem>>) target_semaphore(%run_scoped3A : memref<!tpu.dma_semaphore, #tpu.memory_space<semaphore_mem>>)
          %dma_wait3A = tpu.memref_slice %arg3[%mul3A_33] : memref<65536xi32, #tpu.memory_space<hbm>> -> memref<16384xi32, #tpu.memory_space<hbm>>
          %dma_wait3A_41 = tpu.memref_slice %arg3[%mul3A_33] : memref<65536xi32, #tpu.memory_space<hbm>> -> memref<16384xi32, #tpu.memory_space<hbm>>
          tpu.wait_dma2 semaphore(%run_scoped3A : memref<!tpu.dma_semaphore, #tpu.memory_space<semaphore_mem>>) src(%dma_wait3A_41 : memref<16384xi32, #tpu.memory_space<hbm>>) dst(%arg6 : memref<16384xi32, #tpu.memory_space<vmem>>)
          tpu.yield
        }) : () -> ()
        %scan3A_34 = arith.constant 0 : i32
        %scan3A_35 = arith.constant 0 : i32
        %scan3A_36 = arith.constant 1024 : i32
        %scan3A_37 = arith.addi %scan3A_35, %scan3A_36 : i32
        %scan3A_38 = arith.constant 1 : i32
        scf.for %scan3A_40 = %scan3A_35 to %scan3A_37 step %scan3A_38  : i32 {
          %mul3A_41 = arith.constant 16 : i32
          %mul3A_42 = arith.muli %scan3A_40, %mul3A_41 : i32
          %get3A = arith.index_cast %mul3A_42 : i32 to index
          %get3A_43 = tpu.vector_load %arg5[%get3A] {strides = array<i32>} : memref<16384xi32, #tpu.memory_space<vmem>>, vector<16xi32>,
          %sub3A = vector.broadcast %mul3A_14 : i32 to vector<16xi32>
          %sub3A_44 = arith.subi %get3A_43, %sub3A : vector<16xi32>
          %mul3A_45 = arith.constant 16 : i32
          %mul3A_46 = arith.muli %scan3A_40, %mul3A_45 : i32
          %get3A_47 = arith.index_cast %mul3A_46 : i32 to index
          %get3A_48 = tpu.vector_load %arg6[%get3A_47] {strides = array<i32>} : memref<16384xi32, #tpu.memory_space<vmem>>, vector<16xi32>,
          %mul3A_49 = arith.constant 4096 : i32
          %mul3A_50 = vector.broadcast %mul3A_49 : i32 to vector<16xi32>
          %mul3A_51 = arith.muli %sub3A_44, %mul3A_50 : vector<16xi32>
          %add3A_52 = arith.addi %mul3A_51, %get3A_48 : vector<16xi32>
          %ge3A = arith.constant 0 : i32
          %ge3A_53 = vector.broadcast %ge3A : i32 to vector<16xi32>
          %ge3A_54 = arith.cmpi sge, %sub3A_44, %ge3A_53 : vector<16xi32>
          %lt3A = arith.constant 16 : i32
          %lt3A_55 = vector.broadcast %lt3A : i32 to vector<16xi32>
          %lt3A_56 = arith.cmpi slt, %sub3A_44, %lt3A_55 : vector<16xi32>
          %and3A = arith.andi %ge3A_54, %lt3A_56 : vector<16xi1>
          tpu.vector_store_idx %arg7[%add3A_52], %broadcast_in_dim3A_3 masked %and3A : memref<65536xf32, #tpu.memory_space<vmem>>[vector<16xi32>], vector<16xf32>, vector<16xi1>
        }
        %scan3A_39 = arith.constant 1024 : i32
      }
      %scan3A_26 = arith.constant 4 : i32
      %mul3A_27 = arith.constant 4096 : i32
      %mul3A_28 = arith.muli %mul3A_14, %mul3A_27 : i32
      "tpu.region"() ({
        %run_scoped3A = tpu.sem_alloc : memref<!tpu.dma_semaphore, #tpu.memory_space<semaphore_mem>>
        %dma_start3A = tpu.memref_slice %arg4[%mul3A_28] : memref<16777216xf32, #tpu.memory_space<hbm>> -> memref<65536xf32, #tpu.memory_space<hbm>>
        %dma_start3A_29 = tpu.memref_slice %arg4[%mul3A_28] : memref<16777216xf32, #tpu.memory_space<hbm>> -> memref<65536xf32, #tpu.memory_space<hbm>>
        tpu.enqueue_dma source(%arg7 : memref<65536xf32, #tpu.memory_space<vmem>>) target(%dma_start3A_29 : memref<65536xf32, #tpu.memory_space<hbm>>) target_semaphore(%run_scoped3A : memref<!tpu.dma_semaphore, #tpu.memory_space<semaphore_mem>>)
        %dma_wait3A = tpu.memref_slice %arg4[%mul3A_28] : memref<16777216xf32, #tpu.memory_space<hbm>> -> memref<65536xf32, #tpu.memory_space<hbm>>
        %dma_wait3A_30 = tpu.memref_slice %arg4[%mul3A_28] : memref<16777216xf32, #tpu.memory_space<hbm>> -> memref<65536xf32, #tpu.memory_space<hbm>>
        tpu.wait_dma2 semaphore(%run_scoped3A : memref<!tpu.dma_semaphore, #tpu.memory_space<semaphore_mem>>) src(%arg7 : memref<65536xf32, #tpu.memory_space<vmem>>) dst(%dma_wait3A_30 : memref<65536xf32, #tpu.memory_space<hbm>>)
        tpu.yield
      }) : () -> ()
    }
    %scan3A_8 = arith.constant 8 : i32
    return
  }
}

#map = affine_map<(d0, d1) -> (0, 0)>
#map1 = affine_map<(d0, d1) -> (0)>
module attributes {stable_mosaic.version = 14 : i64} {
  func.func @k(%arg0: i32, %arg1: i32, %arg2: memref<10000x32xf32, #tpu.memory_space<hbm>>, %arg3: memref<16384xi32, #tpu.memory_space<hbm>>, %arg4: memref<16384xi32, #tpu.memory_space<hbm>>, %arg5: memref<128x32xf32, #tpu.memory_space<hbm>>, %arg6: memref<128x16xf32, #tpu.memory_space<hbm>>, %arg7: memref<8192x32xf32, #tpu.memory_space<hbm>>, %arg8: memref<8192x16xf32, #tpu.memory_space<hbm>>, %arg9: memref<128xi32, #tpu.memory_space<vmem>>, %arg10: memref<128xi32, #tpu.memory_space<vmem>>, %arg11: memref<128x32xf32, #tpu.memory_space<vmem>>, %arg12: memref<128x16xf32, #tpu.memory_space<vmem>>, %arg13: memref<128x32xf32, #tpu.memory_space<vmem>>, %arg14: memref<4096x32xf32, #tpu.memory_space<vmem_shared>>, %arg15: memref<4096x16xf32, #tpu.memory_space<vmem_shared>>, %arg16: memref<!tpu.dma_semaphore, #tpu.memory_space<semaphore_mem>>) attributes {dimension_semantics = [#tpu.dimension_semantics<core_parallel>, #tpu.dimension_semantics<subcore_parallel>], iteration_bounds = array<i64: 2, 16>, scalar_prefetch = 0 : i64, scratch_operands = 8 : i64, tpu.core_type = #tpu.core_type<sc_vector_subcore>, window_params = [{transform_indices = #map}, {transform_indices = #map1}, {transform_indices = #map1}, {transform_indices = #map}, {transform_indices = #map}, {transform_indices = #map}, {transform_indices = #map}]} {
    "tpu.region"() ({
      %run_scoped3A = tpu.sem_alloc : memref<!tpu.dma_semaphore, #tpu.memory_space<semaphore_mem>>
      tpu.enqueue_dma source(%arg5 : memref<128x32xf32, #tpu.memory_space<hbm>>) target(%arg13 : memref<128x32xf32, #tpu.memory_space<vmem>>) target_semaphore(%run_scoped3A : memref<!tpu.dma_semaphore, #tpu.memory_space<semaphore_mem>>)
      tpu.wait_dma2 semaphore(%run_scoped3A : memref<!tpu.dma_semaphore, #tpu.memory_space<semaphore_mem>>) src(%arg5 : memref<128x32xf32, #tpu.memory_space<hbm>>) dst(%arg13 : memref<128x32xf32, #tpu.memory_space<vmem>>)
      tpu.yield
    }) : () -> ()
    "tpu.region"() ({
      %run_scoped3A = tpu.sem_alloc : memref<!tpu.dma_semaphore, #tpu.memory_space<semaphore_mem>>
      tpu.enqueue_dma source(%arg6 : memref<128x16xf32, #tpu.memory_space<hbm>>) target(%arg12 : memref<128x16xf32, #tpu.memory_space<vmem>>) target_semaphore(%run_scoped3A : memref<!tpu.dma_semaphore, #tpu.memory_space<semaphore_mem>>)
      tpu.wait_dma2 semaphore(%run_scoped3A : memref<!tpu.dma_semaphore, #tpu.memory_space<semaphore_mem>>) src(%arg6 : memref<128x16xf32, #tpu.memory_space<hbm>>) dst(%arg12 : memref<128x16xf32, #tpu.memory_space<vmem>>)
      tpu.yield
    }) : () -> ()
    %mul3A = arith.constant 256 : i32
    %mul3A_0 = arith.muli %arg1, %mul3A : i32
    %add3A = arith.constant 0 : i32
    %add3A_1 = arith.addi %mul3A_0, %add3A : i32
    "tpu.region"() ({
      %run_scoped3A = tpu.sem_alloc : memref<!tpu.dma_semaphore, #tpu.memory_space<semaphore_mem>>
      %dma_start3A = arith.constant 0 : i32
      %dma_start3A_32 = arith.constant 0 : i32
      %dma_start3A_33 = tpu.memref_slice %arg13[%dma_start3A, %dma_start3A_32] : memref<128x32xf32, #tpu.memory_space<vmem>> -> memref<128x32xf32, #tpu.memory_space<vmem>>
      %dma_start3A_34 = arith.constant 0 : i32
      %dma_start3A_35 = tpu.memref_slice %arg14[%add3A_1, %dma_start3A_34] : memref<4096x32xf32, #tpu.memory_space<vmem_shared>> -> memref<128x32xf32, #tpu.memory_space<vmem_shared>>
      %dma_start3A_36 = arith.constant 0 : i32
      %dma_start3A_37 = tpu.memref_slice %arg14[%add3A_1, %dma_start3A_36] : memref<4096x32xf32, #tpu.memory_space<vmem_shared>> -> memref<128x32xf32, #tpu.memory_space<vmem_shared>>
      %dma_start3A_38 = arith.constant 0 : i32
      %dma_start3A_39 = arith.constant 0 : i32
      %dma_start3A_40 = tpu.memref_slice %arg13[%dma_start3A_38, %dma_start3A_39] : memref<128x32xf32, #tpu.memory_space<vmem>> -> memref<128x32xf32, #tpu.memory_space<vmem>>
      tpu.enqueue_dma source(%dma_start3A_40 : memref<128x32xf32, #tpu.memory_space<vmem>>) target(%dma_start3A_37 : memref<128x32xf32, #tpu.memory_space<vmem_shared>>) target_semaphore(%run_scoped3A : memref<!tpu.dma_semaphore, #tpu.memory_space<semaphore_mem>>)
      %dma_wait3A = arith.constant 0 : i32
      %dma_wait3A_41 = arith.constant 0 : i32
      %dma_wait3A_42 = tpu.memref_slice %arg13[%dma_wait3A, %dma_wait3A_41] : memref<128x32xf32, #tpu.memory_space<vmem>> -> memref<128x32xf32, #tpu.memory_space<vmem>>
      %dma_wait3A_43 = arith.constant 0 : i32
      %dma_wait3A_44 = tpu.memref_slice %arg14[%add3A_1, %dma_wait3A_43] : memref<4096x32xf32, #tpu.memory_space<vmem_shared>> -> memref<128x32xf32, #tpu.memory_space<vmem_shared>>
      %dma_wait3A_45 = arith.constant 0 : i32
      %dma_wait3A_46 = tpu.memref_slice %arg14[%add3A_1, %dma_wait3A_45] : memref<4096x32xf32, #tpu.memory_space<vmem_shared>> -> memref<128x32xf32, #tpu.memory_space<vmem_shared>>
      %dma_wait3A_47 = arith.constant 0 : i32
      %dma_wait3A_48 = arith.constant 0 : i32
      %dma_wait3A_49 = tpu.memref_slice %arg13[%dma_wait3A_47, %dma_wait3A_48] : memref<128x32xf32, #tpu.memory_space<vmem>> -> memref<128x32xf32, #tpu.memory_space<vmem>>
      tpu.wait_dma2 semaphore(%run_scoped3A : memref<!tpu.dma_semaphore, #tpu.memory_space<semaphore_mem>>) src(%dma_wait3A_49 : memref<128x32xf32, #tpu.memory_space<vmem>>) dst(%dma_wait3A_46 : memref<128x32xf32, #tpu.memory_space<vmem_shared>>)
      tpu.yield
    }) : () -> ()
    "tpu.region"() ({
      %run_scoped3A = tpu.sem_alloc : memref<!tpu.dma_semaphore, #tpu.memory_space<semaphore_mem>>
      %dma_start3A = arith.constant 0 : i32
      %dma_start3A_32 = arith.constant 0 : i32
      %dma_start3A_33 = tpu.memref_slice %arg13[%dma_start3A, %dma_start3A_32] : memref<128x32xf32, #tpu.memory_space<vmem>> -> memref<128x16xf32, #tpu.memory_space<vmem>>
      %dma_start3A_34 = arith.constant 0 : i32
      %dma_start3A_35 = tpu.memref_slice %arg15[%add3A_1, %dma_start3A_34] : memref<4096x16xf32, #tpu.memory_space<vmem_shared>> -> memref<128x16xf32, #tpu.memory_space<vmem_shared>>
      %dma_start3A_36 = arith.constant 0 : i32
      %dma_start3A_37 = tpu.memref_slice %arg15[%add3A_1, %dma_start3A_36] : memref<4096x16xf32, #tpu.memory_space<vmem_shared>> -> memref<128x16xf32, #tpu.memory_space<vmem_shared>>
      %dma_start3A_38 = arith.constant 0 : i32
      %dma_start3A_39 = arith.constant 0 : i32
      %dma_start3A_40 = tpu.memref_slice %arg13[%dma_start3A_38, %dma_start3A_39] : memref<128x32xf32, #tpu.memory_space<vmem>> -> memref<128x16xf32, #tpu.memory_space<vmem>>
      tpu.enqueue_dma source(%dma_start3A_40 : memref<128x16xf32, #tpu.memory_space<vmem>>) target(%dma_start3A_37 : memref<128x16xf32, #tpu.memory_space<vmem_shared>>) target_semaphore(%run_scoped3A : memref<!tpu.dma_semaphore, #tpu.memory_space<semaphore_mem>>)
      %dma_wait3A = arith.constant 0 : i32
      %dma_wait3A_41 = arith.constant 0 : i32
      %dma_wait3A_42 = tpu.memref_slice %arg13[%dma_wait3A, %dma_wait3A_41] : memref<128x32xf32, #tpu.memory_space<vmem>> -> memref<128x16xf32, #tpu.memory_space<vmem>>
      %dma_wait3A_43 = arith.constant 0 : i32
      %dma_wait3A_44 = tpu.memref_slice %arg15[%add3A_1, %dma_wait3A_43] : memref<4096x16xf32, #tpu.memory_space<vmem_shared>> -> memref<128x16xf32, #tpu.memory_space<vmem_shared>>
      %dma_wait3A_45 = arith.constant 0 : i32
      %dma_wait3A_46 = tpu.memref_slice %arg15[%add3A_1, %dma_wait3A_45] : memref<4096x16xf32, #tpu.memory_space<vmem_shared>> -> memref<128x16xf32, #tpu.memory_space<vmem_shared>>
      %dma_wait3A_47 = arith.constant 0 : i32
      %dma_wait3A_48 = arith.constant 0 : i32
      %dma_wait3A_49 = tpu.memref_slice %arg13[%dma_wait3A_47, %dma_wait3A_48] : memref<128x32xf32, #tpu.memory_space<vmem>> -> memref<128x16xf32, #tpu.memory_space<vmem>>
      tpu.wait_dma2 semaphore(%run_scoped3A : memref<!tpu.dma_semaphore, #tpu.memory_space<semaphore_mem>>) src(%dma_wait3A_49 : memref<128x16xf32, #tpu.memory_space<vmem>>) dst(%dma_wait3A_46 : memref<128x16xf32, #tpu.memory_space<vmem_shared>>)
      tpu.yield
    }) : () -> ()
    %mul3A_2 = arith.constant 256 : i32
    %mul3A_3 = arith.muli %arg1, %mul3A_2 : i32
    %add3A_4 = arith.constant 128 : i32
    %add3A_5 = arith.addi %mul3A_3, %add3A_4 : i32
    "tpu.region"() ({
      %run_scoped3A = tpu.sem_alloc : memref<!tpu.dma_semaphore, #tpu.memory_space<semaphore_mem>>
      %dma_start3A = arith.constant 0 : i32
      %dma_start3A_32 = arith.constant 0 : i32
      %dma_start3A_33 = tpu.memref_slice %arg13[%dma_start3A, %dma_start3A_32] : memref<128x32xf32, #tpu.memory_space<vmem>> -> memref<128x32xf32, #tpu.memory_space<vmem>>
      %dma_start3A_34 = arith.constant 0 : i32
      %dma_start3A_35 = tpu.memref_slice %arg14[%add3A_5, %dma_start3A_34] : memref<4096x32xf32, #tpu.memory_space<vmem_shared>> -> memref<128x32xf32, #tpu.memory_space<vmem_shared>>
      %dma_start3A_36 = arith.constant 0 : i32
      %dma_start3A_37 = tpu.memref_slice %arg14[%add3A_5, %dma_start3A_36] : memref<4096x32xf32, #tpu.memory_space<vmem_shared>> -> memref<128x32xf32, #tpu.memory_space<vmem_shared>>
      %dma_start3A_38 = arith.constant 0 : i32
      %dma_start3A_39 = arith.constant 0 : i32
      %dma_start3A_40 = tpu.memref_slice %arg13[%dma_start3A_38, %dma_start3A_39] : memref<128x32xf32, #tpu.memory_space<vmem>> -> memref<128x32xf32, #tpu.memory_space<vmem>>
      tpu.enqueue_dma source(%dma_start3A_40 : memref<128x32xf32, #tpu.memory_space<vmem>>) target(%dma_start3A_37 : memref<128x32xf32, #tpu.memory_space<vmem_shared>>) target_semaphore(%run_scoped3A : memref<!tpu.dma_semaphore, #tpu.memory_space<semaphore_mem>>)
      %dma_wait3A = arith.constant 0 : i32
      %dma_wait3A_41 = arith.constant 0 : i32
      %dma_wait3A_42 = tpu.memref_slice %arg13[%dma_wait3A, %dma_wait3A_41] : memref<128x32xf32, #tpu.memory_space<vmem>> -> memref<128x32xf32, #tpu.memory_space<vmem>>
      %dma_wait3A_43 = arith.constant 0 : i32
      %dma_wait3A_44 = tpu.memref_slice %arg14[%add3A_5, %dma_wait3A_43] : memref<4096x32xf32, #tpu.memory_space<vmem_shared>> -> memref<128x32xf32, #tpu.memory_space<vmem_shared>>
      %dma_wait3A_45 = arith.constant 0 : i32
      %dma_wait3A_46 = tpu.memref_slice %arg14[%add3A_5, %dma_wait3A_45] : memref<4096x32xf32, #tpu.memory_space<vmem_shared>> -> memref<128x32xf32, #tpu.memory_space<vmem_shared>>
      %dma_wait3A_47 = arith.constant 0 : i32
      %dma_wait3A_48 = arith.constant 0 : i32
      %dma_wait3A_49 = tpu.memref_slice %arg13[%dma_wait3A_47, %dma_wait3A_48] : memref<128x32xf32, #tpu.memory_space<vmem>> -> memref<128x32xf32, #tpu.memory_space<vmem>>
      tpu.wait_dma2 semaphore(%run_scoped3A : memref<!tpu.dma_semaphore, #tpu.memory_space<semaphore_mem>>) src(%dma_wait3A_49 : memref<128x32xf32, #tpu.memory_space<vmem>>) dst(%dma_wait3A_46 : memref<128x32xf32, #tpu.memory_space<vmem_shared>>)
      tpu.yield
    }) : () -> ()
    "tpu.region"() ({
      %run_scoped3A = tpu.sem_alloc : memref<!tpu.dma_semaphore, #tpu.memory_space<semaphore_mem>>
      %dma_start3A = arith.constant 0 : i32
      %dma_start3A_32 = arith.constant 0 : i32
      %dma_start3A_33 = tpu.memref_slice %arg13[%dma_start3A, %dma_start3A_32] : memref<128x32xf32, #tpu.memory_space<vmem>> -> memref<128x16xf32, #tpu.memory_space<vmem>>
      %dma_start3A_34 = arith.constant 0 : i32
      %dma_start3A_35 = tpu.memref_slice %arg15[%add3A_5, %dma_start3A_34] : memref<4096x16xf32, #tpu.memory_space<vmem_shared>> -> memref<128x16xf32, #tpu.memory_space<vmem_shared>>
      %dma_start3A_36 = arith.constant 0 : i32
      %dma_start3A_37 = tpu.memref_slice %arg15[%add3A_5, %dma_start3A_36] : memref<4096x16xf32, #tpu.memory_space<vmem_shared>> -> memref<128x16xf32, #tpu.memory_space<vmem_shared>>
      %dma_start3A_38 = arith.constant 0 : i32
      %dma_start3A_39 = arith.constant 0 : i32
      %dma_start3A_40 = tpu.memref_slice %arg13[%dma_start3A_38, %dma_start3A_39] : memref<128x32xf32, #tpu.memory_space<vmem>> -> memref<128x16xf32, #tpu.memory_space<vmem>>
      tpu.enqueue_dma source(%dma_start3A_40 : memref<128x16xf32, #tpu.memory_space<vmem>>) target(%dma_start3A_37 : memref<128x16xf32, #tpu.memory_space<vmem_shared>>) target_semaphore(%run_scoped3A : memref<!tpu.dma_semaphore, #tpu.memory_space<semaphore_mem>>)
      %dma_wait3A = arith.constant 0 : i32
      %dma_wait3A_41 = arith.constant 0 : i32
      %dma_wait3A_42 = tpu.memref_slice %arg13[%dma_wait3A, %dma_wait3A_41] : memref<128x32xf32, #tpu.memory_space<vmem>> -> memref<128x16xf32, #tpu.memory_space<vmem>>
      %dma_wait3A_43 = arith.constant 0 : i32
      %dma_wait3A_44 = tpu.memref_slice %arg15[%add3A_5, %dma_wait3A_43] : memref<4096x16xf32, #tpu.memory_space<vmem_shared>> -> memref<128x16xf32, #tpu.memory_space<vmem_shared>>
      %dma_wait3A_45 = arith.constant 0 : i32
      %dma_wait3A_46 = tpu.memref_slice %arg15[%add3A_5, %dma_wait3A_45] : memref<4096x16xf32, #tpu.memory_space<vmem_shared>> -> memref<128x16xf32, #tpu.memory_space<vmem_shared>>
      %dma_wait3A_47 = arith.constant 0 : i32
      %dma_wait3A_48 = arith.constant 0 : i32
      %dma_wait3A_49 = tpu.memref_slice %arg13[%dma_wait3A_47, %dma_wait3A_48] : memref<128x32xf32, #tpu.memory_space<vmem>> -> memref<128x16xf32, #tpu.memory_space<vmem>>
      tpu.wait_dma2 semaphore(%run_scoped3A : memref<!tpu.dma_semaphore, #tpu.memory_space<semaphore_mem>>) src(%dma_wait3A_49 : memref<128x16xf32, #tpu.memory_space<vmem>>) dst(%dma_wait3A_46 : memref<128x16xf32, #tpu.memory_space<vmem_shared>>)
      tpu.yield
    }) : () -> ()
    %barrier3A = arith.constant 0 : index
    tpu.barrier barrier_id(%barrier3A)
    %scan3A = arith.constant 0 : i32
    %scan3A_6 = arith.constant 0 : i32
    %scan3A_7 = arith.constant 4 : i32
    %scan3A_8 = arith.addi %scan3A_6, %scan3A_7 : i32
    %scan3A_9 = arith.constant 1 : i32
    scf.for %scan3A_32 = %scan3A_6 to %scan3A_8 step %scan3A_9  : i32 {
      %mul3A_33 = arith.constant 8192 : i32
      %mul3A_34 = arith.muli %arg0, %mul3A_33 : i32
      %mul3A_35 = arith.constant 4 : i32
      %mul3A_36 = arith.muli %arg1, %mul3A_35 : i32
      %add3A_37 = arith.addi %mul3A_36, %scan3A_32 : i32
      %mul3A_38 = arith.constant 128 : i32
      %mul3A_39 = arith.muli %add3A_37, %mul3A_38 : i32
      %add3A_40 = arith.addi %mul3A_34, %mul3A_39 : i32
      "tpu.region"() ({
        %run_scoped3A = tpu.sem_alloc : memref<!tpu.dma_semaphore, #tpu.memory_space<semaphore_mem>>
        %dma_start3A_45 = tpu.memref_slice %arg3[%add3A_40] : memref<16384xi32, #tpu.memory_space<hbm>> -> memref<128xi32, #tpu.memory_space<hbm>>
        %dma_start3A_46 = tpu.memref_slice %arg3[%add3A_40] : memref<16384xi32, #tpu.memory_space<hbm>> -> memref<128xi32, #tpu.memory_space<hbm>>
        tpu.enqueue_dma source(%dma_start3A_46 : memref<128xi32, #tpu.memory_space<hbm>>) target(%arg9 : memref<128xi32, #tpu.memory_space<vmem>>) target_semaphore(%run_scoped3A : memref<!tpu.dma_semaphore, #tpu.memory_space<semaphore_mem>>)
        %dma_wait3A_47 = tpu.memref_slice %arg3[%add3A_40] : memref<16384xi32, #tpu.memory_space<hbm>> -> memref<128xi32, #tpu.memory_space<hbm>>
        %dma_wait3A_48 = tpu.memref_slice %arg3[%add3A_40] : memref<16384xi32, #tpu.memory_space<hbm>> -> memref<128xi32, #tpu.memory_space<hbm>>
        tpu.wait_dma2 semaphore(%run_scoped3A : memref<!tpu.dma_semaphore, #tpu.memory_space<semaphore_mem>>) src(%dma_wait3A_48 : memref<128xi32, #tpu.memory_space<hbm>>) dst(%arg9 : memref<128xi32, #tpu.memory_space<vmem>>)
        tpu.yield
      }) : () -> ()
      "tpu.region"() ({
        %run_scoped3A = tpu.sem_alloc : memref<!tpu.dma_semaphore, #tpu.memory_space<semaphore_mem>>
        %dma_start3A_45 = tpu.memref_slice %arg4[%add3A_40] : memref<16384xi32, #tpu.memory_space<hbm>> -> memref<128xi32, #tpu.memory_space<hbm>>
        %dma_start3A_46 = tpu.memref_slice %arg4[%add3A_40] : memref<16384xi32, #tpu.memory_space<hbm>> -> memref<128xi32, #tpu.memory_space<hbm>>
        tpu.enqueue_dma source(%dma_start3A_46 : memref<128xi32, #tpu.memory_space<hbm>>) target(%arg10 : memref<128xi32, #tpu.memory_space<vmem>>) target_semaphore(%run_scoped3A : memref<!tpu.dma_semaphore, #tpu.memory_space<semaphore_mem>>)
        %dma_wait3A_47 = tpu.memref_slice %arg4[%add3A_40] : memref<16384xi32, #tpu.memory_space<hbm>> -> memref<128xi32, #tpu.memory_space<hbm>>
        %dma_wait3A_48 = tpu.memref_slice %arg4[%add3A_40] : memref<16384xi32, #tpu.memory_space<hbm>> -> memref<128xi32, #tpu.memory_space<hbm>>
        tpu.wait_dma2 semaphore(%run_scoped3A : memref<!tpu.dma_semaphore, #tpu.memory_space<semaphore_mem>>) src(%dma_wait3A_48 : memref<128xi32, #tpu.memory_space<hbm>>) dst(%arg10 : memref<128xi32, #tpu.memory_space<vmem>>)
        tpu.yield
      }) : () -> ()
      %dma_start3A = arith.constant 0 : i32
      %dma_start3A_41 = arith.constant 0 : i32
      %dma_start3A_42 = tpu.memref_slice %arg2[%dma_start3A, %dma_start3A_41] : memref<10000x32xf32, #tpu.memory_space<hbm>> -> memref<10000x32xf32, #tpu.memory_space<hbm>>
      tpu.enqueue_indirect_dma source(%dma_start3A_42 : memref<10000x32xf32, #tpu.memory_space<hbm>>) target(%arg11 : memref<128x32xf32, #tpu.memory_space<vmem>>) offsets(%arg9 : memref<128xi32, #tpu.memory_space<vmem>>) semaphore(%arg16 : memref<!tpu.dma_semaphore, #tpu.memory_space<semaphore_mem>>)
      %dma_wait3A = arith.constant 0 : i32
      %dma_wait3A_43 = arith.constant 0 : i32
      %dma_wait3A_44 = tpu.memref_slice %arg2[%dma_wait3A, %dma_wait3A_43] : memref<10000x32xf32, #tpu.memory_space<hbm>> -> memref<10000x32xf32, #tpu.memory_space<hbm>>
      tpu.wait_indirect_dma semaphore(%arg16 : memref<!tpu.dma_semaphore, #tpu.memory_space<semaphore_mem>>) src(%dma_wait3A_44 : memref<10000x32xf32, #tpu.memory_space<hbm>>) dst(%arg11 : memref<128x32xf32, #tpu.memory_space<vmem>>)
      "tpu.region"() ({
        %run_scoped3A = tpu.sem_alloc : memref<!tpu.dma_semaphore, #tpu.memory_space<semaphore_mem>>
        %dma_start3A_45 = arith.constant 0 : i32
        %dma_start3A_46 = arith.constant 0 : i32
        %dma_start3A_47 = tpu.memref_slice %arg14[%dma_start3A_45, %dma_start3A_46] : memref<4096x32xf32, #tpu.memory_space<vmem_shared>> -> memref<4096x32xf32, #tpu.memory_space<vmem_shared>>
        tpu.enqueue_indirect_dma source(%arg11 : memref<128x32xf32, #tpu.memory_space<vmem>>) target(%dma_start3A_47 : memref<4096x32xf32, #tpu.memory_space<vmem_shared>>) offsets(%arg10 : memref<128xi32, #tpu.memory_space<vmem>>) semaphore(%run_scoped3A : memref<!tpu.dma_semaphore, #tpu.memory_space<semaphore_mem>>) {add = true}
        %dma_wait3A_48 = arith.constant 0 : i32
        %dma_wait3A_49 = arith.constant 0 : i32
        %dma_wait3A_50 = tpu.memref_slice %arg14[%dma_wait3A_48, %dma_wait3A_49] : memref<4096x32xf32, #tpu.memory_space<vmem_shared>> -> memref<4096x32xf32, #tpu.memory_space<vmem_shared>>
        tpu.wait_indirect_dma semaphore(%run_scoped3A : memref<!tpu.dma_semaphore, #tpu.memory_space<semaphore_mem>>) src(%arg11 : memref<128x32xf32, #tpu.memory_space<vmem>>) dst(%dma_wait3A_50 : memref<4096x32xf32, #tpu.memory_space<vmem_shared>>)
        tpu.yield
      }) : () -> ()
      "tpu.region"() ({
        %run_scoped3A = tpu.sem_alloc : memref<!tpu.dma_semaphore, #tpu.memory_space<semaphore_mem>>
        %dma_start3A_45 = arith.constant 0 : i32
        %dma_start3A_46 = arith.constant 0 : i32
        %dma_start3A_47 = tpu.memref_slice %arg15[%dma_start3A_45, %dma_start3A_46] : memref<4096x16xf32, #tpu.memory_space<vmem_shared>> -> memref<4096x16xf32, #tpu.memory_space<vmem_shared>>
        tpu.enqueue_indirect_dma source(%arg12 : memref<128x16xf32, #tpu.memory_space<vmem>>) target(%dma_start3A_47 : memref<4096x16xf32, #tpu.memory_space<vmem_shared>>) offsets(%arg10 : memref<128xi32, #tpu.memory_space<vmem>>) semaphore(%run_scoped3A : memref<!tpu.dma_semaphore, #tpu.memory_space<semaphore_mem>>) {add = true}
        %dma_wait3A_48 = arith.constant 0 : i32
        %dma_wait3A_49 = arith.constant 0 : i32
        %dma_wait3A_50 = tpu.memref_slice %arg15[%dma_wait3A_48, %dma_wait3A_49] : memref<4096x16xf32, #tpu.memory_space<vmem_shared>> -> memref<4096x16xf32, #tpu.memory_space<vmem_shared>>
        tpu.wait_indirect_dma semaphore(%run_scoped3A : memref<!tpu.dma_semaphore, #tpu.memory_space<semaphore_mem>>) src(%arg12 : memref<128x16xf32, #tpu.memory_space<vmem>>) dst(%dma_wait3A_50 : memref<4096x16xf32, #tpu.memory_space<vmem_shared>>)
        tpu.yield
      }) : () -> ()
    }
    %scan3A_10 = arith.constant 4 : i32
    %barrier3A_11 = arith.constant 0 : index
    tpu.barrier barrier_id(%barrier3A_11)
    %mul3A_12 = arith.constant 256 : i32
    %mul3A_13 = arith.muli %arg1, %mul3A_12 : i32
    %add3A_14 = arith.constant 0 : i32
    %add3A_15 = arith.addi %mul3A_13, %add3A_14 : i32
    "tpu.region"() ({
      %run_scoped3A = tpu.sem_alloc : memref<!tpu.dma_semaphore, #tpu.memory_space<semaphore_mem>>
      %dma_start3A = arith.constant 0 : i32
      %dma_start3A_32 = arith.constant 0 : i32
      %dma_start3A_33 = tpu.memref_slice %arg13[%dma_start3A, %dma_start3A_32] : memref<128x32xf32, #tpu.memory_space<vmem>> -> memref<128x32xf32, #tpu.memory_space<vmem>>
      %dma_start3A_34 = arith.constant 0 : i32
      %dma_start3A_35 = tpu.memref_slice %arg14[%add3A_15, %dma_start3A_34] : memref<4096x32xf32, #tpu.memory_space<vmem_shared>> -> memref<128x32xf32, #tpu.memory_space<vmem_shared>>
      %dma_start3A_36 = arith.constant 0 : i32
      %dma_start3A_37 = arith.constant 0 : i32
      %dma_start3A_38 = tpu.memref_slice %arg13[%dma_start3A_36, %dma_start3A_37] : memref<128x32xf32, #tpu.memory_space<vmem>> -> memref<128x32xf32, #tpu.memory_space<vmem>>
      %dma_start3A_39 = arith.constant 0 : i32
      %dma_start3A_40 = tpu.memref_slice %arg14[%add3A_15, %dma_start3A_39] : memref<4096x32xf32, #tpu.memory_space<vmem_shared>> -> memref<128x32xf32, #tpu.memory_space<vmem_shared>>
      tpu.enqueue_dma source(%dma_start3A_40 : memref<128x32xf32, #tpu.memory_space<vmem_shared>>) target(%dma_start3A_38 : memref<128x32xf32, #tpu.memory_space<vmem>>) target_semaphore(%run_scoped3A : memref<!tpu.dma_semaphore, #tpu.memory_space<semaphore_mem>>)
      %dma_wait3A = arith.constant 0 : i32
      %dma_wait3A_41 = arith.constant 0 : i32
      %dma_wait3A_42 = tpu.memref_slice %arg13[%dma_wait3A, %dma_wait3A_41] : memref<128x32xf32, #tpu.memory_space<vmem>> -> memref<128x32xf32, #tpu.memory_space<vmem>>
      %dma_wait3A_43 = arith.constant 0 : i32
      %dma_wait3A_44 = tpu.memref_slice %arg14[%add3A_15, %dma_wait3A_43] : memref<4096x32xf32, #tpu.memory_space<vmem_shared>> -> memref<128x32xf32, #tpu.memory_space<vmem_shared>>
      %dma_wait3A_45 = arith.constant 0 : i32
      %dma_wait3A_46 = arith.constant 0 : i32
      %dma_wait3A_47 = tpu.memref_slice %arg13[%dma_wait3A_45, %dma_wait3A_46] : memref<128x32xf32, #tpu.memory_space<vmem>> -> memref<128x32xf32, #tpu.memory_space<vmem>>
      %dma_wait3A_48 = arith.constant 0 : i32
      %dma_wait3A_49 = tpu.memref_slice %arg14[%add3A_15, %dma_wait3A_48] : memref<4096x32xf32, #tpu.memory_space<vmem_shared>> -> memref<128x32xf32, #tpu.memory_space<vmem_shared>>
      tpu.wait_dma2 semaphore(%run_scoped3A : memref<!tpu.dma_semaphore, #tpu.memory_space<semaphore_mem>>) src(%dma_wait3A_49 : memref<128x32xf32, #tpu.memory_space<vmem_shared>>) dst(%dma_wait3A_47 : memref<128x32xf32, #tpu.memory_space<vmem>>)
      tpu.yield
    }) : () -> ()
    %mul3A_16 = arith.constant 4096 : i32
    %mul3A_17 = arith.muli %arg0, %mul3A_16 : i32
    %add3A_18 = arith.addi %mul3A_17, %add3A_15 : i32
    "tpu.region"() ({
      %run_scoped3A = tpu.sem_alloc : memref<!tpu.dma_semaphore, #tpu.memory_space<semaphore_mem>>
      %dma_start3A = arith.constant 0 : i32
      %dma_start3A_32 = arith.constant 0 : i32
      %dma_start3A_33 = tpu.memref_slice %arg13[%dma_start3A, %dma_start3A_32] : memref<128x32xf32, #tpu.memory_space<vmem>> -> memref<128x32xf32, #tpu.memory_space<vmem>>
      %dma_start3A_34 = arith.constant 0 : i32
      %dma_start3A_35 = tpu.memref_slice %arg7[%add3A_18, %dma_start3A_34] : memref<8192x32xf32, #tpu.memory_space<hbm>> -> memref<128x32xf32, #tpu.memory_space<hbm>>
      %dma_start3A_36 = arith.constant 0 : i32
      %dma_start3A_37 = tpu.memref_slice %arg7[%add3A_18, %dma_start3A_36] : memref<8192x32xf32, #tpu.memory_space<hbm>> -> memref<128x32xf32, #tpu.memory_space<hbm>>
      %dma_start3A_38 = arith.constant 0 : i32
      %dma_start3A_39 = arith.constant 0 : i32
      %dma_start3A_40 = tpu.memref_slice %arg13[%dma_start3A_38, %dma_start3A_39] : memref<128x32xf32, #tpu.memory_space<vmem>> -> memref<128x32xf32, #tpu.memory_space<vmem>>
      tpu.enqueue_dma source(%dma_start3A_40 : memref<128x32xf32, #tpu.memory_space<vmem>>) target(%dma_start3A_37 : memref<128x32xf32, #tpu.memory_space<hbm>>) target_semaphore(%run_scoped3A : memref<!tpu.dma_semaphore, #tpu.memory_space<semaphore_mem>>)
      %dma_wait3A = arith.constant 0 : i32
      %dma_wait3A_41 = arith.constant 0 : i32
      %dma_wait3A_42 = tpu.memref_slice %arg13[%dma_wait3A, %dma_wait3A_41] : memref<128x32xf32, #tpu.memory_space<vmem>> -> memref<128x32xf32, #tpu.memory_space<vmem>>
      %dma_wait3A_43 = arith.constant 0 : i32
      %dma_wait3A_44 = tpu.memref_slice %arg7[%add3A_18, %dma_wait3A_43] : memref<8192x32xf32, #tpu.memory_space<hbm>> -> memref<128x32xf32, #tpu.memory_space<hbm>>
      %dma_wait3A_45 = arith.constant 0 : i32
      %dma_wait3A_46 = tpu.memref_slice %arg7[%add3A_18, %dma_wait3A_45] : memref<8192x32xf32, #tpu.memory_space<hbm>> -> memref<128x32xf32, #tpu.memory_space<hbm>>
      %dma_wait3A_47 = arith.constant 0 : i32
      %dma_wait3A_48 = arith.constant 0 : i32
      %dma_wait3A_49 = tpu.memref_slice %arg13[%dma_wait3A_47, %dma_wait3A_48] : memref<128x32xf32, #tpu.memory_space<vmem>> -> memref<128x32xf32, #tpu.memory_space<vmem>>
      tpu.wait_dma2 semaphore(%run_scoped3A : memref<!tpu.dma_semaphore, #tpu.memory_space<semaphore_mem>>) src(%dma_wait3A_49 : memref<128x32xf32, #tpu.memory_space<vmem>>) dst(%dma_wait3A_46 : memref<128x32xf32, #tpu.memory_space<hbm>>)
      tpu.yield
    }) : () -> ()
    "tpu.region"() ({
      %run_scoped3A = tpu.sem_alloc : memref<!tpu.dma_semaphore, #tpu.memory_space<semaphore_mem>>
      %dma_start3A = arith.constant 0 : i32
      %dma_start3A_32 = arith.constant 0 : i32
      %dma_start3A_33 = tpu.memref_slice %arg13[%dma_start3A, %dma_start3A_32] : memref<128x32xf32, #tpu.memory_space<vmem>> -> memref<128x16xf32, #tpu.memory_space<vmem>>
      %dma_start3A_34 = arith.constant 0 : i32
      %dma_start3A_35 = tpu.memref_slice %arg15[%add3A_15, %dma_start3A_34] : memref<4096x16xf32, #tpu.memory_space<vmem_shared>> -> memref<128x16xf32, #tpu.memory_space<vmem_shared>>
      %dma_start3A_36 = arith.constant 0 : i32
      %dma_start3A_37 = arith.constant 0 : i32
      %dma_start3A_38 = tpu.memref_slice %arg13[%dma_start3A_36, %dma_start3A_37] : memref<128x32xf32, #tpu.memory_space<vmem>> -> memref<128x16xf32, #tpu.memory_space<vmem>>
      %dma_start3A_39 = arith.constant 0 : i32
      %dma_start3A_40 = tpu.memref_slice %arg15[%add3A_15, %dma_start3A_39] : memref<4096x16xf32, #tpu.memory_space<vmem_shared>> -> memref<128x16xf32, #tpu.memory_space<vmem_shared>>
      tpu.enqueue_dma source(%dma_start3A_40 : memref<128x16xf32, #tpu.memory_space<vmem_shared>>) target(%dma_start3A_38 : memref<128x16xf32, #tpu.memory_space<vmem>>) target_semaphore(%run_scoped3A : memref<!tpu.dma_semaphore, #tpu.memory_space<semaphore_mem>>)
      %dma_wait3A = arith.constant 0 : i32
      %dma_wait3A_41 = arith.constant 0 : i32
      %dma_wait3A_42 = tpu.memref_slice %arg13[%dma_wait3A, %dma_wait3A_41] : memref<128x32xf32, #tpu.memory_space<vmem>> -> memref<128x16xf32, #tpu.memory_space<vmem>>
      %dma_wait3A_43 = arith.constant 0 : i32
      %dma_wait3A_44 = tpu.memref_slice %arg15[%add3A_15, %dma_wait3A_43] : memref<4096x16xf32, #tpu.memory_space<vmem_shared>> -> memref<128x16xf32, #tpu.memory_space<vmem_shared>>
      %dma_wait3A_45 = arith.constant 0 : i32
      %dma_wait3A_46 = arith.constant 0 : i32
      %dma_wait3A_47 = tpu.memref_slice %arg13[%dma_wait3A_45, %dma_wait3A_46] : memref<128x32xf32, #tpu.memory_space<vmem>> -> memref<128x16xf32, #tpu.memory_space<vmem>>
      %dma_wait3A_48 = arith.constant 0 : i32
      %dma_wait3A_49 = tpu.memref_slice %arg15[%add3A_15, %dma_wait3A_48] : memref<4096x16xf32, #tpu.memory_space<vmem_shared>> -> memref<128x16xf32, #tpu.memory_space<vmem_shared>>
      tpu.wait_dma2 semaphore(%run_scoped3A : memref<!tpu.dma_semaphore, #tpu.memory_space<semaphore_mem>>) src(%dma_wait3A_49 : memref<128x16xf32, #tpu.memory_space<vmem_shared>>) dst(%dma_wait3A_47 : memref<128x16xf32, #tpu.memory_space<vmem>>)
      tpu.yield
    }) : () -> ()
    %mul3A_19 = arith.constant 4096 : i32
    %mul3A_20 = arith.muli %arg0, %mul3A_19 : i32
    %add3A_21 = arith.addi %mul3A_20, %add3A_15 : i32
    "tpu.region"() ({
      %run_scoped3A = tpu.sem_alloc : memref<!tpu.dma_semaphore, #tpu.memory_space<semaphore_mem>>
      %dma_start3A = arith.constant 0 : i32
      %dma_start3A_32 = arith.constant 0 : i32
      %dma_start3A_33 = tpu.memref_slice %arg13[%dma_start3A, %dma_start3A_32] : memref<128x32xf32, #tpu.memory_space<vmem>> -> memref<128x16xf32, #tpu.memory_space<vmem>>
      %dma_start3A_34 = arith.constant 0 : i32
      %dma_start3A_35 = tpu.memref_slice %arg8[%add3A_21, %dma_start3A_34] : memref<8192x16xf32, #tpu.memory_space<hbm>> -> memref<128x16xf32, #tpu.memory_space<hbm>>
      %dma_start3A_36 = arith.constant 0 : i32
      %dma_start3A_37 = tpu.memref_slice %arg8[%add3A_21, %dma_start3A_36] : memref<8192x16xf32, #tpu.memory_space<hbm>> -> memref<128x16xf32, #tpu.memory_space<hbm>>
      %dma_start3A_38 = arith.constant 0 : i32
      %dma_start3A_39 = arith.constant 0 : i32
      %dma_start3A_40 = tpu.memref_slice %arg13[%dma_start3A_38, %dma_start3A_39] : memref<128x32xf32, #tpu.memory_space<vmem>> -> memref<128x16xf32, #tpu.memory_space<vmem>>
      tpu.enqueue_dma source(%dma_start3A_40 : memref<128x16xf32, #tpu.memory_space<vmem>>) target(%dma_start3A_37 : memref<128x16xf32, #tpu.memory_space<hbm>>) target_semaphore(%run_scoped3A : memref<!tpu.dma_semaphore, #tpu.memory_space<semaphore_mem>>)
      %dma_wait3A = arith.constant 0 : i32
      %dma_wait3A_41 = arith.constant 0 : i32
      %dma_wait3A_42 = tpu.memref_slice %arg13[%dma_wait3A, %dma_wait3A_41] : memref<128x32xf32, #tpu.memory_space<vmem>> -> memref<128x16xf32, #tpu.memory_space<vmem>>
      %dma_wait3A_43 = arith.constant 0 : i32
      %dma_wait3A_44 = tpu.memref_slice %arg8[%add3A_21, %dma_wait3A_43] : memref<8192x16xf32, #tpu.memory_space<hbm>> -> memref<128x16xf32, #tpu.memory_space<hbm>>
      %dma_wait3A_45 = arith.constant 0 : i32
      %dma_wait3A_46 = tpu.memref_slice %arg8[%add3A_21, %dma_wait3A_45] : memref<8192x16xf32, #tpu.memory_space<hbm>> -> memref<128x16xf32, #tpu.memory_space<hbm>>
      %dma_wait3A_47 = arith.constant 0 : i32
      %dma_wait3A_48 = arith.constant 0 : i32
      %dma_wait3A_49 = tpu.memref_slice %arg13[%dma_wait3A_47, %dma_wait3A_48] : memref<128x32xf32, #tpu.memory_space<vmem>> -> memref<128x16xf32, #tpu.memory_space<vmem>>
      tpu.wait_dma2 semaphore(%run_scoped3A : memref<!tpu.dma_semaphore, #tpu.memory_space<semaphore_mem>>) src(%dma_wait3A_49 : memref<128x16xf32, #tpu.memory_space<vmem>>) dst(%dma_wait3A_46 : memref<128x16xf32, #tpu.memory_space<hbm>>)
      tpu.yield
    }) : () -> ()
    %mul3A_22 = arith.constant 256 : i32
    %mul3A_23 = arith.muli %arg1, %mul3A_22 : i32
    %add3A_24 = arith.constant 128 : i32
    %add3A_25 = arith.addi %mul3A_23, %add3A_24 : i32
    "tpu.region"() ({
      %run_scoped3A = tpu.sem_alloc : memref<!tpu.dma_semaphore, #tpu.memory_space<semaphore_mem>>
      %dma_start3A = arith.constant 0 : i32
      %dma_start3A_32 = arith.constant 0 : i32
      %dma_start3A_33 = tpu.memref_slice %arg13[%dma_start3A, %dma_start3A_32] : memref<128x32xf32, #tpu.memory_space<vmem>> -> memref<128x32xf32, #tpu.memory_space<vmem>>
      %dma_start3A_34 = arith.constant 0 : i32
      %dma_start3A_35 = tpu.memref_slice %arg14[%add3A_25, %dma_start3A_34] : memref<4096x32xf32, #tpu.memory_space<vmem_shared>> -> memref<128x32xf32, #tpu.memory_space<vmem_shared>>
      %dma_start3A_36 = arith.constant 0 : i32
      %dma_start3A_37 = arith.constant 0 : i32
      %dma_start3A_38 = tpu.memref_slice %arg13[%dma_start3A_36, %dma_start3A_37] : memref<128x32xf32, #tpu.memory_space<vmem>> -> memref<128x32xf32, #tpu.memory_space<vmem>>
      %dma_start3A_39 = arith.constant 0 : i32
      %dma_start3A_40 = tpu.memref_slice %arg14[%add3A_25, %dma_start3A_39] : memref<4096x32xf32, #tpu.memory_space<vmem_shared>> -> memref<128x32xf32, #tpu.memory_space<vmem_shared>>
      tpu.enqueue_dma source(%dma_start3A_40 : memref<128x32xf32, #tpu.memory_space<vmem_shared>>) target(%dma_start3A_38 : memref<128x32xf32, #tpu.memory_space<vmem>>) target_semaphore(%run_scoped3A : memref<!tpu.dma_semaphore, #tpu.memory_space<semaphore_mem>>)
      %dma_wait3A = arith.constant 0 : i32
      %dma_wait3A_41 = arith.constant 0 : i32
      %dma_wait3A_42 = tpu.memref_slice %arg13[%dma_wait3A, %dma_wait3A_41] : memref<128x32xf32, #tpu.memory_space<vmem>> -> memref<128x32xf32, #tpu.memory_space<vmem>>
      %dma_wait3A_43 = arith.constant 0 : i32
      %dma_wait3A_44 = tpu.memref_slice %arg14[%add3A_25, %dma_wait3A_43] : memref<4096x32xf32, #tpu.memory_space<vmem_shared>> -> memref<128x32xf32, #tpu.memory_space<vmem_shared>>
      %dma_wait3A_45 = arith.constant 0 : i32
      %dma_wait3A_46 = arith.constant 0 : i32
      %dma_wait3A_47 = tpu.memref_slice %arg13[%dma_wait3A_45, %dma_wait3A_46] : memref<128x32xf32, #tpu.memory_space<vmem>> -> memref<128x32xf32, #tpu.memory_space<vmem>>
      %dma_wait3A_48 = arith.constant 0 : i32
      %dma_wait3A_49 = tpu.memref_slice %arg14[%add3A_25, %dma_wait3A_48] : memref<4096x32xf32, #tpu.memory_space<vmem_shared>> -> memref<128x32xf32, #tpu.memory_space<vmem_shared>>
      tpu.wait_dma2 semaphore(%run_scoped3A : memref<!tpu.dma_semaphore, #tpu.memory_space<semaphore_mem>>) src(%dma_wait3A_49 : memref<128x32xf32, #tpu.memory_space<vmem_shared>>) dst(%dma_wait3A_47 : memref<128x32xf32, #tpu.memory_space<vmem>>)
      tpu.yield
    }) : () -> ()
    %mul3A_26 = arith.constant 4096 : i32
    %mul3A_27 = arith.muli %arg0, %mul3A_26 : i32
    %add3A_28 = arith.addi %mul3A_27, %add3A_25 : i32
    "tpu.region"() ({
      %run_scoped3A = tpu.sem_alloc : memref<!tpu.dma_semaphore, #tpu.memory_space<semaphore_mem>>
      %dma_start3A = arith.constant 0 : i32
      %dma_start3A_32 = arith.constant 0 : i32
      %dma_start3A_33 = tpu.memref_slice %arg13[%dma_start3A, %dma_start3A_32] : memref<128x32xf32, #tpu.memory_space<vmem>> -> memref<128x32xf32, #tpu.memory_space<vmem>>
      %dma_start3A_34 = arith.constant 0 : i32
      %dma_start3A_35 = tpu.memref_slice %arg7[%add3A_28, %dma_start3A_34] : memref<8192x32xf32, #tpu.memory_space<hbm>> -> memref<128x32xf32, #tpu.memory_space<hbm>>
      %dma_start3A_36 = arith.constant 0 : i32
      %dma_start3A_37 = tpu.memref_slice %arg7[%add3A_28, %dma_start3A_36] : memref<8192x32xf32, #tpu.memory_space<hbm>> -> memref<128x32xf32, #tpu.memory_space<hbm>>
      %dma_start3A_38 = arith.constant 0 : i32
      %dma_start3A_39 = arith.constant 0 : i32
      %dma_start3A_40 = tpu.memref_slice %arg13[%dma_start3A_38, %dma_start3A_39] : memref<128x32xf32, #tpu.memory_space<vmem>> -> memref<128x32xf32, #tpu.memory_space<vmem>>
      tpu.enqueue_dma source(%dma_start3A_40 : memref<128x32xf32, #tpu.memory_space<vmem>>) target(%dma_start3A_37 : memref<128x32xf32, #tpu.memory_space<hbm>>) target_semaphore(%run_scoped3A : memref<!tpu.dma_semaphore, #tpu.memory_space<semaphore_mem>>)
      %dma_wait3A = arith.constant 0 : i32
      %dma_wait3A_41 = arith.constant 0 : i32
      %dma_wait3A_42 = tpu.memref_slice %arg13[%dma_wait3A, %dma_wait3A_41] : memref<128x32xf32, #tpu.memory_space<vmem>> -> memref<128x32xf32, #tpu.memory_space<vmem>>
      %dma_wait3A_43 = arith.constant 0 : i32
      %dma_wait3A_44 = tpu.memref_slice %arg7[%add3A_28, %dma_wait3A_43] : memref<8192x32xf32, #tpu.memory_space<hbm>> -> memref<128x32xf32, #tpu.memory_space<hbm>>
      %dma_wait3A_45 = arith.constant 0 : i32
      %dma_wait3A_46 = tpu.memref_slice %arg7[%add3A_28, %dma_wait3A_45] : memref<8192x32xf32, #tpu.memory_space<hbm>> -> memref<128x32xf32, #tpu.memory_space<hbm>>
      %dma_wait3A_47 = arith.constant 0 : i32
      %dma_wait3A_48 = arith.constant 0 : i32
      %dma_wait3A_49 = tpu.memref_slice %arg13[%dma_wait3A_47, %dma_wait3A_48] : memref<128x32xf32, #tpu.memory_space<vmem>> -> memref<128x32xf32, #tpu.memory_space<vmem>>
      tpu.wait_dma2 semaphore(%run_scoped3A : memref<!tpu.dma_semaphore, #tpu.memory_space<semaphore_mem>>) src(%dma_wait3A_49 : memref<128x32xf32, #tpu.memory_space<vmem>>) dst(%dma_wait3A_46 : memref<128x32xf32, #tpu.memory_space<hbm>>)
      tpu.yield
    }) : () -> ()
    "tpu.region"() ({
      %run_scoped3A = tpu.sem_alloc : memref<!tpu.dma_semaphore, #tpu.memory_space<semaphore_mem>>
      %dma_start3A = arith.constant 0 : i32
      %dma_start3A_32 = arith.constant 0 : i32
      %dma_start3A_33 = tpu.memref_slice %arg13[%dma_start3A, %dma_start3A_32] : memref<128x32xf32, #tpu.memory_space<vmem>> -> memref<128x16xf32, #tpu.memory_space<vmem>>
      %dma_start3A_34 = arith.constant 0 : i32
      %dma_start3A_35 = tpu.memref_slice %arg15[%add3A_25, %dma_start3A_34] : memref<4096x16xf32, #tpu.memory_space<vmem_shared>> -> memref<128x16xf32, #tpu.memory_space<vmem_shared>>
      %dma_start3A_36 = arith.constant 0 : i32
      %dma_start3A_37 = arith.constant 0 : i32
      %dma_start3A_38 = tpu.memref_slice %arg13[%dma_start3A_36, %dma_start3A_37] : memref<128x32xf32, #tpu.memory_space<vmem>> -> memref<128x16xf32, #tpu.memory_space<vmem>>
      %dma_start3A_39 = arith.constant 0 : i32
      %dma_start3A_40 = tpu.memref_slice %arg15[%add3A_25, %dma_start3A_39] : memref<4096x16xf32, #tpu.memory_space<vmem_shared>> -> memref<128x16xf32, #tpu.memory_space<vmem_shared>>
      tpu.enqueue_dma source(%dma_start3A_40 : memref<128x16xf32, #tpu.memory_space<vmem_shared>>) target(%dma_start3A_38 : memref<128x16xf32, #tpu.memory_space<vmem>>) target_semaphore(%run_scoped3A : memref<!tpu.dma_semaphore, #tpu.memory_space<semaphore_mem>>)
      %dma_wait3A = arith.constant 0 : i32
      %dma_wait3A_41 = arith.constant 0 : i32
      %dma_wait3A_42 = tpu.memref_slice %arg13[%dma_wait3A, %dma_wait3A_41] : memref<128x32xf32, #tpu.memory_space<vmem>> -> memref<128x16xf32, #tpu.memory_space<vmem>>
      %dma_wait3A_43 = arith.constant 0 : i32
      %dma_wait3A_44 = tpu.memref_slice %arg15[%add3A_25, %dma_wait3A_43] : memref<4096x16xf32, #tpu.memory_space<vmem_shared>> -> memref<128x16xf32, #tpu.memory_space<vmem_shared>>
      %dma_wait3A_45 = arith.constant 0 : i32
      %dma_wait3A_46 = arith.constant 0 : i32
      %dma_wait3A_47 = tpu.memref_slice %arg13[%dma_wait3A_45, %dma_wait3A_46] : memref<128x32xf32, #tpu.memory_space<vmem>> -> memref<128x16xf32, #tpu.memory_space<vmem>>
      %dma_wait3A_48 = arith.constant 0 : i32
      %dma_wait3A_49 = tpu.memref_slice %arg15[%add3A_25, %dma_wait3A_48] : memref<4096x16xf32, #tpu.memory_space<vmem_shared>> -> memref<128x16xf32, #tpu.memory_space<vmem_shared>>
      tpu.wait_dma2 semaphore(%run_scoped3A : memref<!tpu.dma_semaphore, #tpu.memory_space<semaphore_mem>>) src(%dma_wait3A_49 : memref<128x16xf32, #tpu.memory_space<vmem_shared>>) dst(%dma_wait3A_47 : memref<128x16xf32, #tpu.memory_space<vmem>>)
      tpu.yield
    }) : () -> ()
    %mul3A_29 = arith.constant 4096 : i32
    %mul3A_30 = arith.muli %arg0, %mul3A_29 : i32
    %add3A_31 = arith.addi %mul3A_30, %add3A_25 : i32
    "tpu.region"() ({
      %run_scoped3A = tpu.sem_alloc : memref<!tpu.dma_semaphore, #tpu.memory_space<semaphore_mem>>
      %dma_start3A = arith.constant 0 : i32
      %dma_start3A_32 = arith.constant 0 : i32
      %dma_start3A_33 = tpu.memref_slice %arg13[%dma_start3A, %dma_start3A_32] : memref<128x32xf32, #tpu.memory_space<vmem>> -> memref<128x16xf32, #tpu.memory_space<vmem>>
      %dma_start3A_34 = arith.constant 0 : i32
      %dma_start3A_35 = tpu.memref_slice %arg8[%add3A_31, %dma_start3A_34] : memref<8192x16xf32, #tpu.memory_space<hbm>> -> memref<128x16xf32, #tpu.memory_space<hbm>>
      %dma_start3A_36 = arith.constant 0 : i32
      %dma_start3A_37 = tpu.memref_slice %arg8[%add3A_31, %dma_start3A_36] : memref<8192x16xf32, #tpu.memory_space<hbm>> -> memref<128x16xf32, #tpu.memory_space<hbm>>
      %dma_start3A_38 = arith.constant 0 : i32
      %dma_start3A_39 = arith.constant 0 : i32
      %dma_start3A_40 = tpu.memref_slice %arg13[%dma_start3A_38, %dma_start3A_39] : memref<128x32xf32, #tpu.memory_space<vmem>> -> memref<128x16xf32, #tpu.memory_space<vmem>>
      tpu.enqueue_dma source(%dma_start3A_40 : memref<128x16xf32, #tpu.memory_space<vmem>>) target(%dma_start3A_37 : memref<128x16xf32, #tpu.memory_space<hbm>>) target_semaphore(%run_scoped3A : memref<!tpu.dma_semaphore, #tpu.memory_space<semaphore_mem>>)
      %dma_wait3A = arith.constant 0 : i32
      %dma_wait3A_41 = arith.constant 0 : i32
      %dma_wait3A_42 = tpu.memref_slice %arg13[%dma_wait3A, %dma_wait3A_41] : memref<128x32xf32, #tpu.memory_space<vmem>> -> memref<128x16xf32, #tpu.memory_space<vmem>>
      %dma_wait3A_43 = arith.constant 0 : i32
      %dma_wait3A_44 = tpu.memref_slice %arg8[%add3A_31, %dma_wait3A_43] : memref<8192x16xf32, #tpu.memory_space<hbm>> -> memref<128x16xf32, #tpu.memory_space<hbm>>
      %dma_wait3A_45 = arith.constant 0 : i32
      %dma_wait3A_46 = tpu.memref_slice %arg8[%add3A_31, %dma_wait3A_45] : memref<8192x16xf32, #tpu.memory_space<hbm>> -> memref<128x16xf32, #tpu.memory_space<hbm>>
      %dma_wait3A_47 = arith.constant 0 : i32
      %dma_wait3A_48 = arith.constant 0 : i32
      %dma_wait3A_49 = tpu.memref_slice %arg13[%dma_wait3A_47, %dma_wait3A_48] : memref<128x32xf32, #tpu.memory_space<vmem>> -> memref<128x16xf32, #tpu.memory_space<vmem>>
      tpu.wait_dma2 semaphore(%run_scoped3A : memref<!tpu.dma_semaphore, #tpu.memory_space<semaphore_mem>>) src(%dma_wait3A_49 : memref<128x16xf32, #tpu.memory_space<vmem>>) dst(%dma_wait3A_46 : memref<128x16xf32, #tpu.memory_space<hbm>>)
      tpu.yield
    }) : () -> ()
    return
  }
}

module attributes {stable_mosaic.version = 14 : i64} {
  func.func @_msg_body(%arg0: i32, %arg1: memref<2048x16xf32, #tpu.memory_space<vmem>>, %arg2: memref<2048x32xf32, #tpu.memory_space<vmem>>, %arg3: memref<16x128xf32, #tpu.memory_space<vmem>>, %arg4: memref<1x128xf32, #tpu.memory_space<vmem>>, %arg5: memref<128x512xf32, #tpu.memory_space<vmem>>, %arg6: memref<1x512xf32, #tpu.memory_space<vmem>>, %arg7: memref<32x512xf32, #tpu.memory_space<vmem>>, %arg8: memref<512x16xf32, #tpu.memory_space<vmem>>, %arg9: memref<2048x16xf32, #tpu.memory_space<vmem>>) attributes {dimension_semantics = [#tpu.dimension_semantics<parallel>], iteration_bounds = array<i64: 80>, scalar_prefetch = 0 : i64, scratch_operands = 0 : i64, tpu.core_type = #tpu.core_type<tc>, window_params = [{transform_indices = @transform_0, window_bounds = array<i64: 2048, 16>}, {transform_indices = @transform_1, window_bounds = array<i64: 2048, 32>}, {pipeline_mode = #tpu.pipeline_mode<synchronous>, transform_indices = @transform_2, window_bounds = array<i64: 16, 128>}, {pipeline_mode = #tpu.pipeline_mode<synchronous>, transform_indices = @transform_3, window_bounds = array<i64: 1, 128>}, {pipeline_mode = #tpu.pipeline_mode<synchronous>, transform_indices = @transform_4, window_bounds = array<i64: 128, 512>}, {pipeline_mode = #tpu.pipeline_mode<synchronous>, transform_indices = @transform_5, window_bounds = array<i64: 1, 512>}, {pipeline_mode = #tpu.pipeline_mode<synchronous>, transform_indices = @transform_6, window_bounds = array<i64: 32, 512>}, {pipeline_mode = #tpu.pipeline_mode<synchronous>, transform_indices = @transform_7, window_bounds = array<i64: 512, 16>}, {transform_indices = @transform_8, window_bounds = array<i64: 2048, 16>}]} {
    %get3A = arith.constant 0 : index
    %get3A_0 = arith.constant 0 : index
    %get3A_1 = vector.load %arg1[%get3A, %get3A_0] : memref<2048x16xf32, #tpu.memory_space<vmem>>, vector<2048x16xf32>
    %get3A_2 = arith.constant 0 : index
    %get3A_3 = arith.constant 0 : index
    %get3A_4 = vector.load %arg3[%get3A_2, %get3A_3] : memref<16x128xf32, #tpu.memory_space<vmem>>, vector<16x128xf32>
    %dot_general3A = arith.constant dense<0.000000e+00> : vector<2048x128xf32>
    %dot_general3A_5 = tpu.matmul %get3A_1, %get3A_4, %dot_general3A {dimension_numbers = #tpu.dot_dimension_numbers<[1], [0], [0], [1], [0, 0, 1, 1], [], []>, transpose_lhs_hint = false} : vector<2048x16xf32>, vector<16x128xf32>, vector<2048x128xf32> -> vector<2048x128xf32>
    %get3A_6 = arith.constant 0 : index
    %get3A_7 = arith.constant 0 : index
    %get3A_8 = vector.load %arg4[%get3A_6, %get3A_7] : memref<1x128xf32, #tpu.memory_space<vmem>>, vector<1x128xf32>
    %add3A = vector.broadcast %get3A_8 : vector<1x128xf32> to vector<2048x128xf32>
    %add3A_9 = arith.addf %dot_general3A_5, %add3A : vector<2048x128xf32>
    %max3A = arith.constant 0.000000e+00 : f32
    %max3A_10 = vector.broadcast %max3A : f32 to vector<2048x128xf32>
    %max3A_11 = arith.maximumf %add3A_9, %max3A_10 : vector<2048x128xf32>
    %get3A_12 = arith.constant 0 : index
    %get3A_13 = arith.constant 0 : index
    %get3A_14 = vector.load %arg5[%get3A_12, %get3A_13] : memref<128x512xf32, #tpu.memory_space<vmem>>, vector<128x512xf32>
    %dot_general3A_15 = arith.constant dense<0.000000e+00> : vector<2048x512xf32>
    %dot_general3A_16 = tpu.matmul %max3A_11, %get3A_14, %dot_general3A_15 {dimension_numbers = #tpu.dot_dimension_numbers<[1], [0], [0], [1], [0, 0, 1, 1], [], []>, transpose_lhs_hint = false} : vector<2048x128xf32>, vector<128x512xf32>, vector<2048x512xf32> -> vector<2048x512xf32>
    %get3A_17 = arith.constant 0 : index
    %get3A_18 = arith.constant 0 : index
    %get3A_19 = vector.load %arg6[%get3A_17, %get3A_18] : memref<1x512xf32, #tpu.memory_space<vmem>>, vector<1x512xf32>
    %add3A_20 = vector.broadcast %get3A_19 : vector<1x512xf32> to vector<2048x512xf32>
    %add3A_21 = arith.addf %dot_general3A_16, %add3A_20 : vector<2048x512xf32>
    %get3A_22 = arith.constant 0 : index
    %get3A_23 = arith.constant 0 : index
    %get3A_24 = vector.load %arg2[%get3A_22, %get3A_23] : memref<2048x32xf32, #tpu.memory_space<vmem>>, vector<2048x32xf32>
    %get3A_25 = arith.constant 0 : index
    %get3A_26 = arith.constant 0 : index
    %get3A_27 = vector.load %arg7[%get3A_25, %get3A_26] : memref<32x512xf32, #tpu.memory_space<vmem>>, vector<32x512xf32>
    %dot_general3A_28 = arith.constant dense<0.000000e+00> : vector<2048x512xf32>
    %dot_general3A_29 = tpu.matmul %get3A_24, %get3A_27, %dot_general3A_28 {dimension_numbers = #tpu.dot_dimension_numbers<[1], [0], [0], [1], [0, 0, 1, 1], [], []>, precision = #tpu.contract_precision<fp32>, transpose_lhs_hint = false} : vector<2048x32xf32>, vector<32x512xf32>, vector<2048x512xf32> -> vector<2048x512xf32>
    %mul3A = arith.mulf %add3A_21, %dot_general3A_29 : vector<2048x512xf32>
    %get3A_30 = arith.constant 0 : index
    %get3A_31 = arith.constant 0 : index
    %get3A_32 = vector.load %arg8[%get3A_30, %get3A_31] : memref<512x16xf32, #tpu.memory_space<vmem>>, vector<512x16xf32>
    %dot_general3A_33 = arith.constant dense<0.000000e+00> : vector<2048x16xf32>
    %dot_general3A_34 = tpu.matmul %mul3A, %get3A_32, %dot_general3A_33 {dimension_numbers = #tpu.dot_dimension_numbers<[1], [0], [0], [1], [0, 0, 1, 1], [], []>, precision = #tpu.contract_precision<fp32>, transpose_lhs_hint = false} : vector<2048x512xf32>, vector<512x16xf32>, vector<2048x16xf32> -> vector<2048x16xf32>
    %swap3A = arith.constant 0 : index
    %swap3A_35 = arith.constant 0 : index
    %swap3A_36 = vector.load %arg9[%swap3A, %swap3A_35] : memref<2048x16xf32, #tpu.memory_space<vmem>>, vector<2048x16xf32>
    tpu.vector_store %arg9[%swap3A, %swap3A_35], %dot_general3A_34 {strides = array<i32>} : memref<2048x16xf32, #tpu.memory_space<vmem>>, vector<2048x16xf32>,
    return
  }
  func.func @transform_0(%arg0: i32) -> (i32, i32) {
    %c0_i32 = arith.constant 0 : i32
    %c0_i32_0 = arith.constant 0 : i32
    return %arg0, %c0_i32 : i32, i32
  }
  func.func @transform_1(%arg0: i32) -> (i32, i32) {
    %c0_i32 = arith.constant 0 : i32
    %c0_i32_0 = arith.constant 0 : i32
    return %arg0, %c0_i32 : i32, i32
  }
  func.func @transform_2(%arg0: i32) -> (i32, i32) {
    %c0_i32 = arith.constant 0 : i32
    %c0_i32_0 = arith.constant 0 : i32
    %c0_i32_1 = arith.constant 0 : i32
    return %c0_i32, %c0_i32_0 : i32, i32
  }
  func.func @transform_3(%arg0: i32) -> (i32, i32) {
    %c0_i32 = arith.constant 0 : i32
    %c0_i32_0 = arith.constant 0 : i32
    %c0_i32_1 = arith.constant 0 : i32
    return %c0_i32, %c0_i32_0 : i32, i32
  }
  func.func @transform_4(%arg0: i32) -> (i32, i32) {
    %c0_i32 = arith.constant 0 : i32
    %c0_i32_0 = arith.constant 0 : i32
    %c0_i32_1 = arith.constant 0 : i32
    return %c0_i32, %c0_i32_0 : i32, i32
  }
  func.func @transform_5(%arg0: i32) -> (i32, i32) {
    %c0_i32 = arith.constant 0 : i32
    %c0_i32_0 = arith.constant 0 : i32
    %c0_i32_1 = arith.constant 0 : i32
    return %c0_i32, %c0_i32_0 : i32, i32
  }
  func.func @transform_6(%arg0: i32) -> (i32, i32) {
    %c0_i32 = arith.constant 0 : i32
    %c0_i32_0 = arith.constant 0 : i32
    %c0_i32_1 = arith.constant 0 : i32
    return %c0_i32, %c0_i32_0 : i32, i32
  }
  func.func @transform_7(%arg0: i32) -> (i32, i32) {
    %c0_i32 = arith.constant 0 : i32
    %c0_i32_0 = arith.constant 0 : i32
    %c0_i32_1 = arith.constant 0 : i32
    return %c0_i32, %c0_i32_0 : i32, i32
  }
  func.func @transform_8(%arg0: i32) -> (i32, i32) {
    %c0_i32 = arith.constant 0 : i32
    %c0_i32_0 = arith.constant 0 : i32
    return %arg0, %c0_i32 : i32, i32
  }
}

module attributes {stable_mosaic.version = 14 : i64} {
  func.func @_upd_body(%arg0: memref<10000x32xf32, #tpu.memory_space<vmem>>, %arg1: memref<2x10000x16xf32, #tpu.memory_space<vmem>>, %arg2: memref<32x16xf32, #tpu.memory_space<vmem>>, %arg3: memref<1x16xf32, #tpu.memory_space<vmem>>, %arg4: memref<10000x16xf32, #tpu.memory_space<vmem>>) attributes {dimension_semantics = [], scalar_prefetch = 0 : i64, scratch_operands = 0 : i64, tpu.core_type = #tpu.core_type<tc>} {
    %get3A = arith.constant 0 : index
    %get3A_0 = arith.constant 0 : index
    %get3A_1 = arith.constant 0 : index
    %get3A_2 = vector.load %arg1[%get3A, %get3A_0, %get3A_1] : memref<2x10000x16xf32, #tpu.memory_space<vmem>>, vector<1x10000x16xf32>
    %get3A_3 = vector.shape_cast %get3A_2 : vector<1x10000x16xf32> to vector<10000x16xf32>
    %get3A_4 = arith.constant 1 : index
    %get3A_5 = arith.constant 0 : index
    %get3A_6 = arith.constant 0 : index
    %get3A_7 = vector.load %arg1[%get3A_4, %get3A_5, %get3A_6] : memref<2x10000x16xf32, #tpu.memory_space<vmem>>, vector<1x10000x16xf32>
    %get3A_8 = vector.shape_cast %get3A_7 : vector<1x10000x16xf32> to vector<10000x16xf32>
    %add3A = arith.addf %get3A_3, %get3A_8 : vector<10000x16xf32>
    %get3A_9 = arith.constant 0 : index
    %get3A_10 = arith.constant 0 : index
    %get3A_11 = vector.load %arg0[%get3A_9, %get3A_10] : memref<10000x32xf32, #tpu.memory_space<vmem>>, vector<10000x32xf32>
    %get3A_12 = arith.constant 0 : index
    %get3A_13 = arith.constant 0 : index
    %get3A_14 = vector.load %arg2[%get3A_12, %get3A_13] : memref<32x16xf32, #tpu.memory_space<vmem>>, vector<32x16xf32>
    %dot_general3A = arith.constant dense<0.000000e+00> : vector<10000x16xf32>
    %dot_general3A_15 = tpu.matmul %get3A_11, %get3A_14, %dot_general3A {dimension_numbers = #tpu.dot_dimension_numbers<[1], [0], [0], [1], [0, 0, 1, 1], [], []>, transpose_lhs_hint = false} : vector<10000x32xf32>, vector<32x16xf32>, vector<10000x16xf32> -> vector<10000x16xf32>
    %get3A_16 = arith.constant 0 : index
    %get3A_17 = arith.constant 0 : index
    %get3A_18 = vector.load %arg3[%get3A_16, %get3A_17] : memref<1x16xf32, #tpu.memory_space<vmem>>, vector<1x16xf32>
    %add3A_19 = vector.broadcast %get3A_18 : vector<1x16xf32> to vector<10000x16xf32>
    %add3A_20 = arith.addf %dot_general3A_15, %add3A_19 : vector<10000x16xf32>
    %add3A_21 = arith.addf %add3A_20, %add3A : vector<10000x16xf32>
    %max3A = arith.constant 0.000000e+00 : f32
    %max3A_22 = vector.broadcast %max3A : f32 to vector<10000x16xf32>
    %max3A_23 = arith.maximumf %add3A_21, %max3A_22 : vector<10000x16xf32>
    %swap3A = arith.constant 0 : index
    %swap3A_24 = arith.constant 0 : index
    %swap3A_25 = vector.load %arg4[%swap3A, %swap3A_24] : memref<10000x16xf32, #tpu.memory_space<vmem>>, vector<10000x16xf32>
    tpu.vector_store %arg4[%swap3A, %swap3A_24], %max3A_23 {strides = array<i32>} : memref<10000x16xf32, #tpu.memory_space<vmem>>, vector<10000x16xf32>,
    return
  }
}

module attributes {stable_mosaic.version = 14 : i64} {
  func.func @_msg_body(%arg0: i32, %arg1: memref<2048x16xf32, #tpu.memory_space<vmem>>, %arg2: memref<2048x16xf32, #tpu.memory_space<vmem>>, %arg3: memref<16x128xf32, #tpu.memory_space<vmem>>, %arg4: memref<1x128xf32, #tpu.memory_space<vmem>>, %arg5: memref<128x512xf32, #tpu.memory_space<vmem>>, %arg6: memref<1x512xf32, #tpu.memory_space<vmem>>, %arg7: memref<16x512xf32, #tpu.memory_space<vmem>>, %arg8: memref<512x32xf32, #tpu.memory_space<vmem>>, %arg9: memref<2048x32xf32, #tpu.memory_space<vmem>>) attributes {dimension_semantics = [#tpu.dimension_semantics<parallel>], iteration_bounds = array<i64: 80>, scalar_prefetch = 0 : i64, scratch_operands = 0 : i64, tpu.core_type = #tpu.core_type<tc>, window_params = [{transform_indices = @transform_0, window_bounds = array<i64: 2048, 16>}, {transform_indices = @transform_1, window_bounds = array<i64: 2048, 16>}, {pipeline_mode = #tpu.pipeline_mode<synchronous>, transform_indices = @transform_2, window_bounds = array<i64: 16, 128>}, {pipeline_mode = #tpu.pipeline_mode<synchronous>, transform_indices = @transform_3, window_bounds = array<i64: 1, 128>}, {pipeline_mode = #tpu.pipeline_mode<synchronous>, transform_indices = @transform_4, window_bounds = array<i64: 128, 512>}, {pipeline_mode = #tpu.pipeline_mode<synchronous>, transform_indices = @transform_5, window_bounds = array<i64: 1, 512>}, {pipeline_mode = #tpu.pipeline_mode<synchronous>, transform_indices = @transform_6, window_bounds = array<i64: 16, 512>}, {pipeline_mode = #tpu.pipeline_mode<synchronous>, transform_indices = @transform_7, window_bounds = array<i64: 512, 32>}, {transform_indices = @transform_8, window_bounds = array<i64: 2048, 32>}]} {
    %get3A = arith.constant 0 : index
    %get3A_0 = arith.constant 0 : index
    %get3A_1 = vector.load %arg1[%get3A, %get3A_0] : memref<2048x16xf32, #tpu.memory_space<vmem>>, vector<2048x16xf32>
    %get3A_2 = arith.constant 0 : index
    %get3A_3 = arith.constant 0 : index
    %get3A_4 = vector.load %arg3[%get3A_2, %get3A_3] : memref<16x128xf32, #tpu.memory_space<vmem>>, vector<16x128xf32>
    %dot_general3A = arith.constant dense<0.000000e+00> : vector<2048x128xf32>
    %dot_general3A_5 = tpu.matmul %get3A_1, %get3A_4, %dot_general3A {dimension_numbers = #tpu.dot_dimension_numbers<[1], [0], [0], [1], [0, 0, 1, 1], [], []>, transpose_lhs_hint = false} : vector<2048x16xf32>, vector<16x128xf32>, vector<2048x128xf32> -> vector<2048x128xf32>
    %get3A_6 = arith.constant 0 : index
    %get3A_7 = arith.constant 0 : index
    %get3A_8 = vector.load %arg4[%get3A_6, %get3A_7] : memref<1x128xf32, #tpu.memory_space<vmem>>, vector<1x128xf32>
    %add3A = vector.broadcast %get3A_8 : vector<1x128xf32> to vector<2048x128xf32>
    %add3A_9 = arith.addf %dot_general3A_5, %add3A : vector<2048x128xf32>
    %max3A = arith.constant 0.000000e+00 : f32
    %max3A_10 = vector.broadcast %max3A : f32 to vector<2048x128xf32>
    %max3A_11 = arith.maximumf %add3A_9, %max3A_10 : vector<2048x128xf32>
    %get3A_12 = arith.constant 0 : index
    %get3A_13 = arith.constant 0 : index
    %get3A_14 = vector.load %arg5[%get3A_12, %get3A_13] : memref<128x512xf32, #tpu.memory_space<vmem>>, vector<128x512xf32>
    %dot_general3A_15 = arith.constant dense<0.000000e+00> : vector<2048x512xf32>
    %dot_general3A_16 = tpu.matmul %max3A_11, %get3A_14, %dot_general3A_15 {dimension_numbers = #tpu.dot_dimension_numbers<[1], [0], [0], [1], [0, 0, 1, 1], [], []>, transpose_lhs_hint = false} : vector<2048x128xf32>, vector<128x512xf32>, vector<2048x512xf32> -> vector<2048x512xf32>
    %get3A_17 = arith.constant 0 : index
    %get3A_18 = arith.constant 0 : index
    %get3A_19 = vector.load %arg6[%get3A_17, %get3A_18] : memref<1x512xf32, #tpu.memory_space<vmem>>, vector<1x512xf32>
    %add3A_20 = vector.broadcast %get3A_19 : vector<1x512xf32> to vector<2048x512xf32>
    %add3A_21 = arith.addf %dot_general3A_16, %add3A_20 : vector<2048x512xf32>
    %get3A_22 = arith.constant 0 : index
    %get3A_23 = arith.constant 0 : index
    %get3A_24 = vector.load %arg2[%get3A_22, %get3A_23] : memref<2048x16xf32, #tpu.memory_space<vmem>>, vector<2048x16xf32>
    %get3A_25 = arith.constant 0 : index
    %get3A_26 = arith.constant 0 : index
    %get3A_27 = vector.load %arg7[%get3A_25, %get3A_26] : memref<16x512xf32, #tpu.memory_space<vmem>>, vector<16x512xf32>
    %dot_general3A_28 = arith.constant dense<0.000000e+00> : vector<2048x512xf32>
    %dot_general3A_29 = tpu.matmul %get3A_24, %get3A_27, %dot_general3A_28 {dimension_numbers = #tpu.dot_dimension_numbers<[1], [0], [0], [1], [0, 0, 1, 1], [], []>, precision = #tpu.contract_precision<fp32>, transpose_lhs_hint = false} : vector<2048x16xf32>, vector<16x512xf32>, vector<2048x512xf32> -> vector<2048x512xf32>
    %mul3A = arith.mulf %add3A_21, %dot_general3A_29 : vector<2048x512xf32>
    %get3A_30 = arith.constant 0 : index
    %get3A_31 = arith.constant 0 : index
    %get3A_32 = vector.load %arg8[%get3A_30, %get3A_31] : memref<512x32xf32, #tpu.memory_space<vmem>>, vector<512x32xf32>
    %dot_general3A_33 = arith.constant dense<0.000000e+00> : vector<2048x32xf32>
    %dot_general3A_34 = tpu.matmul %mul3A, %get3A_32, %dot_general3A_33 {dimension_numbers = #tpu.dot_dimension_numbers<[1], [0], [0], [1], [0, 0, 1, 1], [], []>, precision = #tpu.contract_precision<fp32>, transpose_lhs_hint = false} : vector<2048x512xf32>, vector<512x32xf32>, vector<2048x32xf32> -> vector<2048x32xf32>
    %swap3A = arith.constant 0 : index
    %swap3A_35 = arith.constant 0 : index
    %swap3A_36 = vector.load %arg9[%swap3A, %swap3A_35] : memref<2048x32xf32, #tpu.memory_space<vmem>>, vector<2048x32xf32>
    tpu.vector_store %arg9[%swap3A, %swap3A_35], %dot_general3A_34 {strides = array<i32>} : memref<2048x32xf32, #tpu.memory_space<vmem>>, vector<2048x32xf32>,
    return
  }
  func.func @transform_0(%arg0: i32) -> (i32, i32) {
    %c0_i32 = arith.constant 0 : i32
    %c0_i32_0 = arith.constant 0 : i32
    return %arg0, %c0_i32 : i32, i32
  }
  func.func @transform_1(%arg0: i32) -> (i32, i32) {
    %c0_i32 = arith.constant 0 : i32
    %c0_i32_0 = arith.constant 0 : i32
    return %arg0, %c0_i32 : i32, i32
  }
  func.func @transform_2(%arg0: i32) -> (i32, i32) {
    %c0_i32 = arith.constant 0 : i32
    %c0_i32_0 = arith.constant 0 : i32
    %c0_i32_1 = arith.constant 0 : i32
    return %c0_i32, %c0_i32_0 : i32, i32
  }
  func.func @transform_3(%arg0: i32) -> (i32, i32) {
    %c0_i32 = arith.constant 0 : i32
    %c0_i32_0 = arith.constant 0 : i32
    %c0_i32_1 = arith.constant 0 : i32
    return %c0_i32, %c0_i32_0 : i32, i32
  }
  func.func @transform_4(%arg0: i32) -> (i32, i32) {
    %c0_i32 = arith.constant 0 : i32
    %c0_i32_0 = arith.constant 0 : i32
    %c0_i32_1 = arith.constant 0 : i32
    return %c0_i32, %c0_i32_0 : i32, i32
  }
  func.func @transform_5(%arg0: i32) -> (i32, i32) {
    %c0_i32 = arith.constant 0 : i32
    %c0_i32_0 = arith.constant 0 : i32
    %c0_i32_1 = arith.constant 0 : i32
    return %c0_i32, %c0_i32_0 : i32, i32
  }
  func.func @transform_6(%arg0: i32) -> (i32, i32) {
    %c0_i32 = arith.constant 0 : i32
    %c0_i32_0 = arith.constant 0 : i32
    %c0_i32_1 = arith.constant 0 : i32
    return %c0_i32, %c0_i32_0 : i32, i32
  }
  func.func @transform_7(%arg0: i32) -> (i32, i32) {
    %c0_i32 = arith.constant 0 : i32
    %c0_i32_0 = arith.constant 0 : i32
    %c0_i32_1 = arith.constant 0 : i32
    return %c0_i32, %c0_i32_0 : i32, i32
  }
  func.func @transform_8(%arg0: i32) -> (i32, i32) {
    %c0_i32 = arith.constant 0 : i32
    %c0_i32_0 = arith.constant 0 : i32
    return %arg0, %c0_i32 : i32, i32
  }
}

module attributes {stable_mosaic.version = 14 : i64} {
  func.func @_upd_body(%arg0: memref<10000x16xf32, #tpu.memory_space<vmem>>, %arg1: memref<2x10000x32xf32, #tpu.memory_space<vmem>>, %arg2: memref<16x32xf32, #tpu.memory_space<vmem>>, %arg3: memref<1x32xf32, #tpu.memory_space<vmem>>, %arg4: memref<10000x32xf32, #tpu.memory_space<vmem>>) attributes {dimension_semantics = [], scalar_prefetch = 0 : i64, scratch_operands = 0 : i64, tpu.core_type = #tpu.core_type<tc>} {
    %get3A = arith.constant 0 : index
    %get3A_0 = arith.constant 0 : index
    %get3A_1 = arith.constant 0 : index
    %get3A_2 = vector.load %arg1[%get3A, %get3A_0, %get3A_1] : memref<2x10000x32xf32, #tpu.memory_space<vmem>>, vector<1x10000x32xf32>
    %get3A_3 = vector.shape_cast %get3A_2 : vector<1x10000x32xf32> to vector<10000x32xf32>
    %get3A_4 = arith.constant 1 : index
    %get3A_5 = arith.constant 0 : index
    %get3A_6 = arith.constant 0 : index
    %get3A_7 = vector.load %arg1[%get3A_4, %get3A_5, %get3A_6] : memref<2x10000x32xf32, #tpu.memory_space<vmem>>, vector<1x10000x32xf32>
    %get3A_8 = vector.shape_cast %get3A_7 : vector<1x10000x32xf32> to vector<10000x32xf32>
    %add3A = arith.addf %get3A_3, %get3A_8 : vector<10000x32xf32>
    %get3A_9 = arith.constant 0 : index
    %get3A_10 = arith.constant 0 : index
    %get3A_11 = vector.load %arg0[%get3A_9, %get3A_10] : memref<10000x16xf32, #tpu.memory_space<vmem>>, vector<10000x16xf32>
    %get3A_12 = arith.constant 0 : index
    %get3A_13 = arith.constant 0 : index
    %get3A_14 = vector.load %arg2[%get3A_12, %get3A_13] : memref<16x32xf32, #tpu.memory_space<vmem>>, vector<16x32xf32>
    %dot_general3A = arith.constant dense<0.000000e+00> : vector<10000x32xf32>
    %dot_general3A_15 = tpu.matmul %get3A_11, %get3A_14, %dot_general3A {dimension_numbers = #tpu.dot_dimension_numbers<[1], [0], [0], [1], [0, 0, 1, 1], [], []>, transpose_lhs_hint = false} : vector<10000x16xf32>, vector<16x32xf32>, vector<10000x32xf32> -> vector<10000x32xf32>
    %get3A_16 = arith.constant 0 : index
    %get3A_17 = arith.constant 0 : index
    %get3A_18 = vector.load %arg3[%get3A_16, %get3A_17] : memref<1x32xf32, #tpu.memory_space<vmem>>, vector<1x32xf32>
    %add3A_19 = vector.broadcast %get3A_18 : vector<1x32xf32> to vector<10000x32xf32>
    %add3A_20 = arith.addf %dot_general3A_15, %add3A_19 : vector<10000x32xf32>
    %add3A_21 = arith.addf %add3A_20, %add3A : vector<10000x32xf32>
    %max3A = arith.constant 0.000000e+00 : f32
    %max3A_22 = vector.broadcast %max3A : f32 to vector<10000x32xf32>
    %max3A_23 = arith.maximumf %add3A_21, %max3A_22 : vector<10000x32xf32>
    %swap3A = arith.constant 0 : index
    %swap3A_24 = arith.constant 0 : index
    %swap3A_25 = vector.load %arg4[%swap3A, %swap3A_24] : memref<10000x32xf32, #tpu.memory_space<vmem>>, vector<10000x32xf32>
    tpu.vector_store %arg4[%swap3A, %swap3A_24], %max3A_23 {strides = array<i32>} : memref<10000x32xf32, #tpu.memory_space<vmem>>, vector<10000x32xf32>,
    return
  }
}

module attributes {stable_mosaic.version = 14 : i64} {
  func.func @_prep_body(%arg0: memref<2x4096x32xf32, #tpu.memory_space<vmem>>, %arg1: memref<2x4096x16xf32, #tpu.memory_space<vmem>>, %arg2: memref<4096x32xf32, #tpu.memory_space<vmem>>, %arg3: memref<4x64x32xf32, #tpu.memory_space<vmem>>, %arg4: memref<4x32xf32, #tpu.memory_space<vmem>>, %arg5: memref<4x32xf32, #tpu.memory_space<vmem>>, %arg6: memref<4096x128xf32, #tpu.memory_space<vmem>>, %arg7: memref<4096x8xf32, #tpu.memory_space<vmem>>) attributes {dimension_semantics = [], scalar_prefetch = 0 : i64, scratch_operands = 0 : i64, tpu.core_type = #tpu.core_type<tc>} {
    %get3A = arith.constant 0 : index
    %get3A_0 = arith.constant 0 : index
    %get3A_1 = arith.constant 0 : index
    %get3A_2 = vector.load %arg0[%get3A, %get3A_0, %get3A_1] : memref<2x4096x32xf32, #tpu.memory_space<vmem>>, vector<1x4096x32xf32>
    %get3A_3 = vector.shape_cast %get3A_2 : vector<1x4096x32xf32> to vector<4096x32xf32>
    %get3A_4 = arith.constant 1 : index
    %get3A_5 = arith.constant 0 : index
    %get3A_6 = arith.constant 0 : index
    %get3A_7 = vector.load %arg0[%get3A_4, %get3A_5, %get3A_6] : memref<2x4096x32xf32, #tpu.memory_space<vmem>>, vector<1x4096x32xf32>
    %get3A_8 = vector.shape_cast %get3A_7 : vector<1x4096x32xf32> to vector<4096x32xf32>
    %add3A = arith.addf %get3A_3, %get3A_8 : vector<4096x32xf32>
    %get3A_9 = arith.constant 0 : index
    %get3A_10 = arith.constant 0 : index
    %get3A_11 = arith.constant 0 : index
    %get3A_12 = vector.load %arg1[%get3A_9, %get3A_10, %get3A_11] : memref<2x4096x16xf32, #tpu.memory_space<vmem>>, vector<1x4096x16xf32>
    %get3A_13 = vector.shape_cast %get3A_12 : vector<1x4096x16xf32> to vector<4096x16xf32>
    %get3A_14 = arith.constant 1 : index
    %get3A_15 = arith.constant 0 : index
    %get3A_16 = arith.constant 0 : index
    %get3A_17 = vector.load %arg1[%get3A_14, %get3A_15, %get3A_16] : memref<2x4096x16xf32, #tpu.memory_space<vmem>>, vector<1x4096x16xf32>
    %get3A_18 = vector.shape_cast %get3A_17 : vector<1x4096x16xf32> to vector<4096x16xf32>
    %add3A_19 = arith.addf %get3A_13, %get3A_18 : vector<4096x16xf32>
    %slice3A = vector.extract_strided_slice %add3A_19 {offsets = [0, 0], sizes = [4096, 1], strides = [1, 1]} : vector<4096x16xf32> to vector<4096x1xf32>
    %max3A = arith.constant 1.000000e+00 : f32
    %max3A_20 = vector.broadcast %max3A : f32 to vector<4096x1xf32>
    %max3A_21 = arith.maximumf %slice3A, %max3A_20 : vector<4096x1xf32>
    %div3A = vector.broadcast %max3A_21 : vector<4096x1xf32> to vector<4096x32xf32>
    %div3A_22 = arith.divf %add3A, %div3A : vector<4096x32xf32>
    %get3A_23 = arith.constant 0 : index
    %get3A_24 = arith.constant 0 : index
    %get3A_25 = vector.load %arg2[%get3A_23, %get3A_24] : memref<4096x32xf32, #tpu.memory_space<vmem>>, vector<4096x32xf32>
    %concatenate3A = tpu.concatenate %div3A_22, %get3A_25 in 1 : vector<4096x32xf32>, vector<4096x32xf32> -> vector<4096x64xf32>
    %get3A_26 = arith.constant 0 : index
    %get3A_27 = arith.constant 0 : index
    %get3A_28 = arith.constant 0 : index
    %get3A_29 = vector.load %arg3[%get3A_26, %get3A_27, %get3A_28] : memref<4x64x32xf32, #tpu.memory_space<vmem>>, vector<1x64x32xf32>
    %get3A_30 = vector.shape_cast %get3A_29 : vector<1x64x32xf32> to vector<64x32xf32>
    %dot_general3A = arith.constant dense<0.000000e+00> : vector<4096x32xf32>
    %dot_general3A_31 = tpu.matmul %concatenate3A, %get3A_30, %dot_general3A {dimension_numbers = #tpu.dot_dimension_numbers<[1], [0], [0], [1], [0, 0, 1, 1], [], []>, transpose_lhs_hint = false} : vector<4096x64xf32>, vector<64x32xf32>, vector<4096x32xf32> -> vector<4096x32xf32>
    %swap3A = arith.constant 0 : index
    %swap3A_32 = arith.constant 0 : index
    %swap3A_33 = vector.load %arg6[%swap3A, %swap3A_32] : memref<4096x128xf32, #tpu.memory_space<vmem>>, vector<4096x32xf32>
    tpu.vector_store %arg6[%swap3A, %swap3A_32], %dot_general3A_31 {strides = array<i32>} : memref<4096x128xf32, #tpu.memory_space<vmem>>, vector<4096x32xf32>,
    %get3A_34 = arith.constant 0 : index
    %get3A_35 = arith.constant 0 : index
    %get3A_36 = vector.load %arg4[%get3A_34, %get3A_35] : memref<4x32xf32, #tpu.memory_space<vmem>>, vector<1x32xf32>
    %mul3A = vector.broadcast %get3A_36 : vector<1x32xf32> to vector<4096x32xf32>
    %mul3A_37 = arith.mulf %dot_general3A_31, %mul3A : vector<4096x32xf32>
    %reduce_sum3A = arith.constant dense<0.000000e+00> : vector<4096xf32>
    %reduce_sum3A_38 = vector.multi_reduction <add>, %mul3A_37, %reduce_sum3A [1] : vector<4096x32xf32> to vector<4096xf32>
    %broadcast_in_dim3A = vector.shape_cast %reduce_sum3A_38 : vector<4096xf32> to vector<4096x1xf32>
    %swap3A_39 = arith.constant 0 : index
    %swap3A_40 = arith.constant 0 : index
    %swap3A_41 = vector.load %arg7[%swap3A_39, %swap3A_40] : memref<4096x8xf32, #tpu.memory_space<vmem>>, vector<4096x1xf32>
    tpu.vector_store %arg7[%swap3A_39, %swap3A_40], %broadcast_in_dim3A {strides = array<i32>} : memref<4096x8xf32, #tpu.memory_space<vmem>>, vector<4096x1xf32>,
    %get3A_42 = arith.constant 0 : index
    %get3A_43 = arith.constant 0 : index
    %get3A_44 = vector.load %arg5[%get3A_42, %get3A_43] : memref<4x32xf32, #tpu.memory_space<vmem>>, vector<1x32xf32>
    %mul3A_45 = vector.broadcast %get3A_44 : vector<1x32xf32> to vector<4096x32xf32>
    %mul3A_46 = arith.mulf %dot_general3A_31, %mul3A_45 : vector<4096x32xf32>
    %reduce_sum3A_47 = arith.constant dense<0.000000e+00> : vector<4096xf32>
    %reduce_sum3A_48 = vector.multi_reduction <add>, %mul3A_46, %reduce_sum3A_47 [1] : vector<4096x32xf32> to vector<4096xf32>
    %broadcast_in_dim3A_49 = vector.shape_cast %reduce_sum3A_48 : vector<4096xf32> to vector<4096x1xf32>
    %swap3A_50 = arith.constant 0 : index
    %swap3A_51 = arith.constant 4 : index
    %swap3A_52 = vector.load %arg7[%swap3A_50, %swap3A_51] : memref<4096x8xf32, #tpu.memory_space<vmem>>, vector<4096x1xf32>
    tpu.vector_store %arg7[%swap3A_50, %swap3A_51], %broadcast_in_dim3A_49 {strides = array<i32>} : memref<4096x8xf32, #tpu.memory_space<vmem>>, vector<4096x1xf32>,
    %get3A_53 = arith.constant 1 : index
    %get3A_54 = arith.constant 0 : index
    %get3A_55 = arith.constant 0 : index
    %get3A_56 = vector.load %arg3[%get3A_53, %get3A_54, %get3A_55] : memref<4x64x32xf32, #tpu.memory_space<vmem>>, vector<1x64x32xf32>
    %get3A_57 = vector.shape_cast %get3A_56 : vector<1x64x32xf32> to vector<64x32xf32>
    %dot_general3A_58 = arith.constant dense<0.000000e+00> : vector<4096x32xf32>
    %dot_general3A_59 = tpu.matmul %concatenate3A, %get3A_57, %dot_general3A_58 {dimension_numbers = #tpu.dot_dimension_numbers<[1], [0], [0], [1], [0, 0, 1, 1], [], []>, transpose_lhs_hint = false} : vector<4096x64xf32>, vector<64x32xf32>, vector<4096x32xf32> -> vector<4096x32xf32>
    %swap3A_60 = arith.constant 0 : index
    %swap3A_61 = arith.constant 32 : index
    %swap3A_62 = vector.load %arg6[%swap3A_60, %swap3A_61] : memref<4096x128xf32, #tpu.memory_space<vmem>>, vector<4096x32xf32>
    tpu.vector_store %arg6[%swap3A_60, %swap3A_61], %dot_general3A_59 {strides = array<i32>} : memref<4096x128xf32, #tpu.memory_space<vmem>>, vector<4096x32xf32>,
    %get3A_63 = arith.constant 1 : index
    %get3A_64 = arith.constant 0 : index
    %get3A_65 = vector.load %arg4[%get3A_63, %get3A_64] : memref<4x32xf32, #tpu.memory_space<vmem>>, vector<1x32xf32>
    %mul3A_66 = vector.broadcast %get3A_65 : vector<1x32xf32> to vector<4096x32xf32>
    %mul3A_67 = arith.mulf %dot_general3A_59, %mul3A_66 : vector<4096x32xf32>
    %reduce_sum3A_68 = arith.constant dense<0.000000e+00> : vector<4096xf32>
    %reduce_sum3A_69 = vector.multi_reduction <add>, %mul3A_67, %reduce_sum3A_68 [1] : vector<4096x32xf32> to vector<4096xf32>
    %broadcast_in_dim3A_70 = vector.shape_cast %reduce_sum3A_69 : vector<4096xf32> to vector<4096x1xf32>
    %swap3A_71 = arith.constant 0 : index
    %swap3A_72 = arith.constant 1 : index
    %swap3A_73 = vector.load %arg7[%swap3A_71, %swap3A_72] : memref<4096x8xf32, #tpu.memory_space<vmem>>, vector<4096x1xf32>
    tpu.vector_store %arg7[%swap3A_71, %swap3A_72], %broadcast_in_dim3A_70 {strides = array<i32>} : memref<4096x8xf32, #tpu.memory_space<vmem>>, vector<4096x1xf32>,
    %get3A_74 = arith.constant 1 : index
    %get3A_75 = arith.constant 0 : index
    %get3A_76 = vector.load %arg5[%get3A_74, %get3A_75] : memref<4x32xf32, #tpu.memory_space<vmem>>, vector<1x32xf32>
    %mul3A_77 = vector.broadcast %get3A_76 : vector<1x32xf32> to vector<4096x32xf32>
    %mul3A_78 = arith.mulf %dot_general3A_59, %mul3A_77 : vector<4096x32xf32>
    %reduce_sum3A_79 = arith.constant dense<0.000000e+00> : vector<4096xf32>
    %reduce_sum3A_80 = vector.multi_reduction <add>, %mul3A_78, %reduce_sum3A_79 [1] : vector<4096x32xf32> to vector<4096xf32>
    %broadcast_in_dim3A_81 = vector.shape_cast %reduce_sum3A_80 : vector<4096xf32> to vector<4096x1xf32>
    %swap3A_82 = arith.constant 0 : index
    %swap3A_83 = arith.constant 5 : index
    %swap3A_84 = vector.load %arg7[%swap3A_82, %swap3A_83] : memref<4096x8xf32, #tpu.memory_space<vmem>>, vector<4096x1xf32>
    tpu.vector_store %arg7[%swap3A_82, %swap3A_83], %broadcast_in_dim3A_81 {strides = array<i32>} : memref<4096x8xf32, #tpu.memory_space<vmem>>, vector<4096x1xf32>,
    %get3A_85 = arith.constant 2 : index
    %get3A_86 = arith.constant 0 : index
    %get3A_87 = arith.constant 0 : index
    %get3A_88 = vector.load %arg3[%get3A_85, %get3A_86, %get3A_87] : memref<4x64x32xf32, #tpu.memory_space<vmem>>, vector<1x64x32xf32>
    %get3A_89 = vector.shape_cast %get3A_88 : vector<1x64x32xf32> to vector<64x32xf32>
    %dot_general3A_90 = arith.constant dense<0.000000e+00> : vector<4096x32xf32>
    %dot_general3A_91 = tpu.matmul %concatenate3A, %get3A_89, %dot_general3A_90 {dimension_numbers = #tpu.dot_dimension_numbers<[1], [0], [0], [1], [0, 0, 1, 1], [], []>, transpose_lhs_hint = false} : vector<4096x64xf32>, vector<64x32xf32>, vector<4096x32xf32> -> vector<4096x32xf32>
    %swap3A_92 = arith.constant 0 : index
    %swap3A_93 = arith.constant 64 : index
    %swap3A_94 = vector.load %arg6[%swap3A_92, %swap3A_93] : memref<4096x128xf32, #tpu.memory_space<vmem>>, vector<4096x32xf32>
    tpu.vector_store %arg6[%swap3A_92, %swap3A_93], %dot_general3A_91 {strides = array<i32>} : memref<4096x128xf32, #tpu.memory_space<vmem>>, vector<4096x32xf32>,
    %get3A_95 = arith.constant 2 : index
    %get3A_96 = arith.constant 0 : index
    %get3A_97 = vector.load %arg4[%get3A_95, %get3A_96] : memref<4x32xf32, #tpu.memory_space<vmem>>, vector<1x32xf32>
    %mul3A_98 = vector.broadcast %get3A_97 : vector<1x32xf32> to vector<4096x32xf32>
    %mul3A_99 = arith.mulf %dot_general3A_91, %mul3A_98 : vector<4096x32xf32>
    %reduce_sum3A_100 = arith.constant dense<0.000000e+00> : vector<4096xf32>
    %reduce_sum3A_101 = vector.multi_reduction <add>, %mul3A_99, %reduce_sum3A_100 [1] : vector<4096x32xf32> to vector<4096xf32>
    %broadcast_in_dim3A_102 = vector.shape_cast %reduce_sum3A_101 : vector<4096xf32> to vector<4096x1xf32>
    %swap3A_103 = arith.constant 0 : index
    %swap3A_104 = arith.constant 2 : index
    %swap3A_105 = vector.load %arg7[%swap3A_103, %swap3A_104] : memref<4096x8xf32, #tpu.memory_space<vmem>>, vector<4096x1xf32>
    tpu.vector_store %arg7[%swap3A_103, %swap3A_104], %broadcast_in_dim3A_102 {strides = array<i32>} : memref<4096x8xf32, #tpu.memory_space<vmem>>, vector<4096x1xf32>,
    %get3A_106 = arith.constant 2 : index
    %get3A_107 = arith.constant 0 : index
    %get3A_108 = vector.load %arg5[%get3A_106, %get3A_107] : memref<4x32xf32, #tpu.memory_space<vmem>>, vector<1x32xf32>
    %mul3A_109 = vector.broadcast %get3A_108 : vector<1x32xf32> to vector<4096x32xf32>
    %mul3A_110 = arith.mulf %dot_general3A_91, %mul3A_109 : vector<4096x32xf32>
    %reduce_sum3A_111 = arith.constant dense<0.000000e+00> : vector<4096xf32>
    %reduce_sum3A_112 = vector.multi_reduction <add>, %mul3A_110, %reduce_sum3A_111 [1] : vector<4096x32xf32> to vector<4096xf32>
    %broadcast_in_dim3A_113 = vector.shape_cast %reduce_sum3A_112 : vector<4096xf32> to vector<4096x1xf32>
    %swap3A_114 = arith.constant 0 : index
    %swap3A_115 = arith.constant 6 : index
    %swap3A_116 = vector.load %arg7[%swap3A_114, %swap3A_115] : memref<4096x8xf32, #tpu.memory_space<vmem>>, vector<4096x1xf32>
    tpu.vector_store %arg7[%swap3A_114, %swap3A_115], %broadcast_in_dim3A_113 {strides = array<i32>} : memref<4096x8xf32, #tpu.memory_space<vmem>>, vector<4096x1xf32>,
    %get3A_117 = arith.constant 3 : index
    %get3A_118 = arith.constant 0 : index
    %get3A_119 = arith.constant 0 : index
    %get3A_120 = vector.load %arg3[%get3A_117, %get3A_118, %get3A_119] : memref<4x64x32xf32, #tpu.memory_space<vmem>>, vector<1x64x32xf32>
    %get3A_121 = vector.shape_cast %get3A_120 : vector<1x64x32xf32> to vector<64x32xf32>
    %dot_general3A_122 = arith.constant dense<0.000000e+00> : vector<4096x32xf32>
    %dot_general3A_123 = tpu.matmul %concatenate3A, %get3A_121, %dot_general3A_122 {dimension_numbers = #tpu.dot_dimension_numbers<[1], [0], [0], [1], [0, 0, 1, 1], [], []>, transpose_lhs_hint = false} : vector<4096x64xf32>, vector<64x32xf32>, vector<4096x32xf32> -> vector<4096x32xf32>
    %swap3A_124 = arith.constant 0 : index
    %swap3A_125 = arith.constant 96 : index
    %swap3A_126 = vector.load %arg6[%swap3A_124, %swap3A_125] : memref<4096x128xf32, #tpu.memory_space<vmem>>, vector<4096x32xf32>
    tpu.vector_store %arg6[%swap3A_124, %swap3A_125], %dot_general3A_123 {strides = array<i32>} : memref<4096x128xf32, #tpu.memory_space<vmem>>, vector<4096x32xf32>,
    %get3A_127 = arith.constant 3 : index
    %get3A_128 = arith.constant 0 : index
    %get3A_129 = vector.load %arg4[%get3A_127, %get3A_128] : memref<4x32xf32, #tpu.memory_space<vmem>>, vector<1x32xf32>
    %mul3A_130 = vector.broadcast %get3A_129 : vector<1x32xf32> to vector<4096x32xf32>
    %mul3A_131 = arith.mulf %dot_general3A_123, %mul3A_130 : vector<4096x32xf32>
    %reduce_sum3A_132 = arith.constant dense<0.000000e+00> : vector<4096xf32>
    %reduce_sum3A_133 = vector.multi_reduction <add>, %mul3A_131, %reduce_sum3A_132 [1] : vector<4096x32xf32> to vector<4096xf32>
    %broadcast_in_dim3A_134 = vector.shape_cast %reduce_sum3A_133 : vector<4096xf32> to vector<4096x1xf32>
    %swap3A_135 = arith.constant 0 : index
    %swap3A_136 = arith.constant 3 : index
    %swap3A_137 = vector.load %arg7[%swap3A_135, %swap3A_136] : memref<4096x8xf32, #tpu.memory_space<vmem>>, vector<4096x1xf32>
    tpu.vector_store %arg7[%swap3A_135, %swap3A_136], %broadcast_in_dim3A_134 {strides = array<i32>} : memref<4096x8xf32, #tpu.memory_space<vmem>>, vector<4096x1xf32>,
    %get3A_138 = arith.constant 3 : index
    %get3A_139 = arith.constant 0 : index
    %get3A_140 = vector.load %arg5[%get3A_138, %get3A_139] : memref<4x32xf32, #tpu.memory_space<vmem>>, vector<1x32xf32>
    %mul3A_141 = vector.broadcast %get3A_140 : vector<1x32xf32> to vector<4096x32xf32>
    %mul3A_142 = arith.mulf %dot_general3A_123, %mul3A_141 : vector<4096x32xf32>
    %reduce_sum3A_143 = arith.constant dense<0.000000e+00> : vector<4096xf32>
    %reduce_sum3A_144 = vector.multi_reduction <add>, %mul3A_142, %reduce_sum3A_143 [1] : vector<4096x32xf32> to vector<4096xf32>
    %broadcast_in_dim3A_145 = vector.shape_cast %reduce_sum3A_144 : vector<4096xf32> to vector<4096x1xf32>
    %swap3A_146 = arith.constant 0 : index
    %swap3A_147 = arith.constant 7 : index
    %swap3A_148 = vector.load %arg7[%swap3A_146, %swap3A_147] : memref<4096x8xf32, #tpu.memory_space<vmem>>, vector<4096x1xf32>
    tpu.vector_store %arg7[%swap3A_146, %swap3A_147], %broadcast_in_dim3A_145 {strides = array<i32>} : memref<4096x8xf32, #tpu.memory_space<vmem>>, vector<4096x1xf32>,
    return
  }
}

module attributes {stable_mosaic.version = 14 : i64} {
  func.func @_gat_body(%arg0: i32, %arg1: memref<256x4096xf32, #tpu.memory_space<vmem>>, %arg2: memref<4096x128xf32, #tpu.memory_space<vmem>>, %arg3: memref<4096x8xf32, #tpu.memory_space<vmem>>, %arg4: memref<8x4096xf32, #tpu.memory_space<vmem>>, %arg5: memref<256x32xf32, #tpu.memory_space<vmem>>) attributes {dimension_semantics = [#tpu.dimension_semantics<parallel>], iteration_bounds = array<i64: 16>, scalar_prefetch = 0 : i64, scratch_operands = 0 : i64, tpu.core_type = #tpu.core_type<tc>, window_params = [{transform_indices = @transform_0, window_bounds = array<i64: 256, 4096>}, {pipeline_mode = #tpu.pipeline_mode<synchronous>, transform_indices = @transform_1, window_bounds = array<i64: 4096, 128>}, {pipeline_mode = #tpu.pipeline_mode<synchronous>, transform_indices = @transform_2, window_bounds = array<i64: 4096, 8>}, {pipeline_mode = #tpu.pipeline_mode<synchronous>, transform_indices = @transform_3, window_bounds = array<i64: 8, 4096>}, {transform_indices = @transform_4, window_bounds = array<i64: 256, 32>}]} {
    %get3A = arith.constant 0 : index
    %get3A_0 = arith.constant 0 : index
    %get3A_1 = vector.load %arg1[%get3A, %get3A_0] : memref<256x4096xf32, #tpu.memory_space<vmem>>, vector<256x4096xf32>
    %gt3A = arith.constant 0.000000e+00 : f32
    %gt3A_2 = vector.broadcast %gt3A : f32 to vector<256x4096xf32>
    %gt3A_3 = arith.cmpf ogt, %get3A_1, %gt3A_2 : vector<256x4096xf32>
    %broadcast_in_dim3A = arith.constant 0.000000e+00 : f32
    %broadcast_in_dim3A_4 = vector.broadcast %broadcast_in_dim3A : f32 to vector<256x32xf32>
    %get3A_5 = arith.constant 0 : index
    %get3A_6 = arith.constant 0 : index
    %get3A_7 = vector.load %arg2[%get3A_5, %get3A_6] : memref<4096x128xf32, #tpu.memory_space<vmem>>, vector<4096x32xf32>
    %mul3A = arith.constant 256 : i32
    %mul3A_8 = arith.muli %arg0, %mul3A : i32
    %get3A_9 = arith.index_cast %mul3A_8 : i32 to index
    %get3A_10 = arith.constant 0 : index
    %get3A_11 = vector.load %arg3[%get3A_9, %get3A_10] : memref<4096x8xf32, #tpu.memory_space<vmem>>, vector<256x1xf32>
    %get3A_12 = arith.constant 4 : index
    %get3A_13 = arith.constant 0 : index
    %get3A_14 = vector.load %arg4[%get3A_12, %get3A_13] : memref<8x4096xf32, #tpu.memory_space<vmem>>, vector<1x4096xf32>
    %add3A = vector.broadcast %get3A_11 : vector<256x1xf32> to vector<256x4096xf32>
    %add3A_15 = vector.broadcast %get3A_14 : vector<1x4096xf32> to vector<256x4096xf32>
    %add3A_16 = arith.addf %add3A, %add3A_15 : vector<256x4096xf32>
    %ge3A = arith.constant 0.000000e+00 : f32
    %ge3A_17 = vector.broadcast %ge3A : f32 to vector<256x4096xf32>
    %ge3A_18 = arith.cmpf oge, %add3A_16, %ge3A_17 : vector<256x4096xf32>
    %mul3A_19 = arith.constant 2.000000e-01 : f32
    %mul3A_20 = vector.broadcast %mul3A_19 : f32 to vector<256x4096xf32>
    %mul3A_21 = arith.mulf %mul3A_20, %add3A_16 : vector<256x4096xf32>
    %select_n3A = arith.select %ge3A_18, %add3A_16, %mul3A_21 : vector<256x4096xi1>, vector<256x4096xf32>
    %jit3A = arith.constant -9.000000e+15 : f32
    %broadcast_in_dim3A_22 = vector.broadcast %jit3A : f32 to vector<256x4096xf32>
    %select_n3A_23 = arith.select %gt3A_3, %select_n3A, %broadcast_in_dim3A_22 : vector<256x4096xi1>, vector<256x4096xf32>
    %reduce_max3A = arith.constant dense<0xFF800000> : vector<256xf32>
    %reduce_max3A_24 = vector.multi_reduction <maximumf>, %select_n3A_23, %reduce_max3A [1] : vector<256x4096xf32> to vector<256xf32>
    %broadcast_in_dim3A_25 = vector.shape_cast %reduce_max3A_24 : vector<256xf32> to vector<256x1xf32>
    %sub3A = vector.broadcast %broadcast_in_dim3A_25 : vector<256x1xf32> to vector<256x4096xf32>
    %sub3A_26 = arith.subf %select_n3A_23, %sub3A : vector<256x4096xf32>
    %exp3A = math.exp %sub3A_26 : vector<256x4096xf32>
    %reduce_sum3A = arith.constant dense<0.000000e+00> : vector<256xf32>
    %reduce_sum3A_27 = vector.multi_reduction <add>, %exp3A, %reduce_sum3A [1] : vector<256x4096xf32> to vector<256xf32>
    %broadcast_in_dim3A_28 = vector.shape_cast %reduce_sum3A_27 : vector<256xf32> to vector<256x1xf32>
    %div3A = vector.broadcast %broadcast_in_dim3A_28 : vector<256x1xf32> to vector<256x4096xf32>
    %div3A_29 = arith.divf %exp3A, %div3A : vector<256x4096xf32>
    %dot_general3A = arith.constant dense<0.000000e+00> : vector<256x32xf32>
    %dot_general3A_30 = tpu.matmul %div3A_29, %get3A_7, %dot_general3A {dimension_numbers = #tpu.dot_dimension_numbers<[1], [0], [0], [1], [0, 0, 1, 1], [], []>, transpose_lhs_hint = false} : vector<256x4096xf32>, vector<4096x32xf32>, vector<256x32xf32> -> vector<256x32xf32>
    %add3A_31 = arith.addf %broadcast_in_dim3A_4, %dot_general3A_30 : vector<256x32xf32>
    %get3A_32 = arith.constant 0 : index
    %get3A_33 = arith.constant 32 : index
    %get3A_34 = vector.load %arg2[%get3A_32, %get3A_33] : memref<4096x128xf32, #tpu.memory_space<vmem>>, vector<4096x32xf32>
    %mul3A_35 = arith.constant 256 : i32
    %mul3A_36 = arith.muli %arg0, %mul3A_35 : i32
    %get3A_37 = arith.index_cast %mul3A_36 : i32 to index
    %get3A_38 = arith.constant 1 : index
    %get3A_39 = vector.load %arg3[%get3A_37, %get3A_38] : memref<4096x8xf32, #tpu.memory_space<vmem>>, vector<256x1xf32>
    %get3A_40 = arith.constant 5 : index
    %get3A_41 = arith.constant 0 : index
    %get3A_42 = vector.load %arg4[%get3A_40, %get3A_41] : memref<8x4096xf32, #tpu.memory_space<vmem>>, vector<1x4096xf32>
    %add3A_43 = vector.broadcast %get3A_39 : vector<256x1xf32> to vector<256x4096xf32>
    %add3A_44 = vector.broadcast %get3A_42 : vector<1x4096xf32> to vector<256x4096xf32>
    %add3A_45 = arith.addf %add3A_43, %add3A_44 : vector<256x4096xf32>
    %ge3A_46 = arith.constant 0.000000e+00 : f32
    %ge3A_47 = vector.broadcast %ge3A_46 : f32 to vector<256x4096xf32>
    %ge3A_48 = arith.cmpf oge, %add3A_45, %ge3A_47 : vector<256x4096xf32>
    %mul3A_49 = arith.constant 2.000000e-01 : f32
    %mul3A_50 = vector.broadcast %mul3A_49 : f32 to vector<256x4096xf32>
    %mul3A_51 = arith.mulf %mul3A_50, %add3A_45 : vector<256x4096xf32>
    %select_n3A_52 = arith.select %ge3A_48, %add3A_45, %mul3A_51 : vector<256x4096xi1>, vector<256x4096xf32>
    %jit3A_53 = arith.constant -9.000000e+15 : f32
    %broadcast_in_dim3A_54 = vector.broadcast %jit3A_53 : f32 to vector<256x4096xf32>
    %select_n3A_55 = arith.select %gt3A_3, %select_n3A_52, %broadcast_in_dim3A_54 : vector<256x4096xi1>, vector<256x4096xf32>
    %reduce_max3A_56 = arith.constant dense<0xFF800000> : vector<256xf32>
    %reduce_max3A_57 = vector.multi_reduction <maximumf>, %select_n3A_55, %reduce_max3A_56 [1] : vector<256x4096xf32> to vector<256xf32>
    %broadcast_in_dim3A_58 = vector.shape_cast %reduce_max3A_57 : vector<256xf32> to vector<256x1xf32>
    %sub3A_59 = vector.broadcast %broadcast_in_dim3A_58 : vector<256x1xf32> to vector<256x4096xf32>
    %sub3A_60 = arith.subf %select_n3A_55, %sub3A_59 : vector<256x4096xf32>
    %exp3A_61 = math.exp %sub3A_60 : vector<256x4096xf32>
    %reduce_sum3A_62 = arith.constant dense<0.000000e+00> : vector<256xf32>
    %reduce_sum3A_63 = vector.multi_reduction <add>, %exp3A_61, %reduce_sum3A_62 [1] : vector<256x4096xf32> to vector<256xf32>
    %broadcast_in_dim3A_64 = vector.shape_cast %reduce_sum3A_63 : vector<256xf32> to vector<256x1xf32>
    %div3A_65 = vector.broadcast %broadcast_in_dim3A_64 : vector<256x1xf32> to vector<256x4096xf32>
    %div3A_66 = arith.divf %exp3A_61, %div3A_65 : vector<256x4096xf32>
    %dot_general3A_67 = arith.constant dense<0.000000e+00> : vector<256x32xf32>
    %dot_general3A_68 = tpu.matmul %div3A_66, %get3A_34, %dot_general3A_67 {dimension_numbers = #tpu.dot_dimension_numbers<[1], [0], [0], [1], [0, 0, 1, 1], [], []>, transpose_lhs_hint = false} : vector<256x4096xf32>, vector<4096x32xf32>, vector<256x32xf32> -> vector<256x32xf32>
    %add3A_69 = arith.addf %add3A_31, %dot_general3A_68 : vector<256x32xf32>
    %get3A_70 = arith.constant 0 : index
    %get3A_71 = arith.constant 64 : index
    %get3A_72 = vector.load %arg2[%get3A_70, %get3A_71] : memref<4096x128xf32, #tpu.memory_space<vmem>>, vector<4096x32xf32>
    %mul3A_73 = arith.constant 256 : i32
    %mul3A_74 = arith.muli %arg0, %mul3A_73 : i32
    %get3A_75 = arith.index_cast %mul3A_74 : i32 to index
    %get3A_76 = arith.constant 2 : index
    %get3A_77 = vector.load %arg3[%get3A_75, %get3A_76] : memref<4096x8xf32, #tpu.memory_space<vmem>>, vector<256x1xf32>
    %get3A_78 = arith.constant 6 : index
    %get3A_79 = arith.constant 0 : index
    %get3A_80 = vector.load %arg4[%get3A_78, %get3A_79] : memref<8x4096xf32, #tpu.memory_space<vmem>>, vector<1x4096xf32>
    %add3A_81 = vector.broadcast %get3A_77 : vector<256x1xf32> to vector<256x4096xf32>
    %add3A_82 = vector.broadcast %get3A_80 : vector<1x4096xf32> to vector<256x4096xf32>
    %add3A_83 = arith.addf %add3A_81, %add3A_82 : vector<256x4096xf32>
    %ge3A_84 = arith.constant 0.000000e+00 : f32
    %ge3A_85 = vector.broadcast %ge3A_84 : f32 to vector<256x4096xf32>
    %ge3A_86 = arith.cmpf oge, %add3A_83, %ge3A_85 : vector<256x4096xf32>
    %mul3A_87 = arith.constant 2.000000e-01 : f32
    %mul3A_88 = vector.broadcast %mul3A_87 : f32 to vector<256x4096xf32>
    %mul3A_89 = arith.mulf %mul3A_88, %add3A_83 : vector<256x4096xf32>
    %select_n3A_90 = arith.select %ge3A_86, %add3A_83, %mul3A_89 : vector<256x4096xi1>, vector<256x4096xf32>
    %jit3A_91 = arith.constant -9.000000e+15 : f32
    %broadcast_in_dim3A_92 = vector.broadcast %jit3A_91 : f32 to vector<256x4096xf32>
    %select_n3A_93 = arith.select %gt3A_3, %select_n3A_90, %broadcast_in_dim3A_92 : vector<256x4096xi1>, vector<256x4096xf32>
    %reduce_max3A_94 = arith.constant dense<0xFF800000> : vector<256xf32>
    %reduce_max3A_95 = vector.multi_reduction <maximumf>, %select_n3A_93, %reduce_max3A_94 [1] : vector<256x4096xf32> to vector<256xf32>
    %broadcast_in_dim3A_96 = vector.shape_cast %reduce_max3A_95 : vector<256xf32> to vector<256x1xf32>
    %sub3A_97 = vector.broadcast %broadcast_in_dim3A_96 : vector<256x1xf32> to vector<256x4096xf32>
    %sub3A_98 = arith.subf %select_n3A_93, %sub3A_97 : vector<256x4096xf32>
    %exp3A_99 = math.exp %sub3A_98 : vector<256x4096xf32>
    %reduce_sum3A_100 = arith.constant dense<0.000000e+00> : vector<256xf32>
    %reduce_sum3A_101 = vector.multi_reduction <add>, %exp3A_99, %reduce_sum3A_100 [1] : vector<256x4096xf32> to vector<256xf32>
    %broadcast_in_dim3A_102 = vector.shape_cast %reduce_sum3A_101 : vector<256xf32> to vector<256x1xf32>
    %div3A_103 = vector.broadcast %broadcast_in_dim3A_102 : vector<256x1xf32> to vector<256x4096xf32>
    %div3A_104 = arith.divf %exp3A_99, %div3A_103 : vector<256x4096xf32>
    %dot_general3A_105 = arith.constant dense<0.000000e+00> : vector<256x32xf32>
    %dot_general3A_106 = tpu.matmul %div3A_104, %get3A_72, %dot_general3A_105 {dimension_numbers = #tpu.dot_dimension_numbers<[1], [0], [0], [1], [0, 0, 1, 1], [], []>, transpose_lhs_hint = false} : vector<256x4096xf32>, vector<4096x32xf32>, vector<256x32xf32> -> vector<256x32xf32>
    %add3A_107 = arith.addf %add3A_69, %dot_general3A_106 : vector<256x32xf32>
    %get3A_108 = arith.constant 0 : index
    %get3A_109 = arith.constant 96 : index
    %get3A_110 = vector.load %arg2[%get3A_108, %get3A_109] : memref<4096x128xf32, #tpu.memory_space<vmem>>, vector<4096x32xf32>
    %mul3A_111 = arith.constant 256 : i32
    %mul3A_112 = arith.muli %arg0, %mul3A_111 : i32
    %get3A_113 = arith.index_cast %mul3A_112 : i32 to index
    %get3A_114 = arith.constant 3 : index
    %get3A_115 = vector.load %arg3[%get3A_113, %get3A_114] : memref<4096x8xf32, #tpu.memory_space<vmem>>, vector<256x1xf32>
    %get3A_116 = arith.constant 7 : index
    %get3A_117 = arith.constant 0 : index
    %get3A_118 = vector.load %arg4[%get3A_116, %get3A_117] : memref<8x4096xf32, #tpu.memory_space<vmem>>, vector<1x4096xf32>
    %add3A_119 = vector.broadcast %get3A_115 : vector<256x1xf32> to vector<256x4096xf32>
    %add3A_120 = vector.broadcast %get3A_118 : vector<1x4096xf32> to vector<256x4096xf32>
    %add3A_121 = arith.addf %add3A_119, %add3A_120 : vector<256x4096xf32>
    %ge3A_122 = arith.constant 0.000000e+00 : f32
    %ge3A_123 = vector.broadcast %ge3A_122 : f32 to vector<256x4096xf32>
    %ge3A_124 = arith.cmpf oge, %add3A_121, %ge3A_123 : vector<256x4096xf32>
    %mul3A_125 = arith.constant 2.000000e-01 : f32
    %mul3A_126 = vector.broadcast %mul3A_125 : f32 to vector<256x4096xf32>
    %mul3A_127 = arith.mulf %mul3A_126, %add3A_121 : vector<256x4096xf32>
    %select_n3A_128 = arith.select %ge3A_124, %add3A_121, %mul3A_127 : vector<256x4096xi1>, vector<256x4096xf32>
    %jit3A_129 = arith.constant -9.000000e+15 : f32
    %broadcast_in_dim3A_130 = vector.broadcast %jit3A_129 : f32 to vector<256x4096xf32>
    %select_n3A_131 = arith.select %gt3A_3, %select_n3A_128, %broadcast_in_dim3A_130 : vector<256x4096xi1>, vector<256x4096xf32>
    %reduce_max3A_132 = arith.constant dense<0xFF800000> : vector<256xf32>
    %reduce_max3A_133 = vector.multi_reduction <maximumf>, %select_n3A_131, %reduce_max3A_132 [1] : vector<256x4096xf32> to vector<256xf32>
    %broadcast_in_dim3A_134 = vector.shape_cast %reduce_max3A_133 : vector<256xf32> to vector<256x1xf32>
    %sub3A_135 = vector.broadcast %broadcast_in_dim3A_134 : vector<256x1xf32> to vector<256x4096xf32>
    %sub3A_136 = arith.subf %select_n3A_131, %sub3A_135 : vector<256x4096xf32>
    %exp3A_137 = math.exp %sub3A_136 : vector<256x4096xf32>
    %reduce_sum3A_138 = arith.constant dense<0.000000e+00> : vector<256xf32>
    %reduce_sum3A_139 = vector.multi_reduction <add>, %exp3A_137, %reduce_sum3A_138 [1] : vector<256x4096xf32> to vector<256xf32>
    %broadcast_in_dim3A_140 = vector.shape_cast %reduce_sum3A_139 : vector<256xf32> to vector<256x1xf32>
    %div3A_141 = vector.broadcast %broadcast_in_dim3A_140 : vector<256x1xf32> to vector<256x4096xf32>
    %div3A_142 = arith.divf %exp3A_137, %div3A_141 : vector<256x4096xf32>
    %dot_general3A_143 = arith.constant dense<0.000000e+00> : vector<256x32xf32>
    %dot_general3A_144 = tpu.matmul %div3A_142, %get3A_110, %dot_general3A_143 {dimension_numbers = #tpu.dot_dimension_numbers<[1], [0], [0], [1], [0, 0, 1, 1], [], []>, transpose_lhs_hint = false} : vector<256x4096xf32>, vector<4096x32xf32>, vector<256x32xf32> -> vector<256x32xf32>
    %add3A_145 = arith.addf %add3A_107, %dot_general3A_144 : vector<256x32xf32>
    %mul3A_146 = arith.constant 2.500000e-01 : f32
    %mul3A_147 = vector.broadcast %mul3A_146 : f32 to vector<256x32xf32>
    %mul3A_148 = arith.mulf %add3A_145, %mul3A_147 : vector<256x32xf32>
    %gt3A_149 = arith.constant 0.000000e+00 : f32
    %gt3A_150 = vector.broadcast %gt3A_149 : f32 to vector<256x32xf32>
    %gt3A_151 = arith.cmpf ogt, %mul3A_148, %gt3A_150 : vector<256x32xf32>
    %exp3A_152 = math.exp %mul3A_148 : vector<256x32xf32>
    %sub3A_153 = arith.constant 1.000000e+00 : f32
    %sub3A_154 = vector.broadcast %sub3A_153 : f32 to vector<256x32xf32>
    %sub3A_155 = arith.subf %exp3A_152, %sub3A_154 : vector<256x32xf32>
    %select_n3A_156 = arith.select %gt3A_151, %mul3A_148, %sub3A_155 : vector<256x32xi1>, vector<256x32xf32>
    %swap3A = arith.constant 0 : index
    %swap3A_157 = arith.constant 0 : index
    %swap3A_158 = vector.load %arg5[%swap3A, %swap3A_157] : memref<256x32xf32, #tpu.memory_space<vmem>>, vector<256x32xf32>
    tpu.vector_store %arg5[%swap3A, %swap3A_157], %select_n3A_156 {strides = array<i32>} : memref<256x32xf32, #tpu.memory_space<vmem>>, vector<256x32xf32>,
    return
  }
  func.func @transform_0(%arg0: i32) -> (i32, i32) {
    %c0_i32 = arith.constant 0 : i32
    %c0_i32_0 = arith.constant 0 : i32
    return %arg0, %c0_i32 : i32, i32
  }
  func.func @transform_1(%arg0: i32) -> (i32, i32) {
    %c0_i32 = arith.constant 0 : i32
    %c0_i32_0 = arith.constant 0 : i32
    %c0_i32_1 = arith.constant 0 : i32
    return %c0_i32, %c0_i32_0 : i32, i32
  }
  func.func @transform_2(%arg0: i32) -> (i32, i32) {
    %c0_i32 = arith.constant 0 : i32
    %c0_i32_0 = arith.constant 0 : i32
    %c0_i32_1 = arith.constant 0 : i32
    return %c0_i32, %c0_i32_0 : i32, i32
  }
  func.func @transform_3(%arg0: i32) -> (i32, i32) {
    %c0_i32 = arith.constant 0 : i32
    %c0_i32_0 = arith.constant 0 : i32
    %c0_i32_1 = arith.constant 0 : i32
    return %c0_i32, %c0_i32_0 : i32, i32
  }
  func.func @transform_4(%arg0: i32) -> (i32, i32) {
    %c0_i32 = arith.constant 0 : i32
    %c0_i32_0 = arith.constant 0 : i32
    return %arg0, %c0_i32 : i32, i32
  }
}

module attributes {stable_mosaic.version = 14 : i64} {
  func.func @_tail_body(%arg0: memref<10000x32xf32, #tpu.memory_space<vmem>>, %arg1: memref<1x10000xi32, #tpu.memory_space<vmem>>, %arg2: memref<4096x32xf32, #tpu.memory_space<vmem>>, %arg3: memref<1x4096xi32, #tpu.memory_space<vmem>>, %arg4: memref<64x32xf32, #tpu.memory_space<vmem>>, %arg5: memref<1x32xf32, #tpu.memory_space<vmem>>, %arg6: memref<32x16xf32, #tpu.memory_space<vmem>>, %arg7: memref<1x16xf32, #tpu.memory_space<vmem>>, %arg8: memref<16x1xf32, #tpu.memory_space<vmem>>, %arg9: memref<1x1xf32, #tpu.memory_space<vmem>>, %arg10: memref<128x1xf32, #tpu.memory_space<vmem>>) attributes {dimension_semantics = [], scalar_prefetch = 0 : i64, scratch_operands = 0 : i64, tpu.core_type = #tpu.core_type<tc>} {
    %get3A = arith.constant 0 : index
    %get3A_0 = arith.constant 0 : index
    %get3A_1 = vector.load %arg1[%get3A, %get3A_0] : memref<1x10000xi32, #tpu.memory_space<vmem>>, vector<1x10000xi32>
    %get3A_2 = arith.constant 0 : index
    %get3A_3 = arith.constant 0 : index
    %get3A_4 = vector.load %arg0[%get3A_2, %get3A_3] : memref<10000x32xf32, #tpu.memory_space<vmem>>, vector<10000x32xf32>
    %iota3A = tpu.iota {dimensions = array<i32: 0>} : vector<128x1xi32>
    %eq3A = vector.broadcast %get3A_1 : vector<1x10000xi32> to vector<128x10000xi32>
    %eq3A_5 = vector.broadcast %iota3A : vector<128x1xi32> to vector<128x10000xi32>
    %eq3A_6 = arith.cmpi eq, %eq3A, %eq3A_5 : vector<128x10000xi32>
    %convert_element_type3A = arith.extui %eq3A_6 : vector<128x10000xi1> to vector<128x10000xi32>
    %convert_element_type3A_7 = arith.sitofp %convert_element_type3A : vector<128x10000xi32> to vector<128x10000xf32>
    %dot_general3A = arith.constant dense<0.000000e+00> : vector<128x32xf32>
    %dot_general3A_8 = tpu.matmul %convert_element_type3A_7, %get3A_4, %dot_general3A {dimension_numbers = #tpu.dot_dimension_numbers<[1], [0], [0], [1], [0, 0, 1, 1], [], []>, precision = #tpu.contract_precision<fp32>, transpose_lhs_hint = false} : vector<128x10000xf32>, vector<10000x32xf32>, vector<128x32xf32> -> vector<128x32xf32>
    %reduce_sum3A = arith.constant dense<0.000000e+00> : vector<128xf32>
    %reduce_sum3A_9 = vector.multi_reduction <add>, %convert_element_type3A_7, %reduce_sum3A [1] : vector<128x10000xf32> to vector<128xf32>
    %broadcast_in_dim3A = vector.shape_cast %reduce_sum3A_9 : vector<128xf32> to vector<128x1xf32>
    %max3A = arith.constant 1.000000e+00 : f32
    %max3A_10 = vector.broadcast %max3A : f32 to vector<128x1xf32>
    %max3A_11 = arith.maximumf %broadcast_in_dim3A, %max3A_10 : vector<128x1xf32>
    %div3A = vector.broadcast %max3A_11 : vector<128x1xf32> to vector<128x32xf32>
    %div3A_12 = arith.divf %dot_general3A_8, %div3A : vector<128x32xf32>
    %get3A_13 = arith.constant 0 : index
    %get3A_14 = arith.constant 0 : index
    %get3A_15 = vector.load %arg3[%get3A_13, %get3A_14] : memref<1x4096xi32, #tpu.memory_space<vmem>>, vector<1x4096xi32>
    %get3A_16 = arith.constant 0 : index
    %get3A_17 = arith.constant 0 : index
    %get3A_18 = vector.load %arg2[%get3A_16, %get3A_17] : memref<4096x32xf32, #tpu.memory_space<vmem>>, vector<4096x32xf32>
    %iota3A_19 = tpu.iota {dimensions = array<i32: 0>} : vector<128x1xi32>
    %eq3A_20 = vector.broadcast %get3A_15 : vector<1x4096xi32> to vector<128x4096xi32>
    %eq3A_21 = vector.broadcast %iota3A_19 : vector<128x1xi32> to vector<128x4096xi32>
    %eq3A_22 = arith.cmpi eq, %eq3A_20, %eq3A_21 : vector<128x4096xi32>
    %convert_element_type3A_23 = arith.extui %eq3A_22 : vector<128x4096xi1> to vector<128x4096xi32>
    %convert_element_type3A_24 = arith.sitofp %convert_element_type3A_23 : vector<128x4096xi32> to vector<128x4096xf32>
    %dot_general3A_25 = arith.constant dense<0.000000e+00> : vector<128x32xf32>
    %dot_general3A_26 = tpu.matmul %convert_element_type3A_24, %get3A_18, %dot_general3A_25 {dimension_numbers = #tpu.dot_dimension_numbers<[1], [0], [0], [1], [0, 0, 1, 1], [], []>, precision = #tpu.contract_precision<fp32>, transpose_lhs_hint = false} : vector<128x4096xf32>, vector<4096x32xf32>, vector<128x32xf32> -> vector<128x32xf32>
    %reduce_sum3A_27 = arith.constant dense<0.000000e+00> : vector<128xf32>
    %reduce_sum3A_28 = vector.multi_reduction <add>, %convert_element_type3A_24, %reduce_sum3A_27 [1] : vector<128x4096xf32> to vector<128xf32>
    %broadcast_in_dim3A_29 = vector.shape_cast %reduce_sum3A_28 : vector<128xf32> to vector<128x1xf32>
    %max3A_30 = arith.constant 1.000000e+00 : f32
    %max3A_31 = vector.broadcast %max3A_30 : f32 to vector<128x1xf32>
    %max3A_32 = arith.maximumf %broadcast_in_dim3A_29, %max3A_31 : vector<128x1xf32>
    %div3A_33 = vector.broadcast %max3A_32 : vector<128x1xf32> to vector<128x32xf32>
    %div3A_34 = arith.divf %dot_general3A_26, %div3A_33 : vector<128x32xf32>
    %concatenate3A = tpu.concatenate %div3A_12, %div3A_34 in 1 : vector<128x32xf32>, vector<128x32xf32> -> vector<128x64xf32>
    %get3A_35 = arith.constant 0 : index
    %get3A_36 = arith.constant 0 : index
    %get3A_37 = vector.load %arg4[%get3A_35, %get3A_36] : memref<64x32xf32, #tpu.memory_space<vmem>>, vector<64x32xf32>
    %dot_general3A_38 = arith.constant dense<0.000000e+00> : vector<128x32xf32>
    %dot_general3A_39 = tpu.matmul %concatenate3A, %get3A_37, %dot_general3A_38 {dimension_numbers = #tpu.dot_dimension_numbers<[1], [0], [0], [1], [0, 0, 1, 1], [], []>, transpose_lhs_hint = false} : vector<128x64xf32>, vector<64x32xf32>, vector<128x32xf32> -> vector<128x32xf32>
    %get3A_40 = arith.constant 0 : index
    %get3A_41 = arith.constant 0 : index
    %get3A_42 = vector.load %arg5[%get3A_40, %get3A_41] : memref<1x32xf32, #tpu.memory_space<vmem>>, vector<1x32xf32>
    %add3A = vector.broadcast %get3A_42 : vector<1x32xf32> to vector<128x32xf32>
    %add3A_43 = arith.addf %dot_general3A_39, %add3A : vector<128x32xf32>
    %max3A_44 = arith.constant 0.000000e+00 : f32
    %max3A_45 = vector.broadcast %max3A_44 : f32 to vector<128x32xf32>
    %max3A_46 = arith.maximumf %add3A_43, %max3A_45 : vector<128x32xf32>
    %get3A_47 = arith.constant 0 : index
    %get3A_48 = arith.constant 0 : index
    %get3A_49 = vector.load %arg6[%get3A_47, %get3A_48] : memref<32x16xf32, #tpu.memory_space<vmem>>, vector<32x16xf32>
    %dot_general3A_50 = arith.constant dense<0.000000e+00> : vector<128x16xf32>
    %dot_general3A_51 = tpu.matmul %max3A_46, %get3A_49, %dot_general3A_50 {dimension_numbers = #tpu.dot_dimension_numbers<[1], [0], [0], [1], [0, 0, 1, 1], [], []>, transpose_lhs_hint = false} : vector<128x32xf32>, vector<32x16xf32>, vector<128x16xf32> -> vector<128x16xf32>
    %get3A_52 = arith.constant 0 : index
    %get3A_53 = arith.constant 0 : index
    %get3A_54 = vector.load %arg7[%get3A_52, %get3A_53] : memref<1x16xf32, #tpu.memory_space<vmem>>, vector<1x16xf32>
    %add3A_55 = vector.broadcast %get3A_54 : vector<1x16xf32> to vector<128x16xf32>
    %add3A_56 = arith.addf %dot_general3A_51, %add3A_55 : vector<128x16xf32>
    %max3A_57 = arith.constant 0.000000e+00 : f32
    %max3A_58 = vector.broadcast %max3A_57 : f32 to vector<128x16xf32>
    %max3A_59 = arith.maximumf %add3A_56, %max3A_58 : vector<128x16xf32>
    %get3A_60 = arith.constant 0 : index
    %get3A_61 = arith.constant 0 : index
    %get3A_62 = vector.load %arg8[%get3A_60, %get3A_61] : memref<16x1xf32, #tpu.memory_space<vmem>>, vector<16x1xf32>
    %dot_general3A_63 = arith.constant dense<0.000000e+00> : vector<128x1xf32>
    %dot_general3A_64 = tpu.matmul %max3A_59, %get3A_62, %dot_general3A_63 {dimension_numbers = #tpu.dot_dimension_numbers<[1], [0], [0], [1], [0, 0, 1, 1], [], []>, precision = #tpu.contract_precision<fp32>, transpose_lhs_hint = false} : vector<128x16xf32>, vector<16x1xf32>, vector<128x1xf32> -> vector<128x1xf32>
    %get3A_65 = arith.constant 0 : index
    %get3A_66 = arith.constant 0 : index
    %get3A_67 = vector.load %arg9[%get3A_65, %get3A_66] : memref<1x1xf32, #tpu.memory_space<vmem>>, vector<1x1xf32>
    %add3A_68 = vector.broadcast %get3A_67 : vector<1x1xf32> to vector<128x1xf32>
    %add3A_69 = arith.addf %dot_general3A_64, %add3A_68 : vector<128x1xf32>
    %swap3A = arith.constant 0 : index
    %swap3A_70 = arith.constant 0 : index
    %swap3A_71 = vector.load %arg10[%swap3A, %swap3A_70] : memref<128x1xf32, #tpu.memory_space<vmem>>, vector<128x1xf32>
    tpu.vector_store %arg10[%swap3A, %swap3A_70], %add3A_69 {strides = array<i32>} : memref<128x1xf32, #tpu.memory_space<vmem>>, vector<128x1xf32>,
    return
  }
}

</mosaic_0001>

<sc_bundles>
// kernel: kernel.15.cloned.1.call-start
scs
__scs_entry_jumppad:
0x0: {  	(pc) =	sbr.rel $0x88, $3  }
0x1: {  	(tag) =	ssettag $0x0;
	lr =	simm.s32 $0x1  }
0x2: {  	[smem:$0x3F7B] =	sst lr;
	_ =	strace $0xD0000000  }
0x3: {  	_ = 	snop  }
0x4: {  	_ = 	snop  }
0x5: {  	_ = 	snop  }
0x6: {  	_ = 	snop  }
0x7: {  	_ = 	snop  }
__scs_overlays_trampoline_lowered:
0x8: {  	[smem:$0x3F8A] =	sst s0  }
0x9: {  	[smem:$0x3F8B] =	sst s1  }
0xa: {  	[smem:$0x3F8C] =	sst s2  }
0xb: {  	[smem:$0x3F8D] =	sst s3  }
0xc: {  	[smem:$0x3F8E] =	sst s4  }
0xd: {  	[smem:$0x3F8F] =	sst s5  }
0xe: {  	[smem:$0x3F90] =	sst s6  }
0xf: {  	[smem:$0x3F91] =	sst s7  }
0x10: {  	[smem:$0x3F92] =	sst s8  }
0x11: {  	[smem:$0x3F93] =	sst s9;
	s0 =	simm.s32 @!p0 $0x0  }
0x12: {  	s1 =	sld [smem:$0x3F79];
	s0 =	simm.s32 @p0 $0x1  }
0x13: {  	[smem:$0x3F94] =	sst s0;
	s0 =	simm.s32 @!p1 $0x0  }
0x14: {  	s2 =	sld [smem:$0x3F78];
	s0 =	simm.s32 @p1 $0x1  }
0x15: {  	[smem:$0x3F95] =	sst s0;
	s0 =	simm.s32 @!p2 $0x0  }
0x16: {  	s3 =	sld [smem:$0x3FDB];
	s0 =	simm.s32 @p2 $0x1  }
0x17: {  	s4 =	simm.s32 $0x1BF5;
	[smem:$0x3F97] =	sst s0  }
0x18: {  	s0 =	sld [smem:$0x3F7A];
	_ =	swait.ge [sflag:s4], $0x0  }
0x19: {  	s7 =	sld [smem:$0x3F7B]  }
0x1a: {  	s8 =	sadd.s32 $0xFFFFE003, lr  }
0x1b: {  	s9 =	sadd.s32 $0xFFFFFEF7, lr;
	s5 =	simm.s32 $0xFFFFFFFF;
	p2 =	slt.u32 s8, $0xFFFFF086  }
0x1c: {  	p1 =	slt.u32 s9, $0xF7A;
	s5 =	simm.s32 @!p2 $0x0  }
0x1d: {  	s5 =	simm.s32 @p1 $0x1;
	p0 =	seq.s32 s7, s2  }
0x1e: {  	s7 =	smul.u32 @!p0 $0xF7A, s2;
	p2 =	seq.s32 @!p0 s5, $0x0  }
0x1f: {  	s9 =	smul.u32 $0xF7A, s1;
	s8 =	simm.s32 @!p0 $0x1BF5;
	p2 =	por !p2, p0  }
0x20: {  	[sflag:s8] =	ssyncset.s32 @!p0 $0xFFFFF086;
	s6 =	sadd.s32 @!p0 s3, s7;
	s7 =	simm.s32 @!p0 $0x108  }
0x21: {  	s3 =	sadd.s32 s3, s9;
	s6 =	sadd.s32 @!p0 $0x88, s6;
	s7 =	simm.s32 @p2 $0x1082  }
0x22: {  	[simem:s7], [sflag:s8] =	dma.local @!p0 [hbm:s6], $0xF7A  }
0x23: {  	s9 =	sor.u32 $0xD0000000, s2;
	s6 =	simm.s32 $0x108;
	_ =	swait.ge @!p0 [sflag:s8], $0x0  }
0x24: {  	s3 =	sadd.s32 $0x88, s3;
	s6 =	simm.s32 @!p1 $0x1082;
	[sflag:s4] =	ssyncset.s32 $0xFFFFF086  }
0x25: {  	[simem:s6], [sflag:s4] =	dma.local [hbm:s3], $0xF7A  }
0x26: {  	[smem:$0x3F7B] =	sst s1;
	(tag) =	ssettag s2;
	_ =	strace s9  }
0x27: {  	s1 =	sld [smem:$0x3F8B]  }
0x28: {  	s2 =	sld [smem:$0x3F8C]  }
0x29: {  	s4 =	sld [smem:$0x3F8E]  }
0x2a: {  	p0 =	seq.s32 s5, $0x0;
	s5 =	sld [smem:$0x3F8F]  }
0x2b: {  	s6 =	sld [smem:$0x3F90]  }
0x2c: {  	s7 =	sld [smem:$0x3F91]  }
0x2d: {  	s3 =	simm.s32 $0x108;
	s8 =	sld [smem:$0x3F92]  }
0x2e: {  	s3 =	simm.s32 @!p0 $0x1082;
	s9 =	sld [smem:$0x3F93]  }
0x2f: {  	lr =	sadd.s32 s0, s3;
	s0 =	sld [smem:$0x3F8A]  }
0x30: {  	s3 =	sld [smem:$0x3F8D]  }
0x31: {  	[smem:$0x3F96] =	sst s10  }
0x32: {  	s10 =	sld [smem:$0x3F94];
	_ =	sdelay $0x3  }
0x33: {  	p0 =	seq.s32 s10, $0x1;
	s10 =	sld [smem:$0x3F96];
	_ =	sdelay $0x3  }
0x34: {  	[smem:$0x3F96] =	sst s10  }
0x35: {  	s10 =	sld [smem:$0x3F95];
	_ =	sdelay $0x3  }
0x36: {  	p1 =	seq.s32 s10, $0x1;
	s10 =	sld [smem:$0x3F96];
	_ =	sdelay $0x3  }
0x37: {  	[smem:$0x3F96] =	sst s10  }
0x38: {  	s10 =	sld [smem:$0x3F97]  }
0x39: {  	_ = 	snop;
	(pc) =	sbr.ind lr, $3  }
0x3a: {  	_ = 	snop  }
0x3b: {  	_ = 	snop  }
0x3c: {  	p2 =	seq.s32 s10, $0x1;
	s10 =	sld [smem:$0x3F96]  }
0x3d: {  	_ =	shalt  }
0x3e: {  	_ =	shalt  }
0x3f: {  	_ =	shalt  }
0x40: {  	_ =	shalt  }
0x41: {  	_ =	shalt  }
0x42: {  	_ =	shalt  }
0x43: {  	_ =	shalt  }
0x44: {  	_ =	shalt  }
0x45: {  	_ =	shalt  }
0x46: {  	_ =	shalt  }
0x47: {  	_ =	shalt  }
0x48: {  	_ =	shalt  }
0x49: {  	_ =	shalt  }
0x4a: {  	_ =	shalt  }
0x4b: {  	_ =	shalt  }
0x4c: {  	_ =	shalt  }
0x4d: {  	_ =	shalt  }
0x4e: {  	_ =	shalt  }
0x4f: {  	_ =	shalt  }
0x50: {  	_ =	shalt  }
0x51: {  	_ =	shalt  }
0x52: {  	_ =	shalt  }
0x53: {  	_ =	shalt  }
0x54: {  	_ =	shalt  }
0x55: {  	_ =	shalt  }
0x56: {  	_ =	shalt  }
0x57: {  	_ =	shalt  }
0x58: {  	_ =	shalt  }
0x59: {  	_ =	shalt  }
0x5a: {  	_ =	shalt  }
0x5b: {  	_ =	shalt  }
0x5c: {  	_ =	shalt  }
0x5d: {  	_ =	shalt  }
0x5e: {  	_ =	shalt  }
0x5f: {  	_ =	shalt  }
0x60: {  	_ =	shalt  }
0x61: {  	_ =	shalt  }
0x62: {  	_ =	shalt  }
0x63: {  	_ =	shalt  }
0x64: {  	_ =	shalt  }
0x65: {  	_ =	shalt  }
0x66: {  	_ =	shalt  }
0x67: {  	_ =	shalt  }
0x68: {  	_ =	shalt  }
0x69: {  	_ =	shalt  }
0x6a: {  	_ =	shalt  }
0x6b: {  	_ =	shalt  }
0x6c: {  	_ =	shalt  }
0x6d: {  	_ =	shalt  }
0x6e: {  	_ =	shalt  }
0x6f: {  	_ =	shalt  }
0x70: {  	_ =	shalt  }
0x71: {  	_ =	shalt  }
0x72: {  	_ =	shalt  }
0x73: {  	_ =	shalt  }
0x74: {  	_ =	shalt  }
0x75: {  	_ =	shalt  }
0x76: {  	_ =	shalt  }
0x77: {  	_ =	shalt  }
0x78: {  	_ =	shalt  }
0x79: {  	_ =	shalt  }
0x7a: {  	_ =	shalt  }
0x7b: {  	_ =	shalt  }
0x7c: {  	_ =	shalt  }
0x7d: {  	_ =	shalt  }
0x7e: {  	_ =	shalt  }
0x7f: {  	_ =	shalt  }
0x80: {  	_ =	shalt  }
0x81: {  	_ =	shalt  }
0x82: {  	_ =	shalt  }
0x83: {  	_ =	shalt  }
0x84: {  	_ =	shalt  }
0x85: {  	_ =	shalt  }
0x86: {  	_ =	shalt  }
0x87: {  	_ =	shalt  }
.Lfunc_end0:
.L_simem_size_0:
called_computation_lowered:
.L_overlay_start_0:
0x88: {  	s2 =	sld [smem:$0x3FD9]  }
0x89: {  	s3 =	sld [smem:$0x3FFE];
	_ =	sdelay $0x1  }
0x8a: {  	s1 =	srdreg.scid  }
0x8b: {  	s0 =	sand.u32 $0x1, s1  }
0x8c: {  	s17 =	sshll.u32 s0, $0xA;
	s2 =	sadd.s32 s3, s2  }
0x8d: {  	s2 =	sadd.s32 s2, s17  }
0x8e: {  	[smem:$0x3FA2] =	sst s2  }
0x8f: {  	_ = 	snop  }
0x90: {  	(tm) =	ssettm $0x1  }
0x91: {  	s18 =	sld [smem:$0x3FFB];
	_ =	sdelay $0x3  }
0x92: {  	_ =	strace s18  }
0x93: {  	s2 =	sld [smem:$0x3FFC];
	_ =	sdelay $0x3  }
0x94: {  	_ =	strace s2  }
0x95: {  	s2 =	sld [smem:$0x3FFD];
	_ =	sdelay $0x3  }
0x96: {  	_ =	strace s2  }
0x97: {  	_ =	strace $0x8FFFFFFF  }
0x98: {  	s19 =	sld [smem:$0x3FDB];
	_ =	sdelay $0x1  }
0x99: {  	s20 =	simm.s32 $_scs_section_size  }
0x9a: {  	s4 =	simm.s32 $_size__tile_overlayer_lowered;
	s5 =	simm.s32 $_tile_overlayer_lowered  }
0x9b: {  	s6 =	simm.s32 $0x1BFF;
	s21 =	sshll.u32 s5, $0x1;
	s3 =	sadd.s32 s20, s19  }
0x9c: {  	s22 =	simm.s32 $0x0;
	s4 =	sshll.u32 s4, $0x1;
	s5 =	sadd.s32 s21, s3  }
0x9d: {  	[timem:s22], [sflag:s6] =	dma.local [hbm:s5], s4  }
0x9e: {  	_ =	swait.ge [sflag:s6], s4  }
0x9f: {  	s4 =	ssub.s32 $0x0, s4;
	[sflag:s6] =	ssyncset.done $0x0  }
0xa0: {  	[sflag:s6] =	ssyncadd.s32 s4;
	_ =	sdelay $0x1  }
0xa1: {  	s23 =	simm.s32 $0x1B8B  }
0xa2: {  	_ =	swait.ge [sflag:s23], $0x1  }
0xa3: {  	[sflag:s23] =	ssyncset.done $0x0  }
0xa4: {  	[sflag:s23] =	ssyncadd.s32 $0xFFFFFFFF  }
0xa5: {  	s4 =	sld [smem:$0x0]  }
0xa6: {  	s5 =	sand.u32 $0xFFFFFFFE, s1  }
0xa7: {  	p0 =	sne.s32 s1, s5  }
0xa8: {  	s5 =	sshll.u32 @p0 s5, $0xE  }
0xa9: {  	s5 =	sadd.s32 @p0 $0x11B8D, s5;
	s6 =	sshll.u32 @p0 s4, $0x11  }
0xaa: {  	s5 =	sor.u32 @p0 s6, s5  }
0xab: {  	[sflag:s5] =	ssyncadd.remote.s32 @p0 $0x1;
	_ =	sdelay $0x1  }
0xac: {  	s5 =	simm.s32 @p0 $0x1B8D  }
0xad: {  	_ =	swait.eq @p0 [sflag:s5], $0x1  }
0xae: {  	[sflag:s5] =	ssyncadd.s32 @p0 $0xFFFFFFFF  }
0xaf: {  	s6 =	sshll.u32 @!p0 s1, $0xE  }
0xb0: {  	s6 =	sor.u32 @!p0 $0x4000, s6;
	s5 =	simm.s32 @!p0 $0x1B8D  }
0xb1: {  	s4 =	sshll.u32 @!p0 s4, $0x11;
	s6 =	sadd.s32 @!p0 $0x11B8D, s6;
	_ =	swait.eq @!p0 [sflag:s5], $0x1  }
0xb2: {  	s4 =	sor.u32 @!p0 s4, s6;
	[sflag:s5] =	ssyncadd.s32 @!p0 $0xFFFFFFFF  }
0xb3: {  	s25 =	simm.s32 $0x1B8E;
	s24 =	sld [smem:$0x3FFE];
	[sflag:s4] =	ssyncadd.remote.s32 @!p0 $0x1  }
0xb4: {  	s26 =	simm.s32 $execute0_lowered;
	[smem:$0x3FD2] =	sst s25  }
0xb5: {  	s5 =	sshll.u32 s26, $0x1;
	_ =	strace $0x80000052;
	[dreg:$0x1] =	wrdreg $0xFFFFFFFF  }
0xb6: {  	s28 =	simm.s32 $_size_execute0_lowered;
	s3 =	sadd.s32 s3, s5;
	[dreg:$0x0] =	wrdreg $0x0  }
0xb7: {  	s5 =	sshll.u32 s28, $0x1;
	[dreg:$0x2] =	wrdreg s3  }
0xb8: {  	[dreg:$0x3] =	wrdreg s5  }
0xb9: {  	[dreg:$0x4] =	wrdreg $0xC0  }
0xba: {  	_ =	task [dreg:s22], $0x5FFFF  }
0xbb: {  	[dreg:$0x1] =	wrdreg $0xFFFFFFFF  }
0xbc: {  	[dreg:$0x0] =	wrdreg $0x60  }
0xbd: {  	[dreg:$0x2] =	wrdreg s24  }
0xbe: {  	[dreg:$0x3] =	wrdreg $0x9  }
0xbf: {  	_ =	task.clear_ibuf [dreg:s22], $0x4FFFF;
	_ =	strace $0x90000052  }
0xc0: {  	s29 =	simm.s32 $0x9;
	_ =	strace $0x80000054  }
0xc1: {  	_ =	swait.ge [sflag:s29], $0x1  }
0xc2: {  	[sflag:s29] =	ssyncadd.s32 $0xFFFFFFFF  }
0xc3: {  	_ =	strace $0x90000054  }
0xc4: {  	_ =	sfence  }
0xc5: {  	s30 =	sld [smem:$0x0];
	_ =	sdelay $0x2  }
0xc6: {  	s31 =	sshll.u32 s1, $0xD;
	s1 =	sshrl.u32 s1, $0x2  }
0xc7: {  	s4 =	sand.u32 $0x4000, s31;
	s1 =	sadd.s32 s1, s30  }
0xc8: {  	s0 =	sor.u32 s4, s0;
	s1 =	sshll.u32 s1, $0x11  }
0xc9: {  	s0 =	sor.u32 s1, s0  }
0xca: {  	s0 =	sadd.s32 $0x8F2B, s0  }
0xcb: {  	[sflag:s0] =	ssyncadd.remote.s32 $0x1  }
0xcc: {  	_ =	sfence.sel $0xFFFF  }
0xcd: {  	[dreg:$0x0] =	wrdreg $0xFFFFFFFF;
	(pc) =	sbr.abs _section_cstart, $3  }
0xce: {  	[dreg:$0x1] =	wrdreg $0xFFFFFFFF  }
0xcf: {  	_ =	task.clear_ibuf [dreg:s22], $0x2FFFF;
	_ =	strace $0x9FFFFFFF  }
0xd0: {  	(tm) =	ssettm $0x7FFFFFFF  }
0xd1: {  	_ =	shalt  }
tec
execute0_lowered:
.L_overlay_start_1:
0x0: {  	(tag) =	ssettag $0x1  }
0x1: {  	s13 =	rddreg [dreg:$0x0]  }
0x2: {  	s0 =	rddreg [dreg:$0x1];
	s1 =	simm.s32 $0x0;
	s2 =	srdreg.scid  }
0x3: {  	s14 =	simm.s32 $0x1;
	s15 =	simm.s32 $0x4000;
	s16 =	simm.s32 $0x8000  }
0x4: {  	s17 =	simm.s32 $0x0;
	[smem:$0x7FF] =	sst s1;
	s6 =	sand.u32 $0x1, s2  }
0x5: {  	s3 =	sadd.s32 $0xD1200, s13;
	s4 =	sadd.s32 $0xCF200, s13;
	s5 =	sadd.s32 $0xF6800, s13  }
0x6: {  	s2 =	stileid.u32;
	s9 =	sadd.s32 $0xCFA00, s13;
	s10 =	sadd.s32 $0xD2200, s13  }
0x7: {  	s11 =	sadd.s32 $0xD0200, s13;
	s12 =	sadd.s32 $0xD2A00, s13;
	s7 =	ssub.s32 $0x2, s6  }
0x8: {  	s31 =	sshll.u32 s2, $0x4;
	s6 =	sshll.u32 s6, $0x3;
	s8 =	sshrl.u32 s7, $0x1  }
0x9: {  	_ =	strace $0x80000053;
	s6 =	sor.u32 s6, s31;
	s7 =	ssub.s32 s7, s8  }
0xa: {  	v0 =	vimm.f32 $0.0e+00;
	v1 =	vimm.f32 $1.000000000e+00;
	s8 =	sadd.s32 $0xD1A00, s13;
	s13 =	sadd.s32 $0xD0A00, s13;
	s7 =	smax.u32 s7, $0x1  }
.LBB2_1:
0xb: {  	s18 =	simm.s32 $0x0  }
.LBB2_2:
0xc: {  	s19 =	simm.s32 $0x40;
	s20 =	simm.s32 $0x0  }
.LBB2_3:
0xd: {  	p0 =	seq.s32 s19, $0x3FFC0;
	[tilespmem:s20+$0x8000] =	vst v0;
	s20 =	smov.u32 s19;
	s19 =	sadd.s32 $0x40, s19  }
.Ltmp0:
0xe: {  	(pc) =	sbr.rel @!p0 .LBB2_3-.Ltmp0, $2  }
0xf: {  	_ =	sdelay $0x2  }
0x10: {  	s20 =	sshra.s32 s20, $0x2  }
0x11: {  	[tilespmem:s20+$0x8000] =	vst v0;
	s19 =	simm.s32 $0x0  }
0x12: {  	[tilespmem:s19], [sflag:$0x1] =	stream.linear.gather [hbm4b:s3+s19], $0x4000, $0x38;
	[tilespmem:$0x18000] =	vst v63  }
0x13: {  	_ =	swait.ge [sflag:s14], $0x4000  }
0x14: {  	[sflag:s14] =	ssyncset.done $0x0  }
0x15: {  	[sflag:s14] =	ssyncadd.s32 $0xFFFFC000  }
0x16: {  	[tilespmem:s15], [sflag:$0x1] =	stream.linear.gather [hbm4b:s4+s19], $0x4000, $0x38;
	[tilespmem:$0x18000] =	vst v63  }
0x17: {  	s19 =	sadd.s32 s6, s18;
	_ =	swait.ge [sflag:s14], $0x4000  }
0x18: {  	s31 =	sshll.u32 s19, $0x4;
	[sflag:s14] =	ssyncset.done $0x0  }
0x19: {  	s21 =	simm.s32 $0x0;
	s20 =	simm.s32 $0x40;
	v2 =	vmov s31;
	[sflag:s14] =	ssyncadd.s32 $0xFFFFC000  }
.LBB2_5:
0x1a: {  	p0 =	sne.s32 s20, $0xFFC0;
	v3 =	vld [tilespmem:s21+$0x0];
	_ =	sdelay $0x1  }
0x1b: {  	v4 =	vld [tilespmem:s21+$0x4000];
	_ =	sdelay $0x2  }
0x1c: {  	v3 =	vsub.s32 v3, v2  }
0x1d: {  	v5 =	vshll.u32 v3, $0xC;
	vm0 =	vlt.u32 v3, $0x10  }
0x1e: {  	v3 =	vadd.s32 v4, v5  }
.Ltmp1:
0x1f: {  	(pc) =	sbr.rel @p0 .LBB2_5-.Ltmp1, $2  }
0x20: {  	_ =	sdelay $0x2  }
0x21: {  	s21 =	sshra.s32 s20, $0x2;
	s20 =	sadd.s32 $0x40, s20;
	[tilespmem:v3+s16+$0x0] =	vst.idx.msk vm0, v1  }
0x22: {  	v3 =	vld [tilespmem:s21+$0x0];
	_ =	sdelay $0x1  }
0x23: {  	v4 =	vld [tilespmem:s21+$0x4000];
	_ =	sdelay $0x2  }
0x24: {  	v3 =	vsub.s32 v3, v2  }
0x25: {  	v5 =	vshll.u32 v3, $0xC;
	vm0 =	vlt.u32 v3, $0x10  }
0x26: {  	v3 =	vadd.s32 v4, v5;
	_ =	sdelay $0x4  }
0x27: {  	s20 =	simm.s32 $0x0;
	[tilespmem:v3+s16+$0x0] =	vst.idx.msk vm0, v1  }
0x28: {  	[tilespmem:s20], [sflag:$0x1] =	stream.linear.gather [hbm4b:s8+s20], $0x4000, $0x38;
	[tilespmem:$0x18000] =	vst v63  }
0x29: {  	_ =	swait.ge [sflag:s14], $0x4000  }
0x2a: {  	[sflag:s14] =	ssyncset.done $0x0  }
0x2b: {  	[sflag:s14] =	ssyncadd.s32 $0xFFFFC000  }
0x2c: {  	[tilespmem:s15], [sflag:$0x1] =	stream.linear.gather [hbm4b:s9+s20], $0x4000, $0x38;
	[tilespmem:$0x18000] =	vst v63  }
0x2d: {  	_ =	swait.ge [sflag:s14], $0x4000  }
0x2e: {  	[sflag:s14] =	ssyncset.done $0x0  }
0x2f: {  	s21 =	simm.s32 $0x0;
	s20 =	simm.s32 $0x40;
	[sflag:s14] =	ssyncadd.s32 $0xFFFFC000  }
.LBB2_7:
0x30: {  	p0 =	sne.s32 s20, $0xFFC0;
	v3 =	vld [tilespmem:s21+$0x0];
	_ =	sdelay $0x1  }
0x31: {  	v4 =	vld [tilespmem:s21+$0x4000];
	_ =	sdelay $0x2  }
0x32: {  	v3 =	vsub.s32 v3, v2  }
0x33: {  	v5 =	vshll.u32 v3, $0xC;
	vm0 =	vlt.u32 v3, $0x10  }
0x34: {  	v3 =	vadd.s32 v4, v5  }
.Ltmp2:
0x35: {  	(pc) =	sbr.rel @p0 .LBB2_7-.Ltmp2, $2  }
0x36: {  	_ =	sdelay $0x2  }
0x37: {  	s21 =	sshra.s32 s20, $0x2;
	s20 =	sadd.s32 $0x40, s20;
	[tilespmem:v3+s16+$0x0] =	vst.idx.msk vm0, v1  }
0x38: {  	v3 =	vld [tilespmem:s21+$0x0];
	_ =	sdelay $0x1  }
0x39: {  	v4 =	vld [tilespmem:s21+$0x4000];
	_ =	sdelay $0x2  }
0x3a: {  	v3 =	vsub.s32 v3, v2  }
0x3b: {  	v5 =	vshll.u32 v3, $0xC;
	vm0 =	vlt.u32 v3, $0x10  }
0x3c: {  	v3 =	vadd.s32 v4, v5;
	_ =	sdelay $0x4  }
0x3d: {  	s20 =	simm.s32 $0x0;
	[tilespmem:v3+s16+$0x0] =	vst.idx.msk vm0, v1  }
0x3e: {  	[tilespmem:s20], [sflag:$0x1] =	stream.linear.gather [hbm4b:s10+s20], $0x4000, $0x38;
	[tilespmem:$0x18000] =	vst v63  }
0x3f: {  	_ =	swait.ge [sflag:s14], $0x4000  }
0x40: {  	[sflag:s14] =	ssyncset.done $0x0  }
0x41: {  	[sflag:s14] =	ssyncadd.s32 $0xFFFFC000  }
0x42: {  	[tilespmem:s15], [sflag:$0x1] =	stream.linear.gather [hbm4b:s11+s20], $0x4000, $0x38;
	[tilespmem:$0x18000] =	vst v63  }
0x43: {  	_ =	swait.ge [sflag:s14], $0x4000  }
0x44: {  	[sflag:s14] =	ssyncset.done $0x0  }
0x45: {  	s21 =	simm.s32 $0x0;
	s20 =	simm.s32 $0x40;
	[sflag:s14] =	ssyncadd.s32 $0xFFFFC000  }
.LBB2_9:
0x46: {  	p0 =	sne.s32 s20, $0xFFC0;
	v3 =	vld [tilespmem:s21+$0x0];
	_ =	sdelay $0x1  }
0x47: {  	v4 =	vld [tilespmem:s21+$0x4000];
	_ =	sdelay $0x2  }
0x48: {  	v3 =	vsub.s32 v3, v2  }
0x49: {  	v5 =	vshll.u32 v3, $0xC;
	vm0 =	vlt.u32 v3, $0x10  }
0x4a: {  	v3 =	vadd.s32 v4, v5  }
.Ltmp3:
0x4b: {  	(pc) =	sbr.rel @p0 .LBB2_9-.Ltmp3, $2  }
0x4c: {  	_ =	sdelay $0x2  }
0x4d: {  	s21 =	sshra.s32 s20, $0x2;
	s20 =	sadd.s32 $0x40, s20;
	[tilespmem:v3+s16+$0x0] =	vst.idx.msk vm0, v1  }
0x4e: {  	v3 =	vld [tilespmem:s21+$0x0];
	_ =	sdelay $0x1  }
0x4f: {  	v4 =	vld [tilespmem:s21+$0x4000];
	_ =	sdelay $0x2  }
0x50: {  	v3 =	vsub.s32 v3, v2  }
0x51: {  	v5 =	vshll.u32 v3, $0xC;
	vm0 =	vlt.u32 v3, $0x10  }
0x52: {  	v3 =	vadd.s32 v4, v5;
	_ =	sdelay $0x4  }
0x53: {  	s20 =	simm.s32 $0x0;
	[tilespmem:v3+s16+$0x0] =	vst.idx.msk vm0, v1  }
0x54: {  	[tilespmem:s20], [sflag:$0x1] =	stream.linear.gather [hbm4b:s12+s20], $0x4000, $0x38;
	[tilespmem:$0x18000] =	vst v63  }
0x55: {  	_ =	swait.ge [sflag:s14], $0x4000  }
0x56: {  	[sflag:s14] =	ssyncset.done $0x0  }
0x57: {  	[sflag:s14] =	ssyncadd.s32 $0xFFFFC000  }
0x58: {  	[tilespmem:s15], [sflag:$0x1] =	stream.linear.gather [hbm4b:s13+s20], $0x4000, $0x38;
	[tilespmem:$0x18000] =	vst v63  }
0x59: {  	_ =	swait.ge [sflag:s14], $0x4000  }
0x5a: {  	[sflag:s14] =	ssyncset.done $0x0  }
0x5b: {  	s21 =	simm.s32 $0x0;
	s20 =	simm.s32 $0x40;
	[sflag:s14] =	ssyncadd.s32 $0xFFFFC000  }
.LBB2_11:
0x5c: {  	p0 =	sne.s32 s20, $0xFFC0;
	v3 =	vld [tilespmem:s21+$0x0];
	_ =	sdelay $0x1  }
0x5d: {  	v4 =	vld [tilespmem:s21+$0x4000];
	_ =	sdelay $0x2  }
0x5e: {  	v3 =	vsub.s32 v3, v2  }
0x5f: {  	v5 =	vshll.u32 v3, $0xC;
	vm0 =	vlt.u32 v3, $0x10  }
0x60: {  	v3 =	vadd.s32 v4, v5  }
.Ltmp4:
0x61: {  	(pc) =	sbr.rel @p0 .LBB2_11-.Ltmp4, $2  }
0x62: {  	_ =	sdelay $0x2  }
0x63: {  	s21 =	sshra.s32 s20, $0x2;
	s20 =	sadd.s32 $0x40, s20;
	[tilespmem:v3+s16+$0x0] =	vst.idx.msk vm0, v1  }
0x64: {  	v3 =	vld [tilespmem:s21+$0x0];
	_ =	sdelay $0x1  }
0x65: {  	v4 =	vld [tilespmem:s21+$0x4000];
	_ =	sdelay $0x2  }
0x66: {  	v2 =	vsub.s32 v3, v2  }
0x67: {  	v3 =	vshll.u32 v2, $0xC;
	vm0 =	vlt.u32 v2, $0x10  }
0x68: {  	v2 =	vadd.s32 v4, v3;
	_ =	sdelay $0x2  }
0x69: {  	s18 =	sadd.s32 $0x1, s18  }
0x6a: {  	s19 =	sshll.u32 s19, $0xD;
	p0 =	sne.s32 s18, $0x8  }
.Ltmp5:
0x6b: {  	s19 =	sadd.s32 s5, s19;
	[tilespmem:v2+s16+$0x0] =	vst.idx.msk vm0, v1;
	(pc) =	sbr.rel @p0 .LBB2_2-.Ltmp5, $4  }
0x6c: {  	[hbm4b:s19+s1] =	stream.linear.scatter [tilespmem:s16], [sflag:$0x1], $0x10000, $0x38;
	[tilespmem:$0x18000] =	vst v63  }
0x6d: {  	_ =	swait.ge [sflag:s14], $0x10000  }
0x6e: {  	[sflag:s14] =	ssyncset.done $0x0  }
0x6f: {  	[sflag:s14] =	ssyncadd.s32 $0xFFFF0000  }
0x70: {  	s17 =	sadd.s32 $0x1, s17  }
0x71: {  	p0 =	sne.s32 s17, s7  }
.Ltmp6:
0x72: {  	_ = 	snop;
	(pc) =	sbr.rel @p0 .LBB2_1-.Ltmp6, $1  }
0x73: {  	_ =	sdelay $0x3  }
0x74: {  	_ =	sfence.sel $0x180000  }
0x75: {  	[bflag:$0x0] =	sbarrier.arrive $0xFFFF  }
0x76: {  	p0 =	sne.s32 s2, $0x0;
	_ =	strace $0x90000053  }
0x77: {  	s0 =	sadd.s32 @!p0 $0x100000, s0;
	[bflag:$0x2] =	sbarrier.arrive $0xFFFF  }
0x78: {  	[sflag:s0] =	ssyncadd.tile.s32 @!p0 $0x1;
	_ =	shalt  }
.Lfunc_end2:
_tile_overlayer_lowered:
.L_overlay_start_2:
0x79: {  	(tag) =	ssettag $0x2  }
0x7a: {  	s0 =	rddreg [dreg:$0x0];
	s2 =	stileid.u32  }
0x7b: {  	s1 =	rddreg [dreg:$0x1];
	p0 =	sne.s32 s2, $0x0  }
0x7c: {  	s3 =	rddreg [dreg:$0x2];
	[bflag:$0x3] =	sbarrier.arrive $0xFFFF;
	s2 =	simm.s32 @!p0 $0x1C01  }
0x7d: {  	[timem:s3], [sflag:s2] =	dma.local @!p0 [hbm:s0], s1  }
0x7e: {  	s0 =	simm.s32 @!p0 $0x1  }
0x7f: {  	_ =	swait.ge @!p0 [sflag:s0], s1  }
0x80: {  	s1 =	ssub.s32 @!p0 $0x0, s1;
	[sflag:s0] =	ssyncset.done @!p0 $0x0  }
0x81: {  	[sflag:s0] =	ssyncadd.s32 @!p0 s1  }
0x82: {  	[bflag:$0x3] =	sbarrier.arrive $0xFFFF  }
0x83: {  	_ =	shalt  }

// kernel: kernel.18.cloned.1.call-start
scs
__scs_entry_jumppad:
0x0: {  	(pc) =	sbr.rel $0x88, $3  }
0x1: {  	(tag) =	ssettag $0x0;
	lr =	simm.s32 $0x1  }
0x2: {  	[smem:$0x3F7B] =	sst lr;
	_ =	strace $0xD0000000  }
0x3: {  	_ = 	snop  }
0x4: {  	_ = 	snop  }
0x5: {  	_ = 	snop  }
0x6: {  	_ = 	snop  }
0x7: {  	_ = 	snop  }
__scs_overlays_trampoline_lowered:
0x8: {  	[smem:$0x3F8A] =	sst s0  }
0x9: {  	[smem:$0x3F8B] =	sst s1  }
0xa: {  	[smem:$0x3F8C] =	sst s2  }
0xb: {  	[smem:$0x3F8D] =	sst s3  }
0xc: {  	[smem:$0x3F8E] =	sst s4  }
0xd: {  	[smem:$0x3F8F] =	sst s5  }
0xe: {  	[smem:$0x3F90] =	sst s6  }
0xf: {  	[smem:$0x3F91] =	sst s7  }
0x10: {  	[smem:$0x3F92] =	sst s8  }
0x11: {  	[smem:$0x3F93] =	sst s9;
	s0 =	simm.s32 @!p0 $0x0  }
0x12: {  	s1 =	sld [smem:$0x3F79];
	s0 =	simm.s32 @p0 $0x1  }
0x13: {  	[smem:$0x3F94] =	sst s0;
	s0 =	simm.s32 @!p1 $0x0  }
0x14: {  	s2 =	sld [smem:$0x3F78];
	s0 =	simm.s32 @p1 $0x1  }
0x15: {  	[smem:$0x3F95] =	sst s0;
	s0 =	simm.s32 @!p2 $0x0  }
0x16: {  	s3 =	sld [smem:$0x3FDB];
	s0 =	simm.s32 @p2 $0x1  }
0x17: {  	s4 =	simm.s32 $0x1BF5;
	[smem:$0x3F97] =	sst s0  }
0x18: {  	s0 =	sld [smem:$0x3F7A];
	_ =	swait.ge [sflag:s4], $0x0  }
0x19: {  	s7 =	sld [smem:$0x3F7B]  }
0x1a: {  	s8 =	sadd.s32 $0xFFFFE003, lr  }
0x1b: {  	s9 =	sadd.s32 $0xFFFFFEF7, lr;
	s5 =	simm.s32 $0xFFFFFFFF;
	p2 =	slt.u32 s8, $0xFFFFF086  }
0x1c: {  	p1 =	slt.u32 s9, $0xF7A;
	s5 =	simm.s32 @!p2 $0x0  }
0x1d: {  	s5 =	simm.s32 @p1 $0x1;
	p0 =	seq.s32 s7, s2  }
0x1e: {  	s7 =	smul.u32 @!p0 $0xF7A, s2;
	p2 =	seq.s32 @!p0 s5, $0x0  }
0x1f: {  	s9 =	smul.u32 $0xF7A, s1;
	s8 =	simm.s32 @!p0 $0x1BF5;
	p2 =	por !p2, p0  }
0x20: {  	[sflag:s8] =	ssyncset.s32 @!p0 $0xFFFFF086;
	s6 =	sadd.s32 @!p0 s3, s7;
	s7 =	simm.s32 @!p0 $0x108  }
0x21: {  	s3 =	sadd.s32 s3, s9;
	s6 =	sadd.s32 @!p0 $0x88, s6;
	s7 =	simm.s32 @p2 $0x1082  }
0x22: {  	[simem:s7], [sflag:s8] =	dma.local @!p0 [hbm:s6], $0xF7A  }
0x23: {  	s9 =	sor.u32 $0xD0000000, s2;
	s6 =	simm.s32 $0x108;
	_ =	swait.ge @!p0 [sflag:s8], $0x0  }
0x24: {  	s3 =	sadd.s32 $0x88, s3;
	s6 =	simm.s32 @!p1 $0x1082;
	[sflag:s4] =	ssyncset.s32 $0xFFFFF086  }
0x25: {  	[simem:s6], [sflag:s4] =	dma.local [hbm:s3], $0xF7A  }
0x26: {  	[smem:$0x3F7B] =	sst s1;
	(tag) =	ssettag s2;
	_ =	strace s9  }
0x27: {  	s1 =	sld [smem:$0x3F8B]  }
0x28: {  	s2 =	sld [smem:$0x3F8C]  }
0x29: {  	s4 =	sld [smem:$0x3F8E]  }
0x2a: {  	p0 =	seq.s32 s5, $0x0;
	s5 =	sld [smem:$0x3F8F]  }
0x2b: {  	s6 =	sld [smem:$0x3F90]  }
0x2c: {  	s7 =	sld [smem:$0x3F91]  }
0x2d: {  	s3 =	simm.s32 $0x108;
	s8 =	sld [smem:$0x3F92]  }
0x2e: {  	s3 =	simm.s32 @!p0 $0x1082;
	s9 =	sld [smem:$0x3F93]  }
0x2f: {  	lr =	sadd.s32 s0, s3;
	s0 =	sld [smem:$0x3F8A]  }
0x30: {  	s3 =	sld [smem:$0x3F8D]  }
0x31: {  	[smem:$0x3F96] =	sst s10  }
0x32: {  	s10 =	sld [smem:$0x3F94];
	_ =	sdelay $0x3  }
0x33: {  	p0 =	seq.s32 s10, $0x1;
	s10 =	sld [smem:$0x3F96];
	_ =	sdelay $0x3  }
0x34: {  	[smem:$0x3F96] =	sst s10  }
0x35: {  	s10 =	sld [smem:$0x3F95];
	_ =	sdelay $0x3  }
0x36: {  	p1 =	seq.s32 s10, $0x1;
	s10 =	sld [smem:$0x3F96];
	_ =	sdelay $0x3  }
0x37: {  	[smem:$0x3F96] =	sst s10  }
0x38: {  	s10 =	sld [smem:$0x3F97]  }
0x39: {  	_ = 	snop;
	(pc) =	sbr.ind lr, $3  }
0x3a: {  	_ = 	snop  }
0x3b: {  	_ = 	snop  }
0x3c: {  	p2 =	seq.s32 s10, $0x1;
	s10 =	sld [smem:$0x3F96]  }
0x3d: {  	_ =	shalt  }
0x3e: {  	_ =	shalt  }
0x3f: {  	_ =	shalt  }
0x40: {  	_ =	shalt  }
0x41: {  	_ =	shalt  }
0x42: {  	_ =	shalt  }
0x43: {  	_ =	shalt  }
0x44: {  	_ =	shalt  }
0x45: {  	_ =	shalt  }
0x46: {  	_ =	shalt  }
0x47: {  	_ =	shalt  }
0x48: {  	_ =	shalt  }
0x49: {  	_ =	shalt  }
0x4a: {  	_ =	shalt  }
0x4b: {  	_ =	shalt  }
0x4c: {  	_ =	shalt  }
0x4d: {  	_ =	shalt  }
0x4e: {  	_ =	shalt  }
0x4f: {  	_ =	shalt  }
0x50: {  	_ =	shalt  }
0x51: {  	_ =	shalt  }
0x52: {  	_ =	shalt  }
0x53: {  	_ =	shalt  }
0x54: {  	_ =	shalt  }
0x55: {  	_ =	shalt  }
0x56: {  	_ =	shalt  }
0x57: {  	_ =	shalt  }
0x58: {  	_ =	shalt  }
0x59: {  	_ =	shalt  }
0x5a: {  	_ =	shalt  }
0x5b: {  	_ =	shalt  }
0x5c: {  	_ =	shalt  }
0x5d: {  	_ =	shalt  }
0x5e: {  	_ =	shalt  }
0x5f: {  	_ =	shalt  }
0x60: {  	_ =	shalt  }
0x61: {  	_ =	shalt  }
0x62: {  	_ =	shalt  }
0x63: {  	_ =	shalt  }
0x64: {  	_ =	shalt  }
0x65: {  	_ =	shalt  }
0x66: {  	_ =	shalt  }
0x67: {  	_ =	shalt  }
0x68: {  	_ =	shalt  }
0x69: {  	_ =	shalt  }
0x6a: {  	_ =	shalt  }
0x6b: {  	_ =	shalt  }
0x6c: {  	_ =	shalt  }
0x6d: {  	_ =	shalt  }
0x6e: {  	_ =	shalt  }
0x6f: {  	_ =	shalt  }
0x70: {  	_ =	shalt  }
0x71: {  	_ =	shalt  }
0x72: {  	_ =	shalt  }
0x73: {  	_ =	shalt  }
0x74: {  	_ =	shalt  }
0x75: {  	_ =	shalt  }
0x76: {  	_ =	shalt  }
0x77: {  	_ =	shalt  }
0x78: {  	_ =	shalt  }
0x79: {  	_ =	shalt  }
0x7a: {  	_ =	shalt  }
0x7b: {  	_ =	shalt  }
0x7c: {  	_ =	shalt  }
0x7d: {  	_ =	shalt  }
0x7e: {  	_ =	shalt  }
0x7f: {  	_ =	shalt  }
0x80: {  	_ =	shalt  }
0x81: {  	_ =	shalt  }
0x82: {  	_ =	shalt  }
0x83: {  	_ =	shalt  }
0x84: {  	_ =	shalt  }
0x85: {  	_ =	shalt  }
0x86: {  	_ =	shalt  }
0x87: {  	_ =	shalt  }
.Lfunc_end0:
.L_simem_size_0:
called_computation.1_lowered:
.L_overlay_start_0:
0x88: {  	s2 =	sld [smem:$0x3FD9]  }
0x89: {  	s3 =	sld [smem:$0x3FFE];
	_ =	sdelay $0x1  }
0x8a: {  	s1 =	srdreg.scid  }
0x8b: {  	s0 =	sand.u32 $0x1, s1  }
0x8c: {  	s16 =	sshll.u32 s0, $0xA;
	s2 =	sadd.s32 s3, s2  }
0x8d: {  	s2 =	sadd.s32 s2, s16  }
0x8e: {  	[smem:$0x3FA2] =	sst s2  }
0x8f: {  	_ = 	snop  }
0x90: {  	(tm) =	ssettm $0x1  }
0x91: {  	s17 =	sld [smem:$0x3FFB];
	_ =	sdelay $0x3  }
0x92: {  	_ =	strace s17  }
0x93: {  	s2 =	sld [smem:$0x3FFC];
	_ =	sdelay $0x3  }
0x94: {  	_ =	strace s2  }
0x95: {  	s2 =	sld [smem:$0x3FFD];
	_ =	sdelay $0x3  }
0x96: {  	_ =	strace s2  }
0x97: {  	_ =	strace $0x8FFFFFFF  }
0x98: {  	s18 =	sld [smem:$0x3FDB];
	_ =	sdelay $0x1  }
0x99: {  	s19 =	simm.s32 $_scs_section_size  }
0x9a: {  	s4 =	simm.s32 $_size__tile_overlayer_lowered;
	s5 =	simm.s32 $_tile_overlayer_lowered  }
0x9b: {  	s22 =	simm.s32 $0x1BFF;
	s21 =	sshll.u32 s5, $0x1;
	s2 =	sadd.s32 s19, s18  }
0x9c: {  	s6 =	simm.s32 $0x0;
	s20 =	sshll.u32 s4, $0x1;
	s4 =	sadd.s32 s21, s2  }
0x9d: {  	[timem:s6], [sflag:s22] =	dma.local [hbm:s4], s20  }
0x9e: {  	_ =	swait.ge [sflag:s22], s20  }
0x9f: {  	s3 =	ssub.s32 $0x0, s20;
	[sflag:s22] =	ssyncset.done $0x0  }
0xa0: {  	[sflag:s22] =	ssyncadd.s32 s3;
	_ =	sdelay $0x1  }
0xa1: {  	s23 =	simm.s32 $0x1B8B  }
0xa2: {  	_ =	swait.ge [sflag:s23], $0x1  }
0xa3: {  	[sflag:s23] =	ssyncset.done $0x0  }
0xa4: {  	s25 =	simm.s32 $0x1B8E;
	s24 =	sld [smem:$0x3FFE];
	[sflag:s23] =	ssyncadd.s32 $0xFFFFFFFF  }
0xa5: {  	s26 =	simm.s32 $execute0_lowered;
	[smem:$0x3FD2] =	sst s25  }
0xa6: {  	s4 =	sshll.u32 s26, $0x1;
	_ =	strace $0x80000046;
	[dreg:$0x1] =	wrdreg $0xFFFFFFFF  }
0xa7: {  	s28 =	simm.s32 $_size_execute0_lowered;
	s2 =	sadd.s32 s2, s4;
	[dreg:$0x0] =	wrdreg $0x0  }
0xa8: {  	s4 =	sshll.u32 s28, $0x1;
	[dreg:$0x2] =	wrdreg s2  }
0xa9: {  	[dreg:$0x3] =	wrdreg s4  }
0xaa: {  	[dreg:$0x4] =	wrdreg $0xC0  }
0xab: {  	_ =	task [dreg:s6], $0x5FFFF  }
0xac: {  	[dreg:$0x1] =	wrdreg $0xFFFFFFFF  }
0xad: {  	[dreg:$0x0] =	wrdreg $0x60  }
0xae: {  	[dreg:$0x2] =	wrdreg s24  }
0xaf: {  	[dreg:$0x3] =	wrdreg $0x9  }
0xb0: {  	_ =	task.clear_ibuf [dreg:s6], $0x4FFFF;
	_ =	strace $0x90000046  }
0xb1: {  	s29 =	simm.s32 $0x9;
	_ =	strace $0x80000048  }
0xb2: {  	_ =	swait.ge [sflag:s29], $0x1  }
0xb3: {  	[sflag:s29] =	ssyncadd.s32 $0xFFFFFFFF  }
0xb4: {  	_ =	strace $0x90000048  }
0xb5: {  	_ =	sfence  }
0xb6: {  	s30 =	sld [smem:$0x0];
	_ =	sdelay $0x2  }
0xb7: {  	s31 =	sshll.u32 s1, $0xD;
	s1 =	sshrl.u32 s1, $0x2  }
0xb8: {  	s3 =	sand.u32 $0x4000, s31;
	s1 =	sadd.s32 s1, s30  }
0xb9: {  	s0 =	sor.u32 s3, s0;
	s1 =	sshll.u32 s1, $0x11  }
0xba: {  	s0 =	sor.u32 s1, s0  }
0xbb: {  	s0 =	sadd.s32 $0x8F2B, s0  }
0xbc: {  	[sflag:s0] =	ssyncadd.remote.s32 $0x1  }
0xbd: {  	_ =	sfence.sel $0xFFFF  }
0xbe: {  	[dreg:$0x0] =	wrdreg $0xFFFFFFFF;
	(pc) =	sbr.abs _section_cstart, $3  }
0xbf: {  	[dreg:$0x1] =	wrdreg $0xFFFFFFFF  }
0xc0: {  	_ =	task.clear_ibuf [dreg:s6], $0x2FFFF;
	_ =	strace $0x9FFFFFFF  }
0xc1: {  	(tm) =	ssettm $0x7FFFFFFF  }
tec
execute0_lowered:
.L_overlay_start_1:
0x0: {  	(tag) =	ssettag $0x1  }
0x1: {  	s4 =	rddreg [dreg:$0x0]  }
0x2: {  	s0 =	rddreg [dreg:$0x1];
	s1 =	stileid.u32  }
0x3: {  	s2 =	simm.s32 $0x0;
	s3 =	srdreg.scid;
	s5 =	smul.u32 $0x500, s1  }
0x4: {  	[smem:$0x7FF] =	sst s2;
	s6 =	smul.u32 $0xA000, s1;
	s7 =	sand.u32 $0x1, s3  }
0x5: {  	s3 =	sadd.s32 $0x2F000, s4;
	s8 =	ssub.s32 $0x2, s7;
	s9 =	smul.u32 $0x5000, s7  }
0x6: {  	_ =	strace $0x80000047;
	s7 =	smul.u32 $0x280, s7;
	s10 =	sshrl.u32 s8, $0x1  }
0x7: {  	s5 =	sadd.s32 s5, s4;
	s6 =	sadd.s32 s6, s4;
	s31 =	ssub.s32 s8, s10  }
0x8: {  	s6 =	sadd.s32 s9, s6;
	s7 =	sadd.s32 s7, s5;
	s8 =	simm.s32 $0x80  }
0x9: {  	s9 =	simm.s32 $0x1;
	s10 =	simm.s32 $0x0;
	s4 =	smax.u32 s31, $0x1  }
0xa: {  	s5 =	sadd.s32 $0x3DE00, s6;
	s6 =	sadd.s32 $0x38E00, s7;
	s7 =	simm.s32 $0x2  }
.LBB2_1:
0xb: {  	s11 =	sadd.s32 $0x0, s6  }
0xc: {  	[tilespmem:s2], [sflag:$0x2] =	stream.linear.gather [hbm4b:s11+s2], $0x80, $0x38;
	[tilespmem:$0x1080] =	vst v63  }
0xd: {  	_ =	swait.ge [sflag:s7], $0x80  }
0xe: {  	[sflag:s7] =	ssyncset.done $0x0  }
0xf: {  	[sflag:s7] =	ssyncadd.s32 $0xFFFFFF80  }
0x10: {  	[tilespmem:s8], [sflag:$0x1] =	stream.indirect.gather [hbm4b:s3+s8], $0x20, s2, s8, $0xb8;
	[tilespmem:$0x1080] =	vst v63  }
0x11: {  	_ =	swait.ge [sflag:s9], $0x1000  }
0x12: {  	[sflag:s9] =	ssyncset.done $0x0  }
0x13: {  	[sflag:s9] =	ssyncadd.s32 $0xFFFFF000  }
0x14: {  	[hbm4b:s5+s2] =	stream.linear.scatter [tilespmem:s8], [sflag:$0x2], $0x1000, $0x38;
	[tilespmem:$0x1080] =	vst v63  }
0x15: {  	s12 =	simm.s32 $0x10;
	_ =	swait.ge [sflag:s7], $0x1000  }
0x16: {  	s13 =	simm.s32 $0x20;
	s11 =	sadd.s32 $0x200, s5;
	[sflag:s7] =	ssyncset.done $0x0  }
.LBB2_2:
0x17: {  	s14 =	sadd.s32 s12, s6  }
0x18: {  	[sflag:s7] =	ssyncadd.s32 $0xFFFFF000;
	s12 =	smov.u32 s13;
	s15 =	sadd.s32 $0x10, s13  }
0x19: {  	[tilespmem:s2], [sflag:$0x2] =	stream.linear.gather [hbm4b:s14+s2], $0x80, $0x38;
	[tilespmem:$0x1080] =	vst v63  }
0x1a: {  	p0 =	sne.s32 s13, $0x270;
	_ =	swait.ge [sflag:s7], $0x80  }
0x1b: {  	[sflag:s7] =	ssyncset.done $0x0  }
0x1c: {  	[sflag:s7] =	ssyncadd.s32 $0xFFFFFF80  }
0x1d: {  	[tilespmem:s8], [sflag:$0x1] =	stream.indirect.gather [hbm4b:s3+s8], $0x20, s2, s8, $0xb8;
	[tilespmem:$0x1080] =	vst v63  }
0x1e: {  	_ =	swait.ge [sflag:s9], $0x1000  }
.Ltmp0:
0x1f: {  	[sflag:s9] =	ssyncset.done $0x0;
	(pc) =	sbr.rel @p0 .LBB2_2-.Ltmp0, $4  }
0x20: {  	[sflag:s9] =	ssyncadd.s32 $0xFFFFF000  }
0x21: {  	[hbm4b:s11+s2] =	stream.linear.scatter [tilespmem:s8], [sflag:$0x2], $0x1000, $0x38;
	[tilespmem:$0x1080] =	vst v63  }
0x22: {  	_ =	swait.ge [sflag:s7], $0x1000  }
0x23: {  	s13 =	smov.u32 s15;
	s11 =	sadd.s32 $0x200, s11;
	[sflag:s7] =	ssyncset.done $0x0  }
0x24: {  	s12 =	sadd.s32 s12, s6;
	[sflag:s7] =	ssyncadd.s32 $0xFFFFF000  }
0x25: {  	[tilespmem:s2], [sflag:$0x2] =	stream.linear.gather [hbm4b:s12+s2], $0x80, $0x38;
	[tilespmem:$0x1080] =	vst v63  }
0x26: {  	_ =	swait.ge [sflag:s7], $0x80  }
0x27: {  	[sflag:s7] =	ssyncset.done $0x0  }
0x28: {  	[sflag:s7] =	ssyncadd.s32 $0xFFFFFF80  }
0x29: {  	[tilespmem:s8], [sflag:$0x1] =	stream.indirect.gather [hbm4b:s3+s8], $0x20, s2, s8, $0xb8;
	[tilespmem:$0x1080] =	vst v63  }
0x2a: {  	s10 =	sadd.s32 $0x1, s10;
	_ =	swait.ge [sflag:s9], $0x1000  }
0x2b: {  	p0 =	sne.s32 s10, s4;
	[sflag:s9] =	ssyncset.done $0x0  }
.Ltmp1:
0x2c: {  	[sflag:s9] =	ssyncadd.s32 $0xFFFFF000;
	(pc) =	sbr.rel @p0 .LBB2_1-.Ltmp1, $4  }
0x2d: {  	[hbm4b:s11+s2] =	stream.linear.scatter [tilespmem:s8], [sflag:$0x2], $0x1000, $0x38;
	[tilespmem:$0x1080] =	vst v63  }
0x2e: {  	_ =	swait.ge [sflag:s7], $0x1000  }
0x2f: {  	[sflag:s7] =	ssyncset.done $0x0  }
0x30: {  	[sflag:s7] =	ssyncadd.s32 $0xFFFFF000  }
0x31: {  	_ =	sfence.sel $0x180000  }
0x32: {  	[bflag:$0x0] =	sbarrier.arrive $0xFFFF  }
0x33: {  	p0 =	sne.s32 s1, $0x0;
	_ =	strace $0x90000047  }
0x34: {  	s0 =	sadd.s32 @!p0 $0x100000, s0;
	[bflag:$0x2] =	sbarrier.arrive $0xFFFF  }
0x35: {  	[sflag:s0] =	ssyncadd.tile.s32 @!p0 $0x1;
	_ =	shalt  }
.Lfunc_end2:
_tile_overlayer_lowered:
.L_overlay_start_2:
0x36: {  	(tag) =	ssettag $0x2  }
0x37: {  	s0 =	rddreg [dreg:$0x0];
	s2 =	stileid.u32  }
0x38: {  	s1 =	rddreg [dreg:$0x1];
	p0 =	sne.s32 s2, $0x0  }
0x39: {  	s3 =	rddreg [dreg:$0x2];
	[bflag:$0x3] =	sbarrier.arrive $0xFFFF;
	s2 =	simm.s32 @!p0 $0x1C02  }
0x3a: {  	[timem:s3], [sflag:s2] =	dma.local @!p0 [hbm:s0], s1  }
0x3b: {  	s0 =	simm.s32 @!p0 $0x2  }
0x3c: {  	_ =	swait.ge @!p0 [sflag:s0], s1  }
0x3d: {  	s1 =	ssub.s32 @!p0 $0x0, s1;
	[sflag:s0] =	ssyncset.done @!p0 $0x0  }
0x3e: {  	[sflag:s0] =	ssyncadd.s32 @!p0 s1  }
0x3f: {  	[bflag:$0x3] =	sbarrier.arrive $0xFFFF  }
0x40: {  	_ =	shalt  }

// kernel: kernel.21.cloned.1.call-start
scs
__scs_entry_jumppad:
0x0: {  	(pc) =	sbr.rel $0x88, $3  }
0x1: {  	(tag) =	ssettag $0x0;
	lr =	simm.s32 $0x1  }
0x2: {  	[smem:$0x3F7B] =	sst lr;
	_ =	strace $0xD0000000  }
0x3: {  	_ = 	snop  }
0x4: {  	_ = 	snop  }
0x5: {  	_ = 	snop  }
0x6: {  	_ = 	snop  }
0x7: {  	_ = 	snop  }
__scs_overlays_trampoline_lowered:
0x8: {  	[smem:$0x3F8A] =	sst s0  }
0x9: {  	[smem:$0x3F8B] =	sst s1  }
0xa: {  	[smem:$0x3F8C] =	sst s2  }
0xb: {  	[smem:$0x3F8D] =	sst s3  }
0xc: {  	[smem:$0x3F8E] =	sst s4  }
0xd: {  	[smem:$0x3F8F] =	sst s5  }
0xe: {  	[smem:$0x3F90] =	sst s6  }
0xf: {  	[smem:$0x3F91] =	sst s7  }
0x10: {  	[smem:$0x3F92] =	sst s8  }
0x11: {  	[smem:$0x3F93] =	sst s9;
	s0 =	simm.s32 @!p0 $0x0  }
0x12: {  	s1 =	sld [smem:$0x3F79];
	s0 =	simm.s32 @p0 $0x1  }
0x13: {  	[smem:$0x3F94] =	sst s0;
	s0 =	simm.s32 @!p1 $0x0  }
0x14: {  	s2 =	sld [smem:$0x3F78];
	s0 =	simm.s32 @p1 $0x1  }
0x15: {  	[smem:$0x3F95] =	sst s0;
	s0 =	simm.s32 @!p2 $0x0  }
0x16: {  	s3 =	sld [smem:$0x3FDB];
	s0 =	simm.s32 @p2 $0x1  }
0x17: {  	s4 =	simm.s32 $0x1BF5;
	[smem:$0x3F97] =	sst s0  }
0x18: {  	s0 =	sld [smem:$0x3F7A];
	_ =	swait.ge [sflag:s4], $0x0  }
0x19: {  	s7 =	sld [smem:$0x3F7B]  }
0x1a: {  	s8 =	sadd.s32 $0xFFFFE003, lr  }
0x1b: {  	s9 =	sadd.s32 $0xFFFFFEF7, lr;
	s5 =	simm.s32 $0xFFFFFFFF;
	p2 =	slt.u32 s8, $0xFFFFF086  }
0x1c: {  	p1 =	slt.u32 s9, $0xF7A;
	s5 =	simm.s32 @!p2 $0x0  }
0x1d: {  	s5 =	simm.s32 @p1 $0x1;
	p0 =	seq.s32 s7, s2  }
0x1e: {  	s7 =	smul.u32 @!p0 $0xF7A, s2;
	p2 =	seq.s32 @!p0 s5, $0x0  }
0x1f: {  	s9 =	smul.u32 $0xF7A, s1;
	s8 =	simm.s32 @!p0 $0x1BF5;
	p2 =	por !p2, p0  }
0x20: {  	[sflag:s8] =	ssyncset.s32 @!p0 $0xFFFFF086;
	s6 =	sadd.s32 @!p0 s3, s7;
	s7 =	simm.s32 @!p0 $0x108  }
0x21: {  	s3 =	sadd.s32 s3, s9;
	s6 =	sadd.s32 @!p0 $0x88, s6;
	s7 =	simm.s32 @p2 $0x1082  }
0x22: {  	[simem:s7], [sflag:s8] =	dma.local @!p0 [hbm:s6], $0xF7A  }
0x23: {  	s9 =	sor.u32 $0xD0000000, s2;
	s6 =	simm.s32 $0x108;
	_ =	swait.ge @!p0 [sflag:s8], $0x0  }
0x24: {  	s3 =	sadd.s32 $0x88, s3;
	s6 =	simm.s32 @!p1 $0x1082;
	[sflag:s4] =	ssyncset.s32 $0xFFFFF086  }
0x25: {  	[simem:s6], [sflag:s4] =	dma.local [hbm:s3], $0xF7A  }
0x26: {  	[smem:$0x3F7B] =	sst s1;
	(tag) =	ssettag s2;
	_ =	strace s9  }
0x27: {  	s1 =	sld [smem:$0x3F8B]  }
0x28: {  	s2 =	sld [smem:$0x3F8C]  }
0x29: {  	s4 =	sld [smem:$0x3F8E]  }
0x2a: {  	p0 =	seq.s32 s5, $0x0;
	s5 =	sld [smem:$0x3F8F]  }
0x2b: {  	s6 =	sld [smem:$0x3F90]  }
0x2c: {  	s7 =	sld [smem:$0x3F91]  }
0x2d: {  	s3 =	simm.s32 $0x108;
	s8 =	sld [smem:$0x3F92]  }
0x2e: {  	s3 =	simm.s32 @!p0 $0x1082;
	s9 =	sld [smem:$0x3F93]  }
0x2f: {  	lr =	sadd.s32 s0, s3;
	s0 =	sld [smem:$0x3F8A]  }
0x30: {  	s3 =	sld [smem:$0x3F8D]  }
0x31: {  	[smem:$0x3F96] =	sst s10  }
0x32: {  	s10 =	sld [smem:$0x3F94];
	_ =	sdelay $0x3  }
0x33: {  	p0 =	seq.s32 s10, $0x1;
	s10 =	sld [smem:$0x3F96];
	_ =	sdelay $0x3  }
0x34: {  	[smem:$0x3F96] =	sst s10  }
0x35: {  	s10 =	sld [smem:$0x3F95];
	_ =	sdelay $0x3  }
0x36: {  	p1 =	seq.s32 s10, $0x1;
	s10 =	sld [smem:$0x3F96];
	_ =	sdelay $0x3  }
0x37: {  	[smem:$0x3F96] =	sst s10  }
0x38: {  	s10 =	sld [smem:$0x3F97]  }
0x39: {  	_ = 	snop;
	(pc) =	sbr.ind lr, $3  }
0x3a: {  	_ = 	snop  }
0x3b: {  	_ = 	snop  }
0x3c: {  	p2 =	seq.s32 s10, $0x1;
	s10 =	sld [smem:$0x3F96]  }
0x3d: {  	_ =	shalt  }
0x3e: {  	_ =	shalt  }
0x3f: {  	_ =	shalt  }
0x40: {  	_ =	shalt  }
0x41: {  	_ =	shalt  }
0x42: {  	_ =	shalt  }
0x43: {  	_ =	shalt  }
0x44: {  	_ =	shalt  }
0x45: {  	_ =	shalt  }
0x46: {  	_ =	shalt  }
0x47: {  	_ =	shalt  }
0x48: {  	_ =	shalt  }
0x49: {  	_ =	shalt  }
0x4a: {  	_ =	shalt  }
0x4b: {  	_ =	shalt  }
0x4c: {  	_ =	shalt  }
0x4d: {  	_ =	shalt  }
0x4e: {  	_ =	shalt  }
0x4f: {  	_ =	shalt  }
0x50: {  	_ =	shalt  }
0x51: {  	_ =	shalt  }
0x52: {  	_ =	shalt  }
0x53: {  	_ =	shalt  }
0x54: {  	_ =	shalt  }
0x55: {  	_ =	shalt  }
0x56: {  	_ =	shalt  }
0x57: {  	_ =	shalt  }
0x58: {  	_ =	shalt  }
0x59: {  	_ =	shalt  }
0x5a: {  	_ =	shalt  }
0x5b: {  	_ =	shalt  }
0x5c: {  	_ =	shalt  }
0x5d: {  	_ =	shalt  }
0x5e: {  	_ =	shalt  }
0x5f: {  	_ =	shalt  }
0x60: {  	_ =	shalt  }
0x61: {  	_ =	shalt  }
0x62: {  	_ =	shalt  }
0x63: {  	_ =	shalt  }
0x64: {  	_ =	shalt  }
0x65: {  	_ =	shalt  }
0x66: {  	_ =	shalt  }
0x67: {  	_ =	shalt  }
0x68: {  	_ =	shalt  }
0x69: {  	_ =	shalt  }
0x6a: {  	_ =	shalt  }
0x6b: {  	_ =	shalt  }
0x6c: {  	_ =	shalt  }
0x6d: {  	_ =	shalt  }
0x6e: {  	_ =	shalt  }
0x6f: {  	_ =	shalt  }
0x70: {  	_ =	shalt  }
0x71: {  	_ =	shalt  }
0x72: {  	_ =	shalt  }
0x73: {  	_ =	shalt  }
0x74: {  	_ =	shalt  }
0x75: {  	_ =	shalt  }
0x76: {  	_ =	shalt  }
0x77: {  	_ =	shalt  }
0x78: {  	_ =	shalt  }
0x79: {  	_ =	shalt  }
0x7a: {  	_ =	shalt  }
0x7b: {  	_ =	shalt  }
0x7c: {  	_ =	shalt  }
0x7d: {  	_ =	shalt  }
0x7e: {  	_ =	shalt  }
0x7f: {  	_ =	shalt  }
0x80: {  	_ =	shalt  }
0x81: {  	_ =	shalt  }
0x82: {  	_ =	shalt  }
0x83: {  	_ =	shalt  }
0x84: {  	_ =	shalt  }
0x85: {  	_ =	shalt  }
0x86: {  	_ =	shalt  }
0x87: {  	_ =	shalt  }
.Lfunc_end0:
.L_simem_size_0:
called_computation.2_lowered:
.L_overlay_start_0:
0x88: {  	s2 =	sld [smem:$0x3FD9]  }
0x89: {  	s3 =	sld [smem:$0x3FFE];
	_ =	sdelay $0x1  }
0x8a: {  	s1 =	srdreg.scid  }
0x8b: {  	s0 =	sand.u32 $0x1, s1  }
0x8c: {  	s16 =	sshll.u32 s0, $0xA;
	s2 =	sadd.s32 s3, s2  }
0x8d: {  	s2 =	sadd.s32 s2, s16  }
0x8e: {  	[smem:$0x3FA2] =	sst s2  }
0x8f: {  	_ = 	snop  }
0x90: {  	(tm) =	ssettm $0x1  }
0x91: {  	s17 =	sld [smem:$0x3FFB];
	_ =	sdelay $0x3  }
0x92: {  	_ =	strace s17  }
0x93: {  	s2 =	sld [smem:$0x3FFC];
	_ =	sdelay $0x3  }
0x94: {  	_ =	strace s2  }
0x95: {  	s2 =	sld [smem:$0x3FFD];
	_ =	sdelay $0x3  }
0x96: {  	_ =	strace s2  }
0x97: {  	_ =	strace $0x8FFFFFFF  }
0x98: {  	s18 =	sld [smem:$0x3FDB];
	_ =	sdelay $0x1  }
0x99: {  	s19 =	simm.s32 $_scs_section_size  }
0x9a: {  	s4 =	simm.s32 $_size__tile_overlayer_lowered;
	s5 =	simm.s32 $_tile_overlayer_lowered  }
0x9b: {  	s22 =	simm.s32 $0x1BFF;
	s21 =	sshll.u32 s5, $0x1;
	s2 =	sadd.s32 s19, s18  }
0x9c: {  	s6 =	simm.s32 $0x0;
	s20 =	sshll.u32 s4, $0x1;
	s4 =	sadd.s32 s21, s2  }
0x9d: {  	[timem:s6], [sflag:s22] =	dma.local [hbm:s4], s20  }
0x9e: {  	_ =	swait.ge [sflag:s22], s20  }
0x9f: {  	s3 =	ssub.s32 $0x0, s20;
	[sflag:s22] =	ssyncset.done $0x0  }
0xa0: {  	[sflag:s22] =	ssyncadd.s32 s3;
	_ =	sdelay $0x1  }
0xa1: {  	s23 =	simm.s32 $0x1B8B  }
0xa2: {  	_ =	swait.ge [sflag:s23], $0x1  }
0xa3: {  	[sflag:s23] =	ssyncset.done $0x0  }
0xa4: {  	s25 =	simm.s32 $0x1B8E;
	s24 =	sld [smem:$0x3FFE];
	[sflag:s23] =	ssyncadd.s32 $0xFFFFFFFF  }
0xa5: {  	s26 =	simm.s32 $execute0_lowered;
	[smem:$0x3FD2] =	sst s25  }
0xa6: {  	s4 =	sshll.u32 s26, $0x1;
	_ =	strace $0x80000049;
	[dreg:$0x1] =	wrdreg $0xFFFFFFFF  }
0xa7: {  	s28 =	simm.s32 $_size_execute0_lowered;
	s2 =	sadd.s32 s2, s4;
	[dreg:$0x0] =	wrdreg $0x0  }
0xa8: {  	s4 =	sshll.u32 s28, $0x1;
	[dreg:$0x2] =	wrdreg s2  }
0xa9: {  	[dreg:$0x3] =	wrdreg s4  }
0xaa: {  	[dreg:$0x4] =	wrdreg $0xC0  }
0xab: {  	_ =	task [dreg:s6], $0x5FFFF  }
0xac: {  	[dreg:$0x1] =	wrdreg $0xFFFFFFFF  }
0xad: {  	[dreg:$0x0] =	wrdreg $0x60  }
0xae: {  	[dreg:$0x2] =	wrdreg s24  }
0xaf: {  	[dreg:$0x3] =	wrdreg $0x10800  }
0xb0: {  	[dreg:$0x4] =	wrdreg $0x9  }
0xb1: {  	_ =	task.clear_ibuf [dreg:s6], $0x5FFFF;
	_ =	strace $0x90000049  }
0xb2: {  	s29 =	simm.s32 $0x9;
	_ =	strace $0x8000004B  }
0xb3: {  	_ =	swait.ge [sflag:s29], $0x1  }
0xb4: {  	[sflag:s29] =	ssyncadd.s32 $0xFFFFFFFF  }
0xb5: {  	_ =	strace $0x9000004B  }
0xb6: {  	_ =	sfence  }
0xb7: {  	s30 =	sld [smem:$0x0];
	_ =	sdelay $0x2  }
0xb8: {  	s31 =	sshll.u32 s1, $0xD;
	s1 =	sshrl.u32 s1, $0x2  }
0xb9: {  	s3 =	sand.u32 $0x4000, s31;
	s1 =	sadd.s32 s1, s30  }
0xba: {  	s0 =	sor.u32 s3, s0;
	s1 =	sshll.u32 s1, $0x11  }
0xbb: {  	s0 =	sor.u32 s1, s0  }
0xbc: {  	s0 =	sadd.s32 $0x8F2B, s0  }
0xbd: {  	[sflag:s0] =	ssyncadd.remote.s32 $0x1  }
0xbe: {  	_ =	sfence.sel $0xFFFF  }
0xbf: {  	[dreg:$0x0] =	wrdreg $0xFFFFFFFF;
	(pc) =	sbr.abs _section_cstart, $3  }
0xc0: {  	[dreg:$0x1] =	wrdreg $0xFFFFFFFF  }
0xc1: {  	_ =	task.clear_ibuf [dreg:s6], $0x2FFFF;
	_ =	strace $0x9FFFFFFF  }
0xc2: {  	(tm) =	ssettm $0x7FFFFFFF  }
0xc3: {  	_ =	shalt  }
tec
execute0_lowered:
.L_overlay_start_1:
0x0: {  	(tag) =	ssettag $0x1  }
0x1: {  	s0 =	srdreg.scid  }
0x2: {  	s7 =	sand.u32 $0x1, s0  }
0x3: {  	s0 =	stileid.u32;
	s4 =	smul.u32 $0x14000, s7  }
0x4: {  	s5 =	rddreg [dreg:$0x0];
	s6 =	smul.u32 $0x1400, s0  }
0x5: {  	s2 =	rddreg [dreg:$0x1];
	s8 =	smul.u32 $0x28000, s7  }
0x6: {  	s1 =	rddreg [dreg:$0x2];
	s3 =	simm.s32 $0x0;
	s9 =	smul.u32 $0x272, s0  }
0x7: {  	[smem:$0x7FF] =	sst s3;
	s14 =	sadd.s32 $0x8DE00, s5;
	s19 =	smul.u32 $0x9C80, s0  }
0x8: {  	_ =	strace $0x8000004A;
	s18 =	ssub.s32 $0x2, s7;
	s13 =	smul.u32 $0x2720, s7  }
0x9: {  	s20 =	sshrl.u32 s18, $0x1;
	s4 =	sadd.s32 s6, s4;
	s16 =	sadd.s32 s8, s5  }
0xa: {  	s10 =	sadd.s32 $0x80, s9;
	s15 =	ssub.s32 s18, s20;
	s21 =	sshrl.u32 s19, $0x2  }
0xb: {  	s11 =	sadd.s32 $0x100, s9;
	s12 =	sadd.s32 $0x180, s9;
	s18 =	sadd.s32 $0x200, s9  }
0xc: {  	s20 =	sadd.s32 s9, s13;
	s4 =	sshrl.u32 s4, $0x3;
	s22 =	sshll.u32 s10, $0x4  }
0xd: {  	s23 =	sshll.u32 s11, $0x4;
	s24 =	sshll.u32 s12, $0x4;
	s19 =	sshll.u32 s18, $0x4  }
0xe: {  	s25 =	sshll.u32 s20, $0x1;
	s26 =	sadd.s32 s13, s10;
	s29 =	sadd.s32 s13, s11  }
0xf: {  	s12 =	sadd.s32 s13, s12;
	s18 =	sadd.s32 s13, s18;
	s15 =	smax.u32 s15, $0x1  }
0x10: {  	s20 =	simm.s32 $0x80;
	s17 =	sadd.s32 s4, s5;
	s4 =	sadd.s32 $0x2F000, s5  }
0x11: {  	s5 =	sadd.s32 s21, s2;
	s6 =	sadd.s32 s22, s2;
	s7 =	sadd.s32 s23, s2  }
0x12: {  	s8 =	sadd.s32 s24, s2;
	s9 =	sadd.s32 s19, s2;
	s10 =	sadd.s32 s14, s25  }
0x13: {  	s28 =	sshll.u32 s26, $0x1;
	s30 =	sshll.u32 s29, $0x1;
	s31 =	sshll.u32 s12, $0x1  }
0x14: {  	s21 =	smul.u32 $0x2800, s0;
	s18 =	sshll.u32 s18, $0x1;
	s19 =	simm.s32 $0x1  }
0x15: {  	s11 =	sadd.s32 s14, s28;
	s12 =	sadd.s32 s14, s30;
	s13 =	sadd.s32 s14, s31  }
0x16: {  	s14 =	sadd.s32 s14, s18;
	s17 =	sadd.s32 $0xDDE00, s17;
	s16 =	sadd.s32 s21, s16  }
0x17: {  	s18 =	simm.s32 $0x880;
	s21 =	simm.s32 $0x0;
	s16 =	sadd.s32 $0x3DE00, s16  }
.LBB2_1:
0x18: {  	[tilespmem:s18], [sflag:$0x1] =	stream.linear.gather [hbm4b:s4+s3], $0x800, $0x38;
	[tilespmem:$0x37A0] =	vst v63  }
0x19: {  	_ =	swait.ge [sflag:s19], $0x800  }
0x1a: {  	[sflag:s19] =	ssyncset.done $0x0  }
0x1b: {  	[sflag:s19] =	ssyncadd.s32 $0xFFFFF800  }
0x1c: {  	[spmem:s5] =	stream.linear.scatter [tilespmem:s18], [sflag:$0x1], $0x800, $0x38;
	[tilespmem:$0x37A0] =	vst v63  }
0x1d: {  	_ =	swait.ge [sflag:s19], $0x800  }
0x1e: {  	[sflag:s19] =	ssyncset.done $0x0  }
0x1f: {  	[sflag:s19] =	ssyncadd.s32 $0xFFFFF800  }
0x20: {  	[spmem:s6] =	stream.linear.scatter [tilespmem:s18], [sflag:$0x1], $0x800, $0x38;
	[tilespmem:$0x37A0] =	vst v63  }
0x21: {  	_ =	swait.ge [sflag:s19], $0x800  }
0x22: {  	[sflag:s19] =	ssyncset.done $0x0  }
0x23: {  	[sflag:s19] =	ssyncadd.s32 $0xFFFFF800  }
0x24: {  	[spmem:s7] =	stream.linear.scatter [tilespmem:s18], [sflag:$0x1], $0x800, $0x38;
	[tilespmem:$0x37A0] =	vst v63  }
0x25: {  	_ =	swait.ge [sflag:s19], $0x800  }
0x26: {  	[sflag:s19] =	ssyncset.done $0x0  }
0x27: {  	[sflag:s19] =	ssyncadd.s32 $0xFFFFF800  }
0x28: {  	[spmem:s8] =	stream.linear.scatter [tilespmem:s18], [sflag:$0x1], $0x800, $0x38;
	[tilespmem:$0x37A0] =	vst v63  }
0x29: {  	_ =	swait.ge [sflag:s19], $0x800  }
0x2a: {  	[sflag:s19] =	ssyncset.done $0x0  }
0x2b: {  	[sflag:s19] =	ssyncadd.s32 $0xFFFFF800  }
0x2c: {  	[spmem:s9] =	stream.linear.scatter [tilespmem:s18], [sflag:$0x1], $0x720, $0x38;
	[tilespmem:$0x37A0] =	vst v63  }
0x2d: {  	_ =	swait.ge [sflag:s19], $0x720  }
0x2e: {  	[sflag:s19] =	ssyncset.done $0x0  }
0x2f: {  	[sflag:s19] =	ssyncadd.s32 $0xFFFFF8E0  }
0x30: {  	s22 =	sadd.s32 $0x0, s17;
	[bflag:$0x0] =	sbarrier.arrive $0xFFFF  }
0x31: {  	[tilespmem:s3], [sflag:$0x1] =	stream.linear.gather [hbm4b:s22+s3], $0x80, $0x38;
	[tilespmem:$0x37A0] =	vst v63  }
0x32: {  	_ =	swait.ge [sflag:s19], $0x80  }
0x33: {  	[sflag:s19] =	ssyncset.done $0x0  }
0x34: {  	[sflag:s19] =	ssyncadd.s32 $0xFFFFFF80  }
0x35: {  	[tilespmem:s20], [sflag:$0x1] =	stream.linear.gather [hbm4b:s16+s3], $0x800, $0x38;
	[tilespmem:$0x37A0] =	vst v63  }
0x36: {  	_ =	swait.ge [sflag:s19], $0x800  }
0x37: {  	[sflag:s19] =	ssyncset.done $0x0  }
0x38: {  	[sflag:s19] =	ssyncadd.s32 $0xFFFFF800  }
0x39: {  	[spmem:s2] =	stream.indirect.scatter.add.f32 [tilespmem:s20], [sflag:$0x1], $0x10, s3, s20, $0xb8;
	[tilespmem:$0x37A0] =	vst v63  }
0x3a: {  	s23 =	simm.s32 $0x10;
	_ =	swait.ge [sflag:s19], $0x800  }
0x3b: {  	s24 =	simm.s32 $0x20;
	s22 =	sadd.s32 $0x100, s16;
	[sflag:s19] =	ssyncset.done $0x0  }
.LBB2_2:
0x3c: {  	s25 =	sadd.s32 s23, s17  }
0x3d: {  	[sflag:s19] =	ssyncadd.s32 $0xFFFFF800;
	s23 =	smov.u32 s24;
	s26 =	sadd.s32 $0x10, s24  }
0x3e: {  	[tilespmem:s3], [sflag:$0x1] =	stream.linear.gather [hbm4b:s25+s3], $0x80, $0x38;
	[tilespmem:$0x37A0] =	vst v63  }
0x3f: {  	p0 =	sne.s32 s24, $0x270;
	_ =	swait.ge [sflag:s19], $0x80  }
0x40: {  	[sflag:s19] =	ssyncset.done $0x0  }
0x41: {  	[sflag:s19] =	ssyncadd.s32 $0xFFFFFF80  }
0x42: {  	[tilespmem:s20], [sflag:$0x1] =	stream.linear.gather [hbm4b:s22+s3], $0x800, $0x38;
	[tilespmem:$0x37A0] =	vst v63  }
0x43: {  	_ =	swait.ge [sflag:s19], $0x800  }
.Ltmp0:
0x44: {  	[sflag:s19] =	ssyncset.done $0x0;
	(pc) =	sbr.rel @p0 .LBB2_2-.Ltmp0, $4  }
0x45: {  	[sflag:s19] =	ssyncadd.s32 $0xFFFFF800  }
0x46: {  	[spmem:s2] =	stream.indirect.scatter.add.f32 [tilespmem:s20], [sflag:$0x1], $0x10, s3, s20, $0xb8;
	[tilespmem:$0x37A0] =	vst v63  }
0x47: {  	_ =	swait.ge [sflag:s19], $0x800  }
0x48: {  	s24 =	smov.u32 s26;
	s22 =	sadd.s32 $0x100, s22;
	[sflag:s19] =	ssyncset.done $0x0  }
0x49: {  	s23 =	sadd.s32 s23, s17;
	[sflag:s19] =	ssyncadd.s32 $0xFFFFF800  }
0x4a: {  	[tilespmem:s3], [sflag:$0x1] =	stream.linear.gather [hbm4b:s23+s3], $0x80, $0x38;
	[tilespmem:$0x37A0] =	vst v63  }
0x4b: {  	_ =	swait.ge [sflag:s19], $0x80  }
0x4c: {  	[sflag:s19] =	ssyncset.done $0x0  }
0x4d: {  	[sflag:s19] =	ssyncadd.s32 $0xFFFFFF80  }
0x4e: {  	[tilespmem:s20], [sflag:$0x1] =	stream.linear.gather [hbm4b:s22+s3], $0x800, $0x38;
	[tilespmem:$0x37A0] =	vst v63  }
0x4f: {  	_ =	swait.ge [sflag:s19], $0x800  }
0x50: {  	[sflag:s19] =	ssyncset.done $0x0  }
0x51: {  	[sflag:s19] =	ssyncadd.s32 $0xFFFFF800  }
0x52: {  	[spmem:s2] =	stream.indirect.scatter.add.f32 [tilespmem:s20], [sflag:$0x1], $0x10, s3, s20, $0xb8;
	[tilespmem:$0x37A0] =	vst v63  }
0x53: {  	_ =	swait.ge [sflag:s19], $0x800  }
0x54: {  	[sflag:s19] =	ssyncset.done $0x0  }
0x55: {  	[sflag:s19] =	ssyncadd.s32 $0xFFFFF800  }
0x56: {  	[bflag:$0x0] =	sbarrier.arrive $0xFFFF  }
0x57: {  	[tilespmem:s18], [sflag:$0x1] =	stream.linear.gather [spmem:s5], $0x800, $0x38;
	[tilespmem:$0x37A0] =	vst v63  }
0x58: {  	_ =	swait.ge [sflag:s19], $0x800  }
0x59: {  	[sflag:s19] =	ssyncset.done $0x0  }
0x5a: {  	[sflag:s19] =	ssyncadd.s32 $0xFFFFF800  }
0x5b: {  	[hbm4b:s10+s3] =	stream.linear.scatter [tilespmem:s18], [sflag:$0x1], $0x800, $0x38;
	[tilespmem:$0x37A0] =	vst v63  }
0x5c: {  	_ =	swait.ge [sflag:s19], $0x800  }
0x5d: {  	[sflag:s19] =	ssyncset.done $0x0  }
0x5e: {  	[sflag:s19] =	ssyncadd.s32 $0xFFFFF800  }
0x5f: {  	[tilespmem:s18], [sflag:$0x1] =	stream.linear.gather [spmem:s6], $0x800, $0x38;
	[tilespmem:$0x37A0] =	vst v63  }
0x60: {  	_ =	swait.ge [sflag:s19], $0x800  }
0x61: {  	[sflag:s19] =	ssyncset.done $0x0  }
0x62: {  	[sflag:s19] =	ssyncadd.s32 $0xFFFFF800  }
0x63: {  	[hbm4b:s11+s3] =	stream.linear.scatter [tilespmem:s18], [sflag:$0x1], $0x800, $0x38;
	[tilespmem:$0x37A0] =	vst v63  }
0x64: {  	_ =	swait.ge [sflag:s19], $0x800  }
0x65: {  	[sflag:s19] =	ssyncset.done $0x0  }
0x66: {  	[sflag:s19] =	ssyncadd.s32 $0xFFFFF800  }
0x67: {  	[tilespmem:s18], [sflag:$0x1] =	stream.linear.gather [spmem:s7], $0x800, $0x38;
	[tilespmem:$0x37A0] =	vst v63  }
0x68: {  	_ =	swait.ge [sflag:s19], $0x800  }
0x69: {  	[sflag:s19] =	ssyncset.done $0x0  }
0x6a: {  	[sflag:s19] =	ssyncadd.s32 $0xFFFFF800  }
0x6b: {  	[hbm4b:s12+s3] =	stream.linear.scatter [tilespmem:s18], [sflag:$0x1], $0x800, $0x38;
	[tilespmem:$0x37A0] =	vst v63  }
0x6c: {  	_ =	swait.ge [sflag:s19], $0x800  }
0x6d: {  	[sflag:s19] =	ssyncset.done $0x0  }
0x6e: {  	[sflag:s19] =	ssyncadd.s32 $0xFFFFF800  }
0x6f: {  	[tilespmem:s18], [sflag:$0x1] =	stream.linear.gather [spmem:s8], $0x800, $0x38;
	[tilespmem:$0x37A0] =	vst v63  }
0x70: {  	_ =	swait.ge [sflag:s19], $0x800  }
0x71: {  	[sflag:s19] =	ssyncset.done $0x0  }
0x72: {  	[sflag:s19] =	ssyncadd.s32 $0xFFFFF800  }
0x73: {  	[hbm4b:s13+s3] =	stream.linear.scatter [tilespmem:s18], [sflag:$0x1], $0x800, $0x38;
	[tilespmem:$0x37A0] =	vst v63  }
0x74: {  	_ =	swait.ge [sflag:s19], $0x800  }
0x75: {  	[sflag:s19] =	ssyncset.done $0x0  }
0x76: {  	[sflag:s19] =	ssyncadd.s32 $0xFFFFF800  }
0x77: {  	[tilespmem:s18], [sflag:$0x1] =	stream.linear.gather [spmem:s9], $0x720, $0x38;
	[tilespmem:$0x37A0] =	vst v63  }
0x78: {  	s21 =	sadd.s32 $0x1, s21;
	_ =	swait.ge [sflag:s19], $0x720  }
0x79: {  	p0 =	sne.s32 s21, s15;
	[sflag:s19] =	ssyncset.done $0x0  }
.Ltmp1:
0x7a: {  	[sflag:s19] =	ssyncadd.s32 $0xFFFFF8E0;
	(pc) =	sbr.rel @p0 .LBB2_1-.Ltmp1, $4  }
0x7b: {  	[hbm4b:s14+s3] =	stream.linear.scatter [tilespmem:s18], [sflag:$0x1], $0x720, $0x38;
	[tilespmem:$0x37A0] =	vst v63  }
0x7c: {  	_ =	swait.ge [sflag:s19], $0x720  }
0x7d: {  	[sflag:s19] =	ssyncset.done $0x0  }
0x7e: {  	[sflag:s19] =	ssyncadd.s32 $0xFFFFF8E0  }
0x7f: {  	_ =	sfence.sel $0x180000  }
0x80: {  	[bflag:$0x0] =	sbarrier.arrive $0xFFFF  }
0x81: {  	p0 =	sne.s32 s0, $0x0;
	_ =	strace $0x9000004A  }
0x82: {  	s0 =	sadd.s32 @!p0 $0x100000, s1;
	[bflag:$0x2] =	sbarrier.arrive $0xFFFF  }
0x83: {  	[sflag:s0] =	ssyncadd.tile.s32 @!p0 $0x1;
	_ =	shalt  }
.Lfunc_end2:
_tile_overlayer_lowered:
.L_overlay_start_2:
0x84: {  	(tag) =	ssettag $0x2  }
0x85: {  	s0 =	rddreg [dreg:$0x0];
	s2 =	stileid.u32  }
0x86: {  	s1 =	rddreg [dreg:$0x1];
	p0 =	sne.s32 s2, $0x0  }
0x87: {  	s3 =	rddreg [dreg:$0x2];
	[bflag:$0x3] =	sbarrier.arrive $0xFFFF;
	s2 =	simm.s32 @!p0 $0x1C01  }
0x88: {  	[timem:s3], [sflag:s2] =	dma.local @!p0 [hbm:s0], s1  }
0x89: {  	s0 =	simm.s32 @!p0 $0x1  }
0x8a: {  	_ =	swait.ge @!p0 [sflag:s0], s1  }
0x8b: {  	s1 =	ssub.s32 @!p0 $0x0, s1;
	[sflag:s0] =	ssyncset.done @!p0 $0x0  }
0x8c: {  	[sflag:s0] =	ssyncadd.s32 @!p0 s1  }
0x8d: {  	[bflag:$0x3] =	sbarrier.arrive $0xFFFF  }
0x8e: {  	_ =	shalt  }

// kernel: kernel.24.cloned.1.call-start
scs
__scs_entry_jumppad:
0x0: {  	(pc) =	sbr.rel $0x88, $3  }
0x1: {  	(tag) =	ssettag $0x0;
	lr =	simm.s32 $0x1  }
0x2: {  	[smem:$0x3F7B] =	sst lr;
	_ =	strace $0xD0000000  }
0x3: {  	_ = 	snop  }
0x4: {  	_ = 	snop  }
0x5: {  	_ = 	snop  }
0x6: {  	_ = 	snop  }
0x7: {  	_ = 	snop  }
__scs_overlays_trampoline_lowered:
0x8: {  	[smem:$0x3F8A] =	sst s0  }
0x9: {  	[smem:$0x3F8B] =	sst s1  }
0xa: {  	[smem:$0x3F8C] =	sst s2  }
0xb: {  	[smem:$0x3F8D] =	sst s3  }
0xc: {  	[smem:$0x3F8E] =	sst s4  }
0xd: {  	[smem:$0x3F8F] =	sst s5  }
0xe: {  	[smem:$0x3F90] =	sst s6  }
0xf: {  	[smem:$0x3F91] =	sst s7  }
0x10: {  	[smem:$0x3F92] =	sst s8  }
0x11: {  	[smem:$0x3F93] =	sst s9;
	s0 =	simm.s32 @!p0 $0x0  }
0x12: {  	s1 =	sld [smem:$0x3F79];
	s0 =	simm.s32 @p0 $0x1  }
0x13: {  	[smem:$0x3F94] =	sst s0;
	s0 =	simm.s32 @!p1 $0x0  }
0x14: {  	s2 =	sld [smem:$0x3F78];
	s0 =	simm.s32 @p1 $0x1  }
0x15: {  	[smem:$0x3F95] =	sst s0;
	s0 =	simm.s32 @!p2 $0x0  }
0x16: {  	s3 =	sld [smem:$0x3FDB];
	s0 =	simm.s32 @p2 $0x1  }
0x17: {  	s4 =	simm.s32 $0x1BF5;
	[smem:$0x3F97] =	sst s0  }
0x18: {  	s0 =	sld [smem:$0x3F7A];
	_ =	swait.ge [sflag:s4], $0x0  }
0x19: {  	s7 =	sld [smem:$0x3F7B]  }
0x1a: {  	s8 =	sadd.s32 $0xFFFFE003, lr  }
0x1b: {  	s9 =	sadd.s32 $0xFFFFFEF7, lr;
	s5 =	simm.s32 $0xFFFFFFFF;
	p2 =	slt.u32 s8, $0xFFFFF086  }
0x1c: {  	p1 =	slt.u32 s9, $0xF7A;
	s5 =	simm.s32 @!p2 $0x0  }
0x1d: {  	s5 =	simm.s32 @p1 $0x1;
	p0 =	seq.s32 s7, s2  }
0x1e: {  	s7 =	smul.u32 @!p0 $0xF7A, s2;
	p2 =	seq.s32 @!p0 s5, $0x0  }
0x1f: {  	s9 =	smul.u32 $0xF7A, s1;
	s8 =	simm.s32 @!p0 $0x1BF5;
	p2 =	por !p2, p0  }
0x20: {  	[sflag:s8] =	ssyncset.s32 @!p0 $0xFFFFF086;
	s6 =	sadd.s32 @!p0 s3, s7;
	s7 =	simm.s32 @!p0 $0x108  }
0x21: {  	s3 =	sadd.s32 s3, s9;
	s6 =	sadd.s32 @!p0 $0x88, s6;
	s7 =	simm.s32 @p2 $0x1082  }
0x22: {  	[simem:s7], [sflag:s8] =	dma.local @!p0 [hbm:s6], $0xF7A  }
0x23: {  	s9 =	sor.u32 $0xD0000000, s2;
	s6 =	simm.s32 $0x108;
	_ =	swait.ge @!p0 [sflag:s8], $0x0  }
0x24: {  	s3 =	sadd.s32 $0x88, s3;
	s6 =	simm.s32 @!p1 $0x1082;
	[sflag:s4] =	ssyncset.s32 $0xFFFFF086  }
0x25: {  	[simem:s6], [sflag:s4] =	dma.local [hbm:s3], $0xF7A  }
0x26: {  	[smem:$0x3F7B] =	sst s1;
	(tag) =	ssettag s2;
	_ =	strace s9  }
0x27: {  	s1 =	sld [smem:$0x3F8B]  }
0x28: {  	s2 =	sld [smem:$0x3F8C]  }
0x29: {  	s4 =	sld [smem:$0x3F8E]  }
0x2a: {  	p0 =	seq.s32 s5, $0x0;
	s5 =	sld [smem:$0x3F8F]  }
0x2b: {  	s6 =	sld [smem:$0x3F90]  }
0x2c: {  	s7 =	sld [smem:$0x3F91]  }
0x2d: {  	s3 =	simm.s32 $0x108;
	s8 =	sld [smem:$0x3F92]  }
0x2e: {  	s3 =	simm.s32 @!p0 $0x1082;
	s9 =	sld [smem:$0x3F93]  }
0x2f: {  	lr =	sadd.s32 s0, s3;
	s0 =	sld [smem:$0x3F8A]  }
0x30: {  	s3 =	sld [smem:$0x3F8D]  }
0x31: {  	[smem:$0x3F96] =	sst s10  }
0x32: {  	s10 =	sld [smem:$0x3F94];
	_ =	sdelay $0x3  }
0x33: {  	p0 =	seq.s32 s10, $0x1;
	s10 =	sld [smem:$0x3F96];
	_ =	sdelay $0x3  }
0x34: {  	[smem:$0x3F96] =	sst s10  }
0x35: {  	s10 =	sld [smem:$0x3F95];
	_ =	sdelay $0x3  }
0x36: {  	p1 =	seq.s32 s10, $0x1;
	s10 =	sld [smem:$0x3F96];
	_ =	sdelay $0x3  }
0x37: {  	[smem:$0x3F96] =	sst s10  }
0x38: {  	s10 =	sld [smem:$0x3F97]  }
0x39: {  	_ = 	snop;
	(pc) =	sbr.ind lr, $3  }
0x3a: {  	_ = 	snop  }
0x3b: {  	_ = 	snop  }
0x3c: {  	p2 =	seq.s32 s10, $0x1;
	s10 =	sld [smem:$0x3F96]  }
0x3d: {  	_ =	shalt  }
0x3e: {  	_ =	shalt  }
0x3f: {  	_ =	shalt  }
0x40: {  	_ =	shalt  }
0x41: {  	_ =	shalt  }
0x42: {  	_ =	shalt  }
0x43: {  	_ =	shalt  }
0x44: {  	_ =	shalt  }
0x45: {  	_ =	shalt  }
0x46: {  	_ =	shalt  }
0x47: {  	_ =	shalt  }
0x48: {  	_ =	shalt  }
0x49: {  	_ =	shalt  }
0x4a: {  	_ =	shalt  }
0x4b: {  	_ =	shalt  }
0x4c: {  	_ =	shalt  }
0x4d: {  	_ =	shalt  }
0x4e: {  	_ =	shalt  }
0x4f: {  	_ =	shalt  }
0x50: {  	_ =	shalt  }
0x51: {  	_ =	shalt  }
0x52: {  	_ =	shalt  }
0x53: {  	_ =	shalt  }
0x54: {  	_ =	shalt  }
0x55: {  	_ =	shalt  }
0x56: {  	_ =	shalt  }
0x57: {  	_ =	shalt  }
0x58: {  	_ =	shalt  }
0x59: {  	_ =	shalt  }
0x5a: {  	_ =	shalt  }
0x5b: {  	_ =	shalt  }
0x5c: {  	_ =	shalt  }
0x5d: {  	_ =	shalt  }
0x5e: {  	_ =	shalt  }
0x5f: {  	_ =	shalt  }
0x60: {  	_ =	shalt  }
0x61: {  	_ =	shalt  }
0x62: {  	_ =	shalt  }
0x63: {  	_ =	shalt  }
0x64: {  	_ =	shalt  }
0x65: {  	_ =	shalt  }
0x66: {  	_ =	shalt  }
0x67: {  	_ =	shalt  }
0x68: {  	_ =	shalt  }
0x69: {  	_ =	shalt  }
0x6a: {  	_ =	shalt  }
0x6b: {  	_ =	shalt  }
0x6c: {  	_ =	shalt  }
0x6d: {  	_ =	shalt  }
0x6e: {  	_ =	shalt  }
0x6f: {  	_ =	shalt  }
0x70: {  	_ =	shalt  }
0x71: {  	_ =	shalt  }
0x72: {  	_ =	shalt  }
0x73: {  	_ =	shalt  }
0x74: {  	_ =	shalt  }
0x75: {  	_ =	shalt  }
0x76: {  	_ =	shalt  }
0x77: {  	_ =	shalt  }
0x78: {  	_ =	shalt  }
0x79: {  	_ =	shalt  }
0x7a: {  	_ =	shalt  }
0x7b: {  	_ =	shalt  }
0x7c: {  	_ =	shalt  }
0x7d: {  	_ =	shalt  }
0x7e: {  	_ =	shalt  }
0x7f: {  	_ =	shalt  }
0x80: {  	_ =	shalt  }
0x81: {  	_ =	shalt  }
0x82: {  	_ =	shalt  }
0x83: {  	_ =	shalt  }
0x84: {  	_ =	shalt  }
0x85: {  	_ =	shalt  }
0x86: {  	_ =	shalt  }
0x87: {  	_ =	shalt  }
.Lfunc_end0:
.L_simem_size_0:
called_computation.3_lowered:
.L_overlay_start_0:
0x88: {  	s2 =	sld [smem:$0x3FD9]  }
0x89: {  	s3 =	sld [smem:$0x3FFE];
	_ =	sdelay $0x1  }
0x8a: {  	s1 =	srdreg.scid  }
0x8b: {  	s0 =	sand.u32 $0x1, s1  }
0x8c: {  	s16 =	sshll.u32 s0, $0xA;
	s2 =	sadd.s32 s3, s2  }
0x8d: {  	s2 =	sadd.s32 s2, s16  }
0x8e: {  	[smem:$0x3FA2] =	sst s2  }
0x8f: {  	_ = 	snop  }
0x90: {  	(tm) =	ssettm $0x1  }
0x91: {  	s17 =	sld [smem:$0x3FFB];
	_ =	sdelay $0x3  }
0x92: {  	_ =	strace s17  }
0x93: {  	s2 =	sld [smem:$0x3FFC];
	_ =	sdelay $0x3  }
0x94: {  	_ =	strace s2  }
0x95: {  	s2 =	sld [smem:$0x3FFD];
	_ =	sdelay $0x3  }
0x96: {  	_ =	strace s2  }
0x97: {  	_ =	strace $0x8FFFFFFF  }
0x98: {  	s18 =	sld [smem:$0x3FDB];
	_ =	sdelay $0x1  }
0x99: {  	s19 =	simm.s32 $_scs_section_size  }
0x9a: {  	s4 =	simm.s32 $_size__tile_overlayer_lowered;
	s5 =	simm.s32 $_tile_overlayer_lowered  }
0x9b: {  	s22 =	simm.s32 $0x1BFF;
	s21 =	sshll.u32 s5, $0x1;
	s2 =	sadd.s32 s19, s18  }
0x9c: {  	s6 =	simm.s32 $0x0;
	s20 =	sshll.u32 s4, $0x1;
	s4 =	sadd.s32 s21, s2  }
0x9d: {  	[timem:s6], [sflag:s22] =	dma.local [hbm:s4], s20  }
0x9e: {  	_ =	swait.ge [sflag:s22], s20  }
0x9f: {  	s3 =	ssub.s32 $0x0, s20;
	[sflag:s22] =	ssyncset.done $0x0  }
0xa0: {  	[sflag:s22] =	ssyncadd.s32 s3;
	_ =	sdelay $0x1  }
0xa1: {  	s23 =	simm.s32 $0x1B8B  }
0xa2: {  	_ =	swait.ge [sflag:s23], $0x1  }
0xa3: {  	[sflag:s23] =	ssyncset.done $0x0  }
0xa4: {  	s25 =	simm.s32 $0x1B8E;
	s24 =	sld [smem:$0x3FFE];
	[sflag:s23] =	ssyncadd.s32 $0xFFFFFFFF  }
0xa5: {  	s26 =	simm.s32 $execute0_lowered;
	[smem:$0x3FD2] =	sst s25  }
0xa6: {  	s4 =	sshll.u32 s26, $0x1;
	_ =	strace $0x8000004C;
	[dreg:$0x1] =	wrdreg $0xFFFFFFFF  }
0xa7: {  	s28 =	simm.s32 $_size_execute0_lowered;
	s2 =	sadd.s32 s2, s4;
	[dreg:$0x0] =	wrdreg $0x0  }
0xa8: {  	s4 =	sshll.u32 s28, $0x1;
	[dreg:$0x2] =	wrdreg s2  }
0xa9: {  	[dreg:$0x3] =	wrdreg s4  }
0xaa: {  	[dreg:$0x4] =	wrdreg $0xC0  }
0xab: {  	_ =	task [dreg:s6], $0x5FFFF  }
0xac: {  	[dreg:$0x1] =	wrdreg $0xFFFFFFFF  }
0xad: {  	[dreg:$0x0] =	wrdreg $0x60  }
0xae: {  	[dreg:$0x2] =	wrdreg s24  }
0xaf: {  	[dreg:$0x3] =	wrdreg $0x9  }
0xb0: {  	_ =	task.clear_ibuf [dreg:s6], $0x4FFFF;
	_ =	strace $0x9000004C  }
0xb1: {  	s29 =	simm.s32 $0x9;
	_ =	strace $0x8000004E  }
0xb2: {  	_ =	swait.ge [sflag:s29], $0x1  }
0xb3: {  	[sflag:s29] =	ssyncadd.s32 $0xFFFFFFFF  }
0xb4: {  	_ =	strace $0x9000004E  }
0xb5: {  	_ =	sfence  }
0xb6: {  	s30 =	sld [smem:$0x0];
	_ =	sdelay $0x2  }
0xb7: {  	s31 =	sshll.u32 s1, $0xD;
	s1 =	sshrl.u32 s1, $0x2  }
0xb8: {  	s3 =	sand.u32 $0x4000, s31;
	s1 =	sadd.s32 s1, s30  }
0xb9: {  	s0 =	sor.u32 s3, s0;
	s1 =	sshll.u32 s1, $0x11  }
0xba: {  	s0 =	sor.u32 s1, s0  }
0xbb: {  	s0 =	sadd.s32 $0x8F2B, s0  }
0xbc: {  	[sflag:s0] =	ssyncadd.remote.s32 $0x1  }
0xbd: {  	_ =	sfence.sel $0xFFFF  }
0xbe: {  	[dreg:$0x0] =	wrdreg $0xFFFFFFFF;
	(pc) =	sbr.abs _section_cstart, $3  }
0xbf: {  	[dreg:$0x1] =	wrdreg $0xFFFFFFFF  }
0xc0: {  	_ =	task.clear_ibuf [dreg:s6], $0x2FFFF;
	_ =	strace $0x9FFFFFFF  }
0xc1: {  	(tm) =	ssettm $0x7FFFFFFF  }
tec
execute0_lowered:
.L_overlay_start_1:
0x0: {  	(tag) =	ssettag $0x1  }
0x1: {  	s4 =	rddreg [dreg:$0x0]  }
0x2: {  	s0 =	rddreg [dreg:$0x1];
	s1 =	stileid.u32  }
0x3: {  	s2 =	simm.s32 $0x0;
	s3 =	srdreg.scid;
	s5 =	smul.u32 $0x500, s1  }
0x4: {  	[smem:$0x7FF] =	sst s2;
	s6 =	smul.u32 $0x5000, s1;
	s7 =	sand.u32 $0x1, s3  }
0x5: {  	s3 =	sadd.s32 $0x2F000, s4;
	s8 =	ssub.s32 $0x2, s7;
	s9 =	smul.u32 $0x2800, s7  }
0x6: {  	_ =	strace $0x8000004D;
	s7 =	smul.u32 $0x280, s7;
	s10 =	sshrl.u32 s8, $0x1  }
0x7: {  	s5 =	sadd.s32 s5, s4;
	s6 =	sadd.s32 s6, s4;
	s31 =	ssub.s32 s8, s10  }
0x8: {  	s6 =	sadd.s32 s9, s6;
	s7 =	sadd.s32 s7, s5;
	s8 =	simm.s32 $0x80  }
0x9: {  	s9 =	simm.s32 $0x1;
	s10 =	simm.s32 $0x0;
	s4 =	smax.u32 s31, $0x1  }
0xa: {  	s5 =	sadd.s32 $0x3DE00, s6;
	s6 =	sadd.s32 $0x38E00, s7;
	s7 =	simm.s32 $0x2  }
.LBB2_1:
0xb: {  	s11 =	sadd.s32 $0x0, s6  }
0xc: {  	[tilespmem:s2], [sflag:$0x2] =	stream.linear.gather [hbm4b:s11+s2], $0x80, $0x38;
	[tilespmem:$0x880] =	vst v63  }
0xd: {  	_ =	swait.ge [sflag:s7], $0x80  }
0xe: {  	[sflag:s7] =	ssyncset.done $0x0  }
0xf: {  	[sflag:s7] =	ssyncadd.s32 $0xFFFFFF80  }
0x10: {  	[tilespmem:s8], [sflag:$0x1] =	stream.indirect.gather [hbm4b:s3+s8], $0x10, s2, s8, $0xb8;
	[tilespmem:$0x880] =	vst v63  }
0x11: {  	_ =	swait.ge [sflag:s9], $0x800  }
0x12: {  	[sflag:s9] =	ssyncset.done $0x0  }
0x13: {  	[sflag:s9] =	ssyncadd.s32 $0xFFFFF800  }
0x14: {  	[hbm4b:s5+s2] =	stream.linear.scatter [tilespmem:s8], [sflag:$0x2], $0x800, $0x38;
	[tilespmem:$0x880] =	vst v63  }
0x15: {  	s12 =	simm.s32 $0x10;
	_ =	swait.ge [sflag:s7], $0x800  }
0x16: {  	s13 =	simm.s32 $0x20;
	s11 =	sadd.s32 $0x100, s5;
	[sflag:s7] =	ssyncset.done $0x0  }
.LBB2_2:
0x17: {  	s14 =	sadd.s32 s12, s6  }
0x18: {  	[sflag:s7] =	ssyncadd.s32 $0xFFFFF800;
	s12 =	smov.u32 s13;
	s15 =	sadd.s32 $0x10, s13  }
0x19: {  	[tilespmem:s2], [sflag:$0x2] =	stream.linear.gather [hbm4b:s14+s2], $0x80, $0x38;
	[tilespmem:$0x880] =	vst v63  }
0x1a: {  	p0 =	sne.s32 s13, $0x270;
	_ =	swait.ge [sflag:s7], $0x80  }
0x1b: {  	[sflag:s7] =	ssyncset.done $0x0  }
0x1c: {  	[sflag:s7] =	ssyncadd.s32 $0xFFFFFF80  }
0x1d: {  	[tilespmem:s8], [sflag:$0x1] =	stream.indirect.gather [hbm4b:s3+s8], $0x10, s2, s8, $0xb8;
	[tilespmem:$0x880] =	vst v63  }
0x1e: {  	_ =	swait.ge [sflag:s9], $0x800  }
.Ltmp0:
0x1f: {  	[sflag:s9] =	ssyncset.done $0x0;
	(pc) =	sbr.rel @p0 .LBB2_2-.Ltmp0, $4  }
0x20: {  	[sflag:s9] =	ssyncadd.s32 $0xFFFFF800  }
0x21: {  	[hbm4b:s11+s2] =	stream.linear.scatter [tilespmem:s8], [sflag:$0x2], $0x800, $0x38;
	[tilespmem:$0x880] =	vst v63  }
0x22: {  	_ =	swait.ge [sflag:s7], $0x800  }
0x23: {  	s13 =	smov.u32 s15;
	s11 =	sadd.s32 $0x100, s11;
	[sflag:s7] =	ssyncset.done $0x0  }
0x24: {  	s12 =	sadd.s32 s12, s6;
	[sflag:s7] =	ssyncadd.s32 $0xFFFFF800  }
0x25: {  	[tilespmem:s2], [sflag:$0x2] =	stream.linear.gather [hbm4b:s12+s2], $0x80, $0x38;
	[tilespmem:$0x880] =	vst v63  }
0x26: {  	_ =	swait.ge [sflag:s7], $0x80  }
0x27: {  	[sflag:s7] =	ssyncset.done $0x0  }
0x28: {  	[sflag:s7] =	ssyncadd.s32 $0xFFFFFF80  }
0x29: {  	[tilespmem:s8], [sflag:$0x1] =	stream.indirect.gather [hbm4b:s3+s8], $0x10, s2, s8, $0xb8;
	[tilespmem:$0x880] =	vst v63  }
0x2a: {  	s10 =	sadd.s32 $0x1, s10;
	_ =	swait.ge [sflag:s9], $0x800  }
0x2b: {  	p0 =	sne.s32 s10, s4;
	[sflag:s9] =	ssyncset.done $0x0  }
.Ltmp1:
0x2c: {  	[sflag:s9] =	ssyncadd.s32 $0xFFFFF800;
	(pc) =	sbr.rel @p0 .LBB2_1-.Ltmp1, $4  }
0x2d: {  	[hbm4b:s11+s2] =	stream.linear.scatter [tilespmem:s8], [sflag:$0x2], $0x800, $0x38;
	[tilespmem:$0x880] =	vst v63  }
0x2e: {  	_ =	swait.ge [sflag:s7], $0x800  }
0x2f: {  	[sflag:s7] =	ssyncset.done $0x0  }
0x30: {  	[sflag:s7] =	ssyncadd.s32 $0xFFFFF800  }
0x31: {  	_ =	sfence.sel $0x180000  }
0x32: {  	[bflag:$0x0] =	sbarrier.arrive $0xFFFF  }
0x33: {  	p0 =	sne.s32 s1, $0x0;
	_ =	strace $0x9000004D  }
0x34: {  	s0 =	sadd.s32 @!p0 $0x100000, s0;
	[bflag:$0x2] =	sbarrier.arrive $0xFFFF  }
0x35: {  	[sflag:s0] =	ssyncadd.tile.s32 @!p0 $0x1;
	_ =	shalt  }
.Lfunc_end2:
_tile_overlayer_lowered:
.L_overlay_start_2:
0x36: {  	(tag) =	ssettag $0x2  }
0x37: {  	s0 =	rddreg [dreg:$0x0];
	s2 =	stileid.u32  }
0x38: {  	s1 =	rddreg [dreg:$0x1];
	p0 =	sne.s32 s2, $0x0  }
0x39: {  	s3 =	rddreg [dreg:$0x2];
	[bflag:$0x3] =	sbarrier.arrive $0xFFFF;
	s2 =	simm.s32 @!p0 $0x1C02  }
0x3a: {  	[timem:s3], [sflag:s2] =	dma.local @!p0 [hbm:s0], s1  }
0x3b: {  	s0 =	simm.s32 @!p0 $0x2  }
0x3c: {  	_ =	swait.ge @!p0 [sflag:s0], s1  }
0x3d: {  	s1 =	ssub.s32 @!p0 $0x0, s1;
	[sflag:s0] =	ssyncset.done @!p0 $0x0  }
0x3e: {  	[sflag:s0] =	ssyncadd.s32 @!p0 s1  }
0x3f: {  	[bflag:$0x3] =	sbarrier.arrive $0xFFFF  }
0x40: {  	_ =	shalt  }

// kernel: kernel.27.cloned.1.call-start
scs
__scs_entry_jumppad:
0x0: {  	(pc) =	sbr.rel $0x88, $3  }
0x1: {  	(tag) =	ssettag $0x0;
	lr =	simm.s32 $0x1  }
0x2: {  	[smem:$0x3F7B] =	sst lr;
	_ =	strace $0xD0000000  }
0x3: {  	_ = 	snop  }
0x4: {  	_ = 	snop  }
0x5: {  	_ = 	snop  }
0x6: {  	_ = 	snop  }
0x7: {  	_ = 	snop  }
__scs_overlays_trampoline_lowered:
0x8: {  	[smem:$0x3F8A] =	sst s0  }
0x9: {  	[smem:$0x3F8B] =	sst s1  }
0xa: {  	[smem:$0x3F8C] =	sst s2  }
0xb: {  	[smem:$0x3F8D] =	sst s3  }
0xc: {  	[smem:$0x3F8E] =	sst s4  }
0xd: {  	[smem:$0x3F8F] =	sst s5  }
0xe: {  	[smem:$0x3F90] =	sst s6  }
0xf: {  	[smem:$0x3F91] =	sst s7  }
0x10: {  	[smem:$0x3F92] =	sst s8  }
0x11: {  	[smem:$0x3F93] =	sst s9;
	s0 =	simm.s32 @!p0 $0x0  }
0x12: {  	s1 =	sld [smem:$0x3F79];
	s0 =	simm.s32 @p0 $0x1  }
0x13: {  	[smem:$0x3F94] =	sst s0;
	s0 =	simm.s32 @!p1 $0x0  }
0x14: {  	s2 =	sld [smem:$0x3F78];
	s0 =	simm.s32 @p1 $0x1  }
0x15: {  	[smem:$0x3F95] =	sst s0;
	s0 =	simm.s32 @!p2 $0x0  }
0x16: {  	s3 =	sld [smem:$0x3FDB];
	s0 =	simm.s32 @p2 $0x1  }
0x17: {  	s4 =	simm.s32 $0x1BF5;
	[smem:$0x3F97] =	sst s0  }
0x18: {  	s0 =	sld [smem:$0x3F7A];
	_ =	swait.ge [sflag:s4], $0x0  }
0x19: {  	s7 =	sld [smem:$0x3F7B]  }
0x1a: {  	s8 =	sadd.s32 $0xFFFFE003, lr  }
0x1b: {  	s9 =	sadd.s32 $0xFFFFFEF7, lr;
	s5 =	simm.s32 $0xFFFFFFFF;
	p2 =	slt.u32 s8, $0xFFFFF086  }
0x1c: {  	p1 =	slt.u32 s9, $0xF7A;
	s5 =	simm.s32 @!p2 $0x0  }
0x1d: {  	s5 =	simm.s32 @p1 $0x1;
	p0 =	seq.s32 s7, s2  }
0x1e: {  	s7 =	smul.u32 @!p0 $0xF7A, s2;
	p2 =	seq.s32 @!p0 s5, $0x0  }
0x1f: {  	s9 =	smul.u32 $0xF7A, s1;
	s8 =	simm.s32 @!p0 $0x1BF5;
	p2 =	por !p2, p0  }
0x20: {  	[sflag:s8] =	ssyncset.s32 @!p0 $0xFFFFF086;
	s6 =	sadd.s32 @!p0 s3, s7;
	s7 =	simm.s32 @!p0 $0x108  }
0x21: {  	s3 =	sadd.s32 s3, s9;
	s6 =	sadd.s32 @!p0 $0x88, s6;
	s7 =	simm.s32 @p2 $0x1082  }
0x22: {  	[simem:s7], [sflag:s8] =	dma.local @!p0 [hbm:s6], $0xF7A  }
0x23: {  	s9 =	sor.u32 $0xD0000000, s2;
	s6 =	simm.s32 $0x108;
	_ =	swait.ge @!p0 [sflag:s8], $0x0  }
0x24: {  	s3 =	sadd.s32 $0x88, s3;
	s6 =	simm.s32 @!p1 $0x1082;
	[sflag:s4] =	ssyncset.s32 $0xFFFFF086  }
0x25: {  	[simem:s6], [sflag:s4] =	dma.local [hbm:s3], $0xF7A  }
0x26: {  	[smem:$0x3F7B] =	sst s1;
	(tag) =	ssettag s2;
	_ =	strace s9  }
0x27: {  	s1 =	sld [smem:$0x3F8B]  }
0x28: {  	s2 =	sld [smem:$0x3F8C]  }
0x29: {  	s4 =	sld [smem:$0x3F8E]  }
0x2a: {  	p0 =	seq.s32 s5, $0x0;
	s5 =	sld [smem:$0x3F8F]  }
0x2b: {  	s6 =	sld [smem:$0x3F90]  }
0x2c: {  	s7 =	sld [smem:$0x3F91]  }
0x2d: {  	s3 =	simm.s32 $0x108;
	s8 =	sld [smem:$0x3F92]  }
0x2e: {  	s3 =	simm.s32 @!p0 $0x1082;
	s9 =	sld [smem:$0x3F93]  }
0x2f: {  	lr =	sadd.s32 s0, s3;
	s0 =	sld [smem:$0x3F8A]  }
0x30: {  	s3 =	sld [smem:$0x3F8D]  }
0x31: {  	[smem:$0x3F96] =	sst s10  }
0x32: {  	s10 =	sld [smem:$0x3F94];
	_ =	sdelay $0x3  }
0x33: {  	p0 =	seq.s32 s10, $0x1;
	s10 =	sld [smem:$0x3F96];
	_ =	sdelay $0x3  }
0x34: {  	[smem:$0x3F96] =	sst s10  }
0x35: {  	s10 =	sld [smem:$0x3F95];
	_ =	sdelay $0x3  }
0x36: {  	p1 =	seq.s32 s10, $0x1;
	s10 =	sld [smem:$0x3F96];
	_ =	sdelay $0x3  }
0x37: {  	[smem:$0x3F96] =	sst s10  }
0x38: {  	s10 =	sld [smem:$0x3F97]  }
0x39: {  	_ = 	snop;
	(pc) =	sbr.ind lr, $3  }
0x3a: {  	_ = 	snop  }
0x3b: {  	_ = 	snop  }
0x3c: {  	p2 =	seq.s32 s10, $0x1;
	s10 =	sld [smem:$0x3F96]  }
0x3d: {  	_ =	shalt  }
0x3e: {  	_ =	shalt  }
0x3f: {  	_ =	shalt  }
0x40: {  	_ =	shalt  }
0x41: {  	_ =	shalt  }
0x42: {  	_ =	shalt  }
0x43: {  	_ =	shalt  }
0x44: {  	_ =	shalt  }
0x45: {  	_ =	shalt  }
0x46: {  	_ =	shalt  }
0x47: {  	_ =	shalt  }
0x48: {  	_ =	shalt  }
0x49: {  	_ =	shalt  }
0x4a: {  	_ =	shalt  }
0x4b: {  	_ =	shalt  }
0x4c: {  	_ =	shalt  }
0x4d: {  	_ =	shalt  }
0x4e: {  	_ =	shalt  }
0x4f: {  	_ =	shalt  }
0x50: {  	_ =	shalt  }
0x51: {  	_ =	shalt  }
0x52: {  	_ =	shalt  }
0x53: {  	_ =	shalt  }
0x54: {  	_ =	shalt  }
0x55: {  	_ =	shalt  }
0x56: {  	_ =	shalt  }
0x57: {  	_ =	shalt  }
0x58: {  	_ =	shalt  }
0x59: {  	_ =	shalt  }
0x5a: {  	_ =	shalt  }
0x5b: {  	_ =	shalt  }
0x5c: {  	_ =	shalt  }
0x5d: {  	_ =	shalt  }
0x5e: {  	_ =	shalt  }
0x5f: {  	_ =	shalt  }
0x60: {  	_ =	shalt  }
0x61: {  	_ =	shalt  }
0x62: {  	_ =	shalt  }
0x63: {  	_ =	shalt  }
0x64: {  	_ =	shalt  }
0x65: {  	_ =	shalt  }
0x66: {  	_ =	shalt  }
0x67: {  	_ =	shalt  }
0x68: {  	_ =	shalt  }
0x69: {  	_ =	shalt  }
0x6a: {  	_ =	shalt  }
0x6b: {  	_ =	shalt  }
0x6c: {  	_ =	shalt  }
0x6d: {  	_ =	shalt  }
0x6e: {  	_ =	shalt  }
0x6f: {  	_ =	shalt  }
0x70: {  	_ =	shalt  }
0x71: {  	_ =	shalt  }
0x72: {  	_ =	shalt  }
0x73: {  	_ =	shalt  }
0x74: {  	_ =	shalt  }
0x75: {  	_ =	shalt  }
0x76: {  	_ =	shalt  }
0x77: {  	_ =	shalt  }
0x78: {  	_ =	shalt  }
0x79: {  	_ =	shalt  }
0x7a: {  	_ =	shalt  }
0x7b: {  	_ =	shalt  }
0x7c: {  	_ =	shalt  }
0x7d: {  	_ =	shalt  }
0x7e: {  	_ =	shalt  }
0x7f: {  	_ =	shalt  }
0x80: {  	_ =	shalt  }
0x81: {  	_ =	shalt  }
0x82: {  	_ =	shalt  }
0x83: {  	_ =	shalt  }
0x84: {  	_ =	shalt  }
0x85: {  	_ =	shalt  }
0x86: {  	_ =	shalt  }
0x87: {  	_ =	shalt  }
.Lfunc_end0:
.L_simem_size_0:
called_computation.4_lowered:
.L_overlay_start_0:
0x88: {  	s2 =	sld [smem:$0x3FD9]  }
0x89: {  	s3 =	sld [smem:$0x3FFE];
	_ =	sdelay $0x1  }
0x8a: {  	s1 =	srdreg.scid  }
0x8b: {  	s0 =	sand.u32 $0x1, s1  }
0x8c: {  	s16 =	sshll.u32 s0, $0xA;
	s2 =	sadd.s32 s3, s2  }
0x8d: {  	s2 =	sadd.s32 s2, s16  }
0x8e: {  	[smem:$0x3FA2] =	sst s2  }
0x8f: {  	_ = 	snop  }
0x90: {  	(tm) =	ssettm $0x1  }
0x91: {  	s17 =	sld [smem:$0x3FFB];
	_ =	sdelay $0x3  }
0x92: {  	_ =	strace s17  }
0x93: {  	s2 =	sld [smem:$0x3FFC];
	_ =	sdelay $0x3  }
0x94: {  	_ =	strace s2  }
0x95: {  	s2 =	sld [smem:$0x3FFD];
	_ =	sdelay $0x3  }
0x96: {  	_ =	strace s2  }
0x97: {  	_ =	strace $0x8FFFFFFF  }
0x98: {  	s18 =	sld [smem:$0x3FDB];
	_ =	sdelay $0x1  }
0x99: {  	s19 =	simm.s32 $_scs_section_size  }
0x9a: {  	s4 =	simm.s32 $_size__tile_overlayer_lowered;
	s5 =	simm.s32 $_tile_overlayer_lowered  }
0x9b: {  	s22 =	simm.s32 $0x1BFF;
	s21 =	sshll.u32 s5, $0x1;
	s2 =	sadd.s32 s19, s18  }
0x9c: {  	s6 =	simm.s32 $0x0;
	s20 =	sshll.u32 s4, $0x1;
	s4 =	sadd.s32 s21, s2  }
0x9d: {  	[timem:s6], [sflag:s22] =	dma.local [hbm:s4], s20  }
0x9e: {  	_ =	swait.ge [sflag:s22], s20  }
0x9f: {  	s3 =	ssub.s32 $0x0, s20;
	[sflag:s22] =	ssyncset.done $0x0  }
0xa0: {  	[sflag:s22] =	ssyncadd.s32 s3;
	_ =	sdelay $0x1  }
0xa1: {  	s23 =	simm.s32 $0x1B8B  }
0xa2: {  	_ =	swait.ge [sflag:s23], $0x1  }
0xa3: {  	[sflag:s23] =	ssyncset.done $0x0  }
0xa4: {  	s25 =	simm.s32 $0x1B8E;
	s24 =	sld [smem:$0x3FFE];
	[sflag:s23] =	ssyncadd.s32 $0xFFFFFFFF  }
0xa5: {  	s26 =	simm.s32 $execute0_lowered;
	[smem:$0x3FD2] =	sst s25  }
0xa6: {  	s4 =	sshll.u32 s26, $0x1;
	_ =	strace $0x8000004F;
	[dreg:$0x1] =	wrdreg $0xFFFFFFFF  }
0xa7: {  	s28 =	simm.s32 $_size_execute0_lowered;
	s2 =	sadd.s32 s2, s4;
	[dreg:$0x0] =	wrdreg $0x0  }
0xa8: {  	s4 =	sshll.u32 s28, $0x1;
	[dreg:$0x2] =	wrdreg s2  }
0xa9: {  	[dreg:$0x3] =	wrdreg s4  }
0xaa: {  	[dreg:$0x4] =	wrdreg $0xC0  }
0xab: {  	_ =	task [dreg:s6], $0x5FFFF  }
0xac: {  	[dreg:$0x1] =	wrdreg $0xFFFFFFFF  }
0xad: {  	[dreg:$0x0] =	wrdreg $0x60  }
0xae: {  	[dreg:$0x2] =	wrdreg s24  }
0xaf: {  	[dreg:$0x3] =	wrdreg $0x20800  }
0xb0: {  	[dreg:$0x4] =	wrdreg $0xA  }
0xb1: {  	_ =	task.clear_ibuf [dreg:s6], $0x5FFFF;
	_ =	strace $0x9000004F  }
0xb2: {  	s29 =	simm.s32 $0xA;
	_ =	strace $0x80000051  }
0xb3: {  	_ =	swait.ge [sflag:s29], $0x1  }
0xb4: {  	[sflag:s29] =	ssyncadd.s32 $0xFFFFFFFF  }
0xb5: {  	_ =	strace $0x90000051  }
0xb6: {  	_ =	sfence  }
0xb7: {  	s30 =	sld [smem:$0x0];
	_ =	sdelay $0x2  }
0xb8: {  	s31 =	sshll.u32 s1, $0xD;
	s1 =	sshrl.u32 s1, $0x2  }
0xb9: {  	s3 =	sand.u32 $0x4000, s31;
	s1 =	sadd.s32 s1, s30  }
0xba: {  	s0 =	sor.u32 s3, s0;
	s1 =	sshll.u32 s1, $0x11  }
0xbb: {  	s0 =	sor.u32 s1, s0  }
0xbc: {  	s0 =	sadd.s32 $0x8F2B, s0  }
0xbd: {  	[sflag:s0] =	ssyncadd.remote.s32 $0x1  }
0xbe: {  	_ =	sfence.sel $0xFFFF  }
0xbf: {  	[dreg:$0x0] =	wrdreg $0xFFFFFFFF;
	(pc) =	sbr.abs _section_cstart, $3  }
0xc0: {  	[dreg:$0x1] =	wrdreg $0xFFFFFFFF  }
0xc1: {  	_ =	task.clear_ibuf [dreg:s6], $0x2FFFF;
	_ =	strace $0x9FFFFFFF  }
0xc2: {  	(tm) =	ssettm $0x7FFFFFFF  }
0xc3: {  	_ =	shalt  }
tec
execute0_lowered:
.L_overlay_start_1:
0x0: {  	(tag) =	ssettag $0x1  }
0x1: {  	s0 =	srdreg.scid  }
0x2: {  	s7 =	sand.u32 $0x1, s0  }
0x3: {  	s0 =	stileid.u32;
	s4 =	smul.u32 $0x14000, s7  }
0x4: {  	s5 =	rddreg [dreg:$0x0];
	s6 =	smul.u32 $0x1400, s0  }
0x5: {  	s2 =	rddreg [dreg:$0x1];
	s8 =	smul.u32 $0x50000, s7  }
0x6: {  	s1 =	rddreg [dreg:$0x2];
	s3 =	simm.s32 $0x0;
	s9 =	smul.u32 $0x272, s0  }
0x7: {  	[smem:$0x7FF] =	sst s3;
	s14 =	sadd.s32 $0xE2E00, s5;
	s19 =	smul.u32 $0x13900, s0  }
0x8: {  	_ =	strace $0x80000050;
	s18 =	ssub.s32 $0x2, s7;
	s13 =	smul.u32 $0x2720, s7  }
0x9: {  	s20 =	sshrl.u32 s18, $0x1;
	s4 =	sadd.s32 s6, s4;
	s16 =	sadd.s32 s8, s5  }
0xa: {  	s10 =	sadd.s32 $0x80, s9;
	s15 =	ssub.s32 s18, s20;
	s21 =	sshrl.u32 s19, $0x2  }
0xb: {  	s11 =	sadd.s32 $0x100, s9;
	s12 =	sadd.s32 $0x180, s9;
	s18 =	sadd.s32 $0x200, s9  }
0xc: {  	s20 =	sadd.s32 s9, s13;
	s4 =	sshrl.u32 s4, $0x3;
	s22 =	sshll.u32 s10, $0x5  }
0xd: {  	s23 =	sshll.u32 s11, $0x5;
	s24 =	sshll.u32 s12, $0x5;
	s19 =	sshll.u32 s18, $0x5  }
0xe: {  	s25 =	sshll.u32 s20, $0x2;
	s26 =	sadd.s32 s13, s10;
	s29 =	sadd.s32 s13, s11  }
0xf: {  	s12 =	sadd.s32 s13, s12;
	s18 =	sadd.s32 s13, s18;
	s15 =	smax.u32 s15, $0x1  }
0x10: {  	s20 =	simm.s32 $0x80;
	s17 =	sadd.s32 s4, s5;
	s4 =	sadd.s32 $0xCF000, s5  }
0x11: {  	s5 =	sadd.s32 s21, s2;
	s6 =	sadd.s32 s22, s2;
	s7 =	sadd.s32 s23, s2  }
0x12: {  	s8 =	sadd.s32 s24, s2;
	s9 =	sadd.s32 s19, s2;
	s10 =	sadd.s32 s14, s25  }
0x13: {  	s28 =	sshll.u32 s26, $0x2;
	s30 =	sshll.u32 s29, $0x2;
	s31 =	sshll.u32 s12, $0x2  }
0x14: {  	s21 =	smul.u32 $0x5000, s0;
	s18 =	sshll.u32 s18, $0x2;
	s19 =	simm.s32 $0x1  }
0x15: {  	s11 =	sadd.s32 s14, s28;
	s12 =	sadd.s32 s14, s30;
	s13 =	sadd.s32 s14, s31  }
0x16: {  	s14 =	sadd.s32 s14, s18;
	s17 =	sadd.s32 $0xDDE00, s17;
	s16 =	sadd.s32 s21, s16  }
0x17: {  	s18 =	simm.s32 $0x1080;
	s21 =	simm.s32 $0x0;
	s16 =	sadd.s32 $0x2F000, s16  }
.LBB2_1:
0x18: {  	[tilespmem:s18], [sflag:$0x1] =	stream.linear.gather [hbm4b:s4+s3], $0x1000, $0x38;
	[tilespmem:$0x6EC0] =	vst v63  }
0x19: {  	_ =	swait.ge [sflag:s19], $0x1000  }
0x1a: {  	[sflag:s19] =	ssyncset.done $0x0  }
0x1b: {  	[sflag:s19] =	ssyncadd.s32 $0xFFFFF000  }
0x1c: {  	[spmem:s5] =	stream.linear.scatter [tilespmem:s18], [sflag:$0x1], $0x1000, $0x38;
	[tilespmem:$0x6EC0] =	vst v63  }
0x1d: {  	_ =	swait.ge [sflag:s19], $0x1000  }
0x1e: {  	[sflag:s19] =	ssyncset.done $0x0  }
0x1f: {  	[sflag:s19] =	ssyncadd.s32 $0xFFFFF000  }
0x20: {  	[spmem:s6] =	stream.linear.scatter [tilespmem:s18], [sflag:$0x1], $0x1000, $0x38;
	[tilespmem:$0x6EC0] =	vst v63  }
0x21: {  	_ =	swait.ge [sflag:s19], $0x1000  }
0x22: {  	[sflag:s19] =	ssyncset.done $0x0  }
0x23: {  	[sflag:s19] =	ssyncadd.s32 $0xFFFFF000  }
0x24: {  	[spmem:s7] =	stream.linear.scatter [tilespmem:s18], [sflag:$0x1], $0x1000, $0x38;
	[tilespmem:$0x6EC0] =	vst v63  }
0x25: {  	_ =	swait.ge [sflag:s19], $0x1000  }
0x26: {  	[sflag:s19] =	ssyncset.done $0x0  }
0x27: {  	[sflag:s19] =	ssyncadd.s32 $0xFFFFF000  }
0x28: {  	[spmem:s8] =	stream.linear.scatter [tilespmem:s18], [sflag:$0x1], $0x1000, $0x38;
	[tilespmem:$0x6EC0] =	vst v63  }
0x29: {  	_ =	swait.ge [sflag:s19], $0x1000  }
0x2a: {  	[sflag:s19] =	ssyncset.done $0x0  }
0x2b: {  	[sflag:s19] =	ssyncadd.s32 $0xFFFFF000  }
0x2c: {  	[spmem:s9] =	stream.linear.scatter [tilespmem:s18], [sflag:$0x1], $0xE40, $0x38;
	[tilespmem:$0x6EC0] =	vst v63  }
0x2d: {  	_ =	swait.ge [sflag:s19], $0xE40  }
0x2e: {  	[sflag:s19] =	ssyncset.done $0x0  }
0x2f: {  	[sflag:s19] =	ssyncadd.s32 $0xFFFFF1C0  }
0x30: {  	s22 =	sadd.s32 $0x0, s17;
	[bflag:$0x0] =	sbarrier.arrive $0xFFFF  }
0x31: {  	[tilespmem:s3], [sflag:$0x1] =	stream.linear.gather [hbm4b:s22+s3], $0x80, $0x38;
	[tilespmem:$0x6EC0] =	vst v63  }
0x32: {  	_ =	swait.ge [sflag:s19], $0x80  }
0x33: {  	[sflag:s19] =	ssyncset.done $0x0  }
0x34: {  	[sflag:s19] =	ssyncadd.s32 $0xFFFFFF80  }
0x35: {  	[tilespmem:s20], [sflag:$0x1] =	stream.linear.gather [hbm4b:s16+s3], $0x1000, $0x38;
	[tilespmem:$0x6EC0] =	vst v63  }
0x36: {  	_ =	swait.ge [sflag:s19], $0x1000  }
0x37: {  	[sflag:s19] =	ssyncset.done $0x0  }
0x38: {  	[sflag:s19] =	ssyncadd.s32 $0xFFFFF000  }
0x39: {  	[spmem:s2] =	stream.indirect.scatter.add.f32 [tilespmem:s20], [sflag:$0x1], $0x20, s3, s20, $0xb8;
	[tilespmem:$0x6EC0] =	vst v63  }
0x3a: {  	s23 =	simm.s32 $0x10;
	_ =	swait.ge [sflag:s19], $0x1000  }
0x3b: {  	s24 =	simm.s32 $0x20;
	s22 =	sadd.s32 $0x200, s16;
	[sflag:s19] =	ssyncset.done $0x0  }
.LBB2_2:
0x3c: {  	s25 =	sadd.s32 s23, s17  }
0x3d: {  	[sflag:s19] =	ssyncadd.s32 $0xFFFFF000;
	s23 =	smov.u32 s24;
	s26 =	sadd.s32 $0x10, s24  }
0x3e: {  	[tilespmem:s3], [sflag:$0x1] =	stream.linear.gather [hbm4b:s25+s3], $0x80, $0x38;
	[tilespmem:$0x6EC0] =	vst v63  }
0x3f: {  	p0 =	sne.s32 s24, $0x270;
	_ =	swait.ge [sflag:s19], $0x80  }
0x40: {  	[sflag:s19] =	ssyncset.done $0x0  }
0x41: {  	[sflag:s19] =	ssyncadd.s32 $0xFFFFFF80  }
0x42: {  	[tilespmem:s20], [sflag:$0x1] =	stream.linear.gather [hbm4b:s22+s3], $0x1000, $0x38;
	[tilespmem:$0x6EC0] =	vst v63  }
0x43: {  	_ =	swait.ge [sflag:s19], $0x1000  }
.Ltmp0:
0x44: {  	[sflag:s19] =	ssyncset.done $0x0;
	(pc) =	sbr.rel @p0 .LBB2_2-.Ltmp0, $4  }
0x45: {  	[sflag:s19] =	ssyncadd.s32 $0xFFFFF000  }
0x46: {  	[spmem:s2] =	stream.indirect.scatter.add.f32 [tilespmem:s20], [sflag:$0x1], $0x20, s3, s20, $0xb8;
	[tilespmem:$0x6EC0] =	vst v63  }
0x47: {  	_ =	swait.ge [sflag:s19], $0x1000  }
0x48: {  	s24 =	smov.u32 s26;
	s22 =	sadd.s32 $0x200, s22;
	[sflag:s19] =	ssyncset.done $0x0  }
0x49: {  	s23 =	sadd.s32 s23, s17;
	[sflag:s19] =	ssyncadd.s32 $0xFFFFF000  }
0x4a: {  	[tilespmem:s3], [sflag:$0x1] =	stream.linear.gather [hbm4b:s23+s3], $0x80, $0x38;
	[tilespmem:$0x6EC0] =	vst v63  }
0x4b: {  	_ =	swait.ge [sflag:s19], $0x80  }
0x4c: {  	[sflag:s19] =	ssyncset.done $0x0  }
0x4d: {  	[sflag:s19] =	ssyncadd.s32 $0xFFFFFF80  }
0x4e: {  	[tilespmem:s20], [sflag:$0x1] =	stream.linear.gather [hbm4b:s22+s3], $0x1000, $0x38;
	[tilespmem:$0x6EC0] =	vst v63  }
0x4f: {  	_ =	swait.ge [sflag:s19], $0x1000  }
0x50: {  	[sflag:s19] =	ssyncset.done $0x0  }
0x51: {  	[sflag:s19] =	ssyncadd.s32 $0xFFFFF000  }
0x52: {  	[spmem:s2] =	stream.indirect.scatter.add.f32 [tilespmem:s20], [sflag:$0x1], $0x20, s3, s20, $0xb8;
	[tilespmem:$0x6EC0] =	vst v63  }
0x53: {  	_ =	swait.ge [sflag:s19], $0x1000  }
0x54: {  	[sflag:s19] =	ssyncset.done $0x0  }
0x55: {  	[sflag:s19] =	ssyncadd.s32 $0xFFFFF000  }
0x56: {  	[bflag:$0x0] =	sbarrier.arrive $0xFFFF  }
0x57: {  	[tilespmem:s18], [sflag:$0x1] =	stream.linear.gather [spmem:s5], $0x1000, $0x38;
	[tilespmem:$0x6EC0] =	vst v63  }
0x58: {  	_ =	swait.ge [sflag:s19], $0x1000  }
0x59: {  	[sflag:s19] =	ssyncset.done $0x0  }
0x5a: {  	[sflag:s19] =	ssyncadd.s32 $0xFFFFF000  }
0x5b: {  	[hbm4b:s10+s3] =	stream.linear.scatter [tilespmem:s18], [sflag:$0x1], $0x1000, $0x38;
	[tilespmem:$0x6EC0] =	vst v63  }
0x5c: {  	_ =	swait.ge [sflag:s19], $0x1000  }
0x5d: {  	[sflag:s19] =	ssyncset.done $0x0  }
0x5e: {  	[sflag:s19] =	ssyncadd.s32 $0xFFFFF000  }
0x5f: {  	[tilespmem:s18], [sflag:$0x1] =	stream.linear.gather [spmem:s6], $0x1000, $0x38;
	[tilespmem:$0x6EC0] =	vst v63  }
0x60: {  	_ =	swait.ge [sflag:s19], $0x1000  }
0x61: {  	[sflag:s19] =	ssyncset.done $0x0  }
0x62: {  	[sflag:s19] =	ssyncadd.s32 $0xFFFFF000  }
0x63: {  	[hbm4b:s11+s3] =	stream.linear.scatter [tilespmem:s18], [sflag:$0x1], $0x1000, $0x38;
	[tilespmem:$0x6EC0] =	vst v63  }
0x64: {  	_ =	swait.ge [sflag:s19], $0x1000  }
0x65: {  	[sflag:s19] =	ssyncset.done $0x0  }
0x66: {  	[sflag:s19] =	ssyncadd.s32 $0xFFFFF000  }
0x67: {  	[tilespmem:s18], [sflag:$0x1] =	stream.linear.gather [spmem:s7], $0x1000, $0x38;
	[tilespmem:$0x6EC0] =	vst v63  }
0x68: {  	_ =	swait.ge [sflag:s19], $0x1000  }
0x69: {  	[sflag:s19] =	ssyncset.done $0x0  }
0x6a: {  	[sflag:s19] =	ssyncadd.s32 $0xFFFFF000  }
0x6b: {  	[hbm4b:s12+s3] =	stream.linear.scatter [tilespmem:s18], [sflag:$0x1], $0x1000, $0x38;
	[tilespmem:$0x6EC0] =	vst v63  }
0x6c: {  	_ =	swait.ge [sflag:s19], $0x1000  }
0x6d: {  	[sflag:s19] =	ssyncset.done $0x0  }
0x6e: {  	[sflag:s19] =	ssyncadd.s32 $0xFFFFF000  }
0x6f: {  	[tilespmem:s18], [sflag:$0x1] =	stream.linear.gather [spmem:s8], $0x1000, $0x38;
	[tilespmem:$0x6EC0] =	vst v63  }
0x70: {  	_ =	swait.ge [sflag:s19], $0x1000  }
0x71: {  	[sflag:s19] =	ssyncset.done $0x0  }
0x72: {  	[sflag:s19] =	ssyncadd.s32 $0xFFFFF000  }
0x73: {  	[hbm4b:s13+s3] =	stream.linear.scatter [tilespmem:s18], [sflag:$0x1], $0x1000, $0x38;
	[tilespmem:$0x6EC0] =	vst v63  }
0x74: {  	_ =	swait.ge [sflag:s19], $0x1000  }
0x75: {  	[sflag:s19] =	ssyncset.done $0x0  }
0x76: {  	[sflag:s19] =	ssyncadd.s32 $0xFFFFF000  }
0x77: {  	[tilespmem:s18], [sflag:$0x1] =	stream.linear.gather [spmem:s9], $0xE40, $0x38;
	[tilespmem:$0x6EC0] =	vst v63  }
0x78: {  	s21 =	sadd.s32 $0x1, s21;
	_ =	swait.ge [sflag:s19], $0xE40  }
0x79: {  	p0 =	sne.s32 s21, s15;
	[sflag:s19] =	ssyncset.done $0x0  }
.Ltmp1:
0x7a: {  	[sflag:s19] =	ssyncadd.s32 $0xFFFFF1C0;
	(pc) =	sbr.rel @p0 .LBB2_1-.Ltmp1, $4  }
0x7b: {  	[hbm4b:s14+s3] =	stream.linear.scatter [tilespmem:s18], [sflag:$0x1], $0xE40, $0x38;
	[tilespmem:$0x6EC0] =	vst v63  }
0x7c: {  	_ =	swait.ge [sflag:s19], $0xE40  }
0x7d: {  	[sflag:s19] =	ssyncset.done $0x0  }
0x7e: {  	[sflag:s19] =	ssyncadd.s32 $0xFFFFF1C0  }
0x7f: {  	_ =	sfence.sel $0x180000  }
0x80: {  	[bflag:$0x0] =	sbarrier.arrive $0xFFFF  }
0x81: {  	p0 =	sne.s32 s0, $0x0;
	_ =	strace $0x90000050  }
0x82: {  	s0 =	sadd.s32 @!p0 $0x100000, s1;
	[bflag:$0x2] =	sbarrier.arrive $0xFFFF  }
0x83: {  	[sflag:s0] =	ssyncadd.tile.s32 @!p0 $0x1;
	_ =	shalt  }
.Lfunc_end2:
_tile_overlayer_lowered:
.L_overlay_start_2:
0x84: {  	(tag) =	ssettag $0x2  }
0x85: {  	s0 =	rddreg [dreg:$0x0];
	s2 =	stileid.u32  }
0x86: {  	s1 =	rddreg [dreg:$0x1];
	p0 =	sne.s32 s2, $0x0  }
0x87: {  	s3 =	rddreg [dreg:$0x2];
	[bflag:$0x3] =	sbarrier.arrive $0xFFFF;
	s2 =	simm.s32 @!p0 $0x1C01  }
0x88: {  	[timem:s3], [sflag:s2] =	dma.local @!p0 [hbm:s0], s1  }
0x89: {  	s0 =	simm.s32 @!p0 $0x1  }
0x8a: {  	_ =	swait.ge @!p0 [sflag:s0], s1  }
0x8b: {  	s1 =	ssub.s32 @!p0 $0x0, s1;
	[sflag:s0] =	ssyncset.done @!p0 $0x0  }
0x8c: {  	[sflag:s0] =	ssyncadd.s32 @!p0 s1  }
0x8d: {  	[bflag:$0x3] =	sbarrier.arrive $0xFFFF  }
0x8e: {  	_ =	shalt  }

// kernel: kernel.30.cloned.1.call-start
scs
__scs_entry_jumppad:
0x0: {  	(pc) =	sbr.rel $0x88, $3  }
0x1: {  	(tag) =	ssettag $0x0;
	lr =	simm.s32 $0x1  }
0x2: {  	[smem:$0x3F7B] =	sst lr;
	_ =	strace $0xD0000000  }
0x3: {  	_ = 	snop  }
0x4: {  	_ = 	snop  }
0x5: {  	_ = 	snop  }
0x6: {  	_ = 	snop  }
0x7: {  	_ = 	snop  }
__scs_overlays_trampoline_lowered:
0x8: {  	[smem:$0x3F8A] =	sst s0  }
0x9: {  	[smem:$0x3F8B] =	sst s1  }
0xa: {  	[smem:$0x3F8C] =	sst s2  }
0xb: {  	[smem:$0x3F8D] =	sst s3  }
0xc: {  	[smem:$0x3F8E] =	sst s4  }
0xd: {  	[smem:$0x3F8F] =	sst s5  }
0xe: {  	[smem:$0x3F90] =	sst s6  }
0xf: {  	[smem:$0x3F91] =	sst s7  }
0x10: {  	[smem:$0x3F92] =	sst s8  }
0x11: {  	[smem:$0x3F93] =	sst s9;
	s0 =	simm.s32 @!p0 $0x0  }
0x12: {  	s1 =	sld [smem:$0x3F79];
	s0 =	simm.s32 @p0 $0x1  }
0x13: {  	[smem:$0x3F94] =	sst s0;
	s0 =	simm.s32 @!p1 $0x0  }
0x14: {  	s2 =	sld [smem:$0x3F78];
	s0 =	simm.s32 @p1 $0x1  }
0x15: {  	[smem:$0x3F95] =	sst s0;
	s0 =	simm.s32 @!p2 $0x0  }
0x16: {  	s3 =	sld [smem:$0x3FDB];
	s0 =	simm.s32 @p2 $0x1  }
0x17: {  	s4 =	simm.s32 $0x1BF5;
	[smem:$0x3F97] =	sst s0  }
0x18: {  	s0 =	sld [smem:$0x3F7A];
	_ =	swait.ge [sflag:s4], $0x0  }
0x19: {  	s7 =	sld [smem:$0x3F7B]  }
0x1a: {  	s8 =	sadd.s32 $0xFFFFE003, lr  }
0x1b: {  	s9 =	sadd.s32 $0xFFFFFEF7, lr;
	s5 =	simm.s32 $0xFFFFFFFF;
	p2 =	slt.u32 s8, $0xFFFFF086  }
0x1c: {  	p1 =	slt.u32 s9, $0xF7A;
	s5 =	simm.s32 @!p2 $0x0  }
0x1d: {  	s5 =	simm.s32 @p1 $0x1;
	p0 =	seq.s32 s7, s2  }
0x1e: {  	s7 =	smul.u32 @!p0 $0xF7A, s2;
	p2 =	seq.s32 @!p0 s5, $0x0  }
0x1f: {  	s9 =	smul.u32 $0xF7A, s1;
	s8 =	simm.s32 @!p0 $0x1BF5;
	p2 =	por !p2, p0  }
0x20: {  	[sflag:s8] =	ssyncset.s32 @!p0 $0xFFFFF086;
	s6 =	sadd.s32 @!p0 s3, s7;
	s7 =	simm.s32 @!p0 $0x108  }
0x21: {  	s3 =	sadd.s32 s3, s9;
	s6 =	sadd.s32 @!p0 $0x88, s6;
	s7 =	simm.s32 @p2 $0x1082  }
0x22: {  	[simem:s7], [sflag:s8] =	dma.local @!p0 [hbm:s6], $0xF7A  }
0x23: {  	s9 =	sor.u32 $0xD0000000, s2;
	s6 =	simm.s32 $0x108;
	_ =	swait.ge @!p0 [sflag:s8], $0x0  }
0x24: {  	s3 =	sadd.s32 $0x88, s3;
	s6 =	simm.s32 @!p1 $0x1082;
	[sflag:s4] =	ssyncset.s32 $0xFFFFF086  }
0x25: {  	[simem:s6], [sflag:s4] =	dma.local [hbm:s3], $0xF7A  }
0x26: {  	[smem:$0x3F7B] =	sst s1;
	(tag) =	ssettag s2;
	_ =	strace s9  }
0x27: {  	s1 =	sld [smem:$0x3F8B]  }
0x28: {  	s2 =	sld [smem:$0x3F8C]  }
0x29: {  	s4 =	sld [smem:$0x3F8E]  }
0x2a: {  	p0 =	seq.s32 s5, $0x0;
	s5 =	sld [smem:$0x3F8F]  }
0x2b: {  	s6 =	sld [smem:$0x3F90]  }
0x2c: {  	s7 =	sld [smem:$0x3F91]  }
0x2d: {  	s3 =	simm.s32 $0x108;
	s8 =	sld [smem:$0x3F92]  }
0x2e: {  	s3 =	simm.s32 @!p0 $0x1082;
	s9 =	sld [smem:$0x3F93]  }
0x2f: {  	lr =	sadd.s32 s0, s3;
	s0 =	sld [smem:$0x3F8A]  }
0x30: {  	s3 =	sld [smem:$0x3F8D]  }
0x31: {  	[smem:$0x3F96] =	sst s10  }
0x32: {  	s10 =	sld [smem:$0x3F94];
	_ =	sdelay $0x3  }
0x33: {  	p0 =	seq.s32 s10, $0x1;
	s10 =	sld [smem:$0x3F96];
	_ =	sdelay $0x3  }
0x34: {  	[smem:$0x3F96] =	sst s10  }
0x35: {  	s10 =	sld [smem:$0x3F95];
	_ =	sdelay $0x3  }
0x36: {  	p1 =	seq.s32 s10, $0x1;
	s10 =	sld [smem:$0x3F96];
	_ =	sdelay $0x3  }
0x37: {  	[smem:$0x3F96] =	sst s10  }
0x38: {  	s10 =	sld [smem:$0x3F97]  }
0x39: {  	_ = 	snop;
	(pc) =	sbr.ind lr, $3  }
0x3a: {  	_ = 	snop  }
0x3b: {  	_ = 	snop  }
0x3c: {  	p2 =	seq.s32 s10, $0x1;
	s10 =	sld [smem:$0x3F96]  }
0x3d: {  	_ =	shalt  }
0x3e: {  	_ =	shalt  }
0x3f: {  	_ =	shalt  }
0x40: {  	_ =	shalt  }
0x41: {  	_ =	shalt  }
0x42: {  	_ =	shalt  }
0x43: {  	_ =	shalt  }
0x44: {  	_ =	shalt  }
0x45: {  	_ =	shalt  }
0x46: {  	_ =	shalt  }
0x47: {  	_ =	shalt  }
0x48: {  	_ =	shalt  }
0x49: {  	_ =	shalt  }
0x4a: {  	_ =	shalt  }
0x4b: {  	_ =	shalt  }
0x4c: {  	_ =	shalt  }
0x4d: {  	_ =	shalt  }
0x4e: {  	_ =	shalt  }
0x4f: {  	_ =	shalt  }
0x50: {  	_ =	shalt  }
0x51: {  	_ =	shalt  }
0x52: {  	_ =	shalt  }
0x53: {  	_ =	shalt  }
0x54: {  	_ =	shalt  }
0x55: {  	_ =	shalt  }
0x56: {  	_ =	shalt  }
0x57: {  	_ =	shalt  }
0x58: {  	_ =	shalt  }
0x59: {  	_ =	shalt  }
0x5a: {  	_ =	shalt  }
0x5b: {  	_ =	shalt  }
0x5c: {  	_ =	shalt  }
0x5d: {  	_ =	shalt  }
0x5e: {  	_ =	shalt  }
0x5f: {  	_ =	shalt  }
0x60: {  	_ =	shalt  }
0x61: {  	_ =	shalt  }
0x62: {  	_ =	shalt  }
0x63: {  	_ =	shalt  }
0x64: {  	_ =	shalt  }
0x65: {  	_ =	shalt  }
0x66: {  	_ =	shalt  }
0x67: {  	_ =	shalt  }
0x68: {  	_ =	shalt  }
0x69: {  	_ =	shalt  }
0x6a: {  	_ =	shalt  }
0x6b: {  	_ =	shalt  }
0x6c: {  	_ =	shalt  }
0x6d: {  	_ =	shalt  }
0x6e: {  	_ =	shalt  }
0x6f: {  	_ =	shalt  }
0x70: {  	_ =	shalt  }
0x71: {  	_ =	shalt  }
0x72: {  	_ =	shalt  }
0x73: {  	_ =	shalt  }
0x74: {  	_ =	shalt  }
0x75: {  	_ =	shalt  }
0x76: {  	_ =	shalt  }
0x77: {  	_ =	shalt  }
0x78: {  	_ =	shalt  }
0x79: {  	_ =	shalt  }
0x7a: {  	_ =	shalt  }
0x7b: {  	_ =	shalt  }
0x7c: {  	_ =	shalt  }
0x7d: {  	_ =	shalt  }
0x7e: {  	_ =	shalt  }
0x7f: {  	_ =	shalt  }
0x80: {  	_ =	shalt  }
0x81: {  	_ =	shalt  }
0x82: {  	_ =	shalt  }
0x83: {  	_ =	shalt  }
0x84: {  	_ =	shalt  }
0x85: {  	_ =	shalt  }
0x86: {  	_ =	shalt  }
0x87: {  	_ =	shalt  }
.Lfunc_end0:
.L_simem_size_0:
called_computation.5_lowered:
.L_overlay_start_0:
0x88: {  	s2 =	sld [smem:$0x3FD9]  }
0x89: {  	s3 =	sld [smem:$0x3FFE];
	_ =	sdelay $0x1  }
0x8a: {  	s1 =	srdreg.scid  }
0x8b: {  	s0 =	sand.u32 $0x1, s1  }
0x8c: {  	s17 =	sshll.u32 s0, $0xA;
	s2 =	sadd.s32 s3, s2  }
0x8d: {  	s2 =	sadd.s32 s2, s17  }
0x8e: {  	[smem:$0x3FA2] =	sst s2  }
0x8f: {  	_ = 	snop  }
0x90: {  	(tm) =	ssettm $0x1  }
0x91: {  	s18 =	sld [smem:$0x3FFB];
	_ =	sdelay $0x3  }
0x92: {  	_ =	strace s18  }
0x93: {  	s2 =	sld [smem:$0x3FFC];
	_ =	sdelay $0x3  }
0x94: {  	_ =	strace s2  }
0x95: {  	s2 =	sld [smem:$0x3FFD];
	_ =	sdelay $0x3  }
0x96: {  	_ =	strace s2  }
0x97: {  	_ =	strace $0x8FFFFFFF  }
0x98: {  	s19 =	sld [smem:$0x3FDB];
	_ =	sdelay $0x1  }
0x99: {  	s20 =	simm.s32 $_scs_section_size  }
0x9a: {  	s4 =	simm.s32 $_size__tile_overlayer_lowered;
	s5 =	simm.s32 $_tile_overlayer_lowered  }
0x9b: {  	s6 =	simm.s32 $0x1BFF;
	s21 =	sshll.u32 s5, $0x1;
	s3 =	sadd.s32 s20, s19  }
0x9c: {  	s22 =	simm.s32 $0x0;
	s4 =	sshll.u32 s4, $0x1;
	s5 =	sadd.s32 s21, s3  }
0x9d: {  	[timem:s22], [sflag:s6] =	dma.local [hbm:s5], s4  }
0x9e: {  	_ =	swait.ge [sflag:s6], s4  }
0x9f: {  	s4 =	ssub.s32 $0x0, s4;
	[sflag:s6] =	ssyncset.done $0x0  }
0xa0: {  	[sflag:s6] =	ssyncadd.s32 s4;
	_ =	sdelay $0x1  }
0xa1: {  	s23 =	simm.s32 $0x1B8B  }
0xa2: {  	_ =	swait.ge [sflag:s23], $0x1  }
0xa3: {  	[sflag:s23] =	ssyncset.done $0x0  }
0xa4: {  	[sflag:s23] =	ssyncadd.s32 $0xFFFFFFFF  }
0xa5: {  	s4 =	sld [smem:$0x0]  }
0xa6: {  	s5 =	sand.u32 $0xFFFFFFFE, s1  }
0xa7: {  	p0 =	sne.s32 s1, s5  }
0xa8: {  	s5 =	sshll.u32 @p0 s5, $0xE  }
0xa9: {  	s5 =	sadd.s32 @p0 $0x11B8D, s5;
	s6 =	sshll.u32 @p0 s4, $0x11  }
0xaa: {  	s5 =	sor.u32 @p0 s6, s5  }
0xab: {  	[sflag:s5] =	ssyncadd.remote.s32 @p0 $0x1;
	_ =	sdelay $0x1  }
0xac: {  	s5 =	simm.s32 @p0 $0x1B8D  }
0xad: {  	_ =	swait.eq @p0 [sflag:s5], $0x1  }
0xae: {  	[sflag:s5] =	ssyncadd.s32 @p0 $0xFFFFFFFF  }
0xaf: {  	s6 =	sshll.u32 @!p0 s1, $0xE  }
0xb0: {  	s6 =	sor.u32 @!p0 $0x4000, s6;
	s5 =	simm.s32 @!p0 $0x1B8D  }
0xb1: {  	s4 =	sshll.u32 @!p0 s4, $0x11;
	s6 =	sadd.s32 @!p0 $0x11B8D, s6;
	_ =	swait.eq @!p0 [sflag:s5], $0x1  }
0xb2: {  	s4 =	sor.u32 @!p0 s4, s6;
	[sflag:s5] =	ssyncadd.s32 @!p0 $0xFFFFFFFF  }
0xb3: {  	s25 =	simm.s32 $0x1B8E;
	s24 =	sld [smem:$0x3FFE];
	[sflag:s4] =	ssyncadd.remote.s32 @!p0 $0x1  }
0xb4: {  	s26 =	simm.s32 $execute0_lowered;
	[smem:$0x3FD2] =	sst s25  }
0xb5: {  	s5 =	sshll.u32 s26, $0x1;
	_ =	strace $0x80000055;
	[dreg:$0x1] =	wrdreg $0xFFFFFFFF  }
0xb6: {  	s28 =	simm.s32 $_size_execute0_lowered;
	s3 =	sadd.s32 s3, s5;
	[dreg:$0x0] =	wrdreg $0x0  }
0xb7: {  	s5 =	sshll.u32 s28, $0x1;
	[dreg:$0x2] =	wrdreg s3  }
0xb8: {  	[dreg:$0x3] =	wrdreg s5  }
0xb9: {  	[dreg:$0x4] =	wrdreg $0xC0  }
0xba: {  	_ =	task [dreg:s22], $0x5FFFF  }
0xbb: {  	[dreg:$0x1] =	wrdreg $0xFFFFFFFF  }
0xbc: {  	[dreg:$0x0] =	wrdreg $0x60  }
0xbd: {  	[dreg:$0x2] =	wrdreg s24  }
0xbe: {  	[dreg:$0x3] =	wrdreg $0x29000  }
0xbf: {  	[dreg:$0x4] =	wrdreg $0x49000  }
0xc0: {  	[dreg:$0x5] =	wrdreg $0xA  }
0xc1: {  	_ =	task.clear_ibuf [dreg:s22], $0x6FFFF;
	_ =	strace $0x90000055  }
0xc2: {  	s29 =	simm.s32 $0xA;
	_ =	strace $0x80000057  }
0xc3: {  	_ =	swait.ge [sflag:s29], $0x1  }
0xc4: {  	[sflag:s29] =	ssyncadd.s32 $0xFFFFFFFF  }
0xc5: {  	_ =	strace $0x90000057  }
0xc6: {  	_ =	sfence  }
0xc7: {  	s30 =	sld [smem:$0x0];
	_ =	sdelay $0x2  }
0xc8: {  	s31 =	sshll.u32 s1, $0xD;
	s1 =	sshrl.u32 s1, $0x2  }
0xc9: {  	s4 =	sand.u32 $0x4000, s31;
	s1 =	sadd.s32 s1, s30  }
0xca: {  	s0 =	sor.u32 s4, s0;
	s1 =	sshll.u32 s1, $0x11  }
0xcb: {  	s0 =	sor.u32 s1, s0  }
0xcc: {  	s0 =	sadd.s32 $0x8F2B, s0  }
0xcd: {  	[sflag:s0] =	ssyncadd.remote.s32 $0x1  }
0xce: {  	_ =	sfence.sel $0xFFFF  }
0xcf: {  	[dreg:$0x0] =	wrdreg $0xFFFFFFFF;
	(pc) =	sbr.abs _section_cstart, $3  }
0xd0: {  	[dreg:$0x1] =	wrdreg $0xFFFFFFFF  }
0xd1: {  	_ =	task.clear_ibuf [dreg:s22], $0x2FFFF;
	_ =	strace $0x9FFFFFFF  }
0xd2: {  	(tm) =	ssettm $0x7FFFFFFF  }
0xd3: {  	_ =	shalt  }
tec
execute0_lowered:
.L_overlay_start_1:
0x0: {  	(tag) =	ssettag $0x1  }
0x1: {  	s0 =	rddreg [dreg:$0x0]  }
0x2: {  	s1 =	rddreg [dreg:$0x1]  }
0x3: {  	s2 =	rddreg [dreg:$0x2];
	s3 =	simm.s32 $0x0;
	s6 =	srdreg.scid  }
0x4: {  	s16 =	stileid.u32;
	s28 =	simm.s32 $0x80;
	s29 =	simm.s32 $0x100  }
0x5: {  	s30 =	simm.s32 $0x1;
	s31 =	simm.s32 $0x0;
	[smem:$0x7FF] =	sst s3  }
0x6: {  	s4 =	sadd.s32 $0xD4200, s0;
	s5 =	sadd.s32 $0xD3A00, s0;
	s7 =	sadd.s32 $0xD3200, s0  }
0x7: {  	s8 =	sadd.s32 $0xCF000, s0;
	s6 =	sand.u32 $0x1, s6;
	s17 =	sadd.s32 $0xDE000, s0  }
0x8: {  	s13 =	sadd.s32 $0xDE200, s0;
	s0 =	sadd.s32 $0xE6200, s0;
	s10 =	sshll.u32 s16, $0x8  }
0x9: {  	s19 =	sshll.u32 s16, $0xD;
	_ =	strace $0x80000056;
	[dreg:$0x4] =	wrdreg s8  }
0xa: {  	s20 =	sshll.u32 s16, $0xC;
	s16 =	sshll.u32 s16, $0x6;
	[dreg:$0x5] =	wrdreg s17  }
0xb: {  	s18 =	ssub.s32 $0x2, s6;
	s8 =	sadd.s32 s19, s1;
	s12 =	sor.u32 $0x80, s10  }
0xc: {  	s14 =	sshll.u32 s6, $0xC;
	s6 =	sshll.u32 s6, $0xA;
	s9 =	sshrl.u32 s18, $0x1  }
0xd: {  	s11 =	sshll.u32 s12, $0x5;
	s17 =	sor.u32 s10, s14;
	s6 =	sor.u32 s6, s16  }
0xe: {  	s14 =	sor.u32 s14, s12;
	s15 =	ssub.s32 s18, s9;
	s9 =	sadd.s32 s20, s2  }
0xf: {  	s10 =	sadd.s32 s11, s1;
	s21 =	sshll.u32 s17, $0x2;
	s22 =	sshll.u32 s17, $0x1  }
0x10: {  	s23 =	sshll.u32 s14, $0x2;
	s14 =	sshll.u32 s14, $0x1;
	s16 =	sadd.s32 s5, s6  }
0x11: {  	s17 =	sadd.s32 s7, s6;
	s24 =	sor.u32 $0x10, s6;
	s25 =	sor.u32 $0x20, s6  }
0x12: {  	s26 =	sor.u32 $0x30, s6;
	s11 =	sadd.s32 s13, s21;
	s12 =	sadd.s32 s0, s22  }
0x13: {  	s13 =	sadd.s32 s13, s23;
	s14 =	sadd.s32 s0, s14;
	s15 =	smax.u32 s15, $0x1  }
0x14: {  	s18 =	sadd.s32 s5, s24;
	s19 =	sadd.s32 s7, s24;
	s20 =	sadd.s32 s5, s25  }
0x15: {  	s21 =	sadd.s32 s7, s25;
	s22 =	sadd.s32 s5, s26;
	s23 =	sadd.s32 s7, s26  }
0x16: {  	s24 =	sadd.s32 $0x800, s9;
	s25 =	simm.s32 $0x2;
	s26 =	simm.s32 $0x1100  }
.LBB2_1:
0x17: {  	s0 =	simm.s32 $0x1900;
	s5 =	rddreg [dreg:$0x4]  }
0x18: {  	[tilespmem:s0], [sflag:$0x2] =	stream.linear.gather [hbm4b:s5+s3], $0x1000, $0x38;
	[tilespmem:$0x5900] =	vst v63  }
0x19: {  	_ =	swait.ge [sflag:s25], $0x1000  }
0x1a: {  	[sflag:s25] =	ssyncset.done $0x0  }
0x1b: {  	s6 =	rddreg [dreg:$0x5];
	[sflag:s25] =	ssyncadd.s32 $0xFFFFF000  }
0x1c: {  	[tilespmem:s26], [sflag:$0x2] =	stream.linear.gather [hbm4b:s6+s3], $0x800, $0x38;
	[tilespmem:$0x5900] =	vst v63  }
0x1d: {  	_ =	swait.ge [sflag:s25], $0x800  }
0x1e: {  	[sflag:s25] =	ssyncset.done $0x0  }
0x1f: {  	[sflag:s25] =	ssyncadd.s32 $0xFFFFF800  }
0x20: {  	[spmem:s8] =	stream.linear.scatter [tilespmem:s0], [sflag:$0x2], $0x1000, $0x38;
	[tilespmem:$0x5900] =	vst v63  }
0x21: {  	_ =	swait.ge [sflag:s25], $0x1000  }
0x22: {  	[sflag:s25] =	ssyncset.done $0x0  }
0x23: {  	s7 =	sadd.s32 $0x0, s9;
	s5 =	simm.s32 $0x40;
	[sflag:s25] =	ssyncadd.s32 $0xFFFFF000  }
0x24: {  	[spmem:s7] =	stream.linear.scatter [tilespmem:s0], [sflag:$0x2], $0x10, $0x38;
	[tilespmem:$0x5900] =	vst v63  }
.LBB2_2:
0x25: {  	p0 =	sne.s32 s5, $0x1FC0  }
.Ltmp0:
0x26: {  	_ = 	snop;
	(pc) =	sbr.rel @p0 .LBB2_2-.Ltmp0, $4  }
0x27: {  	_ = 	snop  }
0x28: {  	s6 =	sshra.s32 s5, $0x2;
	s5 =	sadd.s32 $0x40, s5  }
0x29: {  	s0 =	sadd.s32 $0x20, s0;
	s6 =	sadd.s32 s6, s9  }
0x2a: {  	[spmem:s6] =	stream.linear.scatter [tilespmem:s0], [sflag:$0x2], $0x10, $0x38;
	[tilespmem:$0x5900] =	vst v63  }
0x2b: {  	_ =	swait.ge [sflag:s25], $0x800  }
0x2c: {  	[sflag:s25] =	ssyncset.done $0x0  }
0x2d: {  	s0 =	simm.s32 $0x1900;
	[sflag:s25] =	ssyncadd.s32 $0xFFFFF800  }
0x2e: {  	[spmem:s10] =	stream.linear.scatter [tilespmem:s0], [sflag:$0x2], $0x1000, $0x38;
	[tilespmem:$0x5900] =	vst v63  }
0x2f: {  	_ =	swait.ge [sflag:s25], $0x1000  }
0x30: {  	[sflag:s25] =	ssyncset.done $0x0  }
0x31: {  	s5 =	sadd.s32 $0x0, s24;
	[sflag:s25] =	ssyncadd.s32 $0xFFFFF000  }
0x32: {  	[spmem:s5] =	stream.linear.scatter [tilespmem:s0], [sflag:$0x2], $0x10, $0x38;
	[tilespmem:$0x5900] =	vst v63  }
0x33: {  	s5 =	simm.s32 $0x40  }
.LBB2_4:
0x34: {  	p0 =	sne.s32 s5, $0x1FC0  }
.Ltmp1:
0x35: {  	_ = 	snop;
	(pc) =	sbr.rel @p0 .LBB2_4-.Ltmp1, $4  }
0x36: {  	_ = 	snop  }
0x37: {  	s6 =	sshra.s32 s5, $0x2;
	s5 =	sadd.s32 $0x40, s5  }
0x38: {  	s0 =	sadd.s32 $0x20, s0;
	s6 =	sadd.s32 s6, s24  }
0x39: {  	[spmem:s6] =	stream.linear.scatter [tilespmem:s0], [sflag:$0x2], $0x10, $0x38;
	[tilespmem:$0x5900] =	vst v63  }
0x3a: {  	_ =	swait.ge [sflag:s25], $0x800  }
0x3b: {  	[sflag:s25] =	ssyncset.done $0x0  }
0x3c: {  	[sflag:s25] =	ssyncadd.s32 $0xFFFFF800  }
0x3d: {  	s0 =	simm.s32 $0x0;
	[bflag:$0x0] =	sbarrier.arrive $0xFFFF  }
0x3e: {  	[tilespmem:s0], [sflag:$0x2] =	stream.linear.gather [hbm4b:s16+s0], $0x80, $0x38;
	[tilespmem:$0x5900] =	vst v63  }
0x3f: {  	_ =	swait.ge [sflag:s25], $0x80  }
0x40: {  	[sflag:s25] =	ssyncset.done $0x0  }
0x41: {  	[sflag:s25] =	ssyncadd.s32 $0xFFFFFF80  }
0x42: {  	[tilespmem:s28], [sflag:$0x2] =	stream.linear.gather [hbm4b:s17+s0], $0x80, $0x38;
	[tilespmem:$0x5900] =	vst v63  }
0x43: {  	_ =	swait.ge [sflag:s25], $0x80  }
0x44: {  	[sflag:s25] =	ssyncset.done $0x0  }
0x45: {  	[sflag:s25] =	ssyncadd.s32 $0xFFFFFF80  }
0x46: {  	[tilespmem:s29], [sflag:$0x1] =	stream.indirect.gather [hbm4b:s4+s28], $0x20, s0, s28, $0xb8;
	[tilespmem:$0x5900] =	vst v63  }
0x47: {  	_ =	swait.ge [sflag:s30], $0x1000  }
0x48: {  	[sflag:s30] =	ssyncset.done $0x0  }
0x49: {  	[sflag:s30] =	ssyncadd.s32 $0xFFFFF000  }
0x4a: {  	[spmem:s1] =	stream.indirect.scatter.add.f32 [tilespmem:s29], [sflag:$0x2], $0x20, s28, s28, $0xb8;
	[tilespmem:$0x5900] =	vst v63  }
0x4b: {  	_ =	swait.ge [sflag:s25], $0x1000  }
0x4c: {  	[sflag:s25] =	ssyncset.done $0x0  }
0x4d: {  	[sflag:s25] =	ssyncadd.s32 $0xFFFFF000  }
0x4e: {  	[spmem:s2] =	stream.indirect.scatter.add.f32 [tilespmem:s26], [sflag:$0x2], $0x10, s28, s28, $0xb8;
	[tilespmem:$0x5900] =	vst v63  }
0x4f: {  	_ =	swait.ge [sflag:s25], $0x800  }
0x50: {  	[sflag:s25] =	ssyncset.done $0x0  }
0x51: {  	[sflag:s25] =	ssyncadd.s32 $0xFFFFF800  }
0x52: {  	[tilespmem:s0], [sflag:$0x2] =	stream.linear.gather [hbm4b:s18+s0], $0x80, $0x38;
	[tilespmem:$0x5900] =	vst v63  }
0x53: {  	_ =	swait.ge [sflag:s25], $0x80  }
0x54: {  	[sflag:s25] =	ssyncset.done $0x0  }
0x55: {  	[sflag:s25] =	ssyncadd.s32 $0xFFFFFF80  }
0x56: {  	[tilespmem:s28], [sflag:$0x2] =	stream.linear.gather [hbm4b:s19+s0], $0x80, $0x38;
	[tilespmem:$0x5900] =	vst v63  }
0x57: {  	_ =	swait.ge [sflag:s25], $0x80  }
0x58: {  	[sflag:s25] =	ssyncset.done $0x0  }
0x59: {  	[sflag:s25] =	ssyncadd.s32 $0xFFFFFF80  }
0x5a: {  	[tilespmem:s29], [sflag:$0x1] =	stream.indirect.gather [hbm4b:s4+s28], $0x20, s0, s28, $0xb8;
	[tilespmem:$0x5900] =	vst v63  }
0x5b: {  	_ =	swait.ge [sflag:s30], $0x1000  }
0x5c: {  	[sflag:s30] =	ssyncset.done $0x0  }
0x5d: {  	[sflag:s30] =	ssyncadd.s32 $0xFFFFF000  }
0x5e: {  	[spmem:s1] =	stream.indirect.scatter.add.f32 [tilespmem:s29], [sflag:$0x2], $0x20, s28, s28, $0xb8;
	[tilespmem:$0x5900] =	vst v63  }
0x5f: {  	_ =	swait.ge [sflag:s25], $0x1000  }
0x60: {  	[sflag:s25] =	ssyncset.done $0x0  }
0x61: {  	[sflag:s25] =	ssyncadd.s32 $0xFFFFF000  }
0x62: {  	[spmem:s2] =	stream.indirect.scatter.add.f32 [tilespmem:s26], [sflag:$0x2], $0x10, s28, s28, $0xb8;
	[tilespmem:$0x5900] =	vst v63  }
0x63: {  	_ =	swait.ge [sflag:s25], $0x800  }
0x64: {  	[sflag:s25] =	ssyncset.done $0x0  }
0x65: {  	[sflag:s25] =	ssyncadd.s32 $0xFFFFF800  }
0x66: {  	[tilespmem:s0], [sflag:$0x2] =	stream.linear.gather [hbm4b:s20+s0], $0x80, $0x38;
	[tilespmem:$0x5900] =	vst v63  }
0x67: {  	_ =	swait.ge [sflag:s25], $0x80  }
0x68: {  	[sflag:s25] =	ssyncset.done $0x0  }
0x69: {  	[sflag:s25] =	ssyncadd.s32 $0xFFFFFF80  }
0x6a: {  	[tilespmem:s28], [sflag:$0x2] =	stream.linear.gather [hbm4b:s21+s0], $0x80, $0x38;
	[tilespmem:$0x5900] =	vst v63  }
0x6b: {  	_ =	swait.ge [sflag:s25], $0x80  }
0x6c: {  	[sflag:s25] =	ssyncset.done $0x0  }
0x6d: {  	[sflag:s25] =	ssyncadd.s32 $0xFFFFFF80  }
0x6e: {  	[tilespmem:s29], [sflag:$0x1] =	stream.indirect.gather [hbm4b:s4+s28], $0x20, s0, s28, $0xb8;
	[tilespmem:$0x5900] =	vst v63  }
0x6f: {  	_ =	swait.ge [sflag:s30], $0x1000  }
0x70: {  	[sflag:s30] =	ssyncset.done $0x0  }
0x71: {  	[sflag:s30] =	ssyncadd.s32 $0xFFFFF000  }
0x72: {  	[spmem:s1] =	stream.indirect.scatter.add.f32 [tilespmem:s29], [sflag:$0x2], $0x20, s28, s28, $0xb8;
	[tilespmem:$0x5900] =	vst v63  }
0x73: {  	_ =	swait.ge [sflag:s25], $0x1000  }
0x74: {  	[sflag:s25] =	ssyncset.done $0x0  }
0x75: {  	[sflag:s25] =	ssyncadd.s32 $0xFFFFF000  }
0x76: {  	[spmem:s2] =	stream.indirect.scatter.add.f32 [tilespmem:s26], [sflag:$0x2], $0x10, s28, s28, $0xb8;
	[tilespmem:$0x5900] =	vst v63  }
0x77: {  	_ =	swait.ge [sflag:s25], $0x800  }
0x78: {  	[sflag:s25] =	ssyncset.done $0x0  }
0x79: {  	[sflag:s25] =	ssyncadd.s32 $0xFFFFF800  }
0x7a: {  	[tilespmem:s0], [sflag:$0x2] =	stream.linear.gather [hbm4b:s22+s0], $0x80, $0x38;
	[tilespmem:$0x5900] =	vst v63  }
0x7b: {  	_ =	swait.ge [sflag:s25], $0x80  }
0x7c: {  	[sflag:s25] =	ssyncset.done $0x0  }
0x7d: {  	[sflag:s25] =	ssyncadd.s32 $0xFFFFFF80  }
0x7e: {  	[tilespmem:s28], [sflag:$0x2] =	stream.linear.gather [hbm4b:s23+s0], $0x80, $0x38;
	[tilespmem:$0x5900] =	vst v63  }
0x7f: {  	_ =	swait.ge [sflag:s25], $0x80  }
0x80: {  	[sflag:s25] =	ssyncset.done $0x0  }
0x81: {  	[sflag:s25] =	ssyncadd.s32 $0xFFFFFF80  }
0x82: {  	[tilespmem:s29], [sflag:$0x1] =	stream.indirect.gather [hbm4b:s4+s28], $0x20, s0, s28, $0xb8;
	[tilespmem:$0x5900] =	vst v63  }
0x83: {  	_ =	swait.ge [sflag:s30], $0x1000  }
0x84: {  	[sflag:s30] =	ssyncset.done $0x0  }
0x85: {  	[sflag:s30] =	ssyncadd.s32 $0xFFFFF000  }
0x86: {  	[spmem:s1] =	stream.indirect.scatter.add.f32 [tilespmem:s29], [sflag:$0x2], $0x20, s28, s28, $0xb8;
	[tilespmem:$0x5900] =	vst v63  }
0x87: {  	_ =	swait.ge [sflag:s25], $0x1000  }
0x88: {  	[sflag:s25] =	ssyncset.done $0x0  }
0x89: {  	[sflag:s25] =	ssyncadd.s32 $0xFFFFF000  }
0x8a: {  	[spmem:s2] =	stream.indirect.scatter.add.f32 [tilespmem:s26], [sflag:$0x2], $0x10, s28, s28, $0xb8;
	[tilespmem:$0x5900] =	vst v63  }
0x8b: {  	_ =	swait.ge [sflag:s25], $0x800  }
0x8c: {  	[sflag:s25] =	ssyncset.done $0x0  }
0x8d: {  	[sflag:s25] =	ssyncadd.s32 $0xFFFFF800  }
0x8e: {  	s6 =	simm.s32 $0x1900;
	[bflag:$0x0] =	sbarrier.arrive $0xFFFF  }
0x8f: {  	[tilespmem:s6], [sflag:$0x2] =	stream.linear.gather [spmem:s8], $0x1000, $0x38;
	[tilespmem:$0x5900] =	vst v63  }
0x90: {  	_ =	swait.ge [sflag:s25], $0x1000  }
0x91: {  	[sflag:s25] =	ssyncset.done $0x0  }
0x92: {  	[sflag:s25] =	ssyncadd.s32 $0xFFFFF000  }
0x93: {  	[hbm4b:s11+s0] =	stream.linear.scatter [tilespmem:s6], [sflag:$0x2], $0x1000, $0x38;
	[tilespmem:$0x5900] =	vst v63  }
0x94: {  	_ =	swait.ge [sflag:s25], $0x1000  }
0x95: {  	[sflag:s25] =	ssyncset.done $0x0  }
0x96: {  	s7 =	sadd.s32 $0x0, s9;
	s0 =	simm.s32 $0x40;
	[sflag:s25] =	ssyncadd.s32 $0xFFFFF000  }
0x97: {  	[tilespmem:s6], [sflag:$0x2] =	stream.linear.gather [spmem:s7], $0x10, $0x38;
	[tilespmem:$0x5900] =	vst v63  }
.LBB2_6:
0x98: {  	p0 =	sne.s32 s0, $0x1FC0  }
.Ltmp2:
0x99: {  	_ = 	snop;
	(pc) =	sbr.rel @p0 .LBB2_6-.Ltmp2, $4  }
0x9a: {  	_ = 	snop  }
0x9b: {  	s5 =	sshra.s32 s0, $0x2;
	s0 =	sadd.s32 $0x40, s0  }
0x9c: {  	s6 =	sadd.s32 $0x20, s6;
	s5 =	sadd.s32 s5, s9  }
0x9d: {  	[tilespmem:s6], [sflag:$0x2] =	stream.linear.gather [spmem:s5], $0x10, $0x38;
	[tilespmem:$0x5900] =	vst v63  }
0x9e: {  	_ =	swait.ge [sflag:s25], $0x800  }
0x9f: {  	s0 =	simm.s32 $0x1900;
	s6 =	simm.s32 $0x2;
	[sflag:s25] =	ssyncset.done $0x0  }
0xa0: {  	s7 =	sadd.s32 $0x0, s12;
	s5 =	simm.s32 $0x1920;
	[sflag:s25] =	ssyncadd.s32 $0xFFFFF800  }
.LBB2_8:
0xa1: {  	[hbm4b:s7+s3] =	stream.linear.scatter [tilespmem:s0], [sflag:$0x2], $0x10, $0x38;
	[tilespmem:$0x5900] =	vst v63  }
0xa2: {  	s7 =	smov.u32 s6;
	s0 =	smov.u32 s5;
	p0 =	sne.s32 s6, $0xFE  }
.Ltmp3:
0xa3: {  	s6 =	sadd.s32 $0x2, s6;
	(pc) =	sbr.rel @p0 .LBB2_8-.Ltmp3, $2  }
0xa4: {  	_ =	sdelay $0x2  }
0xa5: {  	s5 =	sadd.s32 $0x20, s5;
	s7 =	sadd.s32 s7, s12  }
0xa6: {  	[hbm4b:s7+s3] =	stream.linear.scatter [tilespmem:s0], [sflag:$0x2], $0x10, $0x38;
	[tilespmem:$0x5900] =	vst v63  }
0xa7: {  	_ =	swait.ge [sflag:s25], $0x800  }
0xa8: {  	[sflag:s25] =	ssyncset.done $0x0  }
0xa9: {  	s0 =	simm.s32 $0x1900;
	[sflag:s25] =	ssyncadd.s32 $0xFFFFF800  }
0xaa: {  	[tilespmem:s0], [sflag:$0x2] =	stream.linear.gather [spmem:s10], $0x1000, $0x38;
	[tilespmem:$0x5900] =	vst v63  }
0xab: {  	_ =	swait.ge [sflag:s25], $0x1000  }
0xac: {  	[sflag:s25] =	ssyncset.done $0x0  }
0xad: {  	s5 =	simm.s32 $0x0;
	[sflag:s25] =	ssyncadd.s32 $0xFFFFF000  }
0xae: {  	[hbm4b:s13+s5] =	stream.linear.scatter [tilespmem:s0], [sflag:$0x2], $0x1000, $0x38;
	[tilespmem:$0x5900] =	vst v63  }
0xaf: {  	_ =	swait.ge [sflag:s25], $0x1000  }
0xb0: {  	[sflag:s25] =	ssyncset.done $0x0  }
0xb1: {  	s7 =	sadd.s32 $0x0, s24;
	s5 =	simm.s32 $0x40;
	[sflag:s25] =	ssyncadd.s32 $0xFFFFF000  }
0xb2: {  	[tilespmem:s0], [sflag:$0x2] =	stream.linear.gather [spmem:s7], $0x10, $0x38;
	[tilespmem:$0x5900] =	vst v63  }
.LBB2_10:
0xb3: {  	p0 =	sne.s32 s5, $0x1FC0  }
.Ltmp4:
0xb4: {  	_ = 	snop;
	(pc) =	sbr.rel @p0 .LBB2_10-.Ltmp4, $4  }
0xb5: {  	_ = 	snop  }
0xb6: {  	s6 =	sshra.s32 s5, $0x2;
	s5 =	sadd.s32 $0x40, s5  }
0xb7: {  	s0 =	sadd.s32 $0x20, s0;
	s6 =	sadd.s32 s6, s24  }
0xb8: {  	[tilespmem:s0], [sflag:$0x2] =	stream.linear.gather [spmem:s6], $0x10, $0x38;
	[tilespmem:$0x5900] =	vst v63  }
0xb9: {  	_ =	swait.ge [sflag:s25], $0x800  }
0xba: {  	s0 =	simm.s32 $0x1900;
	s6 =	simm.s32 $0x2;
	[sflag:s25] =	ssyncset.done $0x0  }
0xbb: {  	s7 =	sadd.s32 $0x0, s14;
	s5 =	simm.s32 $0x1920;
	[sflag:s25] =	ssyncadd.s32 $0xFFFFF800  }
.LBB2_12:
0xbc: {  	[hbm4b:s7+s3] =	stream.linear.scatter [tilespmem:s0], [sflag:$0x2], $0x10, $0x38;
	[tilespmem:$0x5900] =	vst v63  }
0xbd: {  	s7 =	smov.u32 s6;
	s0 =	smov.u32 s5;
	p0 =	sne.s32 s6, $0xFE  }
.Ltmp5:
0xbe: {  	s6 =	sadd.s32 $0x2, s6;
	(pc) =	sbr.rel @p0 .LBB2_12-.Ltmp5, $2  }
0xbf: {  	_ =	sdelay $0x2  }
0xc0: {  	s5 =	sadd.s32 $0x20, s5;
	s7 =	sadd.s32 s7, s14  }
0xc1: {  	s31 =	sadd.s32 $0x1, s31  }
0xc2: {  	p0 =	sne.s32 s31, s15  }
.Ltmp6:
0xc3: {  	_ = 	snop;
	(pc) =	sbr.rel @p0 .LBB2_1-.Ltmp6, $4  }
0xc4: {  	[hbm4b:s7+s3] =	stream.linear.scatter [tilespmem:s0], [sflag:$0x2], $0x10, $0x38;
	[tilespmem:$0x5900] =	vst v63  }
0xc5: {  	_ =	swait.ge [sflag:s25], $0x800  }
0xc6: {  	[sflag:s25] =	ssyncset.done $0x0  }
0xc7: {  	[sflag:s25] =	ssyncadd.s32 $0xFFFFF800  }
0xc8: {  	_ =	sfence.sel $0x180000  }
0xc9: {  	[bflag:$0x0] =	sbarrier.arrive $0xFFFF  }
0xca: {  	_ =	strace $0x90000056  }
0xcb: {  	s0 =	stileid.u32;
	[bflag:$0x2] =	sbarrier.arrive $0xFFFF  }
0xcc: {  	p0 =	sne.s32 s0, $0x0;
	s0 =	rddreg [dreg:$0x3]  }
0xcd: {  	s0 =	sadd.s32 @!p0 $0x100000, s0  }
0xce: {  	[sflag:s0] =	ssyncadd.tile.s32 @!p0 $0x1;
	_ =	shalt  }
.Lfunc_end2:
_tile_overlayer_lowered:
.L_overlay_start_2:
0xcf: {  	(tag) =	ssettag $0x2  }
0xd0: {  	s0 =	rddreg [dreg:$0x0];
	s2 =	stileid.u32  }
0xd1: {  	s1 =	rddreg [dreg:$0x1];
	p0 =	sne.s32 s2, $0x0  }
0xd2: {  	s3 =	rddreg [dreg:$0x2];
	[bflag:$0x3] =	sbarrier.arrive $0xFFFF;
	s2 =	simm.s32 @!p0 $0x1C02  }
0xd3: {  	[timem:s3], [sflag:s2] =	dma.local @!p0 [hbm:s0], s1  }
0xd4: {  	s0 =	simm.s32 @!p0 $0x2  }
0xd5: {  	_ =	swait.ge @!p0 [sflag:s0], s1  }
0xd6: {  	s1 =	ssub.s32 @!p0 $0x0, s1;
	[sflag:s0] =	ssyncset.done @!p0 $0x0  }
0xd7: {  	[sflag:s0] =	ssyncadd.s32 @!p0 s1  }
0xd8: {  	[bflag:$0x3] =	sbarrier.arrive $0xFFFF  }
0xd9: {  	_ =	shalt  }

</sc_bundles>
